<compile_context>
chip_gen: v7x
topology: tpu7x:2x2x1
jax: 0.10.2.dev20260603
libtpu: 0.0.44.dev20260713+nightly
codegen_flags: <defaults>
</compile_context>

<pallas_src>
import functools

import numpy as np
import jax
import jax.numpy as jnp
from jax import lax
from jax.experimental import pallas as pl
from jax.experimental.pallas import tpu as pltpu
from jax.experimental.pallas import tpu_sc as plsc

H = 4
HD = 8
DM = 32
NMOD = 4



def _build_masks():
    m1 = np.zeros((512, 64), np.float32)
    d1 = np.zeros((64, 16), np.float32)
    d2 = np.zeros((16, 64), np.float32)
    xp = np.zeros((64, 512), np.float32)
    s1 = np.zeros((512, 128), np.float32)
    for i in range(4):
        for j in range(4):
            p = i * 4 + j
            for h in range(H):
                e = p * 4 + h
                f = i * 4 + h
                d1[e, f] = 1.0
                d2[f, e] = 1.0
                for d in range(HD):
                    m1[p * 32 + h * 8 + d, e] = 1.0
                    xp[e, i * 128 + j * 32 + h * 8 + d] = 1.0
                    s1[i * 128 + j * 32 + h * 8 + d, i * 32 + h * 8 + d] = 1.0
    return m1, d1, d2, xp, s1


_M1, _D1, _D2, _XP, _S1 = _build_masks()



def _bmm(a, b):
    return jax.lax.dot(a.astype(jnp.bfloat16), b.astype(jnp.bfloat16),
                       preferred_element_type=jnp.float32)


def _fuse_body(x_ref, dp_ref, wcat_ref, bcat_ref, ipw_ref, ipb_ref,
               opw_ref, opb_ref, w1_ref, m1_ref, d1_ref, d2_ref, xp_ref,
               s1_ref, y1_ref):
    xb = x_ref[...].astype(jnp.bfloat16)
    p = jnp.maximum(_bmm(xb, wcat_ref[...]) + bcat_ref[...], 0.0)
    ipw = ipw_ref[...]
    ipb = ipb_ref[...]
    qs, ks, vs = [], [], []
    for m in range(NMOD):
        qkv = _bmm(p[:, m * 32:(m + 1) * 32], ipw) + ipb
        qs.append(qkv[:, 0:32])
        ks.append(qkv[:, 32:64])
        vs.append(qkv[:, 64:96])
    qq = jnp.concatenate([qs[i] for i in range(4) for _ in range(4)], axis=1)
    kk = jnp.concatenate(ks * 4, axis=1)
    prod = qq * kk
    s64 = _bmm(prod, m1_ref[...]) * (1.0 / np.sqrt(HD))
    rowmax = jnp.max(s64, axis=1, keepdims=True)
    e64 = jnp.exp(s64 - rowmax)
    den = _bmm(e64, d1_ref[...])
    den64 = _bmm(den, d2_ref[...])
    attn = e64 / den64
    aa = _bmm(attn, xp_ref[...])
    vv = jnp.concatenate(vs * 4, axis=1)
    o = _bmm(aa * vv, s1_ref[...])
    osum = o[:, 0:32] + o[:, 32:64] + o[:, 64:96] + o[:, 96:128]
    fused = _bmm(osum, opw_ref[...] * 0.25) + opb_ref[...]
    z1 = _bmm(fused, w1_ref[...])
    dp = dp_ref[...]
    dis = lax.rsqrt(1.0 + dp[0] + dp[1])
    y1_ref[0, :, :] = z1[:, 0:16] * dis
    y1_ref[1, :, :] = z1[:, 16:32] * dis


def _fuse_call(x, dp, wcat, bcat, ipw, ipb, opw, opb, w1, interpret=False):
    n = x.shape[0]
    t = 1024 if n >= 1024 else n
    g = -(-n // t)
    consts = [jnp.asarray(c) for c in (_M1, _D1, _D2, _XP, _S1)]
    full = lambda a: pl.BlockSpec(a.shape, lambda i: (0,) * a.ndim)
    return pl.pallas_call(
        _fuse_body,
        grid=(g,),
        in_specs=[
            pl.BlockSpec((t, x.shape[1]), lambda i: (i, 0)),
            pl.BlockSpec((2, t, 16), lambda i: (0, i, 0)),
            full(wcat), full(bcat), full(ipw), full(ipb), full(opw),
            full(opb), full(w1), full(consts[0]), full(consts[1]),
            full(consts[2]), full(consts[3]), full(consts[4]),
        ],
        out_specs=pl.BlockSpec((2, t, 16), lambda i: (0, i, 0)),
        out_shape=jax.ShapeDtypeStruct((2, n, 16), jnp.float32),
        interpret=interpret,
    )(x, dp, wcat, bcat, ipw, ipb, opw, opb, w1, *consts)




def _mid_body(agg_ref, dp_ref, b1_ref, bd_ref, y2_ref):
    dp = dp_ref[...]
    dis = lax.rsqrt(1.0 + dp[0] + dp[1])
    agg = agg_ref[...]
    b1 = b1_ref[...]
    h0 = jnp.maximum(agg[0] * dis + b1[0], 0.0)
    h1 = jnp.maximum(agg[1] * dis + b1[1], 0.0)
    bd = bd_ref[...]
    z2lo = h0 @ bd[0] + h1 @ bd[2]
    z2hi = h0 @ bd[1] + h1 @ bd[3]
    y2_ref[0, :, :] = z2lo * dis
    y2_ref[1, :, :] = z2hi * dis


def _mid_call(agg, dpp, b1p, bd, interpret=False):
    n8 = agg.shape[1]
    t8 = 256 if n8 >= 256 else n8
    g = -(-n8 // t8)
    full = lambda a: pl.BlockSpec(a.shape, lambda i: (0,) * a.ndim)
    return pl.pallas_call(
        _mid_body,
        grid=(g,),
        in_specs=[
            pl.BlockSpec((2, t8, 128), lambda i: (0, i, 0)),
            pl.BlockSpec((2, t8, 128), lambda i: (0, i, 0)),
            full(b1p), full(bd),
        ],
        out_specs=pl.BlockSpec((2, t8, 128), lambda i: (0, i, 0)),
        out_shape=jax.ShapeDtypeStruct((2, n8, 128), jnp.float32),
        interpret=interpret,
    )(agg, dpp, b1p, bd)




def _fin_body(agg_ref, dp_ref, b2_ref, out_ref):
    dp = dp_ref[...]
    dis = lax.rsqrt(1.0 + dp[0] + dp[1])
    agg = agg_ref[...]
    b2 = b2_ref[...]
    out_ref[0, :, :] = agg[0] * dis + b2[0]
    out_ref[1, :, :] = agg[1] * dis + b2[1]


def _fin_call(agg, dpp, b2p, interpret=False):
    n8 = agg.shape[1]
    t8 = 256 if n8 >= 256 else n8
    g = -(-n8 // t8)
    full = lambda a: pl.BlockSpec(a.shape, lambda i: (0,) * a.ndim)
    return pl.pallas_call(
        _fin_body,
        grid=(g,),
        in_specs=[
            pl.BlockSpec((2, t8, 128), lambda i: (0, i, 0)),
            pl.BlockSpec((2, t8, 128), lambda i: (0, i, 0)),
            full(b2p),
        ],
        out_specs=pl.BlockSpec((2, t8, 128), lambda i: (0, i, 0)),
        out_shape=jax.ShapeDtypeStruct((2, n8, 128), jnp.float32),
        interpret=interpret,
    )(agg, dpp, b2p)



_CHROWS = 5
_LANES = 128


_DEGROWS = 16

def _deg_body(nsub, rows_per_w, acc_rows, n, dst_ref, z_ref, ones_ref,
              out_ref, dbuf, ones_v, acc, sem):
    c = lax.axis_index("c")
    s = lax.axis_index("s")
    zr = acc_rows // nsub
    pltpu.sync_copy(z_ref, acc.at[pl.ds(s * zr, zr)])
    pltpu.sync_copy(ones_ref, ones_v)
    plsc.subcore_barrier()
    w = s * 2 + c
    base = w * rows_per_w
    nchunks = rows_per_w // _DEGROWS

    def chunk(g, carry):
        r0 = base + g * _DEGROWS
        pltpu.sync_copy(dst_ref.at[pl.ds(r0, _DEGROWS)], dbuf)
        cps = [pltpu.async_copy(ones_v, acc.at[dbuf.at[j]], sem, add=True)
               for j in range(_DEGROWS)]
        for cp in cps:
            cp.wait()
        return carry

    lax.fori_loop(0, nchunks, chunk, 0)
    plsc.subcore_barrier()
    _copy_out(acc, out_ref, c, s, n, nsub)


def _copy_out(acc, out_ref, c, s, n, nsub):
    orow = -(-n // (nsub * 8)) * 8
    start = jnp.minimum(s * orow, n - orow)
    pltpu.sync_copy(acc.at[pl.ds(start, orow)],
                    out_ref.at[c, pl.ds(start, orow)])


def _deg_call(dstp, zrows, ones, n, acc_rows):
    nsub = 16
    total_rows = dstp.shape[0]
    rows_per_w = total_rows // 32
    mesh = plsc.VectorSubcoreMesh(core_axis_name="c", subcore_axis_name="s")
    body = functools.partial(_deg_body, nsub, rows_per_w, acc_rows, n)
    return pl.kernel(
        body,
        out_type=jax.ShapeDtypeStruct((2, n, 16), jnp.float32),
        mesh=mesh,
        scratch_types=[
            pltpu.VMEM((_DEGROWS, _LANES), jnp.int32),
            pltpu.VMEM((_LANES, 16), jnp.float32),
            pltpu.VMEM_SHARED((acc_rows, 16), jnp.float32),
            pltpu.SemaphoreType.DMA,
        ],
        compiler_params=pltpu.CompilerParams(use_tc_tiling_on_sc=False),
    )(dstp, zrows, ones)


def _gather_scatter_body(nsub, rows_per_sub, acc_rows, n, y_ref, srcadj_ref,
                         dst_ref, out_ref, sbufs, dbufs, rowsb, acc,
                         sem_ga, sem_gb, sem_s):
    c = lax.axis_index("c")
    s = lax.axis_index("s")
    orow = -(-n // (nsub * 8)) * 8
    start = jnp.minimum(s * orow, n - orow)
    pltpu.sync_copy(y_ref.at[pl.ds(c * n + start, orow)],
                    acc.at[pl.ds(start, orow)])
    plsc.subcore_barrier()
    base = s * rows_per_sub
    npairs = rows_per_sub // (2 * _CHROWS)
    gsems = (sem_ga, sem_gb)

    def pair(g, carry):
        gs = []
        for b in range(2):
            r0 = base + (2 * g + b) * _CHROWS
            pltpu.sync_copy(srcadj_ref.at[c, pl.ds(r0, _CHROWS)], sbufs.at[b])
            pltpu.sync_copy(dst_ref.at[pl.ds(r0, _CHROWS)], dbufs.at[b])
            gs.append([pltpu.async_copy(y_ref.at[sbufs.at[b, j]],
                                        rowsb.at[b, j], gsems[b])
                       for j in range(_CHROWS)])
        ss = []
        for b in range(2):
            for cp in gs[b]:
                cp.wait()
            ss += [pltpu.async_copy(rowsb.at[b, j], acc.at[dbufs.at[b, j]],
                                    sem_s, add=True)
                   for j in range(_CHROWS)]
        for cp in ss:
            cp.wait()
        return carry

    lax.fori_loop(0, npairs, pair, 0)
    plsc.subcore_barrier()
    _copy_out(acc, out_ref, c, s, n, nsub)


def _gather_scatter_call(yflat, srcadj, dstp, n, acc_rows):
    nsub = 16
    total_rows = dstp.shape[0]
    rows_per_sub = total_rows // nsub
    mesh = plsc.VectorSubcoreMesh(core_axis_name="c", subcore_axis_name="s")
    body = functools.partial(_gather_scatter_body, nsub, rows_per_sub,
                             acc_rows, n)
    return pl.kernel(
        body,
        out_type=jax.ShapeDtypeStruct((2, n, 16), jnp.float32),
        mesh=mesh,
        scratch_types=[
            pltpu.VMEM((2, _CHROWS, _LANES), jnp.int32),
            pltpu.VMEM((2, _CHROWS, _LANES), jnp.int32),
            pltpu.VMEM((2, _CHROWS, _LANES, 16), jnp.float32),
            pltpu.VMEM_SHARED((acc_rows, 16), jnp.float32),
            pltpu.SemaphoreType.DMA,
            pltpu.SemaphoreType.DMA,
            pltpu.SemaphoreType.DMA,
        ],
        compiler_params=pltpu.CompilerParams(use_tc_tiling_on_sc=False),
    )(yflat, srcadj, dstp)




def kernel(x, edge_index, go_W, go_b, react_W, react_b, mesh_W, mesh_b,
           gwas_W, gwas_b, in_proj_W, in_proj_b, out_proj_W, out_proj_b,
           conv1_W, conv1_b, conv2_W, conv2_b):
    n = x.shape[0]
    ne = edge_index.shape[1]
    go, react, mesh_d = go_W.shape[0], react_W.shape[0], mesh_W.shape[0]
    fdim = x.shape[1]

    wcat = jnp.zeros((fdim, 4 * DM), jnp.float32)
    wcat = wcat.at[:go, 0:32].set(go_W)
    wcat = wcat.at[go:go + react, 32:64].set(react_W)
    wcat = wcat.at[go + react:go + react + mesh_d, 64:96].set(mesh_W)
    wcat = wcat.at[go + react + mesh_d:, 96:128].set(gwas_W)
    bcat = jnp.concatenate([go_b, react_b, mesh_b, gwas_b])[None, :]
    ipb = in_proj_b[None, :]
    opb = out_proj_b[None, :]
    b1 = conv1_b[None, :]
    b2 = conv2_b[None, :]

    nep = ((ne + 65535) // 65536) * 65536
    acc_rows = -(-(n + 2048) // 2048) * 2048
    nsink = acc_rows - n
    pe = nep - ne
    src = edge_index[0]
    dst = edge_index[1]
    padi = jnp.arange(pe, dtype=jnp.int32)
    srcp = jnp.concatenate([src, padi % n])
    dstp = jnp.concatenate([dst, n + (padi % nsink)])
    srcadj = jnp.stack([srcp, srcp + n]).reshape(2, nep // _LANES, _LANES)
    dstp = dstp.reshape(nep // _LANES, _LANES)
    zrows = jnp.zeros((acc_rows // 16, 16), jnp.float32)
    ones = jnp.ones((_LANES, 16), jnp.float32)

    eye8 = jnp.eye(8, dtype=jnp.float32)
    bd = jnp.stack([jnp.kron(eye8, conv2_W[a:a + 16, b:b + 16])
                    for a in (0, 16) for b in (0, 16)])
    b1p = jnp.stack([jnp.tile(conv1_b[0:16], 8), jnp.tile(conv1_b[16:32], 8)])[:, None, :]
    b2p = jnp.stack([jnp.tile(conv2_b[0:16], 8), jnp.tile(conv2_b[16:32], 8)])[:, None, :]

    dp = _deg_call(dstp, zrows, ones, n, acc_rows)
    dpp = dp.reshape(2, n // 8, 128)
    y1 = _fuse_call(x, dp, wcat, bcat,
                    in_proj_W, ipb, out_proj_W, opb, conv1_W)
    agg1 = _gather_scatter_call(y1.reshape(2 * n, 16), srcadj, dstp,
                                n, acc_rows)
    y2 = _mid_call(agg1.reshape(2, n // 8, 128), dpp, b1p, bd)
    agg2 = _gather_scatter_call(y2.reshape(2 * n, 16), srcadj, dstp,
                                n, acc_rows)
    pout = _fin_call(agg2.reshape(2, n // 8, 128), dpp, b2p)
    return pout.reshape(2, n, 16).transpose(1, 0, 2).reshape(n, DM)

# --- scband reference (transcript-rebuilt; emitter-appended) ---
"""Pipeline reference for scband-fusion-gene-gnn-28467043238119 (READ-ONLY COPY).

The authoritative reference and input builder live on the scoring server;
editing this copy changes nothing except your own understanding.
"""

import jax, jax.numpy as jnp
import numpy as np

N = 100000
NE = 1600000
GO, REACT, MESH = 300, 150, 100
D = 32
H = 4
HD = D // H


def gcn_conv(x, src, dst, W, b, num_nodes):
    x = x @ W
    loop = jnp.arange(num_nodes, dtype=src.dtype)
    s = jnp.concatenate([src, loop])
    d = jnp.concatenate([dst, loop])
    deg = jnp.zeros((num_nodes,), dtype=x.dtype).at[d].add(1.0)
    dis = jnp.where(deg > 0, deg ** -0.5, 0.0)
    norm = dis[s] * dis[d]
    msg = x[s] * norm[:, None]
    out = jnp.zeros((num_nodes, x.shape[1]), dtype=x.dtype).at[d].add(msg)
    return out + b


def setup_inputs(seed: int = 0):
    key = jax.random.key(seed)
    ks = jax.random.split(key, 20)
    s = 0.05
    inp = {}
    inp["x"] = jax.random.normal(ks[0], (N, GO + REACT + MESH + 1), dtype=jnp.float32)
    inp["edge_index"] = jax.random.randint(ks[1], (2, NE), 0, N, dtype=jnp.int32)
    inp["go_W"] = jax.random.normal(ks[2], (GO, D), dtype=jnp.float32) * s
    inp["go_b"] = jnp.zeros((D,), dtype=jnp.float32)
    inp["react_W"] = jax.random.normal(ks[3], (REACT, D), dtype=jnp.float32) * s
    inp["react_b"] = jnp.zeros((D,), dtype=jnp.float32)
    inp["mesh_W"] = jax.random.normal(ks[4], (MESH, D), dtype=jnp.float32) * s
    inp["mesh_b"] = jnp.zeros((D,), dtype=jnp.float32)
    inp["gwas_W"] = jax.random.normal(ks[5], (1, D), dtype=jnp.float32) * s
    inp["gwas_b"] = jnp.zeros((D,), dtype=jnp.float32)
    inp["in_proj_W"] = jax.random.normal(ks[6], (D, 3 * D), dtype=jnp.float32) * s
    inp["in_proj_b"] = jnp.zeros((3 * D,), dtype=jnp.float32)
    inp["out_proj_W"] = jax.random.normal(ks[7], (D, D), dtype=jnp.float32) * s
    inp["out_proj_b"] = jnp.zeros((D,), dtype=jnp.float32)
    inp["conv1_W"] = jax.random.normal(ks[8], (D, D), dtype=jnp.float32) * s
    inp["conv1_b"] = jnp.zeros((D,), dtype=jnp.float32)
    inp["conv2_W"] = jax.random.normal(ks[9], (D, D), dtype=jnp.float32) * s
    inp["conv2_b"] = jnp.zeros((D,), dtype=jnp.float32)
    return inp


def reference(x, edge_index, go_W, go_b, react_W, react_b, mesh_W, mesh_b, gwas_W, gwas_b, in_proj_W, in_proj_b, out_proj_W, out_proj_b, conv1_W, conv1_b, conv2_W, conv2_b):
    go = jax.nn.relu(x[:, :GO] @ go_W + go_b)
    rc = jax.nn.relu(x[:, GO:GO + REACT] @ react_W + react_b)
    ms = jax.nn.relu(x[:, GO + REACT:GO + REACT + MESH] @ mesh_W + mesh_b)
    gw = jax.nn.relu(x[:, -1:] @ gwas_W + gwas_b)
    stk = jnp.stack([go, rc, ms, gw], axis=1)  # (N, 4, D)
    qkv = stk @ in_proj_W + in_proj_b
    q, k, v = jnp.split(qkv, 3, axis=-1)
    def heads(t):
        return t.reshape(N, 4, H, HD).transpose(0, 2, 1, 3)
    q, k, v = heads(q), heads(k), heads(v)
    scores = (q @ k.transpose(0, 1, 3, 2)) / np.sqrt(HD)
    attn = jax.nn.softmax(scores, axis=-1)
    o = (attn @ v).transpose(0, 2, 1, 3).reshape(N, 4, D)
    o = o @ out_proj_W + out_proj_b
    fused = o.mean(axis=1)
    src, dst = edge_index[0], edge_index[1]
    h = jax.nn.relu(gcn_conv(fused, src, dst, conv1_W, conv1_b, N))
    # dropout p=0.3 is identity in eval mode
    out = gcn_conv(h, src, dst, conv2_W, conv2_b, N)
    return out

if __name__ == "__main__":
    import jax
    _d = setup_inputs()
    print(jax.jit(kernel)(*tuple(_d.values())))

</pallas_src>

<mosaic_0001>
#map = affine_map<(d0, d1) -> (0, 0)>
#map1 = affine_map<(d0, d1) -> (0, 0, 0)>
module attributes {stable_mosaic.version = 14 : i64} {
  func.func @_deg_body(%arg0: i32, %arg1: i32, %arg2: memref<12800x128xi32, #tpu.memory_space<hbm>>, %arg3: memref<6400x16xf32, #tpu.memory_space<hbm>>, %arg4: memref<128x16xf32, #tpu.memory_space<hbm>>, %arg5: memref<2x100000x16xf32, #tpu.memory_space<hbm>>, %arg6: memref<16x128xi32, #tpu.memory_space<vmem>>, %arg7: memref<128x16xf32, #tpu.memory_space<vmem>>, %arg8: memref<102400x16xf32, #tpu.memory_space<vmem_shared>>, %arg9: memref<!tpu.dma_semaphore, #tpu.memory_space<semaphore_mem>>) attributes {dimension_semantics = [#tpu.dimension_semantics<core_parallel>, #tpu.dimension_semantics<subcore_parallel>], iteration_bounds = array<i64: 2, 16>, scalar_prefetch = 0 : i64, scratch_operands = 4 : i64, tpu.core_type = #tpu.core_type<sc_vector_subcore>, window_params = [{transform_indices = #map}, {transform_indices = #map}, {transform_indices = #map}, {transform_indices = #map1}]} {
    %mul3A = arith.constant 6400 : i32
    %mul3A_0 = arith.muli %arg1, %mul3A : i32
    "tpu.region"() ({
      %run_scoped3A = tpu.sem_alloc : memref<!tpu.dma_semaphore, #tpu.memory_space<semaphore_mem>>
      %dma_start3A = arith.constant 0 : i32
      %dma_start3A_14 = tpu.memref_slice %arg8[%mul3A_0, %dma_start3A] : memref<102400x16xf32, #tpu.memory_space<vmem_shared>> -> memref<6400x16xf32, #tpu.memory_space<vmem_shared>>
      tpu.enqueue_dma source(%arg3 : memref<6400x16xf32, #tpu.memory_space<hbm>>) target(%dma_start3A_14 : memref<6400x16xf32, #tpu.memory_space<vmem_shared>>) target_semaphore(%run_scoped3A : memref<!tpu.dma_semaphore, #tpu.memory_space<semaphore_mem>>)
      %dma_wait3A = arith.constant 0 : i32
      %dma_wait3A_15 = tpu.memref_slice %arg8[%mul3A_0, %dma_wait3A] : memref<102400x16xf32, #tpu.memory_space<vmem_shared>> -> memref<6400x16xf32, #tpu.memory_space<vmem_shared>>
      tpu.wait_dma2 semaphore(%run_scoped3A : memref<!tpu.dma_semaphore, #tpu.memory_space<semaphore_mem>>) src(%arg3 : memref<6400x16xf32, #tpu.memory_space<hbm>>) dst(%dma_wait3A_15 : memref<6400x16xf32, #tpu.memory_space<vmem_shared>>)
      tpu.yield
    }) : () -> ()
    "tpu.region"() ({
      %run_scoped3A = tpu.sem_alloc : memref<!tpu.dma_semaphore, #tpu.memory_space<semaphore_mem>>
      tpu.enqueue_dma source(%arg4 : memref<128x16xf32, #tpu.memory_space<hbm>>) target(%arg7 : memref<128x16xf32, #tpu.memory_space<vmem>>) target_semaphore(%run_scoped3A : memref<!tpu.dma_semaphore, #tpu.memory_space<semaphore_mem>>)
      tpu.wait_dma2 semaphore(%run_scoped3A : memref<!tpu.dma_semaphore, #tpu.memory_space<semaphore_mem>>) src(%arg4 : memref<128x16xf32, #tpu.memory_space<hbm>>) dst(%arg7 : memref<128x16xf32, #tpu.memory_space<vmem>>)
      tpu.yield
    }) : () -> ()
    %barrier3A = arith.constant 0 : index
    tpu.barrier barrier_id(%barrier3A)
    %mul3A_1 = arith.constant 2 : i32
    %mul3A_2 = arith.muli %arg1, %mul3A_1 : i32
    %add3A = arith.addi %mul3A_2, %arg0 : i32
    %mul3A_3 = arith.constant 400 : i32
    %mul3A_4 = arith.muli %add3A, %mul3A_3 : i32
    %scan3A = arith.constant 0 : i32
    %scan3A_5 = arith.constant 0 : i32
    %scan3A_6 = arith.constant 25 : i32
    %scan3A_7 = arith.addi %scan3A_5, %scan3A_6 : i32
    %scan3A_8 = arith.constant 1 : i32
    scf.for %scan3A_14 = %scan3A_5 to %scan3A_7 step %scan3A_8  : i32 {
      %mul3A_15 = arith.constant 16 : i32
      %mul3A_16 = arith.muli %scan3A_14, %mul3A_15 : i32
      %add3A_17 = arith.addi %mul3A_4, %mul3A_16 : i32
      "tpu.region"() ({
        %run_scoped3A = tpu.sem_alloc : memref<!tpu.dma_semaphore, #tpu.memory_space<semaphore_mem>>
        %dma_start3A_240 = arith.constant 0 : i32
        %dma_start3A_241 = tpu.memref_slice %arg2[%add3A_17, %dma_start3A_240] : memref<12800x128xi32, #tpu.memory_space<hbm>> -> memref<16x128xi32, #tpu.memory_space<hbm>>
        %dma_start3A_242 = arith.constant 0 : i32
        %dma_start3A_243 = tpu.memref_slice %arg2[%add3A_17, %dma_start3A_242] : memref<12800x128xi32, #tpu.memory_space<hbm>> -> memref<16x128xi32, #tpu.memory_space<hbm>>
        tpu.enqueue_dma source(%dma_start3A_243 : memref<16x128xi32, #tpu.memory_space<hbm>>) target(%arg6 : memref<16x128xi32, #tpu.memory_space<vmem>>) target_semaphore(%run_scoped3A : memref<!tpu.dma_semaphore, #tpu.memory_space<semaphore_mem>>)
        %dma_wait3A_244 = arith.constant 0 : i32
        %dma_wait3A_245 = tpu.memref_slice %arg2[%add3A_17, %dma_wait3A_244] : memref<12800x128xi32, #tpu.memory_space<hbm>> -> memref<16x128xi32, #tpu.memory_space<hbm>>
        %dma_wait3A_246 = arith.constant 0 : i32
        %dma_wait3A_247 = tpu.memref_slice %arg2[%add3A_17, %dma_wait3A_246] : memref<12800x128xi32, #tpu.memory_space<hbm>> -> memref<16x128xi32, #tpu.memory_space<hbm>>
        tpu.wait_dma2 semaphore(%run_scoped3A : memref<!tpu.dma_semaphore, #tpu.memory_space<semaphore_mem>>) src(%dma_wait3A_247 : memref<16x128xi32, #tpu.memory_space<hbm>>) dst(%arg6 : memref<16x128xi32, #tpu.memory_space<vmem>>)
        tpu.yield
      }) : () -> ()
      %dma_start3A = arith.constant 0 : i32
      %dma_start3A_18 = arith.constant 0 : i32
      %dma_start3A_19 = tpu.memref_slice %arg6[%dma_start3A, %dma_start3A_18] : memref<16x128xi32, #tpu.memory_space<vmem>> -> memref<1x128xi32, #tpu.memory_space<vmem>>
      %dma_start3A_20 = tpu.memref_squeeze %dma_start3A_19 : memref<1x128xi32, #tpu.memory_space<vmem>> -> memref<128xi32, #tpu.memory_space<vmem>>
      %dma_start3A_21 = arith.constant 0 : i32
      %dma_start3A_22 = arith.constant 0 : i32
      %dma_start3A_23 = tpu.memref_slice %arg8[%dma_start3A_21, %dma_start3A_22] : memref<102400x16xf32, #tpu.memory_space<vmem_shared>> -> memref<102400x16xf32, #tpu.memory_space<vmem_shared>>
      tpu.enqueue_indirect_dma source(%arg7 : memref<128x16xf32, #tpu.memory_space<vmem>>) target(%dma_start3A_23 : memref<102400x16xf32, #tpu.memory_space<vmem_shared>>) offsets(%dma_start3A_20 : memref<128xi32, #tpu.memory_space<vmem>>) semaphore(%arg9 : memref<!tpu.dma_semaphore, #tpu.memory_space<semaphore_mem>>) {add = true}
      %dma_start3A_24 = arith.constant 1 : i32
      %dma_start3A_25 = arith.constant 0 : i32
      %dma_start3A_26 = tpu.memref_slice %arg6[%dma_start3A_24, %dma_start3A_25] : memref<16x128xi32, #tpu.memory_space<vmem>> -> memref<1x128xi32, #tpu.memory_space<vmem>>
      %dma_start3A_27 = tpu.memref_squeeze %dma_start3A_26 : memref<1x128xi32, #tpu.memory_space<vmem>> -> memref<128xi32, #tpu.memory_space<vmem>>
      %dma_start3A_28 = arith.constant 0 : i32
      %dma_start3A_29 = arith.constant 0 : i32
      %dma_start3A_30 = tpu.memref_slice %arg8[%dma_start3A_28, %dma_start3A_29] : memref<102400x16xf32, #tpu.memory_space<vmem_shared>> -> memref<102400x16xf32, #tpu.memory_space<vmem_shared>>
      tpu.enqueue_indirect_dma source(%arg7 : memref<128x16xf32, #tpu.memory_space<vmem>>) target(%dma_start3A_30 : memref<102400x16xf32, #tpu.memory_space<vmem_shared>>) offsets(%dma_start3A_27 : memref<128xi32, #tpu.memory_space<vmem>>) semaphore(%arg9 : memref<!tpu.dma_semaphore, #tpu.memory_space<semaphore_mem>>) {add = true}
      %dma_start3A_31 = arith.constant 2 : i32
      %dma_start3A_32 = arith.constant 0 : i32
      %dma_start3A_33 = tpu.memref_slice %arg6[%dma_start3A_31, %dma_start3A_32] : memref<16x128xi32, #tpu.memory_space<vmem>> -> memref<1x128xi32, #tpu.memory_space<vmem>>
      %dma_start3A_34 = tpu.memref_squeeze %dma_start3A_33 : memref<1x128xi32, #tpu.memory_space<vmem>> -> memref<128xi32, #tpu.memory_space<vmem>>
      %dma_start3A_35 = arith.constant 0 : i32
      %dma_start3A_36 = arith.constant 0 : i32
      %dma_start3A_37 = tpu.memref_slice %arg8[%dma_start3A_35, %dma_start3A_36] : memref<102400x16xf32, #tpu.memory_space<vmem_shared>> -> memref<102400x16xf32, #tpu.memory_space<vmem_shared>>
      tpu.enqueue_indirect_dma source(%arg7 : memref<128x16xf32, #tpu.memory_space<vmem>>) target(%dma_start3A_37 : memref<102400x16xf32, #tpu.memory_space<vmem_shared>>) offsets(%dma_start3A_34 : memref<128xi32, #tpu.memory_space<vmem>>) semaphore(%arg9 : memref<!tpu.dma_semaphore, #tpu.memory_space<semaphore_mem>>) {add = true}
      %dma_start3A_38 = arith.constant 3 : i32
      %dma_start3A_39 = arith.constant 0 : i32
      %dma_start3A_40 = tpu.memref_slice %arg6[%dma_start3A_38, %dma_start3A_39] : memref<16x128xi32, #tpu.memory_space<vmem>> -> memref<1x128xi32, #tpu.memory_space<vmem>>
      %dma_start3A_41 = tpu.memref_squeeze %dma_start3A_40 : memref<1x128xi32, #tpu.memory_space<vmem>> -> memref<128xi32, #tpu.memory_space<vmem>>
      %dma_start3A_42 = arith.constant 0 : i32
      %dma_start3A_43 = arith.constant 0 : i32
      %dma_start3A_44 = tpu.memref_slice %arg8[%dma_start3A_42, %dma_start3A_43] : memref<102400x16xf32, #tpu.memory_space<vmem_shared>> -> memref<102400x16xf32, #tpu.memory_space<vmem_shared>>
      tpu.enqueue_indirect_dma source(%arg7 : memref<128x16xf32, #tpu.memory_space<vmem>>) target(%dma_start3A_44 : memref<102400x16xf32, #tpu.memory_space<vmem_shared>>) offsets(%dma_start3A_41 : memref<128xi32, #tpu.memory_space<vmem>>) semaphore(%arg9 : memref<!tpu.dma_semaphore, #tpu.memory_space<semaphore_mem>>) {add = true}
      %dma_start3A_45 = arith.constant 4 : i32
      %dma_start3A_46 = arith.constant 0 : i32
      %dma_start3A_47 = tpu.memref_slice %arg6[%dma_start3A_45, %dma_start3A_46] : memref<16x128xi32, #tpu.memory_space<vmem>> -> memref<1x128xi32, #tpu.memory_space<vmem>>
      %dma_start3A_48 = tpu.memref_squeeze %dma_start3A_47 : memref<1x128xi32, #tpu.memory_space<vmem>> -> memref<128xi32, #tpu.memory_space<vmem>>
      %dma_start3A_49 = arith.constant 0 : i32
      %dma_start3A_50 = arith.constant 0 : i32
      %dma_start3A_51 = tpu.memref_slice %arg8[%dma_start3A_49, %dma_start3A_50] : memref<102400x16xf32, #tpu.memory_space<vmem_shared>> -> memref<102400x16xf32, #tpu.memory_space<vmem_shared>>
      tpu.enqueue_indirect_dma source(%arg7 : memref<128x16xf32, #tpu.memory_space<vmem>>) target(%dma_start3A_51 : memref<102400x16xf32, #tpu.memory_space<vmem_shared>>) offsets(%dma_start3A_48 : memref<128xi32, #tpu.memory_space<vmem>>) semaphore(%arg9 : memref<!tpu.dma_semaphore, #tpu.memory_space<semaphore_mem>>) {add = true}
      %dma_start3A_52 = arith.constant 5 : i32
      %dma_start3A_53 = arith.constant 0 : i32
      %dma_start3A_54 = tpu.memref_slice %arg6[%dma_start3A_52, %dma_start3A_53] : memref<16x128xi32, #tpu.memory_space<vmem>> -> memref<1x128xi32, #tpu.memory_space<vmem>>
      %dma_start3A_55 = tpu.memref_squeeze %dma_start3A_54 : memref<1x128xi32, #tpu.memory_space<vmem>> -> memref<128xi32, #tpu.memory_space<vmem>>
      %dma_start3A_56 = arith.constant 0 : i32
      %dma_start3A_57 = arith.constant 0 : i32
      %dma_start3A_58 = tpu.memref_slice %arg8[%dma_start3A_56, %dma_start3A_57] : memref<102400x16xf32, #tpu.memory_space<vmem_shared>> -> memref<102400x16xf32, #tpu.memory_space<vmem_shared>>
      tpu.enqueue_indirect_dma source(%arg7 : memref<128x16xf32, #tpu.memory_space<vmem>>) target(%dma_start3A_58 : memref<102400x16xf32, #tpu.memory_space<vmem_shared>>) offsets(%dma_start3A_55 : memref<128xi32, #tpu.memory_space<vmem>>) semaphore(%arg9 : memref<!tpu.dma_semaphore, #tpu.memory_space<semaphore_mem>>) {add = true}
      %dma_start3A_59 = arith.constant 6 : i32
      %dma_start3A_60 = arith.constant 0 : i32
      %dma_start3A_61 = tpu.memref_slice %arg6[%dma_start3A_59, %dma_start3A_60] : memref<16x128xi32, #tpu.memory_space<vmem>> -> memref<1x128xi32, #tpu.memory_space<vmem>>
      %dma_start3A_62 = tpu.memref_squeeze %dma_start3A_61 : memref<1x128xi32, #tpu.memory_space<vmem>> -> memref<128xi32, #tpu.memory_space<vmem>>
      %dma_start3A_63 = arith.constant 0 : i32
      %dma_start3A_64 = arith.constant 0 : i32
      %dma_start3A_65 = tpu.memref_slice %arg8[%dma_start3A_63, %dma_start3A_64] : memref<102400x16xf32, #tpu.memory_space<vmem_shared>> -> memref<102400x16xf32, #tpu.memory_space<vmem_shared>>
      tpu.enqueue_indirect_dma source(%arg7 : memref<128x16xf32, #tpu.memory_space<vmem>>) target(%dma_start3A_65 : memref<102400x16xf32, #tpu.memory_space<vmem_shared>>) offsets(%dma_start3A_62 : memref<128xi32, #tpu.memory_space<vmem>>) semaphore(%arg9 : memref<!tpu.dma_semaphore, #tpu.memory_space<semaphore_mem>>) {add = true}
      %dma_start3A_66 = arith.constant 7 : i32
      %dma_start3A_67 = arith.constant 0 : i32
      %dma_start3A_68 = tpu.memref_slice %arg6[%dma_start3A_66, %dma_start3A_67] : memref<16x128xi32, #tpu.memory_space<vmem>> -> memref<1x128xi32, #tpu.memory_space<vmem>>
      %dma_start3A_69 = tpu.memref_squeeze %dma_start3A_68 : memref<1x128xi32, #tpu.memory_space<vmem>> -> memref<128xi32, #tpu.memory_space<vmem>>
      %dma_start3A_70 = arith.constant 0 : i32
      %dma_start3A_71 = arith.constant 0 : i32
      %dma_start3A_72 = tpu.memref_slice %arg8[%dma_start3A_70, %dma_start3A_71] : memref<102400x16xf32, #tpu.memory_space<vmem_shared>> -> memref<102400x16xf32, #tpu.memory_space<vmem_shared>>
      tpu.enqueue_indirect_dma source(%arg7 : memref<128x16xf32, #tpu.memory_space<vmem>>) target(%dma_start3A_72 : memref<102400x16xf32, #tpu.memory_space<vmem_shared>>) offsets(%dma_start3A_69 : memref<128xi32, #tpu.memory_space<vmem>>) semaphore(%arg9 : memref<!tpu.dma_semaphore, #tpu.memory_space<semaphore_mem>>) {add = true}
      %dma_start3A_73 = arith.constant 8 : i32
      %dma_start3A_74 = arith.constant 0 : i32
      %dma_start3A_75 = tpu.memref_slice %arg6[%dma_start3A_73, %dma_start3A_74] : memref<16x128xi32, #tpu.memory_space<vmem>> -> memref<1x128xi32, #tpu.memory_space<vmem>>
      %dma_start3A_76 = tpu.memref_squeeze %dma_start3A_75 : memref<1x128xi32, #tpu.memory_space<vmem>> -> memref<128xi32, #tpu.memory_space<vmem>>
      %dma_start3A_77 = arith.constant 0 : i32
      %dma_start3A_78 = arith.constant 0 : i32
      %dma_start3A_79 = tpu.memref_slice %arg8[%dma_start3A_77, %dma_start3A_78] : memref<102400x16xf32, #tpu.memory_space<vmem_shared>> -> memref<102400x16xf32, #tpu.memory_space<vmem_shared>>
      tpu.enqueue_indirect_dma source(%arg7 : memref<128x16xf32, #tpu.memory_space<vmem>>) target(%dma_start3A_79 : memref<102400x16xf32, #tpu.memory_space<vmem_shared>>) offsets(%dma_start3A_76 : memref<128xi32, #tpu.memory_space<vmem>>) semaphore(%arg9 : memref<!tpu.dma_semaphore, #tpu.memory_space<semaphore_mem>>) {add = true}
      %dma_start3A_80 = arith.constant 9 : i32
      %dma_start3A_81 = arith.constant 0 : i32
      %dma_start3A_82 = tpu.memref_slice %arg6[%dma_start3A_80, %dma_start3A_81] : memref<16x128xi32, #tpu.memory_space<vmem>> -> memref<1x128xi32, #tpu.memory_space<vmem>>
      %dma_start3A_83 = tpu.memref_squeeze %dma_start3A_82 : memref<1x128xi32, #tpu.memory_space<vmem>> -> memref<128xi32, #tpu.memory_space<vmem>>
      %dma_start3A_84 = arith.constant 0 : i32
      %dma_start3A_85 = arith.constant 0 : i32
      %dma_start3A_86 = tpu.memref_slice %arg8[%dma_start3A_84, %dma_start3A_85] : memref<102400x16xf32, #tpu.memory_space<vmem_shared>> -> memref<102400x16xf32, #tpu.memory_space<vmem_shared>>
      tpu.enqueue_indirect_dma source(%arg7 : memref<128x16xf32, #tpu.memory_space<vmem>>) target(%dma_start3A_86 : memref<102400x16xf32, #tpu.memory_space<vmem_shared>>) offsets(%dma_start3A_83 : memref<128xi32, #tpu.memory_space<vmem>>) semaphore(%arg9 : memref<!tpu.dma_semaphore, #tpu.memory_space<semaphore_mem>>) {add = true}
      %dma_start3A_87 = arith.constant 10 : i32
      %dma_start3A_88 = arith.constant 0 : i32
      %dma_start3A_89 = tpu.memref_slice %arg6[%dma_start3A_87, %dma_start3A_88] : memref<16x128xi32, #tpu.memory_space<vmem>> -> memref<1x128xi32, #tpu.memory_space<vmem>>
      %dma_start3A_90 = tpu.memref_squeeze %dma_start3A_89 : memref<1x128xi32, #tpu.memory_space<vmem>> -> memref<128xi32, #tpu.memory_space<vmem>>
      %dma_start3A_91 = arith.constant 0 : i32
      %dma_start3A_92 = arith.constant 0 : i32
      %dma_start3A_93 = tpu.memref_slice %arg8[%dma_start3A_91, %dma_start3A_92] : memref<102400x16xf32, #tpu.memory_space<vmem_shared>> -> memref<102400x16xf32, #tpu.memory_space<vmem_shared>>
      tpu.enqueue_indirect_dma source(%arg7 : memref<128x16xf32, #tpu.memory_space<vmem>>) target(%dma_start3A_93 : memref<102400x16xf32, #tpu.memory_space<vmem_shared>>) offsets(%dma_start3A_90 : memref<128xi32, #tpu.memory_space<vmem>>) semaphore(%arg9 : memref<!tpu.dma_semaphore, #tpu.memory_space<semaphore_mem>>) {add = true}
      %dma_start3A_94 = arith.constant 11 : i32
      %dma_start3A_95 = arith.constant 0 : i32
      %dma_start3A_96 = tpu.memref_slice %arg6[%dma_start3A_94, %dma_start3A_95] : memref<16x128xi32, #tpu.memory_space<vmem>> -> memref<1x128xi32, #tpu.memory_space<vmem>>
      %dma_start3A_97 = tpu.memref_squeeze %dma_start3A_96 : memref<1x128xi32, #tpu.memory_space<vmem>> -> memref<128xi32, #tpu.memory_space<vmem>>
      %dma_start3A_98 = arith.constant 0 : i32
      %dma_start3A_99 = arith.constant 0 : i32
      %dma_start3A_100 = tpu.memref_slice %arg8[%dma_start3A_98, %dma_start3A_99] : memref<102400x16xf32, #tpu.memory_space<vmem_shared>> -> memref<102400x16xf32, #tpu.memory_space<vmem_shared>>
      tpu.enqueue_indirect_dma source(%arg7 : memref<128x16xf32, #tpu.memory_space<vmem>>) target(%dma_start3A_100 : memref<102400x16xf32, #tpu.memory_space<vmem_shared>>) offsets(%dma_start3A_97 : memref<128xi32, #tpu.memory_space<vmem>>) semaphore(%arg9 : memref<!tpu.dma_semaphore, #tpu.memory_space<semaphore_mem>>) {add = true}
      %dma_start3A_101 = arith.constant 12 : i32
      %dma_start3A_102 = arith.constant 0 : i32
      %dma_start3A_103 = tpu.memref_slice %arg6[%dma_start3A_101, %dma_start3A_102] : memref<16x128xi32, #tpu.memory_space<vmem>> -> memref<1x128xi32, #tpu.memory_space<vmem>>
      %dma_start3A_104 = tpu.memref_squeeze %dma_start3A_103 : memref<1x128xi32, #tpu.memory_space<vmem>> -> memref<128xi32, #tpu.memory_space<vmem>>
      %dma_start3A_105 = arith.constant 0 : i32
      %dma_start3A_106 = arith.constant 0 : i32
      %dma_start3A_107 = tpu.memref_slice %arg8[%dma_start3A_105, %dma_start3A_106] : memref<102400x16xf32, #tpu.memory_space<vmem_shared>> -> memref<102400x16xf32, #tpu.memory_space<vmem_shared>>
      tpu.enqueue_indirect_dma source(%arg7 : memref<128x16xf32, #tpu.memory_space<vmem>>) target(%dma_start3A_107 : memref<102400x16xf32, #tpu.memory_space<vmem_shared>>) offsets(%dma_start3A_104 : memref<128xi32, #tpu.memory_space<vmem>>) semaphore(%arg9 : memref<!tpu.dma_semaphore, #tpu.memory_space<semaphore_mem>>) {add = true}
      %dma_start3A_108 = arith.constant 13 : i32
      %dma_start3A_109 = arith.constant 0 : i32
      %dma_start3A_110 = tpu.memref_slice %arg6[%dma_start3A_108, %dma_start3A_109] : memref<16x128xi32, #tpu.memory_space<vmem>> -> memref<1x128xi32, #tpu.memory_space<vmem>>
      %dma_start3A_111 = tpu.memref_squeeze %dma_start3A_110 : memref<1x128xi32, #tpu.memory_space<vmem>> -> memref<128xi32, #tpu.memory_space<vmem>>
      %dma_start3A_112 = arith.constant 0 : i32
      %dma_start3A_113 = arith.constant 0 : i32
      %dma_start3A_114 = tpu.memref_slice %arg8[%dma_start3A_112, %dma_start3A_113] : memref<102400x16xf32, #tpu.memory_space<vmem_shared>> -> memref<102400x16xf32, #tpu.memory_space<vmem_shared>>
      tpu.enqueue_indirect_dma source(%arg7 : memref<128x16xf32, #tpu.memory_space<vmem>>) target(%dma_start3A_114 : memref<102400x16xf32, #tpu.memory_space<vmem_shared>>) offsets(%dma_start3A_111 : memref<128xi32, #tpu.memory_space<vmem>>) semaphore(%arg9 : memref<!tpu.dma_semaphore, #tpu.memory_space<semaphore_mem>>) {add = true}
      %dma_start3A_115 = arith.constant 14 : i32
      %dma_start3A_116 = arith.constant 0 : i32
      %dma_start3A_117 = tpu.memref_slice %arg6[%dma_start3A_115, %dma_start3A_116] : memref<16x128xi32, #tpu.memory_space<vmem>> -> memref<1x128xi32, #tpu.memory_space<vmem>>
      %dma_start3A_118 = tpu.memref_squeeze %dma_start3A_117 : memref<1x128xi32, #tpu.memory_space<vmem>> -> memref<128xi32, #tpu.memory_space<vmem>>
      %dma_start3A_119 = arith.constant 0 : i32
      %dma_start3A_120 = arith.constant 0 : i32
      %dma_start3A_121 = tpu.memref_slice %arg8[%dma_start3A_119, %dma_start3A_120] : memref<102400x16xf32, #tpu.memory_space<vmem_shared>> -> memref<102400x16xf32, #tpu.memory_space<vmem_shared>>
      tpu.enqueue_indirect_dma source(%arg7 : memref<128x16xf32, #tpu.memory_space<vmem>>) target(%dma_start3A_121 : memref<102400x16xf32, #tpu.memory_space<vmem_shared>>) offsets(%dma_start3A_118 : memref<128xi32, #tpu.memory_space<vmem>>) semaphore(%arg9 : memref<!tpu.dma_semaphore, #tpu.memory_space<semaphore_mem>>) {add = true}
      %dma_start3A_122 = arith.constant 15 : i32
      %dma_start3A_123 = arith.constant 0 : i32
      %dma_start3A_124 = tpu.memref_slice %arg6[%dma_start3A_122, %dma_start3A_123] : memref<16x128xi32, #tpu.memory_space<vmem>> -> memref<1x128xi32, #tpu.memory_space<vmem>>
      %dma_start3A_125 = tpu.memref_squeeze %dma_start3A_124 : memref<1x128xi32, #tpu.memory_space<vmem>> -> memref<128xi32, #tpu.memory_space<vmem>>
      %dma_start3A_126 = arith.constant 0 : i32
      %dma_start3A_127 = arith.constant 0 : i32
      %dma_start3A_128 = tpu.memref_slice %arg8[%dma_start3A_126, %dma_start3A_127] : memref<102400x16xf32, #tpu.memory_space<vmem_shared>> -> memref<102400x16xf32, #tpu.memory_space<vmem_shared>>
      tpu.enqueue_indirect_dma source(%arg7 : memref<128x16xf32, #tpu.memory_space<vmem>>) target(%dma_start3A_128 : memref<102400x16xf32, #tpu.memory_space<vmem_shared>>) offsets(%dma_start3A_125 : memref<128xi32, #tpu.memory_space<vmem>>) semaphore(%arg9 : memref<!tpu.dma_semaphore, #tpu.memory_space<semaphore_mem>>) {add = true}
      %dma_wait3A = arith.constant 0 : i32
      %dma_wait3A_129 = arith.constant 0 : i32
      %dma_wait3A_130 = tpu.memref_slice %arg6[%dma_wait3A, %dma_wait3A_129] : memref<16x128xi32, #tpu.memory_space<vmem>> -> memref<1x128xi32, #tpu.memory_space<vmem>>
      %dma_wait3A_131 = tpu.memref_squeeze %dma_wait3A_130 : memref<1x128xi32, #tpu.memory_space<vmem>> -> memref<128xi32, #tpu.memory_space<vmem>>
      %dma_wait3A_132 = arith.constant 0 : i32
      %dma_wait3A_133 = arith.constant 0 : i32
      %dma_wait3A_134 = tpu.memref_slice %arg8[%dma_wait3A_132, %dma_wait3A_133] : memref<102400x16xf32, #tpu.memory_space<vmem_shared>> -> memref<102400x16xf32, #tpu.memory_space<vmem_shared>>
      tpu.wait_indirect_dma semaphore(%arg9 : memref<!tpu.dma_semaphore, #tpu.memory_space<semaphore_mem>>) src(%arg7 : memref<128x16xf32, #tpu.memory_space<vmem>>) dst(%dma_wait3A_134 : memref<102400x16xf32, #tpu.memory_space<vmem_shared>>)
      %dma_wait3A_135 = arith.constant 1 : i32
      %dma_wait3A_136 = arith.constant 0 : i32
      %dma_wait3A_137 = tpu.memref_slice %arg6[%dma_wait3A_135, %dma_wait3A_136] : memref<16x128xi32, #tpu.memory_space<vmem>> -> memref<1x128xi32, #tpu.memory_space<vmem>>
      %dma_wait3A_138 = tpu.memref_squeeze %dma_wait3A_137 : memref<1x128xi32, #tpu.memory_space<vmem>> -> memref<128xi32, #tpu.memory_space<vmem>>
      %dma_wait3A_139 = arith.constant 0 : i32
      %dma_wait3A_140 = arith.constant 0 : i32
      %dma_wait3A_141 = tpu.memref_slice %arg8[%dma_wait3A_139, %dma_wait3A_140] : memref<102400x16xf32, #tpu.memory_space<vmem_shared>> -> memref<102400x16xf32, #tpu.memory_space<vmem_shared>>
      tpu.wait_indirect_dma semaphore(%arg9 : memref<!tpu.dma_semaphore, #tpu.memory_space<semaphore_mem>>) src(%arg7 : memref<128x16xf32, #tpu.memory_space<vmem>>) dst(%dma_wait3A_141 : memref<102400x16xf32, #tpu.memory_space<vmem_shared>>)
      %dma_wait3A_142 = arith.constant 2 : i32
      %dma_wait3A_143 = arith.constant 0 : i32
      %dma_wait3A_144 = tpu.memref_slice %arg6[%dma_wait3A_142, %dma_wait3A_143] : memref<16x128xi32, #tpu.memory_space<vmem>> -> memref<1x128xi32, #tpu.memory_space<vmem>>
      %dma_wait3A_145 = tpu.memref_squeeze %dma_wait3A_144 : memref<1x128xi32, #tpu.memory_space<vmem>> -> memref<128xi32, #tpu.memory_space<vmem>>
      %dma_wait3A_146 = arith.constant 0 : i32
      %dma_wait3A_147 = arith.constant 0 : i32
      %dma_wait3A_148 = tpu.memref_slice %arg8[%dma_wait3A_146, %dma_wait3A_147] : memref<102400x16xf32, #tpu.memory_space<vmem_shared>> -> memref<102400x16xf32, #tpu.memory_space<vmem_shared>>
      tpu.wait_indirect_dma semaphore(%arg9 : memref<!tpu.dma_semaphore, #tpu.memory_space<semaphore_mem>>) src(%arg7 : memref<128x16xf32, #tpu.memory_space<vmem>>) dst(%dma_wait3A_148 : memref<102400x16xf32, #tpu.memory_space<vmem_shared>>)
      %dma_wait3A_149 = arith.constant 3 : i32
      %dma_wait3A_150 = arith.constant 0 : i32
      %dma_wait3A_151 = tpu.memref_slice %arg6[%dma_wait3A_149, %dma_wait3A_150] : memref<16x128xi32, #tpu.memory_space<vmem>> -> memref<1x128xi32, #tpu.memory_space<vmem>>
      %dma_wait3A_152 = tpu.memref_squeeze %dma_wait3A_151 : memref<1x128xi32, #tpu.memory_space<vmem>> -> memref<128xi32, #tpu.memory_space<vmem>>
      %dma_wait3A_153 = arith.constant 0 : i32
      %dma_wait3A_154 = arith.constant 0 : i32
      %dma_wait3A_155 = tpu.memref_slice %arg8[%dma_wait3A_153, %dma_wait3A_154] : memref<102400x16xf32, #tpu.memory_space<vmem_shared>> -> memref<102400x16xf32, #tpu.memory_space<vmem_shared>>
      tpu.wait_indirect_dma semaphore(%arg9 : memref<!tpu.dma_semaphore, #tpu.memory_space<semaphore_mem>>) src(%arg7 : memref<128x16xf32, #tpu.memory_space<vmem>>) dst(%dma_wait3A_155 : memref<102400x16xf32, #tpu.memory_space<vmem_shared>>)
      %dma_wait3A_156 = arith.constant 4 : i32
      %dma_wait3A_157 = arith.constant 0 : i32
      %dma_wait3A_158 = tpu.memref_slice %arg6[%dma_wait3A_156, %dma_wait3A_157] : memref<16x128xi32, #tpu.memory_space<vmem>> -> memref<1x128xi32, #tpu.memory_space<vmem>>
      %dma_wait3A_159 = tpu.memref_squeeze %dma_wait3A_158 : memref<1x128xi32, #tpu.memory_space<vmem>> -> memref<128xi32, #tpu.memory_space<vmem>>
      %dma_wait3A_160 = arith.constant 0 : i32
      %dma_wait3A_161 = arith.constant 0 : i32
      %dma_wait3A_162 = tpu.memref_slice %arg8[%dma_wait3A_160, %dma_wait3A_161] : memref<102400x16xf32, #tpu.memory_space<vmem_shared>> -> memref<102400x16xf32, #tpu.memory_space<vmem_shared>>
      tpu.wait_indirect_dma semaphore(%arg9 : memref<!tpu.dma_semaphore, #tpu.memory_space<semaphore_mem>>) src(%arg7 : memref<128x16xf32, #tpu.memory_space<vmem>>) dst(%dma_wait3A_162 : memref<102400x16xf32, #tpu.memory_space<vmem_shared>>)
      %dma_wait3A_163 = arith.constant 5 : i32
      %dma_wait3A_164 = arith.constant 0 : i32
      %dma_wait3A_165 = tpu.memref_slice %arg6[%dma_wait3A_163, %dma_wait3A_164] : memref<16x128xi32, #tpu.memory_space<vmem>> -> memref<1x128xi32, #tpu.memory_space<vmem>>
      %dma_wait3A_166 = tpu.memref_squeeze %dma_wait3A_165 : memref<1x128xi32, #tpu.memory_space<vmem>> -> memref<128xi32, #tpu.memory_space<vmem>>
      %dma_wait3A_167 = arith.constant 0 : i32
      %dma_wait3A_168 = arith.constant 0 : i32
      %dma_wait3A_169 = tpu.memref_slice %arg8[%dma_wait3A_167, %dma_wait3A_168] : memref<102400x16xf32, #tpu.memory_space<vmem_shared>> -> memref<102400x16xf32, #tpu.memory_space<vmem_shared>>
      tpu.wait_indirect_dma semaphore(%arg9 : memref<!tpu.dma_semaphore, #tpu.memory_space<semaphore_mem>>) src(%arg7 : memref<128x16xf32, #tpu.memory_space<vmem>>) dst(%dma_wait3A_169 : memref<102400x16xf32, #tpu.memory_space<vmem_shared>>)
      %dma_wait3A_170 = arith.constant 6 : i32
      %dma_wait3A_171 = arith.constant 0 : i32
      %dma_wait3A_172 = tpu.memref_slice %arg6[%dma_wait3A_170, %dma_wait3A_171] : memref<16x128xi32, #tpu.memory_space<vmem>> -> memref<1x128xi32, #tpu.memory_space<vmem>>
      %dma_wait3A_173 = tpu.memref_squeeze %dma_wait3A_172 : memref<1x128xi32, #tpu.memory_space<vmem>> -> memref<128xi32, #tpu.memory_space<vmem>>
      %dma_wait3A_174 = arith.constant 0 : i32
      %dma_wait3A_175 = arith.constant 0 : i32
      %dma_wait3A_176 = tpu.memref_slice %arg8[%dma_wait3A_174, %dma_wait3A_175] : memref<102400x16xf32, #tpu.memory_space<vmem_shared>> -> memref<102400x16xf32, #tpu.memory_space<vmem_shared>>
      tpu.wait_indirect_dma semaphore(%arg9 : memref<!tpu.dma_semaphore, #tpu.memory_space<semaphore_mem>>) src(%arg7 : memref<128x16xf32, #tpu.memory_space<vmem>>) dst(%dma_wait3A_176 : memref<102400x16xf32, #tpu.memory_space<vmem_shared>>)
      %dma_wait3A_177 = arith.constant 7 : i32
      %dma_wait3A_178 = arith.constant 0 : i32
      %dma_wait3A_179 = tpu.memref_slice %arg6[%dma_wait3A_177, %dma_wait3A_178] : memref<16x128xi32, #tpu.memory_space<vmem>> -> memref<1x128xi32, #tpu.memory_space<vmem>>
      %dma_wait3A_180 = tpu.memref_squeeze %dma_wait3A_179 : memref<1x128xi32, #tpu.memory_space<vmem>> -> memref<128xi32, #tpu.memory_space<vmem>>
      %dma_wait3A_181 = arith.constant 0 : i32
      %dma_wait3A_182 = arith.constant 0 : i32
      %dma_wait3A_183 = tpu.memref_slice %arg8[%dma_wait3A_181, %dma_wait3A_182] : memref<102400x16xf32, #tpu.memory_space<vmem_shared>> -> memref<102400x16xf32, #tpu.memory_space<vmem_shared>>
      tpu.wait_indirect_dma semaphore(%arg9 : memref<!tpu.dma_semaphore, #tpu.memory_space<semaphore_mem>>) src(%arg7 : memref<128x16xf32, #tpu.memory_space<vmem>>) dst(%dma_wait3A_183 : memref<102400x16xf32, #tpu.memory_space<vmem_shared>>)
      %dma_wait3A_184 = arith.constant 8 : i32
      %dma_wait3A_185 = arith.constant 0 : i32
      %dma_wait3A_186 = tpu.memref_slice %arg6[%dma_wait3A_184, %dma_wait3A_185] : memref<16x128xi32, #tpu.memory_space<vmem>> -> memref<1x128xi32, #tpu.memory_space<vmem>>
      %dma_wait3A_187 = tpu.memref_squeeze %dma_wait3A_186 : memref<1x128xi32, #tpu.memory_space<vmem>> -> memref<128xi32, #tpu.memory_space<vmem>>
      %dma_wait3A_188 = arith.constant 0 : i32
      %dma_wait3A_189 = arith.constant 0 : i32
      %dma_wait3A_190 = tpu.memref_slice %arg8[%dma_wait3A_188, %dma_wait3A_189] : memref<102400x16xf32, #tpu.memory_space<vmem_shared>> -> memref<102400x16xf32, #tpu.memory_space<vmem_shared>>
      tpu.wait_indirect_dma semaphore(%arg9 : memref<!tpu.dma_semaphore, #tpu.memory_space<semaphore_mem>>) src(%arg7 : memref<128x16xf32, #tpu.memory_space<vmem>>) dst(%dma_wait3A_190 : memref<102400x16xf32, #tpu.memory_space<vmem_shared>>)
      %dma_wait3A_191 = arith.constant 9 : i32
      %dma_wait3A_192 = arith.constant 0 : i32
      %dma_wait3A_193 = tpu.memref_slice %arg6[%dma_wait3A_191, %dma_wait3A_192] : memref<16x128xi32, #tpu.memory_space<vmem>> -> memref<1x128xi32, #tpu.memory_space<vmem>>
      %dma_wait3A_194 = tpu.memref_squeeze %dma_wait3A_193 : memref<1x128xi32, #tpu.memory_space<vmem>> -> memref<128xi32, #tpu.memory_space<vmem>>
      %dma_wait3A_195 = arith.constant 0 : i32
      %dma_wait3A_196 = arith.constant 0 : i32
      %dma_wait3A_197 = tpu.memref_slice %arg8[%dma_wait3A_195, %dma_wait3A_196] : memref<102400x16xf32, #tpu.memory_space<vmem_shared>> -> memref<102400x16xf32, #tpu.memory_space<vmem_shared>>
      tpu.wait_indirect_dma semaphore(%arg9 : memref<!tpu.dma_semaphore, #tpu.memory_space<semaphore_mem>>) src(%arg7 : memref<128x16xf32, #tpu.memory_space<vmem>>) dst(%dma_wait3A_197 : memref<102400x16xf32, #tpu.memory_space<vmem_shared>>)
      %dma_wait3A_198 = arith.constant 10 : i32
      %dma_wait3A_199 = arith.constant 0 : i32
      %dma_wait3A_200 = tpu.memref_slice %arg6[%dma_wait3A_198, %dma_wait3A_199] : memref<16x128xi32, #tpu.memory_space<vmem>> -> memref<1x128xi32, #tpu.memory_space<vmem>>
      %dma_wait3A_201 = tpu.memref_squeeze %dma_wait3A_200 : memref<1x128xi32, #tpu.memory_space<vmem>> -> memref<128xi32, #tpu.memory_space<vmem>>
      %dma_wait3A_202 = arith.constant 0 : i32
      %dma_wait3A_203 = arith.constant 0 : i32
      %dma_wait3A_204 = tpu.memref_slice %arg8[%dma_wait3A_202, %dma_wait3A_203] : memref<102400x16xf32, #tpu.memory_space<vmem_shared>> -> memref<102400x16xf32, #tpu.memory_space<vmem_shared>>
      tpu.wait_indirect_dma semaphore(%arg9 : memref<!tpu.dma_semaphore, #tpu.memory_space<semaphore_mem>>) src(%arg7 : memref<128x16xf32, #tpu.memory_space<vmem>>) dst(%dma_wait3A_204 : memref<102400x16xf32, #tpu.memory_space<vmem_shared>>)
      %dma_wait3A_205 = arith.constant 11 : i32
      %dma_wait3A_206 = arith.constant 0 : i32
      %dma_wait3A_207 = tpu.memref_slice %arg6[%dma_wait3A_205, %dma_wait3A_206] : memref<16x128xi32, #tpu.memory_space<vmem>> -> memref<1x128xi32, #tpu.memory_space<vmem>>
      %dma_wait3A_208 = tpu.memref_squeeze %dma_wait3A_207 : memref<1x128xi32, #tpu.memory_space<vmem>> -> memref<128xi32, #tpu.memory_space<vmem>>
      %dma_wait3A_209 = arith.constant 0 : i32
      %dma_wait3A_210 = arith.constant 0 : i32
      %dma_wait3A_211 = tpu.memref_slice %arg8[%dma_wait3A_209, %dma_wait3A_210] : memref<102400x16xf32, #tpu.memory_space<vmem_shared>> -> memref<102400x16xf32, #tpu.memory_space<vmem_shared>>
      tpu.wait_indirect_dma semaphore(%arg9 : memref<!tpu.dma_semaphore, #tpu.memory_space<semaphore_mem>>) src(%arg7 : memref<128x16xf32, #tpu.memory_space<vmem>>) dst(%dma_wait3A_211 : memref<102400x16xf32, #tpu.memory_space<vmem_shared>>)
      %dma_wait3A_212 = arith.constant 12 : i32
      %dma_wait3A_213 = arith.constant 0 : i32
      %dma_wait3A_214 = tpu.memref_slice %arg6[%dma_wait3A_212, %dma_wait3A_213] : memref<16x128xi32, #tpu.memory_space<vmem>> -> memref<1x128xi32, #tpu.memory_space<vmem>>
      %dma_wait3A_215 = tpu.memref_squeeze %dma_wait3A_214 : memref<1x128xi32, #tpu.memory_space<vmem>> -> memref<128xi32, #tpu.memory_space<vmem>>
      %dma_wait3A_216 = arith.constant 0 : i32
      %dma_wait3A_217 = arith.constant 0 : i32
      %dma_wait3A_218 = tpu.memref_slice %arg8[%dma_wait3A_216, %dma_wait3A_217] : memref<102400x16xf32, #tpu.memory_space<vmem_shared>> -> memref<102400x16xf32, #tpu.memory_space<vmem_shared>>
      tpu.wait_indirect_dma semaphore(%arg9 : memref<!tpu.dma_semaphore, #tpu.memory_space<semaphore_mem>>) src(%arg7 : memref<128x16xf32, #tpu.memory_space<vmem>>) dst(%dma_wait3A_218 : memref<102400x16xf32, #tpu.memory_space<vmem_shared>>)
      %dma_wait3A_219 = arith.constant 13 : i32
      %dma_wait3A_220 = arith.constant 0 : i32
      %dma_wait3A_221 = tpu.memref_slice %arg6[%dma_wait3A_219, %dma_wait3A_220] : memref<16x128xi32, #tpu.memory_space<vmem>> -> memref<1x128xi32, #tpu.memory_space<vmem>>
      %dma_wait3A_222 = tpu.memref_squeeze %dma_wait3A_221 : memref<1x128xi32, #tpu.memory_space<vmem>> -> memref<128xi32, #tpu.memory_space<vmem>>
      %dma_wait3A_223 = arith.constant 0 : i32
      %dma_wait3A_224 = arith.constant 0 : i32
      %dma_wait3A_225 = tpu.memref_slice %arg8[%dma_wait3A_223, %dma_wait3A_224] : memref<102400x16xf32, #tpu.memory_space<vmem_shared>> -> memref<102400x16xf32, #tpu.memory_space<vmem_shared>>
      tpu.wait_indirect_dma semaphore(%arg9 : memref<!tpu.dma_semaphore, #tpu.memory_space<semaphore_mem>>) src(%arg7 : memref<128x16xf32, #tpu.memory_space<vmem>>) dst(%dma_wait3A_225 : memref<102400x16xf32, #tpu.memory_space<vmem_shared>>)
      %dma_wait3A_226 = arith.constant 14 : i32
      %dma_wait3A_227 = arith.constant 0 : i32
      %dma_wait3A_228 = tpu.memref_slice %arg6[%dma_wait3A_226, %dma_wait3A_227] : memref<16x128xi32, #tpu.memory_space<vmem>> -> memref<1x128xi32, #tpu.memory_space<vmem>>
      %dma_wait3A_229 = tpu.memref_squeeze %dma_wait3A_228 : memref<1x128xi32, #tpu.memory_space<vmem>> -> memref<128xi32, #tpu.memory_space<vmem>>
      %dma_wait3A_230 = arith.constant 0 : i32
      %dma_wait3A_231 = arith.constant 0 : i32
      %dma_wait3A_232 = tpu.memref_slice %arg8[%dma_wait3A_230, %dma_wait3A_231] : memref<102400x16xf32, #tpu.memory_space<vmem_shared>> -> memref<102400x16xf32, #tpu.memory_space<vmem_shared>>
      tpu.wait_indirect_dma semaphore(%arg9 : memref<!tpu.dma_semaphore, #tpu.memory_space<semaphore_mem>>) src(%arg7 : memref<128x16xf32, #tpu.memory_space<vmem>>) dst(%dma_wait3A_232 : memref<102400x16xf32, #tpu.memory_space<vmem_shared>>)
      %dma_wait3A_233 = arith.constant 15 : i32
      %dma_wait3A_234 = arith.constant 0 : i32
      %dma_wait3A_235 = tpu.memref_slice %arg6[%dma_wait3A_233, %dma_wait3A_234] : memref<16x128xi32, #tpu.memory_space<vmem>> -> memref<1x128xi32, #tpu.memory_space<vmem>>
      %dma_wait3A_236 = tpu.memref_squeeze %dma_wait3A_235 : memref<1x128xi32, #tpu.memory_space<vmem>> -> memref<128xi32, #tpu.memory_space<vmem>>
      %dma_wait3A_237 = arith.constant 0 : i32
      %dma_wait3A_238 = arith.constant 0 : i32
      %dma_wait3A_239 = tpu.memref_slice %arg8[%dma_wait3A_237, %dma_wait3A_238] : memref<102400x16xf32, #tpu.memory_space<vmem_shared>> -> memref<102400x16xf32, #tpu.memory_space<vmem_shared>>
      tpu.wait_indirect_dma semaphore(%arg9 : memref<!tpu.dma_semaphore, #tpu.memory_space<semaphore_mem>>) src(%arg7 : memref<128x16xf32, #tpu.memory_space<vmem>>) dst(%dma_wait3A_239 : memref<102400x16xf32, #tpu.memory_space<vmem_shared>>)
    }
    %scan3A_9 = arith.constant 25 : i32
    %barrier3A_10 = arith.constant 0 : index
    tpu.barrier barrier_id(%barrier3A_10)
    %mul3A_11 = arith.constant 6256 : i32
    %mul3A_12 = arith.muli %arg1, %mul3A_11 : i32
    %min3A = arith.constant 93744 : i32
    %min3A_13 = arith.minsi %mul3A_12, %min3A : i32
    "tpu.region"() ({
      %run_scoped3A = tpu.sem_alloc : memref<!tpu.dma_semaphore, #tpu.memory_space<semaphore_mem>>
      %dma_start3A = arith.constant 0 : i32
      %dma_start3A_14 = tpu.memref_slice %arg5[%arg0, %min3A_13, %dma_start3A] : memref<2x100000x16xf32, #tpu.memory_space<hbm>> -> memref<1x6256x16xf32, #tpu.memory_space<hbm>>
      %dma_start3A_15 = tpu.memref_squeeze %dma_start3A_14 : memref<1x6256x16xf32, #tpu.memory_space<hbm>> -> memref<6256x16xf32, #tpu.memory_space<hbm>>
      %dma_start3A_16 = arith.constant 0 : i32
      %dma_start3A_17 = tpu.memref_slice %arg8[%min3A_13, %dma_start3A_16] : memref<102400x16xf32, #tpu.memory_space<vmem_shared>> -> memref<6256x16xf32, #tpu.memory_space<vmem_shared>>
      tpu.enqueue_dma source(%dma_start3A_17 : memref<6256x16xf32, #tpu.memory_space<vmem_shared>>) target(%dma_start3A_15 : memref<6256x16xf32, #tpu.memory_space<hbm>>) target_semaphore(%run_scoped3A : memref<!tpu.dma_semaphore, #tpu.memory_space<semaphore_mem>>)
      %dma_wait3A = arith.constant 0 : i32
      %dma_wait3A_18 = tpu.memref_slice %arg5[%arg0, %min3A_13, %dma_wait3A] : memref<2x100000x16xf32, #tpu.memory_space<hbm>> -> memref<1x6256x16xf32, #tpu.memory_space<hbm>>
      %dma_wait3A_19 = tpu.memref_squeeze %dma_wait3A_18 : memref<1x6256x16xf32, #tpu.memory_space<hbm>> -> memref<6256x16xf32, #tpu.memory_space<hbm>>
      %dma_wait3A_20 = arith.constant 0 : i32
      %dma_wait3A_21 = tpu.memref_slice %arg8[%min3A_13, %dma_wait3A_20] : memref<102400x16xf32, #tpu.memory_space<vmem_shared>> -> memref<6256x16xf32, #tpu.memory_space<vmem_shared>>
      tpu.wait_dma2 semaphore(%run_scoped3A : memref<!tpu.dma_semaphore, #tpu.memory_space<semaphore_mem>>) src(%dma_wait3A_21 : memref<6256x16xf32, #tpu.memory_space<vmem_shared>>) dst(%dma_wait3A_19 : memref<6256x16xf32, #tpu.memory_space<hbm>>)
      tpu.yield
    }) : () -> ()
    return
  }
}

#map = affine_map<(d0, d1) -> (0, 0)>
#map1 = affine_map<(d0, d1) -> (0, 0, 0)>
module attributes {stable_mosaic.version = 14 : i64} {
  func.func @_gather_scatter_body(%arg0: i32, %arg1: i32, %arg2: memref<200000x16xf32, #tpu.memory_space<hbm>>, %arg3: memref<2x12800x128xi32, #tpu.memory_space<hbm>>, %arg4: memref<12800x128xi32, #tpu.memory_space<hbm>>, %arg5: memref<2x100000x16xf32, #tpu.memory_space<hbm>>, %arg6: memref<2x5x128xi32, #tpu.memory_space<vmem>>, %arg7: memref<2x5x128xi32, #tpu.memory_space<vmem>>, %arg8: memref<2x5x128x16xf32, #tpu.memory_space<vmem>>, %arg9: memref<102400x16xf32, #tpu.memory_space<vmem_shared>>, %arg10: memref<!tpu.dma_semaphore, #tpu.memory_space<semaphore_mem>>, %arg11: memref<!tpu.dma_semaphore, #tpu.memory_space<semaphore_mem>>, %arg12: memref<!tpu.dma_semaphore, #tpu.memory_space<semaphore_mem>>) attributes {dimension_semantics = [#tpu.dimension_semantics<core_parallel>, #tpu.dimension_semantics<subcore_parallel>], iteration_bounds = array<i64: 2, 16>, scalar_prefetch = 0 : i64, scratch_operands = 7 : i64, tpu.core_type = #tpu.core_type<sc_vector_subcore>, window_params = [{transform_indices = #map}, {transform_indices = #map1}, {transform_indices = #map}, {transform_indices = #map1}]} {
    %mul3A = arith.constant 6256 : i32
    %mul3A_0 = arith.muli %arg1, %mul3A : i32
    %min3A = arith.constant 93744 : i32
    %min3A_1 = arith.minsi %mul3A_0, %min3A : i32
    %mul3A_2 = arith.constant 100000 : i32
    %mul3A_3 = arith.muli %arg0, %mul3A_2 : i32
    %add3A = arith.addi %mul3A_3, %min3A_1 : i32
    "tpu.region"() ({
      %run_scoped3A = tpu.sem_alloc : memref<!tpu.dma_semaphore, #tpu.memory_space<semaphore_mem>>
      %dma_start3A = arith.constant 0 : i32
      %dma_start3A_16 = tpu.memref_slice %arg9[%min3A_1, %dma_start3A] : memref<102400x16xf32, #tpu.memory_space<vmem_shared>> -> memref<6256x16xf32, #tpu.memory_space<vmem_shared>>
      %dma_start3A_17 = arith.constant 0 : i32
      %dma_start3A_18 = tpu.memref_slice %arg2[%add3A, %dma_start3A_17] : memref<200000x16xf32, #tpu.memory_space<hbm>> -> memref<6256x16xf32, #tpu.memory_space<hbm>>
      tpu.enqueue_dma source(%dma_start3A_18 : memref<6256x16xf32, #tpu.memory_space<hbm>>) target(%dma_start3A_16 : memref<6256x16xf32, #tpu.memory_space<vmem_shared>>) target_semaphore(%run_scoped3A : memref<!tpu.dma_semaphore, #tpu.memory_space<semaphore_mem>>)
      %dma_wait3A = arith.constant 0 : i32
      %dma_wait3A_19 = tpu.memref_slice %arg9[%min3A_1, %dma_wait3A] : memref<102400x16xf32, #tpu.memory_space<vmem_shared>> -> memref<6256x16xf32, #tpu.memory_space<vmem_shared>>
      %dma_wait3A_20 = arith.constant 0 : i32
      %dma_wait3A_21 = tpu.memref_slice %arg2[%add3A, %dma_wait3A_20] : memref<200000x16xf32, #tpu.memory_space<hbm>> -> memref<6256x16xf32, #tpu.memory_space<hbm>>
      tpu.wait_dma2 semaphore(%run_scoped3A : memref<!tpu.dma_semaphore, #tpu.memory_space<semaphore_mem>>) src(%dma_wait3A_21 : memref<6256x16xf32, #tpu.memory_space<hbm>>) dst(%dma_wait3A_19 : memref<6256x16xf32, #tpu.memory_space<vmem_shared>>)
      tpu.yield
    }) : () -> ()
    %barrier3A = arith.constant 0 : index
    tpu.barrier barrier_id(%barrier3A)
    %mul3A_4 = arith.constant 800 : i32
    %mul3A_5 = arith.muli %arg1, %mul3A_4 : i32
    %scan3A = arith.constant 0 : i32
    %scan3A_6 = arith.constant 0 : i32
    %scan3A_7 = arith.constant 80 : i32
    %scan3A_8 = arith.addi %scan3A_6, %scan3A_7 : i32
    %scan3A_9 = arith.constant 1 : i32
    scf.for %scan3A_16 = %scan3A_6 to %scan3A_8 step %scan3A_9  : i32 {
      %mul3A_17 = arith.constant 2 : i32
      %mul3A_18 = arith.muli %mul3A_17, %scan3A_16 : i32
      %add3A_19 = arith.constant 0 : i32
      %add3A_20 = arith.addi %mul3A_18, %add3A_19 : i32
      %mul3A_21 = arith.constant 5 : i32
      %mul3A_22 = arith.muli %add3A_20, %mul3A_21 : i32
      %add3A_23 = arith.addi %mul3A_5, %mul3A_22 : i32
      %run_scoped3A = arith.constant 0 : i32
      "tpu.region"() ({
        %run_scoped3A_592 = tpu.sem_alloc : memref<!tpu.dma_semaphore, #tpu.memory_space<semaphore_mem>>
        %dma_start3A_593 = arith.constant 0 : i32
        %dma_start3A_594 = arith.constant 0 : i32
        %dma_start3A_595 = tpu.memref_slice %arg6[%run_scoped3A, %dma_start3A_593, %dma_start3A_594] : memref<2x5x128xi32, #tpu.memory_space<vmem>> -> memref<1x5x128xi32, #tpu.memory_space<vmem>>
        %dma_start3A_596 = tpu.memref_squeeze %dma_start3A_595 : memref<1x5x128xi32, #tpu.memory_space<vmem>> -> memref<5x128xi32, #tpu.memory_space<vmem>>
        %dma_start3A_597 = arith.constant 0 : i32
        %dma_start3A_598 = tpu.memref_slice %arg3[%arg0, %add3A_23, %dma_start3A_597] : memref<2x12800x128xi32, #tpu.memory_space<hbm>> -> memref<1x5x128xi32, #tpu.memory_space<hbm>>
        %dma_start3A_599 = tpu.memref_squeeze %dma_start3A_598 : memref<1x5x128xi32, #tpu.memory_space<hbm>> -> memref<5x128xi32, #tpu.memory_space<hbm>>
        %dma_start3A_600 = arith.constant 0 : i32
        %dma_start3A_601 = arith.constant 0 : i32
        %dma_start3A_602 = tpu.memref_slice %arg6[%run_scoped3A, %dma_start3A_600, %dma_start3A_601] : memref<2x5x128xi32, #tpu.memory_space<vmem>> -> memref<1x5x128xi32, #tpu.memory_space<vmem>>
        %dma_start3A_603 = tpu.memref_squeeze %dma_start3A_602 : memref<1x5x128xi32, #tpu.memory_space<vmem>> -> memref<5x128xi32, #tpu.memory_space<vmem>>
        %dma_start3A_604 = arith.constant 0 : i32
        %dma_start3A_605 = tpu.memref_slice %arg3[%arg0, %add3A_23, %dma_start3A_604] : memref<2x12800x128xi32, #tpu.memory_space<hbm>> -> memref<1x5x128xi32, #tpu.memory_space<hbm>>
        %dma_start3A_606 = tpu.memref_squeeze %dma_start3A_605 : memref<1x5x128xi32, #tpu.memory_space<hbm>> -> memref<5x128xi32, #tpu.memory_space<hbm>>
        tpu.enqueue_dma source(%dma_start3A_606 : memref<5x128xi32, #tpu.memory_space<hbm>>) target(%dma_start3A_603 : memref<5x128xi32, #tpu.memory_space<vmem>>) target_semaphore(%run_scoped3A_592 : memref<!tpu.dma_semaphore, #tpu.memory_space<semaphore_mem>>)
        %dma_wait3A_607 = arith.constant 0 : i32
        %dma_wait3A_608 = arith.constant 0 : i32
        %dma_wait3A_609 = tpu.memref_slice %arg6[%run_scoped3A, %dma_wait3A_607, %dma_wait3A_608] : memref<2x5x128xi32, #tpu.memory_space<vmem>> -> memref<1x5x128xi32, #tpu.memory_space<vmem>>
        %dma_wait3A_610 = tpu.memref_squeeze %dma_wait3A_609 : memref<1x5x128xi32, #tpu.memory_space<vmem>> -> memref<5x128xi32, #tpu.memory_space<vmem>>
        %dma_wait3A_611 = arith.constant 0 : i32
        %dma_wait3A_612 = tpu.memref_slice %arg3[%arg0, %add3A_23, %dma_wait3A_611] : memref<2x12800x128xi32, #tpu.memory_space<hbm>> -> memref<1x5x128xi32, #tpu.memory_space<hbm>>
        %dma_wait3A_613 = tpu.memref_squeeze %dma_wait3A_612 : memref<1x5x128xi32, #tpu.memory_space<hbm>> -> memref<5x128xi32, #tpu.memory_space<hbm>>
        %dma_wait3A_614 = arith.constant 0 : i32
        %dma_wait3A_615 = arith.constant 0 : i32
        %dma_wait3A_616 = tpu.memref_slice %arg6[%run_scoped3A, %dma_wait3A_614, %dma_wait3A_615] : memref<2x5x128xi32, #tpu.memory_space<vmem>> -> memref<1x5x128xi32, #tpu.memory_space<vmem>>
        %dma_wait3A_617 = tpu.memref_squeeze %dma_wait3A_616 : memref<1x5x128xi32, #tpu.memory_space<vmem>> -> memref<5x128xi32, #tpu.memory_space<vmem>>
        %dma_wait3A_618 = arith.constant 0 : i32
        %dma_wait3A_619 = tpu.memref_slice %arg3[%arg0, %add3A_23, %dma_wait3A_618] : memref<2x12800x128xi32, #tpu.memory_space<hbm>> -> memref<1x5x128xi32, #tpu.memory_space<hbm>>
        %dma_wait3A_620 = tpu.memref_squeeze %dma_wait3A_619 : memref<1x5x128xi32, #tpu.memory_space<hbm>> -> memref<5x128xi32, #tpu.memory_space<hbm>>
        tpu.wait_dma2 semaphore(%run_scoped3A_592 : memref<!tpu.dma_semaphore, #tpu.memory_space<semaphore_mem>>) src(%dma_wait3A_620 : memref<5x128xi32, #tpu.memory_space<hbm>>) dst(%dma_wait3A_617 : memref<5x128xi32, #tpu.memory_space<vmem>>)
        tpu.yield
      }) : () -> ()
      %run_scoped3A_24 = arith.constant 0 : i32
      "tpu.region"() ({
        %run_scoped3A_592 = tpu.sem_alloc : memref<!tpu.dma_semaphore, #tpu.memory_space<semaphore_mem>>
        %dma_start3A_593 = arith.constant 0 : i32
        %dma_start3A_594 = arith.constant 0 : i32
        %dma_start3A_595 = tpu.memref_slice %arg7[%run_scoped3A_24, %dma_start3A_593, %dma_start3A_594] : memref<2x5x128xi32, #tpu.memory_space<vmem>> -> memref<1x5x128xi32, #tpu.memory_space<vmem>>
        %dma_start3A_596 = tpu.memref_squeeze %dma_start3A_595 : memref<1x5x128xi32, #tpu.memory_space<vmem>> -> memref<5x128xi32, #tpu.memory_space<vmem>>
        %dma_start3A_597 = arith.constant 0 : i32
        %dma_start3A_598 = tpu.memref_slice %arg4[%add3A_23, %dma_start3A_597] : memref<12800x128xi32, #tpu.memory_space<hbm>> -> memref<5x128xi32, #tpu.memory_space<hbm>>
        %dma_start3A_599 = arith.constant 0 : i32
        %dma_start3A_600 = arith.constant 0 : i32
        %dma_start3A_601 = tpu.memref_slice %arg7[%run_scoped3A_24, %dma_start3A_599, %dma_start3A_600] : memref<2x5x128xi32, #tpu.memory_space<vmem>> -> memref<1x5x128xi32, #tpu.memory_space<vmem>>
        %dma_start3A_602 = tpu.memref_squeeze %dma_start3A_601 : memref<1x5x128xi32, #tpu.memory_space<vmem>> -> memref<5x128xi32, #tpu.memory_space<vmem>>
        %dma_start3A_603 = arith.constant 0 : i32
        %dma_start3A_604 = tpu.memref_slice %arg4[%add3A_23, %dma_start3A_603] : memref<12800x128xi32, #tpu.memory_space<hbm>> -> memref<5x128xi32, #tpu.memory_space<hbm>>
        tpu.enqueue_dma source(%dma_start3A_604 : memref<5x128xi32, #tpu.memory_space<hbm>>) target(%dma_start3A_602 : memref<5x128xi32, #tpu.memory_space<vmem>>) target_semaphore(%run_scoped3A_592 : memref<!tpu.dma_semaphore, #tpu.memory_space<semaphore_mem>>)
        %dma_wait3A_605 = arith.constant 0 : i32
        %dma_wait3A_606 = arith.constant 0 : i32
        %dma_wait3A_607 = tpu.memref_slice %arg7[%run_scoped3A_24, %dma_wait3A_605, %dma_wait3A_606] : memref<2x5x128xi32, #tpu.memory_space<vmem>> -> memref<1x5x128xi32, #tpu.memory_space<vmem>>
        %dma_wait3A_608 = tpu.memref_squeeze %dma_wait3A_607 : memref<1x5x128xi32, #tpu.memory_space<vmem>> -> memref<5x128xi32, #tpu.memory_space<vmem>>
        %dma_wait3A_609 = arith.constant 0 : i32
        %dma_wait3A_610 = tpu.memref_slice %arg4[%add3A_23, %dma_wait3A_609] : memref<12800x128xi32, #tpu.memory_space<hbm>> -> memref<5x128xi32, #tpu.memory_space<hbm>>
        %dma_wait3A_611 = arith.constant 0 : i32
        %dma_wait3A_612 = arith.constant 0 : i32
        %dma_wait3A_613 = tpu.memref_slice %arg7[%run_scoped3A_24, %dma_wait3A_611, %dma_wait3A_612] : memref<2x5x128xi32, #tpu.memory_space<vmem>> -> memref<1x5x128xi32, #tpu.memory_space<vmem>>
        %dma_wait3A_614 = tpu.memref_squeeze %dma_wait3A_613 : memref<1x5x128xi32, #tpu.memory_space<vmem>> -> memref<5x128xi32, #tpu.memory_space<vmem>>
        %dma_wait3A_615 = arith.constant 0 : i32
        %dma_wait3A_616 = tpu.memref_slice %arg4[%add3A_23, %dma_wait3A_615] : memref<12800x128xi32, #tpu.memory_space<hbm>> -> memref<5x128xi32, #tpu.memory_space<hbm>>
        tpu.wait_dma2 semaphore(%run_scoped3A_592 : memref<!tpu.dma_semaphore, #tpu.memory_space<semaphore_mem>>) src(%dma_wait3A_616 : memref<5x128xi32, #tpu.memory_space<hbm>>) dst(%dma_wait3A_614 : memref<5x128xi32, #tpu.memory_space<vmem>>)
        tpu.yield
      }) : () -> ()
      %dma_start3A = arith.constant 0 : i32
      %dma_start3A_25 = arith.constant 0 : i32
      %dma_start3A_26 = arith.constant 0 : i32
      %dma_start3A_27 = arith.constant 0 : i32
      %dma_start3A_28 = arith.constant 0 : i32
      %dma_start3A_29 = arith.constant 0 : i32
      %dma_start3A_30 = tpu.memref_slice %arg8[%dma_start3A_26, %dma_start3A_27, %dma_start3A_28, %dma_start3A_29] : memref<2x5x128x16xf32, #tpu.memory_space<vmem>> -> memref<1x1x128x16xf32, #tpu.memory_space<vmem>>
      %dma_start3A_31 = tpu.memref_squeeze %dma_start3A_30 : memref<1x1x128x16xf32, #tpu.memory_space<vmem>> -> memref<128x16xf32, #tpu.memory_space<vmem>>
      %dma_start3A_32 = arith.constant 0 : i32
      %dma_start3A_33 = tpu.memref_slice %arg6[%dma_start3A, %dma_start3A_25, %dma_start3A_32] : memref<2x5x128xi32, #tpu.memory_space<vmem>> -> memref<1x1x128xi32, #tpu.memory_space<vmem>>
      %dma_start3A_34 = tpu.memref_squeeze %dma_start3A_33 : memref<1x1x128xi32, #tpu.memory_space<vmem>> -> memref<128xi32, #tpu.memory_space<vmem>>
      %dma_start3A_35 = arith.constant 0 : i32
      %dma_start3A_36 = arith.constant 0 : i32
      %dma_start3A_37 = tpu.memref_slice %arg2[%dma_start3A_35, %dma_start3A_36] : memref<200000x16xf32, #tpu.memory_space<hbm>> -> memref<200000x16xf32, #tpu.memory_space<hbm>>
      tpu.enqueue_indirect_dma source(%dma_start3A_37 : memref<200000x16xf32, #tpu.memory_space<hbm>>) target(%dma_start3A_31 : memref<128x16xf32, #tpu.memory_space<vmem>>) offsets(%dma_start3A_34 : memref<128xi32, #tpu.memory_space<vmem>>) semaphore(%arg10 : memref<!tpu.dma_semaphore, #tpu.memory_space<semaphore_mem>>)
      %dma_start3A_38 = arith.constant 0 : i32
      %dma_start3A_39 = arith.constant 1 : i32
      %dma_start3A_40 = arith.constant 0 : i32
      %dma_start3A_41 = arith.constant 1 : i32
      %dma_start3A_42 = arith.constant 0 : i32
      %dma_start3A_43 = arith.constant 0 : i32
      %dma_start3A_44 = tpu.memref_slice %arg8[%dma_start3A_40, %dma_start3A_41, %dma_start3A_42, %dma_start3A_43] : memref<2x5x128x16xf32, #tpu.memory_space<vmem>> -> memref<1x1x128x16xf32, #tpu.memory_space<vmem>>
      %dma_start3A_45 = tpu.memref_squeeze %dma_start3A_44 : memref<1x1x128x16xf32, #tpu.memory_space<vmem>> -> memref<128x16xf32, #tpu.memory_space<vmem>>
      %dma_start3A_46 = arith.constant 0 : i32
      %dma_start3A_47 = tpu.memref_slice %arg6[%dma_start3A_38, %dma_start3A_39, %dma_start3A_46] : memref<2x5x128xi32, #tpu.memory_space<vmem>> -> memref<1x1x128xi32, #tpu.memory_space<vmem>>
      %dma_start3A_48 = tpu.memref_squeeze %dma_start3A_47 : memref<1x1x128xi32, #tpu.memory_space<vmem>> -> memref<128xi32, #tpu.memory_space<vmem>>
      %dma_start3A_49 = arith.constant 0 : i32
      %dma_start3A_50 = arith.constant 0 : i32
      %dma_start3A_51 = tpu.memref_slice %arg2[%dma_start3A_49, %dma_start3A_50] : memref<200000x16xf32, #tpu.memory_space<hbm>> -> memref<200000x16xf32, #tpu.memory_space<hbm>>
      tpu.enqueue_indirect_dma source(%dma_start3A_51 : memref<200000x16xf32, #tpu.memory_space<hbm>>) target(%dma_start3A_45 : memref<128x16xf32, #tpu.memory_space<vmem>>) offsets(%dma_start3A_48 : memref<128xi32, #tpu.memory_space<vmem>>) semaphore(%arg10 : memref<!tpu.dma_semaphore, #tpu.memory_space<semaphore_mem>>)
      %dma_start3A_52 = arith.constant 0 : i32
      %dma_start3A_53 = arith.constant 2 : i32
      %dma_start3A_54 = arith.constant 0 : i32
      %dma_start3A_55 = arith.constant 2 : i32
      %dma_start3A_56 = arith.constant 0 : i32
      %dma_start3A_57 = arith.constant 0 : i32
      %dma_start3A_58 = tpu.memref_slice %arg8[%dma_start3A_54, %dma_start3A_55, %dma_start3A_56, %dma_start3A_57] : memref<2x5x128x16xf32, #tpu.memory_space<vmem>> -> memref<1x1x128x16xf32, #tpu.memory_space<vmem>>
      %dma_start3A_59 = tpu.memref_squeeze %dma_start3A_58 : memref<1x1x128x16xf32, #tpu.memory_space<vmem>> -> memref<128x16xf32, #tpu.memory_space<vmem>>
      %dma_start3A_60 = arith.constant 0 : i32
      %dma_start3A_61 = tpu.memref_slice %arg6[%dma_start3A_52, %dma_start3A_53, %dma_start3A_60] : memref<2x5x128xi32, #tpu.memory_space<vmem>> -> memref<1x1x128xi32, #tpu.memory_space<vmem>>
      %dma_start3A_62 = tpu.memref_squeeze %dma_start3A_61 : memref<1x1x128xi32, #tpu.memory_space<vmem>> -> memref<128xi32, #tpu.memory_space<vmem>>
      %dma_start3A_63 = arith.constant 0 : i32
      %dma_start3A_64 = arith.constant 0 : i32
      %dma_start3A_65 = tpu.memref_slice %arg2[%dma_start3A_63, %dma_start3A_64] : memref<200000x16xf32, #tpu.memory_space<hbm>> -> memref<200000x16xf32, #tpu.memory_space<hbm>>
      tpu.enqueue_indirect_dma source(%dma_start3A_65 : memref<200000x16xf32, #tpu.memory_space<hbm>>) target(%dma_start3A_59 : memref<128x16xf32, #tpu.memory_space<vmem>>) offsets(%dma_start3A_62 : memref<128xi32, #tpu.memory_space<vmem>>) semaphore(%arg10 : memref<!tpu.dma_semaphore, #tpu.memory_space<semaphore_mem>>)
      %dma_start3A_66 = arith.constant 0 : i32
      %dma_start3A_67 = arith.constant 3 : i32
      %dma_start3A_68 = arith.constant 0 : i32
      %dma_start3A_69 = arith.constant 3 : i32
      %dma_start3A_70 = arith.constant 0 : i32
      %dma_start3A_71 = arith.constant 0 : i32
      %dma_start3A_72 = tpu.memref_slice %arg8[%dma_start3A_68, %dma_start3A_69, %dma_start3A_70, %dma_start3A_71] : memref<2x5x128x16xf32, #tpu.memory_space<vmem>> -> memref<1x1x128x16xf32, #tpu.memory_space<vmem>>
      %dma_start3A_73 = tpu.memref_squeeze %dma_start3A_72 : memref<1x1x128x16xf32, #tpu.memory_space<vmem>> -> memref<128x16xf32, #tpu.memory_space<vmem>>
      %dma_start3A_74 = arith.constant 0 : i32
      %dma_start3A_75 = tpu.memref_slice %arg6[%dma_start3A_66, %dma_start3A_67, %dma_start3A_74] : memref<2x5x128xi32, #tpu.memory_space<vmem>> -> memref<1x1x128xi32, #tpu.memory_space<vmem>>
      %dma_start3A_76 = tpu.memref_squeeze %dma_start3A_75 : memref<1x1x128xi32, #tpu.memory_space<vmem>> -> memref<128xi32, #tpu.memory_space<vmem>>
      %dma_start3A_77 = arith.constant 0 : i32
      %dma_start3A_78 = arith.constant 0 : i32
      %dma_start3A_79 = tpu.memref_slice %arg2[%dma_start3A_77, %dma_start3A_78] : memref<200000x16xf32, #tpu.memory_space<hbm>> -> memref<200000x16xf32, #tpu.memory_space<hbm>>
      tpu.enqueue_indirect_dma source(%dma_start3A_79 : memref<200000x16xf32, #tpu.memory_space<hbm>>) target(%dma_start3A_73 : memref<128x16xf32, #tpu.memory_space<vmem>>) offsets(%dma_start3A_76 : memref<128xi32, #tpu.memory_space<vmem>>) semaphore(%arg10 : memref<!tpu.dma_semaphore, #tpu.memory_space<semaphore_mem>>)
      %dma_start3A_80 = arith.constant 0 : i32
      %dma_start3A_81 = arith.constant 4 : i32
      %dma_start3A_82 = arith.constant 0 : i32
      %dma_start3A_83 = arith.constant 4 : i32
      %dma_start3A_84 = arith.constant 0 : i32
      %dma_start3A_85 = arith.constant 0 : i32
      %dma_start3A_86 = tpu.memref_slice %arg8[%dma_start3A_82, %dma_start3A_83, %dma_start3A_84, %dma_start3A_85] : memref<2x5x128x16xf32, #tpu.memory_space<vmem>> -> memref<1x1x128x16xf32, #tpu.memory_space<vmem>>
      %dma_start3A_87 = tpu.memref_squeeze %dma_start3A_86 : memref<1x1x128x16xf32, #tpu.memory_space<vmem>> -> memref<128x16xf32, #tpu.memory_space<vmem>>
      %dma_start3A_88 = arith.constant 0 : i32
      %dma_start3A_89 = tpu.memref_slice %arg6[%dma_start3A_80, %dma_start3A_81, %dma_start3A_88] : memref<2x5x128xi32, #tpu.memory_space<vmem>> -> memref<1x1x128xi32, #tpu.memory_space<vmem>>
      %dma_start3A_90 = tpu.memref_squeeze %dma_start3A_89 : memref<1x1x128xi32, #tpu.memory_space<vmem>> -> memref<128xi32, #tpu.memory_space<vmem>>
      %dma_start3A_91 = arith.constant 0 : i32
      %dma_start3A_92 = arith.constant 0 : i32
      %dma_start3A_93 = tpu.memref_slice %arg2[%dma_start3A_91, %dma_start3A_92] : memref<200000x16xf32, #tpu.memory_space<hbm>> -> memref<200000x16xf32, #tpu.memory_space<hbm>>
      tpu.enqueue_indirect_dma source(%dma_start3A_93 : memref<200000x16xf32, #tpu.memory_space<hbm>>) target(%dma_start3A_87 : memref<128x16xf32, #tpu.memory_space<vmem>>) offsets(%dma_start3A_90 : memref<128xi32, #tpu.memory_space<vmem>>) semaphore(%arg10 : memref<!tpu.dma_semaphore, #tpu.memory_space<semaphore_mem>>)
      %mul3A_94 = arith.constant 2 : i32
      %mul3A_95 = arith.muli %mul3A_94, %scan3A_16 : i32
      %add3A_96 = arith.constant 1 : i32
      %add3A_97 = arith.addi %mul3A_95, %add3A_96 : i32
      %mul3A_98 = arith.constant 5 : i32
      %mul3A_99 = arith.muli %add3A_97, %mul3A_98 : i32
      %add3A_100 = arith.addi %mul3A_5, %mul3A_99 : i32
      %run_scoped3A_101 = arith.constant 1 : i32
      "tpu.region"() ({
        %run_scoped3A_592 = tpu.sem_alloc : memref<!tpu.dma_semaphore, #tpu.memory_space<semaphore_mem>>
        %dma_start3A_593 = arith.constant 0 : i32
        %dma_start3A_594 = arith.constant 0 : i32
        %dma_start3A_595 = tpu.memref_slice %arg6[%run_scoped3A_101, %dma_start3A_593, %dma_start3A_594] : memref<2x5x128xi32, #tpu.memory_space<vmem>> -> memref<1x5x128xi32, #tpu.memory_space<vmem>>
        %dma_start3A_596 = tpu.memref_squeeze %dma_start3A_595 : memref<1x5x128xi32, #tpu.memory_space<vmem>> -> memref<5x128xi32, #tpu.memory_space<vmem>>
        %dma_start3A_597 = arith.constant 0 : i32
        %dma_start3A_598 = tpu.memref_slice %arg3[%arg0, %add3A_100, %dma_start3A_597] : memref<2x12800x128xi32, #tpu.memory_space<hbm>> -> memref<1x5x128xi32, #tpu.memory_space<hbm>>
        %dma_start3A_599 = tpu.memref_squeeze %dma_start3A_598 : memref<1x5x128xi32, #tpu.memory_space<hbm>> -> memref<5x128xi32, #tpu.memory_space<hbm>>
        %dma_start3A_600 = arith.constant 0 : i32
        %dma_start3A_601 = arith.constant 0 : i32
        %dma_start3A_602 = tpu.memref_slice %arg6[%run_scoped3A_101, %dma_start3A_600, %dma_start3A_601] : memref<2x5x128xi32, #tpu.memory_space<vmem>> -> memref<1x5x128xi32, #tpu.memory_space<vmem>>
        %dma_start3A_603 = tpu.memref_squeeze %dma_start3A_602 : memref<1x5x128xi32, #tpu.memory_space<vmem>> -> memref<5x128xi32, #tpu.memory_space<vmem>>
        %dma_start3A_604 = arith.constant 0 : i32
        %dma_start3A_605 = tpu.memref_slice %arg3[%arg0, %add3A_100, %dma_start3A_604] : memref<2x12800x128xi32, #tpu.memory_space<hbm>> -> memref<1x5x128xi32, #tpu.memory_space<hbm>>
        %dma_start3A_606 = tpu.memref_squeeze %dma_start3A_605 : memref<1x5x128xi32, #tpu.memory_space<hbm>> -> memref<5x128xi32, #tpu.memory_space<hbm>>
        tpu.enqueue_dma source(%dma_start3A_606 : memref<5x128xi32, #tpu.memory_space<hbm>>) target(%dma_start3A_603 : memref<5x128xi32, #tpu.memory_space<vmem>>) target_semaphore(%run_scoped3A_592 : memref<!tpu.dma_semaphore, #tpu.memory_space<semaphore_mem>>)
        %dma_wait3A_607 = arith.constant 0 : i32
        %dma_wait3A_608 = arith.constant 0 : i32
        %dma_wait3A_609 = tpu.memref_slice %arg6[%run_scoped3A_101, %dma_wait3A_607, %dma_wait3A_608] : memref<2x5x128xi32, #tpu.memory_space<vmem>> -> memref<1x5x128xi32, #tpu.memory_space<vmem>>
        %dma_wait3A_610 = tpu.memref_squeeze %dma_wait3A_609 : memref<1x5x128xi32, #tpu.memory_space<vmem>> -> memref<5x128xi32, #tpu.memory_space<vmem>>
        %dma_wait3A_611 = arith.constant 0 : i32
        %dma_wait3A_612 = tpu.memref_slice %arg3[%arg0, %add3A_100, %dma_wait3A_611] : memref<2x12800x128xi32, #tpu.memory_space<hbm>> -> memref<1x5x128xi32, #tpu.memory_space<hbm>>
        %dma_wait3A_613 = tpu.memref_squeeze %dma_wait3A_612 : memref<1x5x128xi32, #tpu.memory_space<hbm>> -> memref<5x128xi32, #tpu.memory_space<hbm>>
        %dma_wait3A_614 = arith.constant 0 : i32
        %dma_wait3A_615 = arith.constant 0 : i32
        %dma_wait3A_616 = tpu.memref_slice %arg6[%run_scoped3A_101, %dma_wait3A_614, %dma_wait3A_615] : memref<2x5x128xi32, #tpu.memory_space<vmem>> -> memref<1x5x128xi32, #tpu.memory_space<vmem>>
        %dma_wait3A_617 = tpu.memref_squeeze %dma_wait3A_616 : memref<1x5x128xi32, #tpu.memory_space<vmem>> -> memref<5x128xi32, #tpu.memory_space<vmem>>
        %dma_wait3A_618 = arith.constant 0 : i32
        %dma_wait3A_619 = tpu.memref_slice %arg3[%arg0, %add3A_100, %dma_wait3A_618] : memref<2x12800x128xi32, #tpu.memory_space<hbm>> -> memref<1x5x128xi32, #tpu.memory_space<hbm>>
        %dma_wait3A_620 = tpu.memref_squeeze %dma_wait3A_619 : memref<1x5x128xi32, #tpu.memory_space<hbm>> -> memref<5x128xi32, #tpu.memory_space<hbm>>
        tpu.wait_dma2 semaphore(%run_scoped3A_592 : memref<!tpu.dma_semaphore, #tpu.memory_space<semaphore_mem>>) src(%dma_wait3A_620 : memref<5x128xi32, #tpu.memory_space<hbm>>) dst(%dma_wait3A_617 : memref<5x128xi32, #tpu.memory_space<vmem>>)
        tpu.yield
      }) : () -> ()
      %run_scoped3A_102 = arith.constant 1 : i32
      "tpu.region"() ({
        %run_scoped3A_592 = tpu.sem_alloc : memref<!tpu.dma_semaphore, #tpu.memory_space<semaphore_mem>>
        %dma_start3A_593 = arith.constant 0 : i32
        %dma_start3A_594 = arith.constant 0 : i32
        %dma_start3A_595 = tpu.memref_slice %arg7[%run_scoped3A_102, %dma_start3A_593, %dma_start3A_594] : memref<2x5x128xi32, #tpu.memory_space<vmem>> -> memref<1x5x128xi32, #tpu.memory_space<vmem>>
        %dma_start3A_596 = tpu.memref_squeeze %dma_start3A_595 : memref<1x5x128xi32, #tpu.memory_space<vmem>> -> memref<5x128xi32, #tpu.memory_space<vmem>>
        %dma_start3A_597 = arith.constant 0 : i32
        %dma_start3A_598 = tpu.memref_slice %arg4[%add3A_100, %dma_start3A_597] : memref<12800x128xi32, #tpu.memory_space<hbm>> -> memref<5x128xi32, #tpu.memory_space<hbm>>
        %dma_start3A_599 = arith.constant 0 : i32
        %dma_start3A_600 = arith.constant 0 : i32
        %dma_start3A_601 = tpu.memref_slice %arg7[%run_scoped3A_102, %dma_start3A_599, %dma_start3A_600] : memref<2x5x128xi32, #tpu.memory_space<vmem>> -> memref<1x5x128xi32, #tpu.memory_space<vmem>>
        %dma_start3A_602 = tpu.memref_squeeze %dma_start3A_601 : memref<1x5x128xi32, #tpu.memory_space<vmem>> -> memref<5x128xi32, #tpu.memory_space<vmem>>
        %dma_start3A_603 = arith.constant 0 : i32
        %dma_start3A_604 = tpu.memref_slice %arg4[%add3A_100, %dma_start3A_603] : memref<12800x128xi32, #tpu.memory_space<hbm>> -> memref<5x128xi32, #tpu.memory_space<hbm>>
        tpu.enqueue_dma source(%dma_start3A_604 : memref<5x128xi32, #tpu.memory_space<hbm>>) target(%dma_start3A_602 : memref<5x128xi32, #tpu.memory_space<vmem>>) target_semaphore(%run_scoped3A_592 : memref<!tpu.dma_semaphore, #tpu.memory_space<semaphore_mem>>)
        %dma_wait3A_605 = arith.constant 0 : i32
        %dma_wait3A_606 = arith.constant 0 : i32
        %dma_wait3A_607 = tpu.memref_slice %arg7[%run_scoped3A_102, %dma_wait3A_605, %dma_wait3A_606] : memref<2x5x128xi32, #tpu.memory_space<vmem>> -> memref<1x5x128xi32, #tpu.memory_space<vmem>>
        %dma_wait3A_608 = tpu.memref_squeeze %dma_wait3A_607 : memref<1x5x128xi32, #tpu.memory_space<vmem>> -> memref<5x128xi32, #tpu.memory_space<vmem>>
        %dma_wait3A_609 = arith.constant 0 : i32
        %dma_wait3A_610 = tpu.memref_slice %arg4[%add3A_100, %dma_wait3A_609] : memref<12800x128xi32, #tpu.memory_space<hbm>> -> memref<5x128xi32, #tpu.memory_space<hbm>>
        %dma_wait3A_611 = arith.constant 0 : i32
        %dma_wait3A_612 = arith.constant 0 : i32
        %dma_wait3A_613 = tpu.memref_slice %arg7[%run_scoped3A_102, %dma_wait3A_611, %dma_wait3A_612] : memref<2x5x128xi32, #tpu.memory_space<vmem>> -> memref<1x5x128xi32, #tpu.memory_space<vmem>>
        %dma_wait3A_614 = tpu.memref_squeeze %dma_wait3A_613 : memref<1x5x128xi32, #tpu.memory_space<vmem>> -> memref<5x128xi32, #tpu.memory_space<vmem>>
        %dma_wait3A_615 = arith.constant 0 : i32
        %dma_wait3A_616 = tpu.memref_slice %arg4[%add3A_100, %dma_wait3A_615] : memref<12800x128xi32, #tpu.memory_space<hbm>> -> memref<5x128xi32, #tpu.memory_space<hbm>>
        tpu.wait_dma2 semaphore(%run_scoped3A_592 : memref<!tpu.dma_semaphore, #tpu.memory_space<semaphore_mem>>) src(%dma_wait3A_616 : memref<5x128xi32, #tpu.memory_space<hbm>>) dst(%dma_wait3A_614 : memref<5x128xi32, #tpu.memory_space<vmem>>)
        tpu.yield
      }) : () -> ()
      %dma_start3A_103 = arith.constant 1 : i32
      %dma_start3A_104 = arith.constant 0 : i32
      %dma_start3A_105 = arith.constant 1 : i32
      %dma_start3A_106 = arith.constant 0 : i32
      %dma_start3A_107 = arith.constant 0 : i32
      %dma_start3A_108 = arith.constant 0 : i32
      %dma_start3A_109 = tpu.memref_slice %arg8[%dma_start3A_105, %dma_start3A_106, %dma_start3A_107, %dma_start3A_108] : memref<2x5x128x16xf32, #tpu.memory_space<vmem>> -> memref<1x1x128x16xf32, #tpu.memory_space<vmem>>
      %dma_start3A_110 = tpu.memref_squeeze %dma_start3A_109 : memref<1x1x128x16xf32, #tpu.memory_space<vmem>> -> memref<128x16xf32, #tpu.memory_space<vmem>>
      %dma_start3A_111 = arith.constant 0 : i32
      %dma_start3A_112 = tpu.memref_slice %arg6[%dma_start3A_103, %dma_start3A_104, %dma_start3A_111] : memref<2x5x128xi32, #tpu.memory_space<vmem>> -> memref<1x1x128xi32, #tpu.memory_space<vmem>>
      %dma_start3A_113 = tpu.memref_squeeze %dma_start3A_112 : memref<1x1x128xi32, #tpu.memory_space<vmem>> -> memref<128xi32, #tpu.memory_space<vmem>>
      %dma_start3A_114 = arith.constant 0 : i32
      %dma_start3A_115 = arith.constant 0 : i32
      %dma_start3A_116 = tpu.memref_slice %arg2[%dma_start3A_114, %dma_start3A_115] : memref<200000x16xf32, #tpu.memory_space<hbm>> -> memref<200000x16xf32, #tpu.memory_space<hbm>>
      tpu.enqueue_indirect_dma source(%dma_start3A_116 : memref<200000x16xf32, #tpu.memory_space<hbm>>) target(%dma_start3A_110 : memref<128x16xf32, #tpu.memory_space<vmem>>) offsets(%dma_start3A_113 : memref<128xi32, #tpu.memory_space<vmem>>) semaphore(%arg11 : memref<!tpu.dma_semaphore, #tpu.memory_space<semaphore_mem>>)
      %dma_start3A_117 = arith.constant 1 : i32
      %dma_start3A_118 = arith.constant 1 : i32
      %dma_start3A_119 = arith.constant 1 : i32
      %dma_start3A_120 = arith.constant 1 : i32
      %dma_start3A_121 = arith.constant 0 : i32
      %dma_start3A_122 = arith.constant 0 : i32
      %dma_start3A_123 = tpu.memref_slice %arg8[%dma_start3A_119, %dma_start3A_120, %dma_start3A_121, %dma_start3A_122] : memref<2x5x128x16xf32, #tpu.memory_space<vmem>> -> memref<1x1x128x16xf32, #tpu.memory_space<vmem>>
      %dma_start3A_124 = tpu.memref_squeeze %dma_start3A_123 : memref<1x1x128x16xf32, #tpu.memory_space<vmem>> -> memref<128x16xf32, #tpu.memory_space<vmem>>
      %dma_start3A_125 = arith.constant 0 : i32
      %dma_start3A_126 = tpu.memref_slice %arg6[%dma_start3A_117, %dma_start3A_118, %dma_start3A_125] : memref<2x5x128xi32, #tpu.memory_space<vmem>> -> memref<1x1x128xi32, #tpu.memory_space<vmem>>
      %dma_start3A_127 = tpu.memref_squeeze %dma_start3A_126 : memref<1x1x128xi32, #tpu.memory_space<vmem>> -> memref<128xi32, #tpu.memory_space<vmem>>
      %dma_start3A_128 = arith.constant 0 : i32
      %dma_start3A_129 = arith.constant 0 : i32
      %dma_start3A_130 = tpu.memref_slice %arg2[%dma_start3A_128, %dma_start3A_129] : memref<200000x16xf32, #tpu.memory_space<hbm>> -> memref<200000x16xf32, #tpu.memory_space<hbm>>
      tpu.enqueue_indirect_dma source(%dma_start3A_130 : memref<200000x16xf32, #tpu.memory_space<hbm>>) target(%dma_start3A_124 : memref<128x16xf32, #tpu.memory_space<vmem>>) offsets(%dma_start3A_127 : memref<128xi32, #tpu.memory_space<vmem>>) semaphore(%arg11 : memref<!tpu.dma_semaphore, #tpu.memory_space<semaphore_mem>>)
      %dma_start3A_131 = arith.constant 1 : i32
      %dma_start3A_132 = arith.constant 2 : i32
      %dma_start3A_133 = arith.constant 1 : i32
      %dma_start3A_134 = arith.constant 2 : i32
      %dma_start3A_135 = arith.constant 0 : i32
      %dma_start3A_136 = arith.constant 0 : i32
      %dma_start3A_137 = tpu.memref_slice %arg8[%dma_start3A_133, %dma_start3A_134, %dma_start3A_135, %dma_start3A_136] : memref<2x5x128x16xf32, #tpu.memory_space<vmem>> -> memref<1x1x128x16xf32, #tpu.memory_space<vmem>>
      %dma_start3A_138 = tpu.memref_squeeze %dma_start3A_137 : memref<1x1x128x16xf32, #tpu.memory_space<vmem>> -> memref<128x16xf32, #tpu.memory_space<vmem>>
      %dma_start3A_139 = arith.constant 0 : i32
      %dma_start3A_140 = tpu.memref_slice %arg6[%dma_start3A_131, %dma_start3A_132, %dma_start3A_139] : memref<2x5x128xi32, #tpu.memory_space<vmem>> -> memref<1x1x128xi32, #tpu.memory_space<vmem>>
      %dma_start3A_141 = tpu.memref_squeeze %dma_start3A_140 : memref<1x1x128xi32, #tpu.memory_space<vmem>> -> memref<128xi32, #tpu.memory_space<vmem>>
      %dma_start3A_142 = arith.constant 0 : i32
      %dma_start3A_143 = arith.constant 0 : i32
      %dma_start3A_144 = tpu.memref_slice %arg2[%dma_start3A_142, %dma_start3A_143] : memref<200000x16xf32, #tpu.memory_space<hbm>> -> memref<200000x16xf32, #tpu.memory_space<hbm>>
      tpu.enqueue_indirect_dma source(%dma_start3A_144 : memref<200000x16xf32, #tpu.memory_space<hbm>>) target(%dma_start3A_138 : memref<128x16xf32, #tpu.memory_space<vmem>>) offsets(%dma_start3A_141 : memref<128xi32, #tpu.memory_space<vmem>>) semaphore(%arg11 : memref<!tpu.dma_semaphore, #tpu.memory_space<semaphore_mem>>)
      %dma_start3A_145 = arith.constant 1 : i32
      %dma_start3A_146 = arith.constant 3 : i32
      %dma_start3A_147 = arith.constant 1 : i32
      %dma_start3A_148 = arith.constant 3 : i32
      %dma_start3A_149 = arith.constant 0 : i32
      %dma_start3A_150 = arith.constant 0 : i32
      %dma_start3A_151 = tpu.memref_slice %arg8[%dma_start3A_147, %dma_start3A_148, %dma_start3A_149, %dma_start3A_150] : memref<2x5x128x16xf32, #tpu.memory_space<vmem>> -> memref<1x1x128x16xf32, #tpu.memory_space<vmem>>
      %dma_start3A_152 = tpu.memref_squeeze %dma_start3A_151 : memref<1x1x128x16xf32, #tpu.memory_space<vmem>> -> memref<128x16xf32, #tpu.memory_space<vmem>>
      %dma_start3A_153 = arith.constant 0 : i32
      %dma_start3A_154 = tpu.memref_slice %arg6[%dma_start3A_145, %dma_start3A_146, %dma_start3A_153] : memref<2x5x128xi32, #tpu.memory_space<vmem>> -> memref<1x1x128xi32, #tpu.memory_space<vmem>>
      %dma_start3A_155 = tpu.memref_squeeze %dma_start3A_154 : memref<1x1x128xi32, #tpu.memory_space<vmem>> -> memref<128xi32, #tpu.memory_space<vmem>>
      %dma_start3A_156 = arith.constant 0 : i32
      %dma_start3A_157 = arith.constant 0 : i32
      %dma_start3A_158 = tpu.memref_slice %arg2[%dma_start3A_156, %dma_start3A_157] : memref<200000x16xf32, #tpu.memory_space<hbm>> -> memref<200000x16xf32, #tpu.memory_space<hbm>>
      tpu.enqueue_indirect_dma source(%dma_start3A_158 : memref<200000x16xf32, #tpu.memory_space<hbm>>) target(%dma_start3A_152 : memref<128x16xf32, #tpu.memory_space<vmem>>) offsets(%dma_start3A_155 : memref<128xi32, #tpu.memory_space<vmem>>) semaphore(%arg11 : memref<!tpu.dma_semaphore, #tpu.memory_space<semaphore_mem>>)
      %dma_start3A_159 = arith.constant 1 : i32
      %dma_start3A_160 = arith.constant 4 : i32
      %dma_start3A_161 = arith.constant 1 : i32
      %dma_start3A_162 = arith.constant 4 : i32
      %dma_start3A_163 = arith.constant 0 : i32
      %dma_start3A_164 = arith.constant 0 : i32
      %dma_start3A_165 = tpu.memref_slice %arg8[%dma_start3A_161, %dma_start3A_162, %dma_start3A_163, %dma_start3A_164] : memref<2x5x128x16xf32, #tpu.memory_space<vmem>> -> memref<1x1x128x16xf32, #tpu.memory_space<vmem>>
      %dma_start3A_166 = tpu.memref_squeeze %dma_start3A_165 : memref<1x1x128x16xf32, #tpu.memory_space<vmem>> -> memref<128x16xf32, #tpu.memory_space<vmem>>
      %dma_start3A_167 = arith.constant 0 : i32
      %dma_start3A_168 = tpu.memref_slice %arg6[%dma_start3A_159, %dma_start3A_160, %dma_start3A_167] : memref<2x5x128xi32, #tpu.memory_space<vmem>> -> memref<1x1x128xi32, #tpu.memory_space<vmem>>
      %dma_start3A_169 = tpu.memref_squeeze %dma_start3A_168 : memref<1x1x128xi32, #tpu.memory_space<vmem>> -> memref<128xi32, #tpu.memory_space<vmem>>
      %dma_start3A_170 = arith.constant 0 : i32
      %dma_start3A_171 = arith.constant 0 : i32
      %dma_start3A_172 = tpu.memref_slice %arg2[%dma_start3A_170, %dma_start3A_171] : memref<200000x16xf32, #tpu.memory_space<hbm>> -> memref<200000x16xf32, #tpu.memory_space<hbm>>
      tpu.enqueue_indirect_dma source(%dma_start3A_172 : memref<200000x16xf32, #tpu.memory_space<hbm>>) target(%dma_start3A_166 : memref<128x16xf32, #tpu.memory_space<vmem>>) offsets(%dma_start3A_169 : memref<128xi32, #tpu.memory_space<vmem>>) semaphore(%arg11 : memref<!tpu.dma_semaphore, #tpu.memory_space<semaphore_mem>>)
      %dma_wait3A = arith.constant 0 : i32
      %dma_wait3A_173 = arith.constant 0 : i32
      %dma_wait3A_174 = arith.constant 0 : i32
      %dma_wait3A_175 = arith.constant 0 : i32
      %dma_wait3A_176 = arith.constant 0 : i32
      %dma_wait3A_177 = arith.constant 0 : i32
      %dma_wait3A_178 = tpu.memref_slice %arg8[%dma_wait3A_174, %dma_wait3A_175, %dma_wait3A_176, %dma_wait3A_177] : memref<2x5x128x16xf32, #tpu.memory_space<vmem>> -> memref<1x1x128x16xf32, #tpu.memory_space<vmem>>
      %dma_wait3A_179 = tpu.memref_squeeze %dma_wait3A_178 : memref<1x1x128x16xf32, #tpu.memory_space<vmem>> -> memref<128x16xf32, #tpu.memory_space<vmem>>
      %dma_wait3A_180 = arith.constant 0 : i32
      %dma_wait3A_181 = tpu.memref_slice %arg6[%dma_wait3A, %dma_wait3A_173, %dma_wait3A_180] : memref<2x5x128xi32, #tpu.memory_space<vmem>> -> memref<1x1x128xi32, #tpu.memory_space<vmem>>
      %dma_wait3A_182 = tpu.memref_squeeze %dma_wait3A_181 : memref<1x1x128xi32, #tpu.memory_space<vmem>> -> memref<128xi32, #tpu.memory_space<vmem>>
      %dma_wait3A_183 = arith.constant 0 : i32
      %dma_wait3A_184 = arith.constant 0 : i32
      %dma_wait3A_185 = tpu.memref_slice %arg2[%dma_wait3A_183, %dma_wait3A_184] : memref<200000x16xf32, #tpu.memory_space<hbm>> -> memref<200000x16xf32, #tpu.memory_space<hbm>>
      tpu.wait_indirect_dma semaphore(%arg10 : memref<!tpu.dma_semaphore, #tpu.memory_space<semaphore_mem>>) src(%dma_wait3A_185 : memref<200000x16xf32, #tpu.memory_space<hbm>>) dst(%dma_wait3A_179 : memref<128x16xf32, #tpu.memory_space<vmem>>)
      %dma_wait3A_186 = arith.constant 0 : i32
      %dma_wait3A_187 = arith.constant 1 : i32
      %dma_wait3A_188 = arith.constant 0 : i32
      %dma_wait3A_189 = arith.constant 1 : i32
      %dma_wait3A_190 = arith.constant 0 : i32
      %dma_wait3A_191 = arith.constant 0 : i32
      %dma_wait3A_192 = tpu.memref_slice %arg8[%dma_wait3A_188, %dma_wait3A_189, %dma_wait3A_190, %dma_wait3A_191] : memref<2x5x128x16xf32, #tpu.memory_space<vmem>> -> memref<1x1x128x16xf32, #tpu.memory_space<vmem>>
      %dma_wait3A_193 = tpu.memref_squeeze %dma_wait3A_192 : memref<1x1x128x16xf32, #tpu.memory_space<vmem>> -> memref<128x16xf32, #tpu.memory_space<vmem>>
      %dma_wait3A_194 = arith.constant 0 : i32
      %dma_wait3A_195 = tpu.memref_slice %arg6[%dma_wait3A_186, %dma_wait3A_187, %dma_wait3A_194] : memref<2x5x128xi32, #tpu.memory_space<vmem>> -> memref<1x1x128xi32, #tpu.memory_space<vmem>>
      %dma_wait3A_196 = tpu.memref_squeeze %dma_wait3A_195 : memref<1x1x128xi32, #tpu.memory_space<vmem>> -> memref<128xi32, #tpu.memory_space<vmem>>
      %dma_wait3A_197 = arith.constant 0 : i32
      %dma_wait3A_198 = arith.constant 0 : i32
      %dma_wait3A_199 = tpu.memref_slice %arg2[%dma_wait3A_197, %dma_wait3A_198] : memref<200000x16xf32, #tpu.memory_space<hbm>> -> memref<200000x16xf32, #tpu.memory_space<hbm>>
      tpu.wait_indirect_dma semaphore(%arg10 : memref<!tpu.dma_semaphore, #tpu.memory_space<semaphore_mem>>) src(%dma_wait3A_199 : memref<200000x16xf32, #tpu.memory_space<hbm>>) dst(%dma_wait3A_193 : memref<128x16xf32, #tpu.memory_space<vmem>>)
      %dma_wait3A_200 = arith.constant 0 : i32
      %dma_wait3A_201 = arith.constant 2 : i32
      %dma_wait3A_202 = arith.constant 0 : i32
      %dma_wait3A_203 = arith.constant 2 : i32
      %dma_wait3A_204 = arith.constant 0 : i32
      %dma_wait3A_205 = arith.constant 0 : i32
      %dma_wait3A_206 = tpu.memref_slice %arg8[%dma_wait3A_202, %dma_wait3A_203, %dma_wait3A_204, %dma_wait3A_205] : memref<2x5x128x16xf32, #tpu.memory_space<vmem>> -> memref<1x1x128x16xf32, #tpu.memory_space<vmem>>
      %dma_wait3A_207 = tpu.memref_squeeze %dma_wait3A_206 : memref<1x1x128x16xf32, #tpu.memory_space<vmem>> -> memref<128x16xf32, #tpu.memory_space<vmem>>
      %dma_wait3A_208 = arith.constant 0 : i32
      %dma_wait3A_209 = tpu.memref_slice %arg6[%dma_wait3A_200, %dma_wait3A_201, %dma_wait3A_208] : memref<2x5x128xi32, #tpu.memory_space<vmem>> -> memref<1x1x128xi32, #tpu.memory_space<vmem>>
      %dma_wait3A_210 = tpu.memref_squeeze %dma_wait3A_209 : memref<1x1x128xi32, #tpu.memory_space<vmem>> -> memref<128xi32, #tpu.memory_space<vmem>>
      %dma_wait3A_211 = arith.constant 0 : i32
      %dma_wait3A_212 = arith.constant 0 : i32
      %dma_wait3A_213 = tpu.memref_slice %arg2[%dma_wait3A_211, %dma_wait3A_212] : memref<200000x16xf32, #tpu.memory_space<hbm>> -> memref<200000x16xf32, #tpu.memory_space<hbm>>
      tpu.wait_indirect_dma semaphore(%arg10 : memref<!tpu.dma_semaphore, #tpu.memory_space<semaphore_mem>>) src(%dma_wait3A_213 : memref<200000x16xf32, #tpu.memory_space<hbm>>) dst(%dma_wait3A_207 : memref<128x16xf32, #tpu.memory_space<vmem>>)
      %dma_wait3A_214 = arith.constant 0 : i32
      %dma_wait3A_215 = arith.constant 3 : i32
      %dma_wait3A_216 = arith.constant 0 : i32
      %dma_wait3A_217 = arith.constant 3 : i32
      %dma_wait3A_218 = arith.constant 0 : i32
      %dma_wait3A_219 = arith.constant 0 : i32
      %dma_wait3A_220 = tpu.memref_slice %arg8[%dma_wait3A_216, %dma_wait3A_217, %dma_wait3A_218, %dma_wait3A_219] : memref<2x5x128x16xf32, #tpu.memory_space<vmem>> -> memref<1x1x128x16xf32, #tpu.memory_space<vmem>>
      %dma_wait3A_221 = tpu.memref_squeeze %dma_wait3A_220 : memref<1x1x128x16xf32, #tpu.memory_space<vmem>> -> memref<128x16xf32, #tpu.memory_space<vmem>>
      %dma_wait3A_222 = arith.constant 0 : i32
      %dma_wait3A_223 = tpu.memref_slice %arg6[%dma_wait3A_214, %dma_wait3A_215, %dma_wait3A_222] : memref<2x5x128xi32, #tpu.memory_space<vmem>> -> memref<1x1x128xi32, #tpu.memory_space<vmem>>
      %dma_wait3A_224 = tpu.memref_squeeze %dma_wait3A_223 : memref<1x1x128xi32, #tpu.memory_space<vmem>> -> memref<128xi32, #tpu.memory_space<vmem>>
      %dma_wait3A_225 = arith.constant 0 : i32
      %dma_wait3A_226 = arith.constant 0 : i32
      %dma_wait3A_227 = tpu.memref_slice %arg2[%dma_wait3A_225, %dma_wait3A_226] : memref<200000x16xf32, #tpu.memory_space<hbm>> -> memref<200000x16xf32, #tpu.memory_space<hbm>>
      tpu.wait_indirect_dma semaphore(%arg10 : memref<!tpu.dma_semaphore, #tpu.memory_space<semaphore_mem>>) src(%dma_wait3A_227 : memref<200000x16xf32, #tpu.memory_space<hbm>>) dst(%dma_wait3A_221 : memref<128x16xf32, #tpu.memory_space<vmem>>)
      %dma_wait3A_228 = arith.constant 0 : i32
      %dma_wait3A_229 = arith.constant 4 : i32
      %dma_wait3A_230 = arith.constant 0 : i32
      %dma_wait3A_231 = arith.constant 4 : i32
      %dma_wait3A_232 = arith.constant 0 : i32
      %dma_wait3A_233 = arith.constant 0 : i32
      %dma_wait3A_234 = tpu.memref_slice %arg8[%dma_wait3A_230, %dma_wait3A_231, %dma_wait3A_232, %dma_wait3A_233] : memref<2x5x128x16xf32, #tpu.memory_space<vmem>> -> memref<1x1x128x16xf32, #tpu.memory_space<vmem>>
      %dma_wait3A_235 = tpu.memref_squeeze %dma_wait3A_234 : memref<1x1x128x16xf32, #tpu.memory_space<vmem>> -> memref<128x16xf32, #tpu.memory_space<vmem>>
      %dma_wait3A_236 = arith.constant 0 : i32
      %dma_wait3A_237 = tpu.memref_slice %arg6[%dma_wait3A_228, %dma_wait3A_229, %dma_wait3A_236] : memref<2x5x128xi32, #tpu.memory_space<vmem>> -> memref<1x1x128xi32, #tpu.memory_space<vmem>>
      %dma_wait3A_238 = tpu.memref_squeeze %dma_wait3A_237 : memref<1x1x128xi32, #tpu.memory_space<vmem>> -> memref<128xi32, #tpu.memory_space<vmem>>
      %dma_wait3A_239 = arith.constant 0 : i32
      %dma_wait3A_240 = arith.constant 0 : i32
      %dma_wait3A_241 = tpu.memref_slice %arg2[%dma_wait3A_239, %dma_wait3A_240] : memref<200000x16xf32, #tpu.memory_space<hbm>> -> memref<200000x16xf32, #tpu.memory_space<hbm>>
      tpu.wait_indirect_dma semaphore(%arg10 : memref<!tpu.dma_semaphore, #tpu.memory_space<semaphore_mem>>) src(%dma_wait3A_241 : memref<200000x16xf32, #tpu.memory_space<hbm>>) dst(%dma_wait3A_235 : memref<128x16xf32, #tpu.memory_space<vmem>>)
      %dma_start3A_242 = arith.constant 0 : i32
      %dma_start3A_243 = arith.constant 0 : i32
      %dma_start3A_244 = arith.constant 0 : i32
      %dma_start3A_245 = arith.constant 0 : i32
      %dma_start3A_246 = arith.constant 0 : i32
      %dma_start3A_247 = arith.constant 0 : i32
      %dma_start3A_248 = tpu.memref_slice %arg8[%dma_start3A_242, %dma_start3A_243, %dma_start3A_246, %dma_start3A_247] : memref<2x5x128x16xf32, #tpu.memory_space<vmem>> -> memref<1x1x128x16xf32, #tpu.memory_space<vmem>>
      %dma_start3A_249 = tpu.memref_squeeze %dma_start3A_248 : memref<1x1x128x16xf32, #tpu.memory_space<vmem>> -> memref<128x16xf32, #tpu.memory_space<vmem>>
      %dma_start3A_250 = arith.constant 0 : i32
      %dma_start3A_251 = tpu.memref_slice %arg7[%dma_start3A_244, %dma_start3A_245, %dma_start3A_250] : memref<2x5x128xi32, #tpu.memory_space<vmem>> -> memref<1x1x128xi32, #tpu.memory_space<vmem>>
      %dma_start3A_252 = tpu.memref_squeeze %dma_start3A_251 : memref<1x1x128xi32, #tpu.memory_space<vmem>> -> memref<128xi32, #tpu.memory_space<vmem>>
      %dma_start3A_253 = arith.constant 0 : i32
      %dma_start3A_254 = arith.constant 0 : i32
      %dma_start3A_255 = tpu.memref_slice %arg9[%dma_start3A_253, %dma_start3A_254] : memref<102400x16xf32, #tpu.memory_space<vmem_shared>> -> memref<102400x16xf32, #tpu.memory_space<vmem_shared>>
      tpu.enqueue_indirect_dma source(%dma_start3A_249 : memref<128x16xf32, #tpu.memory_space<vmem>>) target(%dma_start3A_255 : memref<102400x16xf32, #tpu.memory_space<vmem_shared>>) offsets(%dma_start3A_252 : memref<128xi32, #tpu.memory_space<vmem>>) semaphore(%arg12 : memref<!tpu.dma_semaphore, #tpu.memory_space<semaphore_mem>>) {add = true}
      %dma_start3A_256 = arith.constant 0 : i32
      %dma_start3A_257 = arith.constant 1 : i32
      %dma_start3A_258 = arith.constant 0 : i32
      %dma_start3A_259 = arith.constant 1 : i32
      %dma_start3A_260 = arith.constant 0 : i32
      %dma_start3A_261 = arith.constant 0 : i32
      %dma_start3A_262 = tpu.memref_slice %arg8[%dma_start3A_256, %dma_start3A_257, %dma_start3A_260, %dma_start3A_261] : memref<2x5x128x16xf32, #tpu.memory_space<vmem>> -> memref<1x1x128x16xf32, #tpu.memory_space<vmem>>
      %dma_start3A_263 = tpu.memref_squeeze %dma_start3A_262 : memref<1x1x128x16xf32, #tpu.memory_space<vmem>> -> memref<128x16xf32, #tpu.memory_space<vmem>>
      %dma_start3A_264 = arith.constant 0 : i32
      %dma_start3A_265 = tpu.memref_slice %arg7[%dma_start3A_258, %dma_start3A_259, %dma_start3A_264] : memref<2x5x128xi32, #tpu.memory_space<vmem>> -> memref<1x1x128xi32, #tpu.memory_space<vmem>>
      %dma_start3A_266 = tpu.memref_squeeze %dma_start3A_265 : memref<1x1x128xi32, #tpu.memory_space<vmem>> -> memref<128xi32, #tpu.memory_space<vmem>>
      %dma_start3A_267 = arith.constant 0 : i32
      %dma_start3A_268 = arith.constant 0 : i32
      %dma_start3A_269 = tpu.memref_slice %arg9[%dma_start3A_267, %dma_start3A_268] : memref<102400x16xf32, #tpu.memory_space<vmem_shared>> -> memref<102400x16xf32, #tpu.memory_space<vmem_shared>>
      tpu.enqueue_indirect_dma source(%dma_start3A_263 : memref<128x16xf32, #tpu.memory_space<vmem>>) target(%dma_start3A_269 : memref<102400x16xf32, #tpu.memory_space<vmem_shared>>) offsets(%dma_start3A_266 : memref<128xi32, #tpu.memory_space<vmem>>) semaphore(%arg12 : memref<!tpu.dma_semaphore, #tpu.memory_space<semaphore_mem>>) {add = true}
      %dma_start3A_270 = arith.constant 0 : i32
      %dma_start3A_271 = arith.constant 2 : i32
      %dma_start3A_272 = arith.constant 0 : i32
      %dma_start3A_273 = arith.constant 2 : i32
      %dma_start3A_274 = arith.constant 0 : i32
      %dma_start3A_275 = arith.constant 0 : i32
      %dma_start3A_276 = tpu.memref_slice %arg8[%dma_start3A_270, %dma_start3A_271, %dma_start3A_274, %dma_start3A_275] : memref<2x5x128x16xf32, #tpu.memory_space<vmem>> -> memref<1x1x128x16xf32, #tpu.memory_space<vmem>>
      %dma_start3A_277 = tpu.memref_squeeze %dma_start3A_276 : memref<1x1x128x16xf32, #tpu.memory_space<vmem>> -> memref<128x16xf32, #tpu.memory_space<vmem>>
      %dma_start3A_278 = arith.constant 0 : i32
      %dma_start3A_279 = tpu.memref_slice %arg7[%dma_start3A_272, %dma_start3A_273, %dma_start3A_278] : memref<2x5x128xi32, #tpu.memory_space<vmem>> -> memref<1x1x128xi32, #tpu.memory_space<vmem>>
      %dma_start3A_280 = tpu.memref_squeeze %dma_start3A_279 : memref<1x1x128xi32, #tpu.memory_space<vmem>> -> memref<128xi32, #tpu.memory_space<vmem>>
      %dma_start3A_281 = arith.constant 0 : i32
      %dma_start3A_282 = arith.constant 0 : i32
      %dma_start3A_283 = tpu.memref_slice %arg9[%dma_start3A_281, %dma_start3A_282] : memref<102400x16xf32, #tpu.memory_space<vmem_shared>> -> memref<102400x16xf32, #tpu.memory_space<vmem_shared>>
      tpu.enqueue_indirect_dma source(%dma_start3A_277 : memref<128x16xf32, #tpu.memory_space<vmem>>) target(%dma_start3A_283 : memref<102400x16xf32, #tpu.memory_space<vmem_shared>>) offsets(%dma_start3A_280 : memref<128xi32, #tpu.memory_space<vmem>>) semaphore(%arg12 : memref<!tpu.dma_semaphore, #tpu.memory_space<semaphore_mem>>) {add = true}
      %dma_start3A_284 = arith.constant 0 : i32
      %dma_start3A_285 = arith.constant 3 : i32
      %dma_start3A_286 = arith.constant 0 : i32
      %dma_start3A_287 = arith.constant 3 : i32
      %dma_start3A_288 = arith.constant 0 : i32
      %dma_start3A_289 = arith.constant 0 : i32
      %dma_start3A_290 = tpu.memref_slice %arg8[%dma_start3A_284, %dma_start3A_285, %dma_start3A_288, %dma_start3A_289] : memref<2x5x128x16xf32, #tpu.memory_space<vmem>> -> memref<1x1x128x16xf32, #tpu.memory_space<vmem>>
      %dma_start3A_291 = tpu.memref_squeeze %dma_start3A_290 : memref<1x1x128x16xf32, #tpu.memory_space<vmem>> -> memref<128x16xf32, #tpu.memory_space<vmem>>
      %dma_start3A_292 = arith.constant 0 : i32
      %dma_start3A_293 = tpu.memref_slice %arg7[%dma_start3A_286, %dma_start3A_287, %dma_start3A_292] : memref<2x5x128xi32, #tpu.memory_space<vmem>> -> memref<1x1x128xi32, #tpu.memory_space<vmem>>
      %dma_start3A_294 = tpu.memref_squeeze %dma_start3A_293 : memref<1x1x128xi32, #tpu.memory_space<vmem>> -> memref<128xi32, #tpu.memory_space<vmem>>
      %dma_start3A_295 = arith.constant 0 : i32
      %dma_start3A_296 = arith.constant 0 : i32
      %dma_start3A_297 = tpu.memref_slice %arg9[%dma_start3A_295, %dma_start3A_296] : memref<102400x16xf32, #tpu.memory_space<vmem_shared>> -> memref<102400x16xf32, #tpu.memory_space<vmem_shared>>
      tpu.enqueue_indirect_dma source(%dma_start3A_291 : memref<128x16xf32, #tpu.memory_space<vmem>>) target(%dma_start3A_297 : memref<102400x16xf32, #tpu.memory_space<vmem_shared>>) offsets(%dma_start3A_294 : memref<128xi32, #tpu.memory_space<vmem>>) semaphore(%arg12 : memref<!tpu.dma_semaphore, #tpu.memory_space<semaphore_mem>>) {add = true}
      %dma_start3A_298 = arith.constant 0 : i32
      %dma_start3A_299 = arith.constant 4 : i32
      %dma_start3A_300 = arith.constant 0 : i32
      %dma_start3A_301 = arith.constant 4 : i32
      %dma_start3A_302 = arith.constant 0 : i32
      %dma_start3A_303 = arith.constant 0 : i32
      %dma_start3A_304 = tpu.memref_slice %arg8[%dma_start3A_298, %dma_start3A_299, %dma_start3A_302, %dma_start3A_303] : memref<2x5x128x16xf32, #tpu.memory_space<vmem>> -> memref<1x1x128x16xf32, #tpu.memory_space<vmem>>
      %dma_start3A_305 = tpu.memref_squeeze %dma_start3A_304 : memref<1x1x128x16xf32, #tpu.memory_space<vmem>> -> memref<128x16xf32, #tpu.memory_space<vmem>>
      %dma_start3A_306 = arith.constant 0 : i32
      %dma_start3A_307 = tpu.memref_slice %arg7[%dma_start3A_300, %dma_start3A_301, %dma_start3A_306] : memref<2x5x128xi32, #tpu.memory_space<vmem>> -> memref<1x1x128xi32, #tpu.memory_space<vmem>>
      %dma_start3A_308 = tpu.memref_squeeze %dma_start3A_307 : memref<1x1x128xi32, #tpu.memory_space<vmem>> -> memref<128xi32, #tpu.memory_space<vmem>>
      %dma_start3A_309 = arith.constant 0 : i32
      %dma_start3A_310 = arith.constant 0 : i32
      %dma_start3A_311 = tpu.memref_slice %arg9[%dma_start3A_309, %dma_start3A_310] : memref<102400x16xf32, #tpu.memory_space<vmem_shared>> -> memref<102400x16xf32, #tpu.memory_space<vmem_shared>>
      tpu.enqueue_indirect_dma source(%dma_start3A_305 : memref<128x16xf32, #tpu.memory_space<vmem>>) target(%dma_start3A_311 : memref<102400x16xf32, #tpu.memory_space<vmem_shared>>) offsets(%dma_start3A_308 : memref<128xi32, #tpu.memory_space<vmem>>) semaphore(%arg12 : memref<!tpu.dma_semaphore, #tpu.memory_space<semaphore_mem>>) {add = true}
      %dma_wait3A_312 = arith.constant 1 : i32
      %dma_wait3A_313 = arith.constant 0 : i32
      %dma_wait3A_314 = arith.constant 1 : i32
      %dma_wait3A_315 = arith.constant 0 : i32
      %dma_wait3A_316 = arith.constant 0 : i32
      %dma_wait3A_317 = arith.constant 0 : i32
      %dma_wait3A_318 = tpu.memref_slice %arg8[%dma_wait3A_314, %dma_wait3A_315, %dma_wait3A_316, %dma_wait3A_317] : memref<2x5x128x16xf32, #tpu.memory_space<vmem>> -> memref<1x1x128x16xf32, #tpu.memory_space<vmem>>
      %dma_wait3A_319 = tpu.memref_squeeze %dma_wait3A_318 : memref<1x1x128x16xf32, #tpu.memory_space<vmem>> -> memref<128x16xf32, #tpu.memory_space<vmem>>
      %dma_wait3A_320 = arith.constant 0 : i32
      %dma_wait3A_321 = tpu.memref_slice %arg6[%dma_wait3A_312, %dma_wait3A_313, %dma_wait3A_320] : memref<2x5x128xi32, #tpu.memory_space<vmem>> -> memref<1x1x128xi32, #tpu.memory_space<vmem>>
      %dma_wait3A_322 = tpu.memref_squeeze %dma_wait3A_321 : memref<1x1x128xi32, #tpu.memory_space<vmem>> -> memref<128xi32, #tpu.memory_space<vmem>>
      %dma_wait3A_323 = arith.constant 0 : i32
      %dma_wait3A_324 = arith.constant 0 : i32
      %dma_wait3A_325 = tpu.memref_slice %arg2[%dma_wait3A_323, %dma_wait3A_324] : memref<200000x16xf32, #tpu.memory_space<hbm>> -> memref<200000x16xf32, #tpu.memory_space<hbm>>
      tpu.wait_indirect_dma semaphore(%arg11 : memref<!tpu.dma_semaphore, #tpu.memory_space<semaphore_mem>>) src(%dma_wait3A_325 : memref<200000x16xf32, #tpu.memory_space<hbm>>) dst(%dma_wait3A_319 : memref<128x16xf32, #tpu.memory_space<vmem>>)
      %dma_wait3A_326 = arith.constant 1 : i32
      %dma_wait3A_327 = arith.constant 1 : i32
      %dma_wait3A_328 = arith.constant 1 : i32
      %dma_wait3A_329 = arith.constant 1 : i32
      %dma_wait3A_330 = arith.constant 0 : i32
      %dma_wait3A_331 = arith.constant 0 : i32
      %dma_wait3A_332 = tpu.memref_slice %arg8[%dma_wait3A_328, %dma_wait3A_329, %dma_wait3A_330, %dma_wait3A_331] : memref<2x5x128x16xf32, #tpu.memory_space<vmem>> -> memref<1x1x128x16xf32, #tpu.memory_space<vmem>>
      %dma_wait3A_333 = tpu.memref_squeeze %dma_wait3A_332 : memref<1x1x128x16xf32, #tpu.memory_space<vmem>> -> memref<128x16xf32, #tpu.memory_space<vmem>>
      %dma_wait3A_334 = arith.constant 0 : i32
      %dma_wait3A_335 = tpu.memref_slice %arg6[%dma_wait3A_326, %dma_wait3A_327, %dma_wait3A_334] : memref<2x5x128xi32, #tpu.memory_space<vmem>> -> memref<1x1x128xi32, #tpu.memory_space<vmem>>
      %dma_wait3A_336 = tpu.memref_squeeze %dma_wait3A_335 : memref<1x1x128xi32, #tpu.memory_space<vmem>> -> memref<128xi32, #tpu.memory_space<vmem>>
      %dma_wait3A_337 = arith.constant 0 : i32
      %dma_wait3A_338 = arith.constant 0 : i32
      %dma_wait3A_339 = tpu.memref_slice %arg2[%dma_wait3A_337, %dma_wait3A_338] : memref<200000x16xf32, #tpu.memory_space<hbm>> -> memref<200000x16xf32, #tpu.memory_space<hbm>>
      tpu.wait_indirect_dma semaphore(%arg11 : memref<!tpu.dma_semaphore, #tpu.memory_space<semaphore_mem>>) src(%dma_wait3A_339 : memref<200000x16xf32, #tpu.memory_space<hbm>>) dst(%dma_wait3A_333 : memref<128x16xf32, #tpu.memory_space<vmem>>)
      %dma_wait3A_340 = arith.constant 1 : i32
      %dma_wait3A_341 = arith.constant 2 : i32
      %dma_wait3A_342 = arith.constant 1 : i32
      %dma_wait3A_343 = arith.constant 2 : i32
      %dma_wait3A_344 = arith.constant 0 : i32
      %dma_wait3A_345 = arith.constant 0 : i32
      %dma_wait3A_346 = tpu.memref_slice %arg8[%dma_wait3A_342, %dma_wait3A_343, %dma_wait3A_344, %dma_wait3A_345] : memref<2x5x128x16xf32, #tpu.memory_space<vmem>> -> memref<1x1x128x16xf32, #tpu.memory_space<vmem>>
      %dma_wait3A_347 = tpu.memref_squeeze %dma_wait3A_346 : memref<1x1x128x16xf32, #tpu.memory_space<vmem>> -> memref<128x16xf32, #tpu.memory_space<vmem>>
      %dma_wait3A_348 = arith.constant 0 : i32
      %dma_wait3A_349 = tpu.memref_slice %arg6[%dma_wait3A_340, %dma_wait3A_341, %dma_wait3A_348] : memref<2x5x128xi32, #tpu.memory_space<vmem>> -> memref<1x1x128xi32, #tpu.memory_space<vmem>>
      %dma_wait3A_350 = tpu.memref_squeeze %dma_wait3A_349 : memref<1x1x128xi32, #tpu.memory_space<vmem>> -> memref<128xi32, #tpu.memory_space<vmem>>
      %dma_wait3A_351 = arith.constant 0 : i32
      %dma_wait3A_352 = arith.constant 0 : i32
      %dma_wait3A_353 = tpu.memref_slice %arg2[%dma_wait3A_351, %dma_wait3A_352] : memref<200000x16xf32, #tpu.memory_space<hbm>> -> memref<200000x16xf32, #tpu.memory_space<hbm>>
      tpu.wait_indirect_dma semaphore(%arg11 : memref<!tpu.dma_semaphore, #tpu.memory_space<semaphore_mem>>) src(%dma_wait3A_353 : memref<200000x16xf32, #tpu.memory_space<hbm>>) dst(%dma_wait3A_347 : memref<128x16xf32, #tpu.memory_space<vmem>>)
      %dma_wait3A_354 = arith.constant 1 : i32
      %dma_wait3A_355 = arith.constant 3 : i32
      %dma_wait3A_356 = arith.constant 1 : i32
      %dma_wait3A_357 = arith.constant 3 : i32
      %dma_wait3A_358 = arith.constant 0 : i32
      %dma_wait3A_359 = arith.constant 0 : i32
      %dma_wait3A_360 = tpu.memref_slice %arg8[%dma_wait3A_356, %dma_wait3A_357, %dma_wait3A_358, %dma_wait3A_359] : memref<2x5x128x16xf32, #tpu.memory_space<vmem>> -> memref<1x1x128x16xf32, #tpu.memory_space<vmem>>
      %dma_wait3A_361 = tpu.memref_squeeze %dma_wait3A_360 : memref<1x1x128x16xf32, #tpu.memory_space<vmem>> -> memref<128x16xf32, #tpu.memory_space<vmem>>
      %dma_wait3A_362 = arith.constant 0 : i32
      %dma_wait3A_363 = tpu.memref_slice %arg6[%dma_wait3A_354, %dma_wait3A_355, %dma_wait3A_362] : memref<2x5x128xi32, #tpu.memory_space<vmem>> -> memref<1x1x128xi32, #tpu.memory_space<vmem>>
      %dma_wait3A_364 = tpu.memref_squeeze %dma_wait3A_363 : memref<1x1x128xi32, #tpu.memory_space<vmem>> -> memref<128xi32, #tpu.memory_space<vmem>>
      %dma_wait3A_365 = arith.constant 0 : i32
      %dma_wait3A_366 = arith.constant 0 : i32
      %dma_wait3A_367 = tpu.memref_slice %arg2[%dma_wait3A_365, %dma_wait3A_366] : memref<200000x16xf32, #tpu.memory_space<hbm>> -> memref<200000x16xf32, #tpu.memory_space<hbm>>
      tpu.wait_indirect_dma semaphore(%arg11 : memref<!tpu.dma_semaphore, #tpu.memory_space<semaphore_mem>>) src(%dma_wait3A_367 : memref<200000x16xf32, #tpu.memory_space<hbm>>) dst(%dma_wait3A_361 : memref<128x16xf32, #tpu.memory_space<vmem>>)
      %dma_wait3A_368 = arith.constant 1 : i32
      %dma_wait3A_369 = arith.constant 4 : i32
      %dma_wait3A_370 = arith.constant 1 : i32
      %dma_wait3A_371 = arith.constant 4 : i32
      %dma_wait3A_372 = arith.constant 0 : i32
      %dma_wait3A_373 = arith.constant 0 : i32
      %dma_wait3A_374 = tpu.memref_slice %arg8[%dma_wait3A_370, %dma_wait3A_371, %dma_wait3A_372, %dma_wait3A_373] : memref<2x5x128x16xf32, #tpu.memory_space<vmem>> -> memref<1x1x128x16xf32, #tpu.memory_space<vmem>>
      %dma_wait3A_375 = tpu.memref_squeeze %dma_wait3A_374 : memref<1x1x128x16xf32, #tpu.memory_space<vmem>> -> memref<128x16xf32, #tpu.memory_space<vmem>>
      %dma_wait3A_376 = arith.constant 0 : i32
      %dma_wait3A_377 = tpu.memref_slice %arg6[%dma_wait3A_368, %dma_wait3A_369, %dma_wait3A_376] : memref<2x5x128xi32, #tpu.memory_space<vmem>> -> memref<1x1x128xi32, #tpu.memory_space<vmem>>
      %dma_wait3A_378 = tpu.memref_squeeze %dma_wait3A_377 : memref<1x1x128xi32, #tpu.memory_space<vmem>> -> memref<128xi32, #tpu.memory_space<vmem>>
      %dma_wait3A_379 = arith.constant 0 : i32
      %dma_wait3A_380 = arith.constant 0 : i32
      %dma_wait3A_381 = tpu.memref_slice %arg2[%dma_wait3A_379, %dma_wait3A_380] : memref<200000x16xf32, #tpu.memory_space<hbm>> -> memref<200000x16xf32, #tpu.memory_space<hbm>>
      tpu.wait_indirect_dma semaphore(%arg11 : memref<!tpu.dma_semaphore, #tpu.memory_space<semaphore_mem>>) src(%dma_wait3A_381 : memref<200000x16xf32, #tpu.memory_space<hbm>>) dst(%dma_wait3A_375 : memref<128x16xf32, #tpu.memory_space<vmem>>)
      %dma_start3A_382 = arith.constant 1 : i32
      %dma_start3A_383 = arith.constant 0 : i32
      %dma_start3A_384 = arith.constant 1 : i32
      %dma_start3A_385 = arith.constant 0 : i32
      %dma_start3A_386 = arith.constant 0 : i32
      %dma_start3A_387 = arith.constant 0 : i32
      %dma_start3A_388 = tpu.memref_slice %arg8[%dma_start3A_382, %dma_start3A_383, %dma_start3A_386, %dma_start3A_387] : memref<2x5x128x16xf32, #tpu.memory_space<vmem>> -> memref<1x1x128x16xf32, #tpu.memory_space<vmem>>
      %dma_start3A_389 = tpu.memref_squeeze %dma_start3A_388 : memref<1x1x128x16xf32, #tpu.memory_space<vmem>> -> memref<128x16xf32, #tpu.memory_space<vmem>>
      %dma_start3A_390 = arith.constant 0 : i32
      %dma_start3A_391 = tpu.memref_slice %arg7[%dma_start3A_384, %dma_start3A_385, %dma_start3A_390] : memref<2x5x128xi32, #tpu.memory_space<vmem>> -> memref<1x1x128xi32, #tpu.memory_space<vmem>>
      %dma_start3A_392 = tpu.memref_squeeze %dma_start3A_391 : memref<1x1x128xi32, #tpu.memory_space<vmem>> -> memref<128xi32, #tpu.memory_space<vmem>>
      %dma_start3A_393 = arith.constant 0 : i32
      %dma_start3A_394 = arith.constant 0 : i32
      %dma_start3A_395 = tpu.memref_slice %arg9[%dma_start3A_393, %dma_start3A_394] : memref<102400x16xf32, #tpu.memory_space<vmem_shared>> -> memref<102400x16xf32, #tpu.memory_space<vmem_shared>>
      tpu.enqueue_indirect_dma source(%dma_start3A_389 : memref<128x16xf32, #tpu.memory_space<vmem>>) target(%dma_start3A_395 : memref<102400x16xf32, #tpu.memory_space<vmem_shared>>) offsets(%dma_start3A_392 : memref<128xi32, #tpu.memory_space<vmem>>) semaphore(%arg12 : memref<!tpu.dma_semaphore, #tpu.memory_space<semaphore_mem>>) {add = true}
      %dma_start3A_396 = arith.constant 1 : i32
      %dma_start3A_397 = arith.constant 1 : i32
      %dma_start3A_398 = arith.constant 1 : i32
      %dma_start3A_399 = arith.constant 1 : i32
      %dma_start3A_400 = arith.constant 0 : i32
      %dma_start3A_401 = arith.constant 0 : i32
      %dma_start3A_402 = tpu.memref_slice %arg8[%dma_start3A_396, %dma_start3A_397, %dma_start3A_400, %dma_start3A_401] : memref<2x5x128x16xf32, #tpu.memory_space<vmem>> -> memref<1x1x128x16xf32, #tpu.memory_space<vmem>>
      %dma_start3A_403 = tpu.memref_squeeze %dma_start3A_402 : memref<1x1x128x16xf32, #tpu.memory_space<vmem>> -> memref<128x16xf32, #tpu.memory_space<vmem>>
      %dma_start3A_404 = arith.constant 0 : i32
      %dma_start3A_405 = tpu.memref_slice %arg7[%dma_start3A_398, %dma_start3A_399, %dma_start3A_404] : memref<2x5x128xi32, #tpu.memory_space<vmem>> -> memref<1x1x128xi32, #tpu.memory_space<vmem>>
      %dma_start3A_406 = tpu.memref_squeeze %dma_start3A_405 : memref<1x1x128xi32, #tpu.memory_space<vmem>> -> memref<128xi32, #tpu.memory_space<vmem>>
      %dma_start3A_407 = arith.constant 0 : i32
      %dma_start3A_408 = arith.constant 0 : i32
      %dma_start3A_409 = tpu.memref_slice %arg9[%dma_start3A_407, %dma_start3A_408] : memref<102400x16xf32, #tpu.memory_space<vmem_shared>> -> memref<102400x16xf32, #tpu.memory_space<vmem_shared>>
      tpu.enqueue_indirect_dma source(%dma_start3A_403 : memref<128x16xf32, #tpu.memory_space<vmem>>) target(%dma_start3A_409 : memref<102400x16xf32, #tpu.memory_space<vmem_shared>>) offsets(%dma_start3A_406 : memref<128xi32, #tpu.memory_space<vmem>>) semaphore(%arg12 : memref<!tpu.dma_semaphore, #tpu.memory_space<semaphore_mem>>) {add = true}
      %dma_start3A_410 = arith.constant 1 : i32
      %dma_start3A_411 = arith.constant 2 : i32
      %dma_start3A_412 = arith.constant 1 : i32
      %dma_start3A_413 = arith.constant 2 : i32
      %dma_start3A_414 = arith.constant 0 : i32
      %dma_start3A_415 = arith.constant 0 : i32
      %dma_start3A_416 = tpu.memref_slice %arg8[%dma_start3A_410, %dma_start3A_411, %dma_start3A_414, %dma_start3A_415] : memref<2x5x128x16xf32, #tpu.memory_space<vmem>> -> memref<1x1x128x16xf32, #tpu.memory_space<vmem>>
      %dma_start3A_417 = tpu.memref_squeeze %dma_start3A_416 : memref<1x1x128x16xf32, #tpu.memory_space<vmem>> -> memref<128x16xf32, #tpu.memory_space<vmem>>
      %dma_start3A_418 = arith.constant 0 : i32
      %dma_start3A_419 = tpu.memref_slice %arg7[%dma_start3A_412, %dma_start3A_413, %dma_start3A_418] : memref<2x5x128xi32, #tpu.memory_space<vmem>> -> memref<1x1x128xi32, #tpu.memory_space<vmem>>
      %dma_start3A_420 = tpu.memref_squeeze %dma_start3A_419 : memref<1x1x128xi32, #tpu.memory_space<vmem>> -> memref<128xi32, #tpu.memory_space<vmem>>
      %dma_start3A_421 = arith.constant 0 : i32
      %dma_start3A_422 = arith.constant 0 : i32
      %dma_start3A_423 = tpu.memref_slice %arg9[%dma_start3A_421, %dma_start3A_422] : memref<102400x16xf32, #tpu.memory_space<vmem_shared>> -> memref<102400x16xf32, #tpu.memory_space<vmem_shared>>
      tpu.enqueue_indirect_dma source(%dma_start3A_417 : memref<128x16xf32, #tpu.memory_space<vmem>>) target(%dma_start3A_423 : memref<102400x16xf32, #tpu.memory_space<vmem_shared>>) offsets(%dma_start3A_420 : memref<128xi32, #tpu.memory_space<vmem>>) semaphore(%arg12 : memref<!tpu.dma_semaphore, #tpu.memory_space<semaphore_mem>>) {add = true}
      %dma_start3A_424 = arith.constant 1 : i32
      %dma_start3A_425 = arith.constant 3 : i32
      %dma_start3A_426 = arith.constant 1 : i32
      %dma_start3A_427 = arith.constant 3 : i32
      %dma_start3A_428 = arith.constant 0 : i32
      %dma_start3A_429 = arith.constant 0 : i32
      %dma_start3A_430 = tpu.memref_slice %arg8[%dma_start3A_424, %dma_start3A_425, %dma_start3A_428, %dma_start3A_429] : memref<2x5x128x16xf32, #tpu.memory_space<vmem>> -> memref<1x1x128x16xf32, #tpu.memory_space<vmem>>
      %dma_start3A_431 = tpu.memref_squeeze %dma_start3A_430 : memref<1x1x128x16xf32, #tpu.memory_space<vmem>> -> memref<128x16xf32, #tpu.memory_space<vmem>>
      %dma_start3A_432 = arith.constant 0 : i32
      %dma_start3A_433 = tpu.memref_slice %arg7[%dma_start3A_426, %dma_start3A_427, %dma_start3A_432] : memref<2x5x128xi32, #tpu.memory_space<vmem>> -> memref<1x1x128xi32, #tpu.memory_space<vmem>>
      %dma_start3A_434 = tpu.memref_squeeze %dma_start3A_433 : memref<1x1x128xi32, #tpu.memory_space<vmem>> -> memref<128xi32, #tpu.memory_space<vmem>>
      %dma_start3A_435 = arith.constant 0 : i32
      %dma_start3A_436 = arith.constant 0 : i32
      %dma_start3A_437 = tpu.memref_slice %arg9[%dma_start3A_435, %dma_start3A_436] : memref<102400x16xf32, #tpu.memory_space<vmem_shared>> -> memref<102400x16xf32, #tpu.memory_space<vmem_shared>>
      tpu.enqueue_indirect_dma source(%dma_start3A_431 : memref<128x16xf32, #tpu.memory_space<vmem>>) target(%dma_start3A_437 : memref<102400x16xf32, #tpu.memory_space<vmem_shared>>) offsets(%dma_start3A_434 : memref<128xi32, #tpu.memory_space<vmem>>) semaphore(%arg12 : memref<!tpu.dma_semaphore, #tpu.memory_space<semaphore_mem>>) {add = true}
      %dma_start3A_438 = arith.constant 1 : i32
      %dma_start3A_439 = arith.constant 4 : i32
      %dma_start3A_440 = arith.constant 1 : i32
      %dma_start3A_441 = arith.constant 4 : i32
      %dma_start3A_442 = arith.constant 0 : i32
      %dma_start3A_443 = arith.constant 0 : i32
      %dma_start3A_444 = tpu.memref_slice %arg8[%dma_start3A_438, %dma_start3A_439, %dma_start3A_442, %dma_start3A_443] : memref<2x5x128x16xf32, #tpu.memory_space<vmem>> -> memref<1x1x128x16xf32, #tpu.memory_space<vmem>>
      %dma_start3A_445 = tpu.memref_squeeze %dma_start3A_444 : memref<1x1x128x16xf32, #tpu.memory_space<vmem>> -> memref<128x16xf32, #tpu.memory_space<vmem>>
      %dma_start3A_446 = arith.constant 0 : i32
      %dma_start3A_447 = tpu.memref_slice %arg7[%dma_start3A_440, %dma_start3A_441, %dma_start3A_446] : memref<2x5x128xi32, #tpu.memory_space<vmem>> -> memref<1x1x128xi32, #tpu.memory_space<vmem>>
      %dma_start3A_448 = tpu.memref_squeeze %dma_start3A_447 : memref<1x1x128xi32, #tpu.memory_space<vmem>> -> memref<128xi32, #tpu.memory_space<vmem>>
      %dma_start3A_449 = arith.constant 0 : i32
      %dma_start3A_450 = arith.constant 0 : i32
      %dma_start3A_451 = tpu.memref_slice %arg9[%dma_start3A_449, %dma_start3A_450] : memref<102400x16xf32, #tpu.memory_space<vmem_shared>> -> memref<102400x16xf32, #tpu.memory_space<vmem_shared>>
      tpu.enqueue_indirect_dma source(%dma_start3A_445 : memref<128x16xf32, #tpu.memory_space<vmem>>) target(%dma_start3A_451 : memref<102400x16xf32, #tpu.memory_space<vmem_shared>>) offsets(%dma_start3A_448 : memref<128xi32, #tpu.memory_space<vmem>>) semaphore(%arg12 : memref<!tpu.dma_semaphore, #tpu.memory_space<semaphore_mem>>) {add = true}
      %dma_wait3A_452 = arith.constant 0 : i32
      %dma_wait3A_453 = arith.constant 0 : i32
      %dma_wait3A_454 = arith.constant 0 : i32
      %dma_wait3A_455 = arith.constant 0 : i32
      %dma_wait3A_456 = arith.constant 0 : i32
      %dma_wait3A_457 = arith.constant 0 : i32
      %dma_wait3A_458 = tpu.memref_slice %arg8[%dma_wait3A_452, %dma_wait3A_453, %dma_wait3A_456, %dma_wait3A_457] : memref<2x5x128x16xf32, #tpu.memory_space<vmem>> -> memref<1x1x128x16xf32, #tpu.memory_space<vmem>>
      %dma_wait3A_459 = tpu.memref_squeeze %dma_wait3A_458 : memref<1x1x128x16xf32, #tpu.memory_space<vmem>> -> memref<128x16xf32, #tpu.memory_space<vmem>>
      %dma_wait3A_460 = arith.constant 0 : i32
      %dma_wait3A_461 = tpu.memref_slice %arg7[%dma_wait3A_454, %dma_wait3A_455, %dma_wait3A_460] : memref<2x5x128xi32, #tpu.memory_space<vmem>> -> memref<1x1x128xi32, #tpu.memory_space<vmem>>
      %dma_wait3A_462 = tpu.memref_squeeze %dma_wait3A_461 : memref<1x1x128xi32, #tpu.memory_space<vmem>> -> memref<128xi32, #tpu.memory_space<vmem>>
      %dma_wait3A_463 = arith.constant 0 : i32
      %dma_wait3A_464 = arith.constant 0 : i32
      %dma_wait3A_465 = tpu.memref_slice %arg9[%dma_wait3A_463, %dma_wait3A_464] : memref<102400x16xf32, #tpu.memory_space<vmem_shared>> -> memref<102400x16xf32, #tpu.memory_space<vmem_shared>>
      tpu.wait_indirect_dma semaphore(%arg12 : memref<!tpu.dma_semaphore, #tpu.memory_space<semaphore_mem>>) src(%dma_wait3A_459 : memref<128x16xf32, #tpu.memory_space<vmem>>) dst(%dma_wait3A_465 : memref<102400x16xf32, #tpu.memory_space<vmem_shared>>)
      %dma_wait3A_466 = arith.constant 0 : i32
      %dma_wait3A_467 = arith.constant 1 : i32
      %dma_wait3A_468 = arith.constant 0 : i32
      %dma_wait3A_469 = arith.constant 1 : i32
      %dma_wait3A_470 = arith.constant 0 : i32
      %dma_wait3A_471 = arith.constant 0 : i32
      %dma_wait3A_472 = tpu.memref_slice %arg8[%dma_wait3A_466, %dma_wait3A_467, %dma_wait3A_470, %dma_wait3A_471] : memref<2x5x128x16xf32, #tpu.memory_space<vmem>> -> memref<1x1x128x16xf32, #tpu.memory_space<vmem>>
      %dma_wait3A_473 = tpu.memref_squeeze %dma_wait3A_472 : memref<1x1x128x16xf32, #tpu.memory_space<vmem>> -> memref<128x16xf32, #tpu.memory_space<vmem>>
      %dma_wait3A_474 = arith.constant 0 : i32
      %dma_wait3A_475 = tpu.memref_slice %arg7[%dma_wait3A_468, %dma_wait3A_469, %dma_wait3A_474] : memref<2x5x128xi32, #tpu.memory_space<vmem>> -> memref<1x1x128xi32, #tpu.memory_space<vmem>>
      %dma_wait3A_476 = tpu.memref_squeeze %dma_wait3A_475 : memref<1x1x128xi32, #tpu.memory_space<vmem>> -> memref<128xi32, #tpu.memory_space<vmem>>
      %dma_wait3A_477 = arith.constant 0 : i32
      %dma_wait3A_478 = arith.constant 0 : i32
      %dma_wait3A_479 = tpu.memref_slice %arg9[%dma_wait3A_477, %dma_wait3A_478] : memref<102400x16xf32, #tpu.memory_space<vmem_shared>> -> memref<102400x16xf32, #tpu.memory_space<vmem_shared>>
      tpu.wait_indirect_dma semaphore(%arg12 : memref<!tpu.dma_semaphore, #tpu.memory_space<semaphore_mem>>) src(%dma_wait3A_473 : memref<128x16xf32, #tpu.memory_space<vmem>>) dst(%dma_wait3A_479 : memref<102400x16xf32, #tpu.memory_space<vmem_shared>>)
      %dma_wait3A_480 = arith.constant 0 : i32
      %dma_wait3A_481 = arith.constant 2 : i32
      %dma_wait3A_482 = arith.constant 0 : i32
      %dma_wait3A_483 = arith.constant 2 : i32
      %dma_wait3A_484 = arith.constant 0 : i32
      %dma_wait3A_485 = arith.constant 0 : i32
      %dma_wait3A_486 = tpu.memref_slice %arg8[%dma_wait3A_480, %dma_wait3A_481, %dma_wait3A_484, %dma_wait3A_485] : memref<2x5x128x16xf32, #tpu.memory_space<vmem>> -> memref<1x1x128x16xf32, #tpu.memory_space<vmem>>
      %dma_wait3A_487 = tpu.memref_squeeze %dma_wait3A_486 : memref<1x1x128x16xf32, #tpu.memory_space<vmem>> -> memref<128x16xf32, #tpu.memory_space<vmem>>
      %dma_wait3A_488 = arith.constant 0 : i32
      %dma_wait3A_489 = tpu.memref_slice %arg7[%dma_wait3A_482, %dma_wait3A_483, %dma_wait3A_488] : memref<2x5x128xi32, #tpu.memory_space<vmem>> -> memref<1x1x128xi32, #tpu.memory_space<vmem>>
      %dma_wait3A_490 = tpu.memref_squeeze %dma_wait3A_489 : memref<1x1x128xi32, #tpu.memory_space<vmem>> -> memref<128xi32, #tpu.memory_space<vmem>>
      %dma_wait3A_491 = arith.constant 0 : i32
      %dma_wait3A_492 = arith.constant 0 : i32
      %dma_wait3A_493 = tpu.memref_slice %arg9[%dma_wait3A_491, %dma_wait3A_492] : memref<102400x16xf32, #tpu.memory_space<vmem_shared>> -> memref<102400x16xf32, #tpu.memory_space<vmem_shared>>
      tpu.wait_indirect_dma semaphore(%arg12 : memref<!tpu.dma_semaphore, #tpu.memory_space<semaphore_mem>>) src(%dma_wait3A_487 : memref<128x16xf32, #tpu.memory_space<vmem>>) dst(%dma_wait3A_493 : memref<102400x16xf32, #tpu.memory_space<vmem_shared>>)
      %dma_wait3A_494 = arith.constant 0 : i32
      %dma_wait3A_495 = arith.constant 3 : i32
      %dma_wait3A_496 = arith.constant 0 : i32
      %dma_wait3A_497 = arith.constant 3 : i32
      %dma_wait3A_498 = arith.constant 0 : i32
      %dma_wait3A_499 = arith.constant 0 : i32
      %dma_wait3A_500 = tpu.memref_slice %arg8[%dma_wait3A_494, %dma_wait3A_495, %dma_wait3A_498, %dma_wait3A_499] : memref<2x5x128x16xf32, #tpu.memory_space<vmem>> -> memref<1x1x128x16xf32, #tpu.memory_space<vmem>>
      %dma_wait3A_501 = tpu.memref_squeeze %dma_wait3A_500 : memref<1x1x128x16xf32, #tpu.memory_space<vmem>> -> memref<128x16xf32, #tpu.memory_space<vmem>>
      %dma_wait3A_502 = arith.constant 0 : i32
      %dma_wait3A_503 = tpu.memref_slice %arg7[%dma_wait3A_496, %dma_wait3A_497, %dma_wait3A_502] : memref<2x5x128xi32, #tpu.memory_space<vmem>> -> memref<1x1x128xi32, #tpu.memory_space<vmem>>
      %dma_wait3A_504 = tpu.memref_squeeze %dma_wait3A_503 : memref<1x1x128xi32, #tpu.memory_space<vmem>> -> memref<128xi32, #tpu.memory_space<vmem>>
      %dma_wait3A_505 = arith.constant 0 : i32
      %dma_wait3A_506 = arith.constant 0 : i32
      %dma_wait3A_507 = tpu.memref_slice %arg9[%dma_wait3A_505, %dma_wait3A_506] : memref<102400x16xf32, #tpu.memory_space<vmem_shared>> -> memref<102400x16xf32, #tpu.memory_space<vmem_shared>>
      tpu.wait_indirect_dma semaphore(%arg12 : memref<!tpu.dma_semaphore, #tpu.memory_space<semaphore_mem>>) src(%dma_wait3A_501 : memref<128x16xf32, #tpu.memory_space<vmem>>) dst(%dma_wait3A_507 : memref<102400x16xf32, #tpu.memory_space<vmem_shared>>)
      %dma_wait3A_508 = arith.constant 0 : i32
      %dma_wait3A_509 = arith.constant 4 : i32
      %dma_wait3A_510 = arith.constant 0 : i32
      %dma_wait3A_511 = arith.constant 4 : i32
      %dma_wait3A_512 = arith.constant 0 : i32
      %dma_wait3A_513 = arith.constant 0 : i32
      %dma_wait3A_514 = tpu.memref_slice %arg8[%dma_wait3A_508, %dma_wait3A_509, %dma_wait3A_512, %dma_wait3A_513] : memref<2x5x128x16xf32, #tpu.memory_space<vmem>> -> memref<1x1x128x16xf32, #tpu.memory_space<vmem>>
      %dma_wait3A_515 = tpu.memref_squeeze %dma_wait3A_514 : memref<1x1x128x16xf32, #tpu.memory_space<vmem>> -> memref<128x16xf32, #tpu.memory_space<vmem>>
      %dma_wait3A_516 = arith.constant 0 : i32
      %dma_wait3A_517 = tpu.memref_slice %arg7[%dma_wait3A_510, %dma_wait3A_511, %dma_wait3A_516] : memref<2x5x128xi32, #tpu.memory_space<vmem>> -> memref<1x1x128xi32, #tpu.memory_space<vmem>>
      %dma_wait3A_518 = tpu.memref_squeeze %dma_wait3A_517 : memref<1x1x128xi32, #tpu.memory_space<vmem>> -> memref<128xi32, #tpu.memory_space<vmem>>
      %dma_wait3A_519 = arith.constant 0 : i32
      %dma_wait3A_520 = arith.constant 0 : i32
      %dma_wait3A_521 = tpu.memref_slice %arg9[%dma_wait3A_519, %dma_wait3A_520] : memref<102400x16xf32, #tpu.memory_space<vmem_shared>> -> memref<102400x16xf32, #tpu.memory_space<vmem_shared>>
      tpu.wait_indirect_dma semaphore(%arg12 : memref<!tpu.dma_semaphore, #tpu.memory_space<semaphore_mem>>) src(%dma_wait3A_515 : memref<128x16xf32, #tpu.memory_space<vmem>>) dst(%dma_wait3A_521 : memref<102400x16xf32, #tpu.memory_space<vmem_shared>>)
      %dma_wait3A_522 = arith.constant 1 : i32
      %dma_wait3A_523 = arith.constant 0 : i32
      %dma_wait3A_524 = arith.constant 1 : i32
      %dma_wait3A_525 = arith.constant 0 : i32
      %dma_wait3A_526 = arith.constant 0 : i32
      %dma_wait3A_527 = arith.constant 0 : i32
      %dma_wait3A_528 = tpu.memref_slice %arg8[%dma_wait3A_522, %dma_wait3A_523, %dma_wait3A_526, %dma_wait3A_527] : memref<2x5x128x16xf32, #tpu.memory_space<vmem>> -> memref<1x1x128x16xf32, #tpu.memory_space<vmem>>
      %dma_wait3A_529 = tpu.memref_squeeze %dma_wait3A_528 : memref<1x1x128x16xf32, #tpu.memory_space<vmem>> -> memref<128x16xf32, #tpu.memory_space<vmem>>
      %dma_wait3A_530 = arith.constant 0 : i32
      %dma_wait3A_531 = tpu.memref_slice %arg7[%dma_wait3A_524, %dma_wait3A_525, %dma_wait3A_530] : memref<2x5x128xi32, #tpu.memory_space<vmem>> -> memref<1x1x128xi32, #tpu.memory_space<vmem>>
      %dma_wait3A_532 = tpu.memref_squeeze %dma_wait3A_531 : memref<1x1x128xi32, #tpu.memory_space<vmem>> -> memref<128xi32, #tpu.memory_space<vmem>>
      %dma_wait3A_533 = arith.constant 0 : i32
      %dma_wait3A_534 = arith.constant 0 : i32
      %dma_wait3A_535 = tpu.memref_slice %arg9[%dma_wait3A_533, %dma_wait3A_534] : memref<102400x16xf32, #tpu.memory_space<vmem_shared>> -> memref<102400x16xf32, #tpu.memory_space<vmem_shared>>
      tpu.wait_indirect_dma semaphore(%arg12 : memref<!tpu.dma_semaphore, #tpu.memory_space<semaphore_mem>>) src(%dma_wait3A_529 : memref<128x16xf32, #tpu.memory_space<vmem>>) dst(%dma_wait3A_535 : memref<102400x16xf32, #tpu.memory_space<vmem_shared>>)
      %dma_wait3A_536 = arith.constant 1 : i32
      %dma_wait3A_537 = arith.constant 1 : i32
      %dma_wait3A_538 = arith.constant 1 : i32
      %dma_wait3A_539 = arith.constant 1 : i32
      %dma_wait3A_540 = arith.constant 0 : i32
      %dma_wait3A_541 = arith.constant 0 : i32
      %dma_wait3A_542 = tpu.memref_slice %arg8[%dma_wait3A_536, %dma_wait3A_537, %dma_wait3A_540, %dma_wait3A_541] : memref<2x5x128x16xf32, #tpu.memory_space<vmem>> -> memref<1x1x128x16xf32, #tpu.memory_space<vmem>>
      %dma_wait3A_543 = tpu.memref_squeeze %dma_wait3A_542 : memref<1x1x128x16xf32, #tpu.memory_space<vmem>> -> memref<128x16xf32, #tpu.memory_space<vmem>>
      %dma_wait3A_544 = arith.constant 0 : i32
      %dma_wait3A_545 = tpu.memref_slice %arg7[%dma_wait3A_538, %dma_wait3A_539, %dma_wait3A_544] : memref<2x5x128xi32, #tpu.memory_space<vmem>> -> memref<1x1x128xi32, #tpu.memory_space<vmem>>
      %dma_wait3A_546 = tpu.memref_squeeze %dma_wait3A_545 : memref<1x1x128xi32, #tpu.memory_space<vmem>> -> memref<128xi32, #tpu.memory_space<vmem>>
      %dma_wait3A_547 = arith.constant 0 : i32
      %dma_wait3A_548 = arith.constant 0 : i32
      %dma_wait3A_549 = tpu.memref_slice %arg9[%dma_wait3A_547, %dma_wait3A_548] : memref<102400x16xf32, #tpu.memory_space<vmem_shared>> -> memref<102400x16xf32, #tpu.memory_space<vmem_shared>>
      tpu.wait_indirect_dma semaphore(%arg12 : memref<!tpu.dma_semaphore, #tpu.memory_space<semaphore_mem>>) src(%dma_wait3A_543 : memref<128x16xf32, #tpu.memory_space<vmem>>) dst(%dma_wait3A_549 : memref<102400x16xf32, #tpu.memory_space<vmem_shared>>)
      %dma_wait3A_550 = arith.constant 1 : i32
      %dma_wait3A_551 = arith.constant 2 : i32
      %dma_wait3A_552 = arith.constant 1 : i32
      %dma_wait3A_553 = arith.constant 2 : i32
      %dma_wait3A_554 = arith.constant 0 : i32
      %dma_wait3A_555 = arith.constant 0 : i32
      %dma_wait3A_556 = tpu.memref_slice %arg8[%dma_wait3A_550, %dma_wait3A_551, %dma_wait3A_554, %dma_wait3A_555] : memref<2x5x128x16xf32, #tpu.memory_space<vmem>> -> memref<1x1x128x16xf32, #tpu.memory_space<vmem>>
      %dma_wait3A_557 = tpu.memref_squeeze %dma_wait3A_556 : memref<1x1x128x16xf32, #tpu.memory_space<vmem>> -> memref<128x16xf32, #tpu.memory_space<vmem>>
      %dma_wait3A_558 = arith.constant 0 : i32
      %dma_wait3A_559 = tpu.memref_slice %arg7[%dma_wait3A_552, %dma_wait3A_553, %dma_wait3A_558] : memref<2x5x128xi32, #tpu.memory_space<vmem>> -> memref<1x1x128xi32, #tpu.memory_space<vmem>>
      %dma_wait3A_560 = tpu.memref_squeeze %dma_wait3A_559 : memref<1x1x128xi32, #tpu.memory_space<vmem>> -> memref<128xi32, #tpu.memory_space<vmem>>
      %dma_wait3A_561 = arith.constant 0 : i32
      %dma_wait3A_562 = arith.constant 0 : i32
      %dma_wait3A_563 = tpu.memref_slice %arg9[%dma_wait3A_561, %dma_wait3A_562] : memref<102400x16xf32, #tpu.memory_space<vmem_shared>> -> memref<102400x16xf32, #tpu.memory_space<vmem_shared>>
      tpu.wait_indirect_dma semaphore(%arg12 : memref<!tpu.dma_semaphore, #tpu.memory_space<semaphore_mem>>) src(%dma_wait3A_557 : memref<128x16xf32, #tpu.memory_space<vmem>>) dst(%dma_wait3A_563 : memref<102400x16xf32, #tpu.memory_space<vmem_shared>>)
      %dma_wait3A_564 = arith.constant 1 : i32
      %dma_wait3A_565 = arith.constant 3 : i32
      %dma_wait3A_566 = arith.constant 1 : i32
      %dma_wait3A_567 = arith.constant 3 : i32
      %dma_wait3A_568 = arith.constant 0 : i32
      %dma_wait3A_569 = arith.constant 0 : i32
      %dma_wait3A_570 = tpu.memref_slice %arg8[%dma_wait3A_564, %dma_wait3A_565, %dma_wait3A_568, %dma_wait3A_569] : memref<2x5x128x16xf32, #tpu.memory_space<vmem>> -> memref<1x1x128x16xf32, #tpu.memory_space<vmem>>
      %dma_wait3A_571 = tpu.memref_squeeze %dma_wait3A_570 : memref<1x1x128x16xf32, #tpu.memory_space<vmem>> -> memref<128x16xf32, #tpu.memory_space<vmem>>
      %dma_wait3A_572 = arith.constant 0 : i32
      %dma_wait3A_573 = tpu.memref_slice %arg7[%dma_wait3A_566, %dma_wait3A_567, %dma_wait3A_572] : memref<2x5x128xi32, #tpu.memory_space<vmem>> -> memref<1x1x128xi32, #tpu.memory_space<vmem>>
      %dma_wait3A_574 = tpu.memref_squeeze %dma_wait3A_573 : memref<1x1x128xi32, #tpu.memory_space<vmem>> -> memref<128xi32, #tpu.memory_space<vmem>>
      %dma_wait3A_575 = arith.constant 0 : i32
      %dma_wait3A_576 = arith.constant 0 : i32
      %dma_wait3A_577 = tpu.memref_slice %arg9[%dma_wait3A_575, %dma_wait3A_576] : memref<102400x16xf32, #tpu.memory_space<vmem_shared>> -> memref<102400x16xf32, #tpu.memory_space<vmem_shared>>
      tpu.wait_indirect_dma semaphore(%arg12 : memref<!tpu.dma_semaphore, #tpu.memory_space<semaphore_mem>>) src(%dma_wait3A_571 : memref<128x16xf32, #tpu.memory_space<vmem>>) dst(%dma_wait3A_577 : memref<102400x16xf32, #tpu.memory_space<vmem_shared>>)
      %dma_wait3A_578 = arith.constant 1 : i32
      %dma_wait3A_579 = arith.constant 4 : i32
      %dma_wait3A_580 = arith.constant 1 : i32
      %dma_wait3A_581 = arith.constant 4 : i32
      %dma_wait3A_582 = arith.constant 0 : i32
      %dma_wait3A_583 = arith.constant 0 : i32
      %dma_wait3A_584 = tpu.memref_slice %arg8[%dma_wait3A_578, %dma_wait3A_579, %dma_wait3A_582, %dma_wait3A_583] : memref<2x5x128x16xf32, #tpu.memory_space<vmem>> -> memref<1x1x128x16xf32, #tpu.memory_space<vmem>>
      %dma_wait3A_585 = tpu.memref_squeeze %dma_wait3A_584 : memref<1x1x128x16xf32, #tpu.memory_space<vmem>> -> memref<128x16xf32, #tpu.memory_space<vmem>>
      %dma_wait3A_586 = arith.constant 0 : i32
      %dma_wait3A_587 = tpu.memref_slice %arg7[%dma_wait3A_580, %dma_wait3A_581, %dma_wait3A_586] : memref<2x5x128xi32, #tpu.memory_space<vmem>> -> memref<1x1x128xi32, #tpu.memory_space<vmem>>
      %dma_wait3A_588 = tpu.memref_squeeze %dma_wait3A_587 : memref<1x1x128xi32, #tpu.memory_space<vmem>> -> memref<128xi32, #tpu.memory_space<vmem>>
      %dma_wait3A_589 = arith.constant 0 : i32
      %dma_wait3A_590 = arith.constant 0 : i32
      %dma_wait3A_591 = tpu.memref_slice %arg9[%dma_wait3A_589, %dma_wait3A_590] : memref<102400x16xf32, #tpu.memory_space<vmem_shared>> -> memref<102400x16xf32, #tpu.memory_space<vmem_shared>>
      tpu.wait_indirect_dma semaphore(%arg12 : memref<!tpu.dma_semaphore, #tpu.memory_space<semaphore_mem>>) src(%dma_wait3A_585 : memref<128x16xf32, #tpu.memory_space<vmem>>) dst(%dma_wait3A_591 : memref<102400x16xf32, #tpu.memory_space<vmem_shared>>)
    }
    %scan3A_10 = arith.constant 80 : i32
    %barrier3A_11 = arith.constant 0 : index
    tpu.barrier barrier_id(%barrier3A_11)
    %mul3A_12 = arith.constant 6256 : i32
    %mul3A_13 = arith.muli %arg1, %mul3A_12 : i32
    %min3A_14 = arith.constant 93744 : i32
    %min3A_15 = arith.minsi %mul3A_13, %min3A_14 : i32
    "tpu.region"() ({
      %run_scoped3A = tpu.sem_alloc : memref<!tpu.dma_semaphore, #tpu.memory_space<semaphore_mem>>
      %dma_start3A = arith.constant 0 : i32
      %dma_start3A_16 = tpu.memref_slice %arg5[%arg0, %min3A_15, %dma_start3A] : memref<2x100000x16xf32, #tpu.memory_space<hbm>> -> memref<1x6256x16xf32, #tpu.memory_space<hbm>>
      %dma_start3A_17 = tpu.memref_squeeze %dma_start3A_16 : memref<1x6256x16xf32, #tpu.memory_space<hbm>> -> memref<6256x16xf32, #tpu.memory_space<hbm>>
      %dma_start3A_18 = arith.constant 0 : i32
      %dma_start3A_19 = tpu.memref_slice %arg9[%min3A_15, %dma_start3A_18] : memref<102400x16xf32, #tpu.memory_space<vmem_shared>> -> memref<6256x16xf32, #tpu.memory_space<vmem_shared>>
      tpu.enqueue_dma source(%dma_start3A_19 : memref<6256x16xf32, #tpu.memory_space<vmem_shared>>) target(%dma_start3A_17 : memref<6256x16xf32, #tpu.memory_space<hbm>>) target_semaphore(%run_scoped3A : memref<!tpu.dma_semaphore, #tpu.memory_space<semaphore_mem>>)
      %dma_wait3A = arith.constant 0 : i32
      %dma_wait3A_20 = tpu.memref_slice %arg5[%arg0, %min3A_15, %dma_wait3A] : memref<2x100000x16xf32, #tpu.memory_space<hbm>> -> memref<1x6256x16xf32, #tpu.memory_space<hbm>>
      %dma_wait3A_21 = tpu.memref_squeeze %dma_wait3A_20 : memref<1x6256x16xf32, #tpu.memory_space<hbm>> -> memref<6256x16xf32, #tpu.memory_space<hbm>>
      %dma_wait3A_22 = arith.constant 0 : i32
      %dma_wait3A_23 = tpu.memref_slice %arg9[%min3A_15, %dma_wait3A_22] : memref<102400x16xf32, #tpu.memory_space<vmem_shared>> -> memref<6256x16xf32, #tpu.memory_space<vmem_shared>>
      tpu.wait_dma2 semaphore(%run_scoped3A : memref<!tpu.dma_semaphore, #tpu.memory_space<semaphore_mem>>) src(%dma_wait3A_23 : memref<6256x16xf32, #tpu.memory_space<vmem_shared>>) dst(%dma_wait3A_21 : memref<6256x16xf32, #tpu.memory_space<hbm>>)
      tpu.yield
    }) : () -> ()
    return
  }
}

#map = affine_map<(d0, d1) -> (0, 0)>
#map1 = affine_map<(d0, d1) -> (0, 0, 0)>
module attributes {stable_mosaic.version = 14 : i64} {
  func.func @_gather_scatter_body(%arg0: i32, %arg1: i32, %arg2: memref<200000x16xf32, #tpu.memory_space<hbm>>, %arg3: memref<2x12800x128xi32, #tpu.memory_space<hbm>>, %arg4: memref<12800x128xi32, #tpu.memory_space<hbm>>, %arg5: memref<2x100000x16xf32, #tpu.memory_space<hbm>>, %arg6: memref<2x5x128xi32, #tpu.memory_space<vmem>>, %arg7: memref<2x5x128xi32, #tpu.memory_space<vmem>>, %arg8: memref<2x5x128x16xf32, #tpu.memory_space<vmem>>, %arg9: memref<102400x16xf32, #tpu.memory_space<vmem_shared>>, %arg10: memref<!tpu.dma_semaphore, #tpu.memory_space<semaphore_mem>>, %arg11: memref<!tpu.dma_semaphore, #tpu.memory_space<semaphore_mem>>, %arg12: memref<!tpu.dma_semaphore, #tpu.memory_space<semaphore_mem>>) attributes {dimension_semantics = [#tpu.dimension_semantics<core_parallel>, #tpu.dimension_semantics<subcore_parallel>], iteration_bounds = array<i64: 2, 16>, scalar_prefetch = 0 : i64, scratch_operands = 7 : i64, tpu.core_type = #tpu.core_type<sc_vector_subcore>, window_params = [{transform_indices = #map}, {transform_indices = #map1}, {transform_indices = #map}, {transform_indices = #map1}]} {
    %mul3A = arith.constant 6256 : i32
    %mul3A_0 = arith.muli %arg1, %mul3A : i32
    %min3A = arith.constant 93744 : i32
    %min3A_1 = arith.minsi %mul3A_0, %min3A : i32
    %mul3A_2 = arith.constant 100000 : i32
    %mul3A_3 = arith.muli %arg0, %mul3A_2 : i32
    %add3A = arith.addi %mul3A_3, %min3A_1 : i32
    "tpu.region"() ({
      %run_scoped3A = tpu.sem_alloc : memref<!tpu.dma_semaphore, #tpu.memory_space<semaphore_mem>>
      %dma_start3A = arith.constant 0 : i32
      %dma_start3A_16 = tpu.memref_slice %arg9[%min3A_1, %dma_start3A] : memref<102400x16xf32, #tpu.memory_space<vmem_shared>> -> memref<6256x16xf32, #tpu.memory_space<vmem_shared>>
      %dma_start3A_17 = arith.constant 0 : i32
      %dma_start3A_18 = tpu.memref_slice %arg2[%add3A, %dma_start3A_17] : memref<200000x16xf32, #tpu.memory_space<hbm>> -> memref<6256x16xf32, #tpu.memory_space<hbm>>
      tpu.enqueue_dma source(%dma_start3A_18 : memref<6256x16xf32, #tpu.memory_space<hbm>>) target(%dma_start3A_16 : memref<6256x16xf32, #tpu.memory_space<vmem_shared>>) target_semaphore(%run_scoped3A : memref<!tpu.dma_semaphore, #tpu.memory_space<semaphore_mem>>)
      %dma_wait3A = arith.constant 0 : i32
      %dma_wait3A_19 = tpu.memref_slice %arg9[%min3A_1, %dma_wait3A] : memref<102400x16xf32, #tpu.memory_space<vmem_shared>> -> memref<6256x16xf32, #tpu.memory_space<vmem_shared>>
      %dma_wait3A_20 = arith.constant 0 : i32
      %dma_wait3A_21 = tpu.memref_slice %arg2[%add3A, %dma_wait3A_20] : memref<200000x16xf32, #tpu.memory_space<hbm>> -> memref<6256x16xf32, #tpu.memory_space<hbm>>
      tpu.wait_dma2 semaphore(%run_scoped3A : memref<!tpu.dma_semaphore, #tpu.memory_space<semaphore_mem>>) src(%dma_wait3A_21 : memref<6256x16xf32, #tpu.memory_space<hbm>>) dst(%dma_wait3A_19 : memref<6256x16xf32, #tpu.memory_space<vmem_shared>>)
      tpu.yield
    }) : () -> ()
    %barrier3A = arith.constant 0 : index
    tpu.barrier barrier_id(%barrier3A)
    %mul3A_4 = arith.constant 800 : i32
    %mul3A_5 = arith.muli %arg1, %mul3A_4 : i32
    %scan3A = arith.constant 0 : i32
    %scan3A_6 = arith.constant 0 : i32
    %scan3A_7 = arith.constant 80 : i32
    %scan3A_8 = arith.addi %scan3A_6, %scan3A_7 : i32
    %scan3A_9 = arith.constant 1 : i32
    scf.for %scan3A_16 = %scan3A_6 to %scan3A_8 step %scan3A_9  : i32 {
      %mul3A_17 = arith.constant 2 : i32
      %mul3A_18 = arith.muli %mul3A_17, %scan3A_16 : i32
      %add3A_19 = arith.constant 0 : i32
      %add3A_20 = arith.addi %mul3A_18, %add3A_19 : i32
      %mul3A_21 = arith.constant 5 : i32
      %mul3A_22 = arith.muli %add3A_20, %mul3A_21 : i32
      %add3A_23 = arith.addi %mul3A_5, %mul3A_22 : i32
      %run_scoped3A = arith.constant 0 : i32
      "tpu.region"() ({
        %run_scoped3A_592 = tpu.sem_alloc : memref<!tpu.dma_semaphore, #tpu.memory_space<semaphore_mem>>
        %dma_start3A_593 = arith.constant 0 : i32
        %dma_start3A_594 = arith.constant 0 : i32
        %dma_start3A_595 = tpu.memref_slice %arg6[%run_scoped3A, %dma_start3A_593, %dma_start3A_594] : memref<2x5x128xi32, #tpu.memory_space<vmem>> -> memref<1x5x128xi32, #tpu.memory_space<vmem>>
        %dma_start3A_596 = tpu.memref_squeeze %dma_start3A_595 : memref<1x5x128xi32, #tpu.memory_space<vmem>> -> memref<5x128xi32, #tpu.memory_space<vmem>>
        %dma_start3A_597 = arith.constant 0 : i32
        %dma_start3A_598 = tpu.memref_slice %arg3[%arg0, %add3A_23, %dma_start3A_597] : memref<2x12800x128xi32, #tpu.memory_space<hbm>> -> memref<1x5x128xi32, #tpu.memory_space<hbm>>
        %dma_start3A_599 = tpu.memref_squeeze %dma_start3A_598 : memref<1x5x128xi32, #tpu.memory_space<hbm>> -> memref<5x128xi32, #tpu.memory_space<hbm>>
        %dma_start3A_600 = arith.constant 0 : i32
        %dma_start3A_601 = arith.constant 0 : i32
        %dma_start3A_602 = tpu.memref_slice %arg6[%run_scoped3A, %dma_start3A_600, %dma_start3A_601] : memref<2x5x128xi32, #tpu.memory_space<vmem>> -> memref<1x5x128xi32, #tpu.memory_space<vmem>>
        %dma_start3A_603 = tpu.memref_squeeze %dma_start3A_602 : memref<1x5x128xi32, #tpu.memory_space<vmem>> -> memref<5x128xi32, #tpu.memory_space<vmem>>
        %dma_start3A_604 = arith.constant 0 : i32
        %dma_start3A_605 = tpu.memref_slice %arg3[%arg0, %add3A_23, %dma_start3A_604] : memref<2x12800x128xi32, #tpu.memory_space<hbm>> -> memref<1x5x128xi32, #tpu.memory_space<hbm>>
        %dma_start3A_606 = tpu.memref_squeeze %dma_start3A_605 : memref<1x5x128xi32, #tpu.memory_space<hbm>> -> memref<5x128xi32, #tpu.memory_space<hbm>>
        tpu.enqueue_dma source(%dma_start3A_606 : memref<5x128xi32, #tpu.memory_space<hbm>>) target(%dma_start3A_603 : memref<5x128xi32, #tpu.memory_space<vmem>>) target_semaphore(%run_scoped3A_592 : memref<!tpu.dma_semaphore, #tpu.memory_space<semaphore_mem>>)
        %dma_wait3A_607 = arith.constant 0 : i32
        %dma_wait3A_608 = arith.constant 0 : i32
        %dma_wait3A_609 = tpu.memref_slice %arg6[%run_scoped3A, %dma_wait3A_607, %dma_wait3A_608] : memref<2x5x128xi32, #tpu.memory_space<vmem>> -> memref<1x5x128xi32, #tpu.memory_space<vmem>>
        %dma_wait3A_610 = tpu.memref_squeeze %dma_wait3A_609 : memref<1x5x128xi32, #tpu.memory_space<vmem>> -> memref<5x128xi32, #tpu.memory_space<vmem>>
        %dma_wait3A_611 = arith.constant 0 : i32
        %dma_wait3A_612 = tpu.memref_slice %arg3[%arg0, %add3A_23, %dma_wait3A_611] : memref<2x12800x128xi32, #tpu.memory_space<hbm>> -> memref<1x5x128xi32, #tpu.memory_space<hbm>>
        %dma_wait3A_613 = tpu.memref_squeeze %dma_wait3A_612 : memref<1x5x128xi32, #tpu.memory_space<hbm>> -> memref<5x128xi32, #tpu.memory_space<hbm>>
        %dma_wait3A_614 = arith.constant 0 : i32
        %dma_wait3A_615 = arith.constant 0 : i32
        %dma_wait3A_616 = tpu.memref_slice %arg6[%run_scoped3A, %dma_wait3A_614, %dma_wait3A_615] : memref<2x5x128xi32, #tpu.memory_space<vmem>> -> memref<1x5x128xi32, #tpu.memory_space<vmem>>
        %dma_wait3A_617 = tpu.memref_squeeze %dma_wait3A_616 : memref<1x5x128xi32, #tpu.memory_space<vmem>> -> memref<5x128xi32, #tpu.memory_space<vmem>>
        %dma_wait3A_618 = arith.constant 0 : i32
        %dma_wait3A_619 = tpu.memref_slice %arg3[%arg0, %add3A_23, %dma_wait3A_618] : memref<2x12800x128xi32, #tpu.memory_space<hbm>> -> memref<1x5x128xi32, #tpu.memory_space<hbm>>
        %dma_wait3A_620 = tpu.memref_squeeze %dma_wait3A_619 : memref<1x5x128xi32, #tpu.memory_space<hbm>> -> memref<5x128xi32, #tpu.memory_space<hbm>>
        tpu.wait_dma2 semaphore(%run_scoped3A_592 : memref<!tpu.dma_semaphore, #tpu.memory_space<semaphore_mem>>) src(%dma_wait3A_620 : memref<5x128xi32, #tpu.memory_space<hbm>>) dst(%dma_wait3A_617 : memref<5x128xi32, #tpu.memory_space<vmem>>)
        tpu.yield
      }) : () -> ()
      %run_scoped3A_24 = arith.constant 0 : i32
      "tpu.region"() ({
        %run_scoped3A_592 = tpu.sem_alloc : memref<!tpu.dma_semaphore, #tpu.memory_space<semaphore_mem>>
        %dma_start3A_593 = arith.constant 0 : i32
        %dma_start3A_594 = arith.constant 0 : i32
        %dma_start3A_595 = tpu.memref_slice %arg7[%run_scoped3A_24, %dma_start3A_593, %dma_start3A_594] : memref<2x5x128xi32, #tpu.memory_space<vmem>> -> memref<1x5x128xi32, #tpu.memory_space<vmem>>
        %dma_start3A_596 = tpu.memref_squeeze %dma_start3A_595 : memref<1x5x128xi32, #tpu.memory_space<vmem>> -> memref<5x128xi32, #tpu.memory_space<vmem>>
        %dma_start3A_597 = arith.constant 0 : i32
        %dma_start3A_598 = tpu.memref_slice %arg4[%add3A_23, %dma_start3A_597] : memref<12800x128xi32, #tpu.memory_space<hbm>> -> memref<5x128xi32, #tpu.memory_space<hbm>>
        %dma_start3A_599 = arith.constant 0 : i32
        %dma_start3A_600 = arith.constant 0 : i32
        %dma_start3A_601 = tpu.memref_slice %arg7[%run_scoped3A_24, %dma_start3A_599, %dma_start3A_600] : memref<2x5x128xi32, #tpu.memory_space<vmem>> -> memref<1x5x128xi32, #tpu.memory_space<vmem>>
        %dma_start3A_602 = tpu.memref_squeeze %dma_start3A_601 : memref<1x5x128xi32, #tpu.memory_space<vmem>> -> memref<5x128xi32, #tpu.memory_space<vmem>>
        %dma_start3A_603 = arith.constant 0 : i32
        %dma_start3A_604 = tpu.memref_slice %arg4[%add3A_23, %dma_start3A_603] : memref<12800x128xi32, #tpu.memory_space<hbm>> -> memref<5x128xi32, #tpu.memory_space<hbm>>
        tpu.enqueue_dma source(%dma_start3A_604 : memref<5x128xi32, #tpu.memory_space<hbm>>) target(%dma_start3A_602 : memref<5x128xi32, #tpu.memory_space<vmem>>) target_semaphore(%run_scoped3A_592 : memref<!tpu.dma_semaphore, #tpu.memory_space<semaphore_mem>>)
        %dma_wait3A_605 = arith.constant 0 : i32
        %dma_wait3A_606 = arith.constant 0 : i32
        %dma_wait3A_607 = tpu.memref_slice %arg7[%run_scoped3A_24, %dma_wait3A_605, %dma_wait3A_606] : memref<2x5x128xi32, #tpu.memory_space<vmem>> -> memref<1x5x128xi32, #tpu.memory_space<vmem>>
        %dma_wait3A_608 = tpu.memref_squeeze %dma_wait3A_607 : memref<1x5x128xi32, #tpu.memory_space<vmem>> -> memref<5x128xi32, #tpu.memory_space<vmem>>
        %dma_wait3A_609 = arith.constant 0 : i32
        %dma_wait3A_610 = tpu.memref_slice %arg4[%add3A_23, %dma_wait3A_609] : memref<12800x128xi32, #tpu.memory_space<hbm>> -> memref<5x128xi32, #tpu.memory_space<hbm>>
        %dma_wait3A_611 = arith.constant 0 : i32
        %dma_wait3A_612 = arith.constant 0 : i32
        %dma_wait3A_613 = tpu.memref_slice %arg7[%run_scoped3A_24, %dma_wait3A_611, %dma_wait3A_612] : memref<2x5x128xi32, #tpu.memory_space<vmem>> -> memref<1x5x128xi32, #tpu.memory_space<vmem>>
        %dma_wait3A_614 = tpu.memref_squeeze %dma_wait3A_613 : memref<1x5x128xi32, #tpu.memory_space<vmem>> -> memref<5x128xi32, #tpu.memory_space<vmem>>
        %dma_wait3A_615 = arith.constant 0 : i32
        %dma_wait3A_616 = tpu.memref_slice %arg4[%add3A_23, %dma_wait3A_615] : memref<12800x128xi32, #tpu.memory_space<hbm>> -> memref<5x128xi32, #tpu.memory_space<hbm>>
        tpu.wait_dma2 semaphore(%run_scoped3A_592 : memref<!tpu.dma_semaphore, #tpu.memory_space<semaphore_mem>>) src(%dma_wait3A_616 : memref<5x128xi32, #tpu.memory_space<hbm>>) dst(%dma_wait3A_614 : memref<5x128xi32, #tpu.memory_space<vmem>>)
        tpu.yield
      }) : () -> ()
      %dma_start3A = arith.constant 0 : i32
      %dma_start3A_25 = arith.constant 0 : i32
      %dma_start3A_26 = arith.constant 0 : i32
      %dma_start3A_27 = arith.constant 0 : i32
      %dma_start3A_28 = arith.constant 0 : i32
      %dma_start3A_29 = arith.constant 0 : i32
      %dma_start3A_30 = tpu.memref_slice %arg8[%dma_start3A_26, %dma_start3A_27, %dma_start3A_28, %dma_start3A_29] : memref<2x5x128x16xf32, #tpu.memory_space<vmem>> -> memref<1x1x128x16xf32, #tpu.memory_space<vmem>>
      %dma_start3A_31 = tpu.memref_squeeze %dma_start3A_30 : memref<1x1x128x16xf32, #tpu.memory_space<vmem>> -> memref<128x16xf32, #tpu.memory_space<vmem>>
      %dma_start3A_32 = arith.constant 0 : i32
      %dma_start3A_33 = tpu.memref_slice %arg6[%dma_start3A, %dma_start3A_25, %dma_start3A_32] : memref<2x5x128xi32, #tpu.memory_space<vmem>> -> memref<1x1x128xi32, #tpu.memory_space<vmem>>
      %dma_start3A_34 = tpu.memref_squeeze %dma_start3A_33 : memref<1x1x128xi32, #tpu.memory_space<vmem>> -> memref<128xi32, #tpu.memory_space<vmem>>
      %dma_start3A_35 = arith.constant 0 : i32
      %dma_start3A_36 = arith.constant 0 : i32
      %dma_start3A_37 = tpu.memref_slice %arg2[%dma_start3A_35, %dma_start3A_36] : memref<200000x16xf32, #tpu.memory_space<hbm>> -> memref<200000x16xf32, #tpu.memory_space<hbm>>
      tpu.enqueue_indirect_dma source(%dma_start3A_37 : memref<200000x16xf32, #tpu.memory_space<hbm>>) target(%dma_start3A_31 : memref<128x16xf32, #tpu.memory_space<vmem>>) offsets(%dma_start3A_34 : memref<128xi32, #tpu.memory_space<vmem>>) semaphore(%arg10 : memref<!tpu.dma_semaphore, #tpu.memory_space<semaphore_mem>>)
      %dma_start3A_38 = arith.constant 0 : i32
      %dma_start3A_39 = arith.constant 1 : i32
      %dma_start3A_40 = arith.constant 0 : i32
      %dma_start3A_41 = arith.constant 1 : i32
      %dma_start3A_42 = arith.constant 0 : i32
      %dma_start3A_43 = arith.constant 0 : i32
      %dma_start3A_44 = tpu.memref_slice %arg8[%dma_start3A_40, %dma_start3A_41, %dma_start3A_42, %dma_start3A_43] : memref<2x5x128x16xf32, #tpu.memory_space<vmem>> -> memref<1x1x128x16xf32, #tpu.memory_space<vmem>>
      %dma_start3A_45 = tpu.memref_squeeze %dma_start3A_44 : memref<1x1x128x16xf32, #tpu.memory_space<vmem>> -> memref<128x16xf32, #tpu.memory_space<vmem>>
      %dma_start3A_46 = arith.constant 0 : i32
      %dma_start3A_47 = tpu.memref_slice %arg6[%dma_start3A_38, %dma_start3A_39, %dma_start3A_46] : memref<2x5x128xi32, #tpu.memory_space<vmem>> -> memref<1x1x128xi32, #tpu.memory_space<vmem>>
      %dma_start3A_48 = tpu.memref_squeeze %dma_start3A_47 : memref<1x1x128xi32, #tpu.memory_space<vmem>> -> memref<128xi32, #tpu.memory_space<vmem>>
      %dma_start3A_49 = arith.constant 0 : i32
      %dma_start3A_50 = arith.constant 0 : i32
      %dma_start3A_51 = tpu.memref_slice %arg2[%dma_start3A_49, %dma_start3A_50] : memref<200000x16xf32, #tpu.memory_space<hbm>> -> memref<200000x16xf32, #tpu.memory_space<hbm>>
      tpu.enqueue_indirect_dma source(%dma_start3A_51 : memref<200000x16xf32, #tpu.memory_space<hbm>>) target(%dma_start3A_45 : memref<128x16xf32, #tpu.memory_space<vmem>>) offsets(%dma_start3A_48 : memref<128xi32, #tpu.memory_space<vmem>>) semaphore(%arg10 : memref<!tpu.dma_semaphore, #tpu.memory_space<semaphore_mem>>)
      %dma_start3A_52 = arith.constant 0 : i32
      %dma_start3A_53 = arith.constant 2 : i32
      %dma_start3A_54 = arith.constant 0 : i32
      %dma_start3A_55 = arith.constant 2 : i32
      %dma_start3A_56 = arith.constant 0 : i32
      %dma_start3A_57 = arith.constant 0 : i32
      %dma_start3A_58 = tpu.memref_slice %arg8[%dma_start3A_54, %dma_start3A_55, %dma_start3A_56, %dma_start3A_57] : memref<2x5x128x16xf32, #tpu.memory_space<vmem>> -> memref<1x1x128x16xf32, #tpu.memory_space<vmem>>
      %dma_start3A_59 = tpu.memref_squeeze %dma_start3A_58 : memref<1x1x128x16xf32, #tpu.memory_space<vmem>> -> memref<128x16xf32, #tpu.memory_space<vmem>>
      %dma_start3A_60 = arith.constant 0 : i32
      %dma_start3A_61 = tpu.memref_slice %arg6[%dma_start3A_52, %dma_start3A_53, %dma_start3A_60] : memref<2x5x128xi32, #tpu.memory_space<vmem>> -> memref<1x1x128xi32, #tpu.memory_space<vmem>>
      %dma_start3A_62 = tpu.memref_squeeze %dma_start3A_61 : memref<1x1x128xi32, #tpu.memory_space<vmem>> -> memref<128xi32, #tpu.memory_space<vmem>>
      %dma_start3A_63 = arith.constant 0 : i32
      %dma_start3A_64 = arith.constant 0 : i32
      %dma_start3A_65 = tpu.memref_slice %arg2[%dma_start3A_63, %dma_start3A_64] : memref<200000x16xf32, #tpu.memory_space<hbm>> -> memref<200000x16xf32, #tpu.memory_space<hbm>>
      tpu.enqueue_indirect_dma source(%dma_start3A_65 : memref<200000x16xf32, #tpu.memory_space<hbm>>) target(%dma_start3A_59 : memref<128x16xf32, #tpu.memory_space<vmem>>) offsets(%dma_start3A_62 : memref<128xi32, #tpu.memory_space<vmem>>) semaphore(%arg10 : memref<!tpu.dma_semaphore, #tpu.memory_space<semaphore_mem>>)
      %dma_start3A_66 = arith.constant 0 : i32
      %dma_start3A_67 = arith.constant 3 : i32
      %dma_start3A_68 = arith.constant 0 : i32
      %dma_start3A_69 = arith.constant 3 : i32
      %dma_start3A_70 = arith.constant 0 : i32
      %dma_start3A_71 = arith.constant 0 : i32
      %dma_start3A_72 = tpu.memref_slice %arg8[%dma_start3A_68, %dma_start3A_69, %dma_start3A_70, %dma_start3A_71] : memref<2x5x128x16xf32, #tpu.memory_space<vmem>> -> memref<1x1x128x16xf32, #tpu.memory_space<vmem>>
      %dma_start3A_73 = tpu.memref_squeeze %dma_start3A_72 : memref<1x1x128x16xf32, #tpu.memory_space<vmem>> -> memref<128x16xf32, #tpu.memory_space<vmem>>
      %dma_start3A_74 = arith.constant 0 : i32
      %dma_start3A_75 = tpu.memref_slice %arg6[%dma_start3A_66, %dma_start3A_67, %dma_start3A_74] : memref<2x5x128xi32, #tpu.memory_space<vmem>> -> memref<1x1x128xi32, #tpu.memory_space<vmem>>
      %dma_start3A_76 = tpu.memref_squeeze %dma_start3A_75 : memref<1x1x128xi32, #tpu.memory_space<vmem>> -> memref<128xi32, #tpu.memory_space<vmem>>
      %dma_start3A_77 = arith.constant 0 : i32
      %dma_start3A_78 = arith.constant 0 : i32
      %dma_start3A_79 = tpu.memref_slice %arg2[%dma_start3A_77, %dma_start3A_78] : memref<200000x16xf32, #tpu.memory_space<hbm>> -> memref<200000x16xf32, #tpu.memory_space<hbm>>
      tpu.enqueue_indirect_dma source(%dma_start3A_79 : memref<200000x16xf32, #tpu.memory_space<hbm>>) target(%dma_start3A_73 : memref<128x16xf32, #tpu.memory_space<vmem>>) offsets(%dma_start3A_76 : memref<128xi32, #tpu.memory_space<vmem>>) semaphore(%arg10 : memref<!tpu.dma_semaphore, #tpu.memory_space<semaphore_mem>>)
      %dma_start3A_80 = arith.constant 0 : i32
      %dma_start3A_81 = arith.constant 4 : i32
      %dma_start3A_82 = arith.constant 0 : i32
      %dma_start3A_83 = arith.constant 4 : i32
      %dma_start3A_84 = arith.constant 0 : i32
      %dma_start3A_85 = arith.constant 0 : i32
      %dma_start3A_86 = tpu.memref_slice %arg8[%dma_start3A_82, %dma_start3A_83, %dma_start3A_84, %dma_start3A_85] : memref<2x5x128x16xf32, #tpu.memory_space<vmem>> -> memref<1x1x128x16xf32, #tpu.memory_space<vmem>>
      %dma_start3A_87 = tpu.memref_squeeze %dma_start3A_86 : memref<1x1x128x16xf32, #tpu.memory_space<vmem>> -> memref<128x16xf32, #tpu.memory_space<vmem>>
      %dma_start3A_88 = arith.constant 0 : i32
      %dma_start3A_89 = tpu.memref_slice %arg6[%dma_start3A_80, %dma_start3A_81, %dma_start3A_88] : memref<2x5x128xi32, #tpu.memory_space<vmem>> -> memref<1x1x128xi32, #tpu.memory_space<vmem>>
      %dma_start3A_90 = tpu.memref_squeeze %dma_start3A_89 : memref<1x1x128xi32, #tpu.memory_space<vmem>> -> memref<128xi32, #tpu.memory_space<vmem>>
      %dma_start3A_91 = arith.constant 0 : i32
      %dma_start3A_92 = arith.constant 0 : i32
      %dma_start3A_93 = tpu.memref_slice %arg2[%dma_start3A_91, %dma_start3A_92] : memref<200000x16xf32, #tpu.memory_space<hbm>> -> memref<200000x16xf32, #tpu.memory_space<hbm>>
      tpu.enqueue_indirect_dma source(%dma_start3A_93 : memref<200000x16xf32, #tpu.memory_space<hbm>>) target(%dma_start3A_87 : memref<128x16xf32, #tpu.memory_space<vmem>>) offsets(%dma_start3A_90 : memref<128xi32, #tpu.memory_space<vmem>>) semaphore(%arg10 : memref<!tpu.dma_semaphore, #tpu.memory_space<semaphore_mem>>)
      %mul3A_94 = arith.constant 2 : i32
      %mul3A_95 = arith.muli %mul3A_94, %scan3A_16 : i32
      %add3A_96 = arith.constant 1 : i32
      %add3A_97 = arith.addi %mul3A_95, %add3A_96 : i32
      %mul3A_98 = arith.constant 5 : i32
      %mul3A_99 = arith.muli %add3A_97, %mul3A_98 : i32
      %add3A_100 = arith.addi %mul3A_5, %mul3A_99 : i32
      %run_scoped3A_101 = arith.constant 1 : i32
      "tpu.region"() ({
        %run_scoped3A_592 = tpu.sem_alloc : memref<!tpu.dma_semaphore, #tpu.memory_space<semaphore_mem>>
        %dma_start3A_593 = arith.constant 0 : i32
        %dma_start3A_594 = arith.constant 0 : i32
        %dma_start3A_595 = tpu.memref_slice %arg6[%run_scoped3A_101, %dma_start3A_593, %dma_start3A_594] : memref<2x5x128xi32, #tpu.memory_space<vmem>> -> memref<1x5x128xi32, #tpu.memory_space<vmem>>
        %dma_start3A_596 = tpu.memref_squeeze %dma_start3A_595 : memref<1x5x128xi32, #tpu.memory_space<vmem>> -> memref<5x128xi32, #tpu.memory_space<vmem>>
        %dma_start3A_597 = arith.constant 0 : i32
        %dma_start3A_598 = tpu.memref_slice %arg3[%arg0, %add3A_100, %dma_start3A_597] : memref<2x12800x128xi32, #tpu.memory_space<hbm>> -> memref<1x5x128xi32, #tpu.memory_space<hbm>>
        %dma_start3A_599 = tpu.memref_squeeze %dma_start3A_598 : memref<1x5x128xi32, #tpu.memory_space<hbm>> -> memref<5x128xi32, #tpu.memory_space<hbm>>
        %dma_start3A_600 = arith.constant 0 : i32
        %dma_start3A_601 = arith.constant 0 : i32
        %dma_start3A_602 = tpu.memref_slice %arg6[%run_scoped3A_101, %dma_start3A_600, %dma_start3A_601] : memref<2x5x128xi32, #tpu.memory_space<vmem>> -> memref<1x5x128xi32, #tpu.memory_space<vmem>>
        %dma_start3A_603 = tpu.memref_squeeze %dma_start3A_602 : memref<1x5x128xi32, #tpu.memory_space<vmem>> -> memref<5x128xi32, #tpu.memory_space<vmem>>
        %dma_start3A_604 = arith.constant 0 : i32
        %dma_start3A_605 = tpu.memref_slice %arg3[%arg0, %add3A_100, %dma_start3A_604] : memref<2x12800x128xi32, #tpu.memory_space<hbm>> -> memref<1x5x128xi32, #tpu.memory_space<hbm>>
        %dma_start3A_606 = tpu.memref_squeeze %dma_start3A_605 : memref<1x5x128xi32, #tpu.memory_space<hbm>> -> memref<5x128xi32, #tpu.memory_space<hbm>>
        tpu.enqueue_dma source(%dma_start3A_606 : memref<5x128xi32, #tpu.memory_space<hbm>>) target(%dma_start3A_603 : memref<5x128xi32, #tpu.memory_space<vmem>>) target_semaphore(%run_scoped3A_592 : memref<!tpu.dma_semaphore, #tpu.memory_space<semaphore_mem>>)
        %dma_wait3A_607 = arith.constant 0 : i32
        %dma_wait3A_608 = arith.constant 0 : i32
        %dma_wait3A_609 = tpu.memref_slice %arg6[%run_scoped3A_101, %dma_wait3A_607, %dma_wait3A_608] : memref<2x5x128xi32, #tpu.memory_space<vmem>> -> memref<1x5x128xi32, #tpu.memory_space<vmem>>
        %dma_wait3A_610 = tpu.memref_squeeze %dma_wait3A_609 : memref<1x5x128xi32, #tpu.memory_space<vmem>> -> memref<5x128xi32, #tpu.memory_space<vmem>>
        %dma_wait3A_611 = arith.constant 0 : i32
        %dma_wait3A_612 = tpu.memref_slice %arg3[%arg0, %add3A_100, %dma_wait3A_611] : memref<2x12800x128xi32, #tpu.memory_space<hbm>> -> memref<1x5x128xi32, #tpu.memory_space<hbm>>
        %dma_wait3A_613 = tpu.memref_squeeze %dma_wait3A_612 : memref<1x5x128xi32, #tpu.memory_space<hbm>> -> memref<5x128xi32, #tpu.memory_space<hbm>>
        %dma_wait3A_614 = arith.constant 0 : i32
        %dma_wait3A_615 = arith.constant 0 : i32
        %dma_wait3A_616 = tpu.memref_slice %arg6[%run_scoped3A_101, %dma_wait3A_614, %dma_wait3A_615] : memref<2x5x128xi32, #tpu.memory_space<vmem>> -> memref<1x5x128xi32, #tpu.memory_space<vmem>>
        %dma_wait3A_617 = tpu.memref_squeeze %dma_wait3A_616 : memref<1x5x128xi32, #tpu.memory_space<vmem>> -> memref<5x128xi32, #tpu.memory_space<vmem>>
        %dma_wait3A_618 = arith.constant 0 : i32
        %dma_wait3A_619 = tpu.memref_slice %arg3[%arg0, %add3A_100, %dma_wait3A_618] : memref<2x12800x128xi32, #tpu.memory_space<hbm>> -> memref<1x5x128xi32, #tpu.memory_space<hbm>>
        %dma_wait3A_620 = tpu.memref_squeeze %dma_wait3A_619 : memref<1x5x128xi32, #tpu.memory_space<hbm>> -> memref<5x128xi32, #tpu.memory_space<hbm>>
        tpu.wait_dma2 semaphore(%run_scoped3A_592 : memref<!tpu.dma_semaphore, #tpu.memory_space<semaphore_mem>>) src(%dma_wait3A_620 : memref<5x128xi32, #tpu.memory_space<hbm>>) dst(%dma_wait3A_617 : memref<5x128xi32, #tpu.memory_space<vmem>>)
        tpu.yield
      }) : () -> ()
      %run_scoped3A_102 = arith.constant 1 : i32
      "tpu.region"() ({
        %run_scoped3A_592 = tpu.sem_alloc : memref<!tpu.dma_semaphore, #tpu.memory_space<semaphore_mem>>
        %dma_start3A_593 = arith.constant 0 : i32
        %dma_start3A_594 = arith.constant 0 : i32
        %dma_start3A_595 = tpu.memref_slice %arg7[%run_scoped3A_102, %dma_start3A_593, %dma_start3A_594] : memref<2x5x128xi32, #tpu.memory_space<vmem>> -> memref<1x5x128xi32, #tpu.memory_space<vmem>>
        %dma_start3A_596 = tpu.memref_squeeze %dma_start3A_595 : memref<1x5x128xi32, #tpu.memory_space<vmem>> -> memref<5x128xi32, #tpu.memory_space<vmem>>
        %dma_start3A_597 = arith.constant 0 : i32
        %dma_start3A_598 = tpu.memref_slice %arg4[%add3A_100, %dma_start3A_597] : memref<12800x128xi32, #tpu.memory_space<hbm>> -> memref<5x128xi32, #tpu.memory_space<hbm>>
        %dma_start3A_599 = arith.constant 0 : i32
        %dma_start3A_600 = arith.constant 0 : i32
        %dma_start3A_601 = tpu.memref_slice %arg7[%run_scoped3A_102, %dma_start3A_599, %dma_start3A_600] : memref<2x5x128xi32, #tpu.memory_space<vmem>> -> memref<1x5x128xi32, #tpu.memory_space<vmem>>
        %dma_start3A_602 = tpu.memref_squeeze %dma_start3A_601 : memref<1x5x128xi32, #tpu.memory_space<vmem>> -> memref<5x128xi32, #tpu.memory_space<vmem>>
        %dma_start3A_603 = arith.constant 0 : i32
        %dma_start3A_604 = tpu.memref_slice %arg4[%add3A_100, %dma_start3A_603] : memref<12800x128xi32, #tpu.memory_space<hbm>> -> memref<5x128xi32, #tpu.memory_space<hbm>>
        tpu.enqueue_dma source(%dma_start3A_604 : memref<5x128xi32, #tpu.memory_space<hbm>>) target(%dma_start3A_602 : memref<5x128xi32, #tpu.memory_space<vmem>>) target_semaphore(%run_scoped3A_592 : memref<!tpu.dma_semaphore, #tpu.memory_space<semaphore_mem>>)
        %dma_wait3A_605 = arith.constant 0 : i32
        %dma_wait3A_606 = arith.constant 0 : i32
        %dma_wait3A_607 = tpu.memref_slice %arg7[%run_scoped3A_102, %dma_wait3A_605, %dma_wait3A_606] : memref<2x5x128xi32, #tpu.memory_space<vmem>> -> memref<1x5x128xi32, #tpu.memory_space<vmem>>
        %dma_wait3A_608 = tpu.memref_squeeze %dma_wait3A_607 : memref<1x5x128xi32, #tpu.memory_space<vmem>> -> memref<5x128xi32, #tpu.memory_space<vmem>>
        %dma_wait3A_609 = arith.constant 0 : i32
        %dma_wait3A_610 = tpu.memref_slice %arg4[%add3A_100, %dma_wait3A_609] : memref<12800x128xi32, #tpu.memory_space<hbm>> -> memref<5x128xi32, #tpu.memory_space<hbm>>
        %dma_wait3A_611 = arith.constant 0 : i32
        %dma_wait3A_612 = arith.constant 0 : i32
        %dma_wait3A_613 = tpu.memref_slice %arg7[%run_scoped3A_102, %dma_wait3A_611, %dma_wait3A_612] : memref<2x5x128xi32, #tpu.memory_space<vmem>> -> memref<1x5x128xi32, #tpu.memory_space<vmem>>
        %dma_wait3A_614 = tpu.memref_squeeze %dma_wait3A_613 : memref<1x5x128xi32, #tpu.memory_space<vmem>> -> memref<5x128xi32, #tpu.memory_space<vmem>>
        %dma_wait3A_615 = arith.constant 0 : i32
        %dma_wait3A_616 = tpu.memref_slice %arg4[%add3A_100, %dma_wait3A_615] : memref<12800x128xi32, #tpu.memory_space<hbm>> -> memref<5x128xi32, #tpu.memory_space<hbm>>
        tpu.wait_dma2 semaphore(%run_scoped3A_592 : memref<!tpu.dma_semaphore, #tpu.memory_space<semaphore_mem>>) src(%dma_wait3A_616 : memref<5x128xi32, #tpu.memory_space<hbm>>) dst(%dma_wait3A_614 : memref<5x128xi32, #tpu.memory_space<vmem>>)
        tpu.yield
      }) : () -> ()
      %dma_start3A_103 = arith.constant 1 : i32
      %dma_start3A_104 = arith.constant 0 : i32
      %dma_start3A_105 = arith.constant 1 : i32
      %dma_start3A_106 = arith.constant 0 : i32
      %dma_start3A_107 = arith.constant 0 : i32
      %dma_start3A_108 = arith.constant 0 : i32
      %dma_start3A_109 = tpu.memref_slice %arg8[%dma_start3A_105, %dma_start3A_106, %dma_start3A_107, %dma_start3A_108] : memref<2x5x128x16xf32, #tpu.memory_space<vmem>> -> memref<1x1x128x16xf32, #tpu.memory_space<vmem>>
      %dma_start3A_110 = tpu.memref_squeeze %dma_start3A_109 : memref<1x1x128x16xf32, #tpu.memory_space<vmem>> -> memref<128x16xf32, #tpu.memory_space<vmem>>
      %dma_start3A_111 = arith.constant 0 : i32
      %dma_start3A_112 = tpu.memref_slice %arg6[%dma_start3A_103, %dma_start3A_104, %dma_start3A_111] : memref<2x5x128xi32, #tpu.memory_space<vmem>> -> memref<1x1x128xi32, #tpu.memory_space<vmem>>
      %dma_start3A_113 = tpu.memref_squeeze %dma_start3A_112 : memref<1x1x128xi32, #tpu.memory_space<vmem>> -> memref<128xi32, #tpu.memory_space<vmem>>
      %dma_start3A_114 = arith.constant 0 : i32
      %dma_start3A_115 = arith.constant 0 : i32
      %dma_start3A_116 = tpu.memref_slice %arg2[%dma_start3A_114, %dma_start3A_115] : memref<200000x16xf32, #tpu.memory_space<hbm>> -> memref<200000x16xf32, #tpu.memory_space<hbm>>
      tpu.enqueue_indirect_dma source(%dma_start3A_116 : memref<200000x16xf32, #tpu.memory_space<hbm>>) target(%dma_start3A_110 : memref<128x16xf32, #tpu.memory_space<vmem>>) offsets(%dma_start3A_113 : memref<128xi32, #tpu.memory_space<vmem>>) semaphore(%arg11 : memref<!tpu.dma_semaphore, #tpu.memory_space<semaphore_mem>>)
      %dma_start3A_117 = arith.constant 1 : i32
      %dma_start3A_118 = arith.constant 1 : i32
      %dma_start3A_119 = arith.constant 1 : i32
      %dma_start3A_120 = arith.constant 1 : i32
      %dma_start3A_121 = arith.constant 0 : i32
      %dma_start3A_122 = arith.constant 0 : i32
      %dma_start3A_123 = tpu.memref_slice %arg8[%dma_start3A_119, %dma_start3A_120, %dma_start3A_121, %dma_start3A_122] : memref<2x5x128x16xf32, #tpu.memory_space<vmem>> -> memref<1x1x128x16xf32, #tpu.memory_space<vmem>>
      %dma_start3A_124 = tpu.memref_squeeze %dma_start3A_123 : memref<1x1x128x16xf32, #tpu.memory_space<vmem>> -> memref<128x16xf32, #tpu.memory_space<vmem>>
      %dma_start3A_125 = arith.constant 0 : i32
      %dma_start3A_126 = tpu.memref_slice %arg6[%dma_start3A_117, %dma_start3A_118, %dma_start3A_125] : memref<2x5x128xi32, #tpu.memory_space<vmem>> -> memref<1x1x128xi32, #tpu.memory_space<vmem>>
      %dma_start3A_127 = tpu.memref_squeeze %dma_start3A_126 : memref<1x1x128xi32, #tpu.memory_space<vmem>> -> memref<128xi32, #tpu.memory_space<vmem>>
      %dma_start3A_128 = arith.constant 0 : i32
      %dma_start3A_129 = arith.constant 0 : i32
      %dma_start3A_130 = tpu.memref_slice %arg2[%dma_start3A_128, %dma_start3A_129] : memref<200000x16xf32, #tpu.memory_space<hbm>> -> memref<200000x16xf32, #tpu.memory_space<hbm>>
      tpu.enqueue_indirect_dma source(%dma_start3A_130 : memref<200000x16xf32, #tpu.memory_space<hbm>>) target(%dma_start3A_124 : memref<128x16xf32, #tpu.memory_space<vmem>>) offsets(%dma_start3A_127 : memref<128xi32, #tpu.memory_space<vmem>>) semaphore(%arg11 : memref<!tpu.dma_semaphore, #tpu.memory_space<semaphore_mem>>)
      %dma_start3A_131 = arith.constant 1 : i32
      %dma_start3A_132 = arith.constant 2 : i32
      %dma_start3A_133 = arith.constant 1 : i32
      %dma_start3A_134 = arith.constant 2 : i32
      %dma_start3A_135 = arith.constant 0 : i32
      %dma_start3A_136 = arith.constant 0 : i32
      %dma_start3A_137 = tpu.memref_slice %arg8[%dma_start3A_133, %dma_start3A_134, %dma_start3A_135, %dma_start3A_136] : memref<2x5x128x16xf32, #tpu.memory_space<vmem>> -> memref<1x1x128x16xf32, #tpu.memory_space<vmem>>
      %dma_start3A_138 = tpu.memref_squeeze %dma_start3A_137 : memref<1x1x128x16xf32, #tpu.memory_space<vmem>> -> memref<128x16xf32, #tpu.memory_space<vmem>>
      %dma_start3A_139 = arith.constant 0 : i32
      %dma_start3A_140 = tpu.memref_slice %arg6[%dma_start3A_131, %dma_start3A_132, %dma_start3A_139] : memref<2x5x128xi32, #tpu.memory_space<vmem>> -> memref<1x1x128xi32, #tpu.memory_space<vmem>>
      %dma_start3A_141 = tpu.memref_squeeze %dma_start3A_140 : memref<1x1x128xi32, #tpu.memory_space<vmem>> -> memref<128xi32, #tpu.memory_space<vmem>>
      %dma_start3A_142 = arith.constant 0 : i32
      %dma_start3A_143 = arith.constant 0 : i32
      %dma_start3A_144 = tpu.memref_slice %arg2[%dma_start3A_142, %dma_start3A_143] : memref<200000x16xf32, #tpu.memory_space<hbm>> -> memref<200000x16xf32, #tpu.memory_space<hbm>>
      tpu.enqueue_indirect_dma source(%dma_start3A_144 : memref<200000x16xf32, #tpu.memory_space<hbm>>) target(%dma_start3A_138 : memref<128x16xf32, #tpu.memory_space<vmem>>) offsets(%dma_start3A_141 : memref<128xi32, #tpu.memory_space<vmem>>) semaphore(%arg11 : memref<!tpu.dma_semaphore, #tpu.memory_space<semaphore_mem>>)
      %dma_start3A_145 = arith.constant 1 : i32
      %dma_start3A_146 = arith.constant 3 : i32
      %dma_start3A_147 = arith.constant 1 : i32
      %dma_start3A_148 = arith.constant 3 : i32
      %dma_start3A_149 = arith.constant 0 : i32
      %dma_start3A_150 = arith.constant 0 : i32
      %dma_start3A_151 = tpu.memref_slice %arg8[%dma_start3A_147, %dma_start3A_148, %dma_start3A_149, %dma_start3A_150] : memref<2x5x128x16xf32, #tpu.memory_space<vmem>> -> memref<1x1x128x16xf32, #tpu.memory_space<vmem>>
      %dma_start3A_152 = tpu.memref_squeeze %dma_start3A_151 : memref<1x1x128x16xf32, #tpu.memory_space<vmem>> -> memref<128x16xf32, #tpu.memory_space<vmem>>
      %dma_start3A_153 = arith.constant 0 : i32
      %dma_start3A_154 = tpu.memref_slice %arg6[%dma_start3A_145, %dma_start3A_146, %dma_start3A_153] : memref<2x5x128xi32, #tpu.memory_space<vmem>> -> memref<1x1x128xi32, #tpu.memory_space<vmem>>
      %dma_start3A_155 = tpu.memref_squeeze %dma_start3A_154 : memref<1x1x128xi32, #tpu.memory_space<vmem>> -> memref<128xi32, #tpu.memory_space<vmem>>
      %dma_start3A_156 = arith.constant 0 : i32
      %dma_start3A_157 = arith.constant 0 : i32
      %dma_start3A_158 = tpu.memref_slice %arg2[%dma_start3A_156, %dma_start3A_157] : memref<200000x16xf32, #tpu.memory_space<hbm>> -> memref<200000x16xf32, #tpu.memory_space<hbm>>
      tpu.enqueue_indirect_dma source(%dma_start3A_158 : memref<200000x16xf32, #tpu.memory_space<hbm>>) target(%dma_start3A_152 : memref<128x16xf32, #tpu.memory_space<vmem>>) offsets(%dma_start3A_155 : memref<128xi32, #tpu.memory_space<vmem>>) semaphore(%arg11 : memref<!tpu.dma_semaphore, #tpu.memory_space<semaphore_mem>>)
      %dma_start3A_159 = arith.constant 1 : i32
      %dma_start3A_160 = arith.constant 4 : i32
      %dma_start3A_161 = arith.constant 1 : i32
      %dma_start3A_162 = arith.constant 4 : i32
      %dma_start3A_163 = arith.constant 0 : i32
      %dma_start3A_164 = arith.constant 0 : i32
      %dma_start3A_165 = tpu.memref_slice %arg8[%dma_start3A_161, %dma_start3A_162, %dma_start3A_163, %dma_start3A_164] : memref<2x5x128x16xf32, #tpu.memory_space<vmem>> -> memref<1x1x128x16xf32, #tpu.memory_space<vmem>>
      %dma_start3A_166 = tpu.memref_squeeze %dma_start3A_165 : memref<1x1x128x16xf32, #tpu.memory_space<vmem>> -> memref<128x16xf32, #tpu.memory_space<vmem>>
      %dma_start3A_167 = arith.constant 0 : i32
      %dma_start3A_168 = tpu.memref_slice %arg6[%dma_start3A_159, %dma_start3A_160, %dma_start3A_167] : memref<2x5x128xi32, #tpu.memory_space<vmem>> -> memref<1x1x128xi32, #tpu.memory_space<vmem>>
      %dma_start3A_169 = tpu.memref_squeeze %dma_start3A_168 : memref<1x1x128xi32, #tpu.memory_space<vmem>> -> memref<128xi32, #tpu.memory_space<vmem>>
      %dma_start3A_170 = arith.constant 0 : i32
      %dma_start3A_171 = arith.constant 0 : i32
      %dma_start3A_172 = tpu.memref_slice %arg2[%dma_start3A_170, %dma_start3A_171] : memref<200000x16xf32, #tpu.memory_space<hbm>> -> memref<200000x16xf32, #tpu.memory_space<hbm>>
      tpu.enqueue_indirect_dma source(%dma_start3A_172 : memref<200000x16xf32, #tpu.memory_space<hbm>>) target(%dma_start3A_166 : memref<128x16xf32, #tpu.memory_space<vmem>>) offsets(%dma_start3A_169 : memref<128xi32, #tpu.memory_space<vmem>>) semaphore(%arg11 : memref<!tpu.dma_semaphore, #tpu.memory_space<semaphore_mem>>)
      %dma_wait3A = arith.constant 0 : i32
      %dma_wait3A_173 = arith.constant 0 : i32
      %dma_wait3A_174 = arith.constant 0 : i32
      %dma_wait3A_175 = arith.constant 0 : i32
      %dma_wait3A_176 = arith.constant 0 : i32
      %dma_wait3A_177 = arith.constant 0 : i32
      %dma_wait3A_178 = tpu.memref_slice %arg8[%dma_wait3A_174, %dma_wait3A_175, %dma_wait3A_176, %dma_wait3A_177] : memref<2x5x128x16xf32, #tpu.memory_space<vmem>> -> memref<1x1x128x16xf32, #tpu.memory_space<vmem>>
      %dma_wait3A_179 = tpu.memref_squeeze %dma_wait3A_178 : memref<1x1x128x16xf32, #tpu.memory_space<vmem>> -> memref<128x16xf32, #tpu.memory_space<vmem>>
      %dma_wait3A_180 = arith.constant 0 : i32
      %dma_wait3A_181 = tpu.memref_slice %arg6[%dma_wait3A, %dma_wait3A_173, %dma_wait3A_180] : memref<2x5x128xi32, #tpu.memory_space<vmem>> -> memref<1x1x128xi32, #tpu.memory_space<vmem>>
      %dma_wait3A_182 = tpu.memref_squeeze %dma_wait3A_181 : memref<1x1x128xi32, #tpu.memory_space<vmem>> -> memref<128xi32, #tpu.memory_space<vmem>>
      %dma_wait3A_183 = arith.constant 0 : i32
      %dma_wait3A_184 = arith.constant 0 : i32
      %dma_wait3A_185 = tpu.memref_slice %arg2[%dma_wait3A_183, %dma_wait3A_184] : memref<200000x16xf32, #tpu.memory_space<hbm>> -> memref<200000x16xf32, #tpu.memory_space<hbm>>
      tpu.wait_indirect_dma semaphore(%arg10 : memref<!tpu.dma_semaphore, #tpu.memory_space<semaphore_mem>>) src(%dma_wait3A_185 : memref<200000x16xf32, #tpu.memory_space<hbm>>) dst(%dma_wait3A_179 : memref<128x16xf32, #tpu.memory_space<vmem>>)
      %dma_wait3A_186 = arith.constant 0 : i32
      %dma_wait3A_187 = arith.constant 1 : i32
      %dma_wait3A_188 = arith.constant 0 : i32
      %dma_wait3A_189 = arith.constant 1 : i32
      %dma_wait3A_190 = arith.constant 0 : i32
      %dma_wait3A_191 = arith.constant 0 : i32
      %dma_wait3A_192 = tpu.memref_slice %arg8[%dma_wait3A_188, %dma_wait3A_189, %dma_wait3A_190, %dma_wait3A_191] : memref<2x5x128x16xf32, #tpu.memory_space<vmem>> -> memref<1x1x128x16xf32, #tpu.memory_space<vmem>>
      %dma_wait3A_193 = tpu.memref_squeeze %dma_wait3A_192 : memref<1x1x128x16xf32, #tpu.memory_space<vmem>> -> memref<128x16xf32, #tpu.memory_space<vmem>>
      %dma_wait3A_194 = arith.constant 0 : i32
      %dma_wait3A_195 = tpu.memref_slice %arg6[%dma_wait3A_186, %dma_wait3A_187, %dma_wait3A_194] : memref<2x5x128xi32, #tpu.memory_space<vmem>> -> memref<1x1x128xi32, #tpu.memory_space<vmem>>
      %dma_wait3A_196 = tpu.memref_squeeze %dma_wait3A_195 : memref<1x1x128xi32, #tpu.memory_space<vmem>> -> memref<128xi32, #tpu.memory_space<vmem>>
      %dma_wait3A_197 = arith.constant 0 : i32
      %dma_wait3A_198 = arith.constant 0 : i32
      %dma_wait3A_199 = tpu.memref_slice %arg2[%dma_wait3A_197, %dma_wait3A_198] : memref<200000x16xf32, #tpu.memory_space<hbm>> -> memref<200000x16xf32, #tpu.memory_space<hbm>>
      tpu.wait_indirect_dma semaphore(%arg10 : memref<!tpu.dma_semaphore, #tpu.memory_space<semaphore_mem>>) src(%dma_wait3A_199 : memref<200000x16xf32, #tpu.memory_space<hbm>>) dst(%dma_wait3A_193 : memref<128x16xf32, #tpu.memory_space<vmem>>)
      %dma_wait3A_200 = arith.constant 0 : i32
      %dma_wait3A_201 = arith.constant 2 : i32
      %dma_wait3A_202 = arith.constant 0 : i32
      %dma_wait3A_203 = arith.constant 2 : i32
      %dma_wait3A_204 = arith.constant 0 : i32
      %dma_wait3A_205 = arith.constant 0 : i32
      %dma_wait3A_206 = tpu.memref_slice %arg8[%dma_wait3A_202, %dma_wait3A_203, %dma_wait3A_204, %dma_wait3A_205] : memref<2x5x128x16xf32, #tpu.memory_space<vmem>> -> memref<1x1x128x16xf32, #tpu.memory_space<vmem>>
      %dma_wait3A_207 = tpu.memref_squeeze %dma_wait3A_206 : memref<1x1x128x16xf32, #tpu.memory_space<vmem>> -> memref<128x16xf32, #tpu.memory_space<vmem>>
      %dma_wait3A_208 = arith.constant 0 : i32
      %dma_wait3A_209 = tpu.memref_slice %arg6[%dma_wait3A_200, %dma_wait3A_201, %dma_wait3A_208] : memref<2x5x128xi32, #tpu.memory_space<vmem>> -> memref<1x1x128xi32, #tpu.memory_space<vmem>>
      %dma_wait3A_210 = tpu.memref_squeeze %dma_wait3A_209 : memref<1x1x128xi32, #tpu.memory_space<vmem>> -> memref<128xi32, #tpu.memory_space<vmem>>
      %dma_wait3A_211 = arith.constant 0 : i32
      %dma_wait3A_212 = arith.constant 0 : i32
      %dma_wait3A_213 = tpu.memref_slice %arg2[%dma_wait3A_211, %dma_wait3A_212] : memref<200000x16xf32, #tpu.memory_space<hbm>> -> memref<200000x16xf32, #tpu.memory_space<hbm>>
      tpu.wait_indirect_dma semaphore(%arg10 : memref<!tpu.dma_semaphore, #tpu.memory_space<semaphore_mem>>) src(%dma_wait3A_213 : memref<200000x16xf32, #tpu.memory_space<hbm>>) dst(%dma_wait3A_207 : memref<128x16xf32, #tpu.memory_space<vmem>>)
      %dma_wait3A_214 = arith.constant 0 : i32
      %dma_wait3A_215 = arith.constant 3 : i32
      %dma_wait3A_216 = arith.constant 0 : i32
      %dma_wait3A_217 = arith.constant 3 : i32
      %dma_wait3A_218 = arith.constant 0 : i32
      %dma_wait3A_219 = arith.constant 0 : i32
      %dma_wait3A_220 = tpu.memref_slice %arg8[%dma_wait3A_216, %dma_wait3A_217, %dma_wait3A_218, %dma_wait3A_219] : memref<2x5x128x16xf32, #tpu.memory_space<vmem>> -> memref<1x1x128x16xf32, #tpu.memory_space<vmem>>
      %dma_wait3A_221 = tpu.memref_squeeze %dma_wait3A_220 : memref<1x1x128x16xf32, #tpu.memory_space<vmem>> -> memref<128x16xf32, #tpu.memory_space<vmem>>
      %dma_wait3A_222 = arith.constant 0 : i32
      %dma_wait3A_223 = tpu.memref_slice %arg6[%dma_wait3A_214, %dma_wait3A_215, %dma_wait3A_222] : memref<2x5x128xi32, #tpu.memory_space<vmem>> -> memref<1x1x128xi32, #tpu.memory_space<vmem>>
      %dma_wait3A_224 = tpu.memref_squeeze %dma_wait3A_223 : memref<1x1x128xi32, #tpu.memory_space<vmem>> -> memref<128xi32, #tpu.memory_space<vmem>>
      %dma_wait3A_225 = arith.constant 0 : i32
      %dma_wait3A_226 = arith.constant 0 : i32
      %dma_wait3A_227 = tpu.memref_slice %arg2[%dma_wait3A_225, %dma_wait3A_226] : memref<200000x16xf32, #tpu.memory_space<hbm>> -> memref<200000x16xf32, #tpu.memory_space<hbm>>
      tpu.wait_indirect_dma semaphore(%arg10 : memref<!tpu.dma_semaphore, #tpu.memory_space<semaphore_mem>>) src(%dma_wait3A_227 : memref<200000x16xf32, #tpu.memory_space<hbm>>) dst(%dma_wait3A_221 : memref<128x16xf32, #tpu.memory_space<vmem>>)
      %dma_wait3A_228 = arith.constant 0 : i32
      %dma_wait3A_229 = arith.constant 4 : i32
      %dma_wait3A_230 = arith.constant 0 : i32
      %dma_wait3A_231 = arith.constant 4 : i32
      %dma_wait3A_232 = arith.constant 0 : i32
      %dma_wait3A_233 = arith.constant 0 : i32
      %dma_wait3A_234 = tpu.memref_slice %arg8[%dma_wait3A_230, %dma_wait3A_231, %dma_wait3A_232, %dma_wait3A_233] : memref<2x5x128x16xf32, #tpu.memory_space<vmem>> -> memref<1x1x128x16xf32, #tpu.memory_space<vmem>>
      %dma_wait3A_235 = tpu.memref_squeeze %dma_wait3A_234 : memref<1x1x128x16xf32, #tpu.memory_space<vmem>> -> memref<128x16xf32, #tpu.memory_space<vmem>>
      %dma_wait3A_236 = arith.constant 0 : i32
      %dma_wait3A_237 = tpu.memref_slice %arg6[%dma_wait3A_228, %dma_wait3A_229, %dma_wait3A_236] : memref<2x5x128xi32, #tpu.memory_space<vmem>> -> memref<1x1x128xi32, #tpu.memory_space<vmem>>
      %dma_wait3A_238 = tpu.memref_squeeze %dma_wait3A_237 : memref<1x1x128xi32, #tpu.memory_space<vmem>> -> memref<128xi32, #tpu.memory_space<vmem>>
      %dma_wait3A_239 = arith.constant 0 : i32
      %dma_wait3A_240 = arith.constant 0 : i32
      %dma_wait3A_241 = tpu.memref_slice %arg2[%dma_wait3A_239, %dma_wait3A_240] : memref<200000x16xf32, #tpu.memory_space<hbm>> -> memref<200000x16xf32, #tpu.memory_space<hbm>>
      tpu.wait_indirect_dma semaphore(%arg10 : memref<!tpu.dma_semaphore, #tpu.memory_space<semaphore_mem>>) src(%dma_wait3A_241 : memref<200000x16xf32, #tpu.memory_space<hbm>>) dst(%dma_wait3A_235 : memref<128x16xf32, #tpu.memory_space<vmem>>)
      %dma_start3A_242 = arith.constant 0 : i32
      %dma_start3A_243 = arith.constant 0 : i32
      %dma_start3A_244 = arith.constant 0 : i32
      %dma_start3A_245 = arith.constant 0 : i32
      %dma_start3A_246 = arith.constant 0 : i32
      %dma_start3A_247 = arith.constant 0 : i32
      %dma_start3A_248 = tpu.memref_slice %arg8[%dma_start3A_242, %dma_start3A_243, %dma_start3A_246, %dma_start3A_247] : memref<2x5x128x16xf32, #tpu.memory_space<vmem>> -> memref<1x1x128x16xf32, #tpu.memory_space<vmem>>
      %dma_start3A_249 = tpu.memref_squeeze %dma_start3A_248 : memref<1x1x128x16xf32, #tpu.memory_space<vmem>> -> memref<128x16xf32, #tpu.memory_space<vmem>>
      %dma_start3A_250 = arith.constant 0 : i32
      %dma_start3A_251 = tpu.memref_slice %arg7[%dma_start3A_244, %dma_start3A_245, %dma_start3A_250] : memref<2x5x128xi32, #tpu.memory_space<vmem>> -> memref<1x1x128xi32, #tpu.memory_space<vmem>>
      %dma_start3A_252 = tpu.memref_squeeze %dma_start3A_251 : memref<1x1x128xi32, #tpu.memory_space<vmem>> -> memref<128xi32, #tpu.memory_space<vmem>>
      %dma_start3A_253 = arith.constant 0 : i32
      %dma_start3A_254 = arith.constant 0 : i32
      %dma_start3A_255 = tpu.memref_slice %arg9[%dma_start3A_253, %dma_start3A_254] : memref<102400x16xf32, #tpu.memory_space<vmem_shared>> -> memref<102400x16xf32, #tpu.memory_space<vmem_shared>>
      tpu.enqueue_indirect_dma source(%dma_start3A_249 : memref<128x16xf32, #tpu.memory_space<vmem>>) target(%dma_start3A_255 : memref<102400x16xf32, #tpu.memory_space<vmem_shared>>) offsets(%dma_start3A_252 : memref<128xi32, #tpu.memory_space<vmem>>) semaphore(%arg12 : memref<!tpu.dma_semaphore, #tpu.memory_space<semaphore_mem>>) {add = true}
      %dma_start3A_256 = arith.constant 0 : i32
      %dma_start3A_257 = arith.constant 1 : i32
      %dma_start3A_258 = arith.constant 0 : i32
      %dma_start3A_259 = arith.constant 1 : i32
      %dma_start3A_260 = arith.constant 0 : i32
      %dma_start3A_261 = arith.constant 0 : i32
      %dma_start3A_262 = tpu.memref_slice %arg8[%dma_start3A_256, %dma_start3A_257, %dma_start3A_260, %dma_start3A_261] : memref<2x5x128x16xf32, #tpu.memory_space<vmem>> -> memref<1x1x128x16xf32, #tpu.memory_space<vmem>>
      %dma_start3A_263 = tpu.memref_squeeze %dma_start3A_262 : memref<1x1x128x16xf32, #tpu.memory_space<vmem>> -> memref<128x16xf32, #tpu.memory_space<vmem>>
      %dma_start3A_264 = arith.constant 0 : i32
      %dma_start3A_265 = tpu.memref_slice %arg7[%dma_start3A_258, %dma_start3A_259, %dma_start3A_264] : memref<2x5x128xi32, #tpu.memory_space<vmem>> -> memref<1x1x128xi32, #tpu.memory_space<vmem>>
      %dma_start3A_266 = tpu.memref_squeeze %dma_start3A_265 : memref<1x1x128xi32, #tpu.memory_space<vmem>> -> memref<128xi32, #tpu.memory_space<vmem>>
      %dma_start3A_267 = arith.constant 0 : i32
      %dma_start3A_268 = arith.constant 0 : i32
      %dma_start3A_269 = tpu.memref_slice %arg9[%dma_start3A_267, %dma_start3A_268] : memref<102400x16xf32, #tpu.memory_space<vmem_shared>> -> memref<102400x16xf32, #tpu.memory_space<vmem_shared>>
      tpu.enqueue_indirect_dma source(%dma_start3A_263 : memref<128x16xf32, #tpu.memory_space<vmem>>) target(%dma_start3A_269 : memref<102400x16xf32, #tpu.memory_space<vmem_shared>>) offsets(%dma_start3A_266 : memref<128xi32, #tpu.memory_space<vmem>>) semaphore(%arg12 : memref<!tpu.dma_semaphore, #tpu.memory_space<semaphore_mem>>) {add = true}
      %dma_start3A_270 = arith.constant 0 : i32
      %dma_start3A_271 = arith.constant 2 : i32
      %dma_start3A_272 = arith.constant 0 : i32
      %dma_start3A_273 = arith.constant 2 : i32
      %dma_start3A_274 = arith.constant 0 : i32
      %dma_start3A_275 = arith.constant 0 : i32
      %dma_start3A_276 = tpu.memref_slice %arg8[%dma_start3A_270, %dma_start3A_271, %dma_start3A_274, %dma_start3A_275] : memref<2x5x128x16xf32, #tpu.memory_space<vmem>> -> memref<1x1x128x16xf32, #tpu.memory_space<vmem>>
      %dma_start3A_277 = tpu.memref_squeeze %dma_start3A_276 : memref<1x1x128x16xf32, #tpu.memory_space<vmem>> -> memref<128x16xf32, #tpu.memory_space<vmem>>
      %dma_start3A_278 = arith.constant 0 : i32
      %dma_start3A_279 = tpu.memref_slice %arg7[%dma_start3A_272, %dma_start3A_273, %dma_start3A_278] : memref<2x5x128xi32, #tpu.memory_space<vmem>> -> memref<1x1x128xi32, #tpu.memory_space<vmem>>
      %dma_start3A_280 = tpu.memref_squeeze %dma_start3A_279 : memref<1x1x128xi32, #tpu.memory_space<vmem>> -> memref<128xi32, #tpu.memory_space<vmem>>
      %dma_start3A_281 = arith.constant 0 : i32
      %dma_start3A_282 = arith.constant 0 : i32
      %dma_start3A_283 = tpu.memref_slice %arg9[%dma_start3A_281, %dma_start3A_282] : memref<102400x16xf32, #tpu.memory_space<vmem_shared>> -> memref<102400x16xf32, #tpu.memory_space<vmem_shared>>
      tpu.enqueue_indirect_dma source(%dma_start3A_277 : memref<128x16xf32, #tpu.memory_space<vmem>>) target(%dma_start3A_283 : memref<102400x16xf32, #tpu.memory_space<vmem_shared>>) offsets(%dma_start3A_280 : memref<128xi32, #tpu.memory_space<vmem>>) semaphore(%arg12 : memref<!tpu.dma_semaphore, #tpu.memory_space<semaphore_mem>>) {add = true}
      %dma_start3A_284 = arith.constant 0 : i32
      %dma_start3A_285 = arith.constant 3 : i32
      %dma_start3A_286 = arith.constant 0 : i32
      %dma_start3A_287 = arith.constant 3 : i32
      %dma_start3A_288 = arith.constant 0 : i32
      %dma_start3A_289 = arith.constant 0 : i32
      %dma_start3A_290 = tpu.memref_slice %arg8[%dma_start3A_284, %dma_start3A_285, %dma_start3A_288, %dma_start3A_289] : memref<2x5x128x16xf32, #tpu.memory_space<vmem>> -> memref<1x1x128x16xf32, #tpu.memory_space<vmem>>
      %dma_start3A_291 = tpu.memref_squeeze %dma_start3A_290 : memref<1x1x128x16xf32, #tpu.memory_space<vmem>> -> memref<128x16xf32, #tpu.memory_space<vmem>>
      %dma_start3A_292 = arith.constant 0 : i32
      %dma_start3A_293 = tpu.memref_slice %arg7[%dma_start3A_286, %dma_start3A_287, %dma_start3A_292] : memref<2x5x128xi32, #tpu.memory_space<vmem>> -> memref<1x1x128xi32, #tpu.memory_space<vmem>>
      %dma_start3A_294 = tpu.memref_squeeze %dma_start3A_293 : memref<1x1x128xi32, #tpu.memory_space<vmem>> -> memref<128xi32, #tpu.memory_space<vmem>>
      %dma_start3A_295 = arith.constant 0 : i32
      %dma_start3A_296 = arith.constant 0 : i32
      %dma_start3A_297 = tpu.memref_slice %arg9[%dma_start3A_295, %dma_start3A_296] : memref<102400x16xf32, #tpu.memory_space<vmem_shared>> -> memref<102400x16xf32, #tpu.memory_space<vmem_shared>>
      tpu.enqueue_indirect_dma source(%dma_start3A_291 : memref<128x16xf32, #tpu.memory_space<vmem>>) target(%dma_start3A_297 : memref<102400x16xf32, #tpu.memory_space<vmem_shared>>) offsets(%dma_start3A_294 : memref<128xi32, #tpu.memory_space<vmem>>) semaphore(%arg12 : memref<!tpu.dma_semaphore, #tpu.memory_space<semaphore_mem>>) {add = true}
      %dma_start3A_298 = arith.constant 0 : i32
      %dma_start3A_299 = arith.constant 4 : i32
      %dma_start3A_300 = arith.constant 0 : i32
      %dma_start3A_301 = arith.constant 4 : i32
      %dma_start3A_302 = arith.constant 0 : i32
      %dma_start3A_303 = arith.constant 0 : i32
      %dma_start3A_304 = tpu.memref_slice %arg8[%dma_start3A_298, %dma_start3A_299, %dma_start3A_302, %dma_start3A_303] : memref<2x5x128x16xf32, #tpu.memory_space<vmem>> -> memref<1x1x128x16xf32, #tpu.memory_space<vmem>>
      %dma_start3A_305 = tpu.memref_squeeze %dma_start3A_304 : memref<1x1x128x16xf32, #tpu.memory_space<vmem>> -> memref<128x16xf32, #tpu.memory_space<vmem>>
      %dma_start3A_306 = arith.constant 0 : i32
      %dma_start3A_307 = tpu.memref_slice %arg7[%dma_start3A_300, %dma_start3A_301, %dma_start3A_306] : memref<2x5x128xi32, #tpu.memory_space<vmem>> -> memref<1x1x128xi32, #tpu.memory_space<vmem>>
      %dma_start3A_308 = tpu.memref_squeeze %dma_start3A_307 : memref<1x1x128xi32, #tpu.memory_space<vmem>> -> memref<128xi32, #tpu.memory_space<vmem>>
      %dma_start3A_309 = arith.constant 0 : i32
      %dma_start3A_310 = arith.constant 0 : i32
      %dma_start3A_311 = tpu.memref_slice %arg9[%dma_start3A_309, %dma_start3A_310] : memref<102400x16xf32, #tpu.memory_space<vmem_shared>> -> memref<102400x16xf32, #tpu.memory_space<vmem_shared>>
      tpu.enqueue_indirect_dma source(%dma_start3A_305 : memref<128x16xf32, #tpu.memory_space<vmem>>) target(%dma_start3A_311 : memref<102400x16xf32, #tpu.memory_space<vmem_shared>>) offsets(%dma_start3A_308 : memref<128xi32, #tpu.memory_space<vmem>>) semaphore(%arg12 : memref<!tpu.dma_semaphore, #tpu.memory_space<semaphore_mem>>) {add = true}
      %dma_wait3A_312 = arith.constant 1 : i32
      %dma_wait3A_313 = arith.constant 0 : i32
      %dma_wait3A_314 = arith.constant 1 : i32
      %dma_wait3A_315 = arith.constant 0 : i32
      %dma_wait3A_316 = arith.constant 0 : i32
      %dma_wait3A_317 = arith.constant 0 : i32
      %dma_wait3A_318 = tpu.memref_slice %arg8[%dma_wait3A_314, %dma_wait3A_315, %dma_wait3A_316, %dma_wait3A_317] : memref<2x5x128x16xf32, #tpu.memory_space<vmem>> -> memref<1x1x128x16xf32, #tpu.memory_space<vmem>>
      %dma_wait3A_319 = tpu.memref_squeeze %dma_wait3A_318 : memref<1x1x128x16xf32, #tpu.memory_space<vmem>> -> memref<128x16xf32, #tpu.memory_space<vmem>>
      %dma_wait3A_320 = arith.constant 0 : i32
      %dma_wait3A_321 = tpu.memref_slice %arg6[%dma_wait3A_312, %dma_wait3A_313, %dma_wait3A_320] : memref<2x5x128xi32, #tpu.memory_space<vmem>> -> memref<1x1x128xi32, #tpu.memory_space<vmem>>
      %dma_wait3A_322 = tpu.memref_squeeze %dma_wait3A_321 : memref<1x1x128xi32, #tpu.memory_space<vmem>> -> memref<128xi32, #tpu.memory_space<vmem>>
      %dma_wait3A_323 = arith.constant 0 : i32
      %dma_wait3A_324 = arith.constant 0 : i32
      %dma_wait3A_325 = tpu.memref_slice %arg2[%dma_wait3A_323, %dma_wait3A_324] : memref<200000x16xf32, #tpu.memory_space<hbm>> -> memref<200000x16xf32, #tpu.memory_space<hbm>>
      tpu.wait_indirect_dma semaphore(%arg11 : memref<!tpu.dma_semaphore, #tpu.memory_space<semaphore_mem>>) src(%dma_wait3A_325 : memref<200000x16xf32, #tpu.memory_space<hbm>>) dst(%dma_wait3A_319 : memref<128x16xf32, #tpu.memory_space<vmem>>)
      %dma_wait3A_326 = arith.constant 1 : i32
      %dma_wait3A_327 = arith.constant 1 : i32
      %dma_wait3A_328 = arith.constant 1 : i32
      %dma_wait3A_329 = arith.constant 1 : i32
      %dma_wait3A_330 = arith.constant 0 : i32
      %dma_wait3A_331 = arith.constant 0 : i32
      %dma_wait3A_332 = tpu.memref_slice %arg8[%dma_wait3A_328, %dma_wait3A_329, %dma_wait3A_330, %dma_wait3A_331] : memref<2x5x128x16xf32, #tpu.memory_space<vmem>> -> memref<1x1x128x16xf32, #tpu.memory_space<vmem>>
      %dma_wait3A_333 = tpu.memref_squeeze %dma_wait3A_332 : memref<1x1x128x16xf32, #tpu.memory_space<vmem>> -> memref<128x16xf32, #tpu.memory_space<vmem>>
      %dma_wait3A_334 = arith.constant 0 : i32
      %dma_wait3A_335 = tpu.memref_slice %arg6[%dma_wait3A_326, %dma_wait3A_327, %dma_wait3A_334] : memref<2x5x128xi32, #tpu.memory_space<vmem>> -> memref<1x1x128xi32, #tpu.memory_space<vmem>>
      %dma_wait3A_336 = tpu.memref_squeeze %dma_wait3A_335 : memref<1x1x128xi32, #tpu.memory_space<vmem>> -> memref<128xi32, #tpu.memory_space<vmem>>
      %dma_wait3A_337 = arith.constant 0 : i32
      %dma_wait3A_338 = arith.constant 0 : i32
      %dma_wait3A_339 = tpu.memref_slice %arg2[%dma_wait3A_337, %dma_wait3A_338] : memref<200000x16xf32, #tpu.memory_space<hbm>> -> memref<200000x16xf32, #tpu.memory_space<hbm>>
      tpu.wait_indirect_dma semaphore(%arg11 : memref<!tpu.dma_semaphore, #tpu.memory_space<semaphore_mem>>) src(%dma_wait3A_339 : memref<200000x16xf32, #tpu.memory_space<hbm>>) dst(%dma_wait3A_333 : memref<128x16xf32, #tpu.memory_space<vmem>>)
      %dma_wait3A_340 = arith.constant 1 : i32
      %dma_wait3A_341 = arith.constant 2 : i32
      %dma_wait3A_342 = arith.constant 1 : i32
      %dma_wait3A_343 = arith.constant 2 : i32
      %dma_wait3A_344 = arith.constant 0 : i32
      %dma_wait3A_345 = arith.constant 0 : i32
      %dma_wait3A_346 = tpu.memref_slice %arg8[%dma_wait3A_342, %dma_wait3A_343, %dma_wait3A_344, %dma_wait3A_345] : memref<2x5x128x16xf32, #tpu.memory_space<vmem>> -> memref<1x1x128x16xf32, #tpu.memory_space<vmem>>
      %dma_wait3A_347 = tpu.memref_squeeze %dma_wait3A_346 : memref<1x1x128x16xf32, #tpu.memory_space<vmem>> -> memref<128x16xf32, #tpu.memory_space<vmem>>
      %dma_wait3A_348 = arith.constant 0 : i32
      %dma_wait3A_349 = tpu.memref_slice %arg6[%dma_wait3A_340, %dma_wait3A_341, %dma_wait3A_348] : memref<2x5x128xi32, #tpu.memory_space<vmem>> -> memref<1x1x128xi32, #tpu.memory_space<vmem>>
      %dma_wait3A_350 = tpu.memref_squeeze %dma_wait3A_349 : memref<1x1x128xi32, #tpu.memory_space<vmem>> -> memref<128xi32, #tpu.memory_space<vmem>>
      %dma_wait3A_351 = arith.constant 0 : i32
      %dma_wait3A_352 = arith.constant 0 : i32
      %dma_wait3A_353 = tpu.memref_slice %arg2[%dma_wait3A_351, %dma_wait3A_352] : memref<200000x16xf32, #tpu.memory_space<hbm>> -> memref<200000x16xf32, #tpu.memory_space<hbm>>
      tpu.wait_indirect_dma semaphore(%arg11 : memref<!tpu.dma_semaphore, #tpu.memory_space<semaphore_mem>>) src(%dma_wait3A_353 : memref<200000x16xf32, #tpu.memory_space<hbm>>) dst(%dma_wait3A_347 : memref<128x16xf32, #tpu.memory_space<vmem>>)
      %dma_wait3A_354 = arith.constant 1 : i32
      %dma_wait3A_355 = arith.constant 3 : i32
      %dma_wait3A_356 = arith.constant 1 : i32
      %dma_wait3A_357 = arith.constant 3 : i32
      %dma_wait3A_358 = arith.constant 0 : i32
      %dma_wait3A_359 = arith.constant 0 : i32
      %dma_wait3A_360 = tpu.memref_slice %arg8[%dma_wait3A_356, %dma_wait3A_357, %dma_wait3A_358, %dma_wait3A_359] : memref<2x5x128x16xf32, #tpu.memory_space<vmem>> -> memref<1x1x128x16xf32, #tpu.memory_space<vmem>>
      %dma_wait3A_361 = tpu.memref_squeeze %dma_wait3A_360 : memref<1x1x128x16xf32, #tpu.memory_space<vmem>> -> memref<128x16xf32, #tpu.memory_space<vmem>>
      %dma_wait3A_362 = arith.constant 0 : i32
      %dma_wait3A_363 = tpu.memref_slice %arg6[%dma_wait3A_354, %dma_wait3A_355, %dma_wait3A_362] : memref<2x5x128xi32, #tpu.memory_space<vmem>> -> memref<1x1x128xi32, #tpu.memory_space<vmem>>
      %dma_wait3A_364 = tpu.memref_squeeze %dma_wait3A_363 : memref<1x1x128xi32, #tpu.memory_space<vmem>> -> memref<128xi32, #tpu.memory_space<vmem>>
      %dma_wait3A_365 = arith.constant 0 : i32
      %dma_wait3A_366 = arith.constant 0 : i32
      %dma_wait3A_367 = tpu.memref_slice %arg2[%dma_wait3A_365, %dma_wait3A_366] : memref<200000x16xf32, #tpu.memory_space<hbm>> -> memref<200000x16xf32, #tpu.memory_space<hbm>>
      tpu.wait_indirect_dma semaphore(%arg11 : memref<!tpu.dma_semaphore, #tpu.memory_space<semaphore_mem>>) src(%dma_wait3A_367 : memref<200000x16xf32, #tpu.memory_space<hbm>>) dst(%dma_wait3A_361 : memref<128x16xf32, #tpu.memory_space<vmem>>)
      %dma_wait3A_368 = arith.constant 1 : i32
      %dma_wait3A_369 = arith.constant 4 : i32
      %dma_wait3A_370 = arith.constant 1 : i32
      %dma_wait3A_371 = arith.constant 4 : i32
      %dma_wait3A_372 = arith.constant 0 : i32
      %dma_wait3A_373 = arith.constant 0 : i32
      %dma_wait3A_374 = tpu.memref_slice %arg8[%dma_wait3A_370, %dma_wait3A_371, %dma_wait3A_372, %dma_wait3A_373] : memref<2x5x128x16xf32, #tpu.memory_space<vmem>> -> memref<1x1x128x16xf32, #tpu.memory_space<vmem>>
      %dma_wait3A_375 = tpu.memref_squeeze %dma_wait3A_374 : memref<1x1x128x16xf32, #tpu.memory_space<vmem>> -> memref<128x16xf32, #tpu.memory_space<vmem>>
      %dma_wait3A_376 = arith.constant 0 : i32
      %dma_wait3A_377 = tpu.memref_slice %arg6[%dma_wait3A_368, %dma_wait3A_369, %dma_wait3A_376] : memref<2x5x128xi32, #tpu.memory_space<vmem>> -> memref<1x1x128xi32, #tpu.memory_space<vmem>>
      %dma_wait3A_378 = tpu.memref_squeeze %dma_wait3A_377 : memref<1x1x128xi32, #tpu.memory_space<vmem>> -> memref<128xi32, #tpu.memory_space<vmem>>
      %dma_wait3A_379 = arith.constant 0 : i32
      %dma_wait3A_380 = arith.constant 0 : i32
      %dma_wait3A_381 = tpu.memref_slice %arg2[%dma_wait3A_379, %dma_wait3A_380] : memref<200000x16xf32, #tpu.memory_space<hbm>> -> memref<200000x16xf32, #tpu.memory_space<hbm>>
      tpu.wait_indirect_dma semaphore(%arg11 : memref<!tpu.dma_semaphore, #tpu.memory_space<semaphore_mem>>) src(%dma_wait3A_381 : memref<200000x16xf32, #tpu.memory_space<hbm>>) dst(%dma_wait3A_375 : memref<128x16xf32, #tpu.memory_space<vmem>>)
      %dma_start3A_382 = arith.constant 1 : i32
      %dma_start3A_383 = arith.constant 0 : i32
      %dma_start3A_384 = arith.constant 1 : i32
      %dma_start3A_385 = arith.constant 0 : i32
      %dma_start3A_386 = arith.constant 0 : i32
      %dma_start3A_387 = arith.constant 0 : i32
      %dma_start3A_388 = tpu.memref_slice %arg8[%dma_start3A_382, %dma_start3A_383, %dma_start3A_386, %dma_start3A_387] : memref<2x5x128x16xf32, #tpu.memory_space<vmem>> -> memref<1x1x128x16xf32, #tpu.memory_space<vmem>>
      %dma_start3A_389 = tpu.memref_squeeze %dma_start3A_388 : memref<1x1x128x16xf32, #tpu.memory_space<vmem>> -> memref<128x16xf32, #tpu.memory_space<vmem>>
      %dma_start3A_390 = arith.constant 0 : i32
      %dma_start3A_391 = tpu.memref_slice %arg7[%dma_start3A_384, %dma_start3A_385, %dma_start3A_390] : memref<2x5x128xi32, #tpu.memory_space<vmem>> -> memref<1x1x128xi32, #tpu.memory_space<vmem>>
      %dma_start3A_392 = tpu.memref_squeeze %dma_start3A_391 : memref<1x1x128xi32, #tpu.memory_space<vmem>> -> memref<128xi32, #tpu.memory_space<vmem>>
      %dma_start3A_393 = arith.constant 0 : i32
      %dma_start3A_394 = arith.constant 0 : i32
      %dma_start3A_395 = tpu.memref_slice %arg9[%dma_start3A_393, %dma_start3A_394] : memref<102400x16xf32, #tpu.memory_space<vmem_shared>> -> memref<102400x16xf32, #tpu.memory_space<vmem_shared>>
      tpu.enqueue_indirect_dma source(%dma_start3A_389 : memref<128x16xf32, #tpu.memory_space<vmem>>) target(%dma_start3A_395 : memref<102400x16xf32, #tpu.memory_space<vmem_shared>>) offsets(%dma_start3A_392 : memref<128xi32, #tpu.memory_space<vmem>>) semaphore(%arg12 : memref<!tpu.dma_semaphore, #tpu.memory_space<semaphore_mem>>) {add = true}
      %dma_start3A_396 = arith.constant 1 : i32
      %dma_start3A_397 = arith.constant 1 : i32
      %dma_start3A_398 = arith.constant 1 : i32
      %dma_start3A_399 = arith.constant 1 : i32
      %dma_start3A_400 = arith.constant 0 : i32
      %dma_start3A_401 = arith.constant 0 : i32
      %dma_start3A_402 = tpu.memref_slice %arg8[%dma_start3A_396, %dma_start3A_397, %dma_start3A_400, %dma_start3A_401] : memref<2x5x128x16xf32, #tpu.memory_space<vmem>> -> memref<1x1x128x16xf32, #tpu.memory_space<vmem>>
      %dma_start3A_403 = tpu.memref_squeeze %dma_start3A_402 : memref<1x1x128x16xf32, #tpu.memory_space<vmem>> -> memref<128x16xf32, #tpu.memory_space<vmem>>
      %dma_start3A_404 = arith.constant 0 : i32
      %dma_start3A_405 = tpu.memref_slice %arg7[%dma_start3A_398, %dma_start3A_399, %dma_start3A_404] : memref<2x5x128xi32, #tpu.memory_space<vmem>> -> memref<1x1x128xi32, #tpu.memory_space<vmem>>
      %dma_start3A_406 = tpu.memref_squeeze %dma_start3A_405 : memref<1x1x128xi32, #tpu.memory_space<vmem>> -> memref<128xi32, #tpu.memory_space<vmem>>
      %dma_start3A_407 = arith.constant 0 : i32
      %dma_start3A_408 = arith.constant 0 : i32
      %dma_start3A_409 = tpu.memref_slice %arg9[%dma_start3A_407, %dma_start3A_408] : memref<102400x16xf32, #tpu.memory_space<vmem_shared>> -> memref<102400x16xf32, #tpu.memory_space<vmem_shared>>
      tpu.enqueue_indirect_dma source(%dma_start3A_403 : memref<128x16xf32, #tpu.memory_space<vmem>>) target(%dma_start3A_409 : memref<102400x16xf32, #tpu.memory_space<vmem_shared>>) offsets(%dma_start3A_406 : memref<128xi32, #tpu.memory_space<vmem>>) semaphore(%arg12 : memref<!tpu.dma_semaphore, #tpu.memory_space<semaphore_mem>>) {add = true}
      %dma_start3A_410 = arith.constant 1 : i32
      %dma_start3A_411 = arith.constant 2 : i32
      %dma_start3A_412 = arith.constant 1 : i32
      %dma_start3A_413 = arith.constant 2 : i32
      %dma_start3A_414 = arith.constant 0 : i32
      %dma_start3A_415 = arith.constant 0 : i32
      %dma_start3A_416 = tpu.memref_slice %arg8[%dma_start3A_410, %dma_start3A_411, %dma_start3A_414, %dma_start3A_415] : memref<2x5x128x16xf32, #tpu.memory_space<vmem>> -> memref<1x1x128x16xf32, #tpu.memory_space<vmem>>
      %dma_start3A_417 = tpu.memref_squeeze %dma_start3A_416 : memref<1x1x128x16xf32, #tpu.memory_space<vmem>> -> memref<128x16xf32, #tpu.memory_space<vmem>>
      %dma_start3A_418 = arith.constant 0 : i32
      %dma_start3A_419 = tpu.memref_slice %arg7[%dma_start3A_412, %dma_start3A_413, %dma_start3A_418] : memref<2x5x128xi32, #tpu.memory_space<vmem>> -> memref<1x1x128xi32, #tpu.memory_space<vmem>>
      %dma_start3A_420 = tpu.memref_squeeze %dma_start3A_419 : memref<1x1x128xi32, #tpu.memory_space<vmem>> -> memref<128xi32, #tpu.memory_space<vmem>>
      %dma_start3A_421 = arith.constant 0 : i32
      %dma_start3A_422 = arith.constant 0 : i32
      %dma_start3A_423 = tpu.memref_slice %arg9[%dma_start3A_421, %dma_start3A_422] : memref<102400x16xf32, #tpu.memory_space<vmem_shared>> -> memref<102400x16xf32, #tpu.memory_space<vmem_shared>>
      tpu.enqueue_indirect_dma source(%dma_start3A_417 : memref<128x16xf32, #tpu.memory_space<vmem>>) target(%dma_start3A_423 : memref<102400x16xf32, #tpu.memory_space<vmem_shared>>) offsets(%dma_start3A_420 : memref<128xi32, #tpu.memory_space<vmem>>) semaphore(%arg12 : memref<!tpu.dma_semaphore, #tpu.memory_space<semaphore_mem>>) {add = true}
      %dma_start3A_424 = arith.constant 1 : i32
      %dma_start3A_425 = arith.constant 3 : i32
      %dma_start3A_426 = arith.constant 1 : i32
      %dma_start3A_427 = arith.constant 3 : i32
      %dma_start3A_428 = arith.constant 0 : i32
      %dma_start3A_429 = arith.constant 0 : i32
      %dma_start3A_430 = tpu.memref_slice %arg8[%dma_start3A_424, %dma_start3A_425, %dma_start3A_428, %dma_start3A_429] : memref<2x5x128x16xf32, #tpu.memory_space<vmem>> -> memref<1x1x128x16xf32, #tpu.memory_space<vmem>>
      %dma_start3A_431 = tpu.memref_squeeze %dma_start3A_430 : memref<1x1x128x16xf32, #tpu.memory_space<vmem>> -> memref<128x16xf32, #tpu.memory_space<vmem>>
      %dma_start3A_432 = arith.constant 0 : i32
      %dma_start3A_433 = tpu.memref_slice %arg7[%dma_start3A_426, %dma_start3A_427, %dma_start3A_432] : memref<2x5x128xi32, #tpu.memory_space<vmem>> -> memref<1x1x128xi32, #tpu.memory_space<vmem>>
      %dma_start3A_434 = tpu.memref_squeeze %dma_start3A_433 : memref<1x1x128xi32, #tpu.memory_space<vmem>> -> memref<128xi32, #tpu.memory_space<vmem>>
      %dma_start3A_435 = arith.constant 0 : i32
      %dma_start3A_436 = arith.constant 0 : i32
      %dma_start3A_437 = tpu.memref_slice %arg9[%dma_start3A_435, %dma_start3A_436] : memref<102400x16xf32, #tpu.memory_space<vmem_shared>> -> memref<102400x16xf32, #tpu.memory_space<vmem_shared>>
      tpu.enqueue_indirect_dma source(%dma_start3A_431 : memref<128x16xf32, #tpu.memory_space<vmem>>) target(%dma_start3A_437 : memref<102400x16xf32, #tpu.memory_space<vmem_shared>>) offsets(%dma_start3A_434 : memref<128xi32, #tpu.memory_space<vmem>>) semaphore(%arg12 : memref<!tpu.dma_semaphore, #tpu.memory_space<semaphore_mem>>) {add = true}
      %dma_start3A_438 = arith.constant 1 : i32
      %dma_start3A_439 = arith.constant 4 : i32
      %dma_start3A_440 = arith.constant 1 : i32
      %dma_start3A_441 = arith.constant 4 : i32
      %dma_start3A_442 = arith.constant 0 : i32
      %dma_start3A_443 = arith.constant 0 : i32
      %dma_start3A_444 = tpu.memref_slice %arg8[%dma_start3A_438, %dma_start3A_439, %dma_start3A_442, %dma_start3A_443] : memref<2x5x128x16xf32, #tpu.memory_space<vmem>> -> memref<1x1x128x16xf32, #tpu.memory_space<vmem>>
      %dma_start3A_445 = tpu.memref_squeeze %dma_start3A_444 : memref<1x1x128x16xf32, #tpu.memory_space<vmem>> -> memref<128x16xf32, #tpu.memory_space<vmem>>
      %dma_start3A_446 = arith.constant 0 : i32
      %dma_start3A_447 = tpu.memref_slice %arg7[%dma_start3A_440, %dma_start3A_441, %dma_start3A_446] : memref<2x5x128xi32, #tpu.memory_space<vmem>> -> memref<1x1x128xi32, #tpu.memory_space<vmem>>
      %dma_start3A_448 = tpu.memref_squeeze %dma_start3A_447 : memref<1x1x128xi32, #tpu.memory_space<vmem>> -> memref<128xi32, #tpu.memory_space<vmem>>
      %dma_start3A_449 = arith.constant 0 : i32
      %dma_start3A_450 = arith.constant 0 : i32
      %dma_start3A_451 = tpu.memref_slice %arg9[%dma_start3A_449, %dma_start3A_450] : memref<102400x16xf32, #tpu.memory_space<vmem_shared>> -> memref<102400x16xf32, #tpu.memory_space<vmem_shared>>
      tpu.enqueue_indirect_dma source(%dma_start3A_445 : memref<128x16xf32, #tpu.memory_space<vmem>>) target(%dma_start3A_451 : memref<102400x16xf32, #tpu.memory_space<vmem_shared>>) offsets(%dma_start3A_448 : memref<128xi32, #tpu.memory_space<vmem>>) semaphore(%arg12 : memref<!tpu.dma_semaphore, #tpu.memory_space<semaphore_mem>>) {add = true}
      %dma_wait3A_452 = arith.constant 0 : i32
      %dma_wait3A_453 = arith.constant 0 : i32
      %dma_wait3A_454 = arith.constant 0 : i32
      %dma_wait3A_455 = arith.constant 0 : i32
      %dma_wait3A_456 = arith.constant 0 : i32
      %dma_wait3A_457 = arith.constant 0 : i32
      %dma_wait3A_458 = tpu.memref_slice %arg8[%dma_wait3A_452, %dma_wait3A_453, %dma_wait3A_456, %dma_wait3A_457] : memref<2x5x128x16xf32, #tpu.memory_space<vmem>> -> memref<1x1x128x16xf32, #tpu.memory_space<vmem>>
      %dma_wait3A_459 = tpu.memref_squeeze %dma_wait3A_458 : memref<1x1x128x16xf32, #tpu.memory_space<vmem>> -> memref<128x16xf32, #tpu.memory_space<vmem>>
      %dma_wait3A_460 = arith.constant 0 : i32
      %dma_wait3A_461 = tpu.memref_slice %arg7[%dma_wait3A_454, %dma_wait3A_455, %dma_wait3A_460] : memref<2x5x128xi32, #tpu.memory_space<vmem>> -> memref<1x1x128xi32, #tpu.memory_space<vmem>>
      %dma_wait3A_462 = tpu.memref_squeeze %dma_wait3A_461 : memref<1x1x128xi32, #tpu.memory_space<vmem>> -> memref<128xi32, #tpu.memory_space<vmem>>
      %dma_wait3A_463 = arith.constant 0 : i32
      %dma_wait3A_464 = arith.constant 0 : i32
      %dma_wait3A_465 = tpu.memref_slice %arg9[%dma_wait3A_463, %dma_wait3A_464] : memref<102400x16xf32, #tpu.memory_space<vmem_shared>> -> memref<102400x16xf32, #tpu.memory_space<vmem_shared>>
      tpu.wait_indirect_dma semaphore(%arg12 : memref<!tpu.dma_semaphore, #tpu.memory_space<semaphore_mem>>) src(%dma_wait3A_459 : memref<128x16xf32, #tpu.memory_space<vmem>>) dst(%dma_wait3A_465 : memref<102400x16xf32, #tpu.memory_space<vmem_shared>>)
      %dma_wait3A_466 = arith.constant 0 : i32
      %dma_wait3A_467 = arith.constant 1 : i32
      %dma_wait3A_468 = arith.constant 0 : i32
      %dma_wait3A_469 = arith.constant 1 : i32
      %dma_wait3A_470 = arith.constant 0 : i32
      %dma_wait3A_471 = arith.constant 0 : i32
      %dma_wait3A_472 = tpu.memref_slice %arg8[%dma_wait3A_466, %dma_wait3A_467, %dma_wait3A_470, %dma_wait3A_471] : memref<2x5x128x16xf32, #tpu.memory_space<vmem>> -> memref<1x1x128x16xf32, #tpu.memory_space<vmem>>
      %dma_wait3A_473 = tpu.memref_squeeze %dma_wait3A_472 : memref<1x1x128x16xf32, #tpu.memory_space<vmem>> -> memref<128x16xf32, #tpu.memory_space<vmem>>
      %dma_wait3A_474 = arith.constant 0 : i32
      %dma_wait3A_475 = tpu.memref_slice %arg7[%dma_wait3A_468, %dma_wait3A_469, %dma_wait3A_474] : memref<2x5x128xi32, #tpu.memory_space<vmem>> -> memref<1x1x128xi32, #tpu.memory_space<vmem>>
      %dma_wait3A_476 = tpu.memref_squeeze %dma_wait3A_475 : memref<1x1x128xi32, #tpu.memory_space<vmem>> -> memref<128xi32, #tpu.memory_space<vmem>>
      %dma_wait3A_477 = arith.constant 0 : i32
      %dma_wait3A_478 = arith.constant 0 : i32
      %dma_wait3A_479 = tpu.memref_slice %arg9[%dma_wait3A_477, %dma_wait3A_478] : memref<102400x16xf32, #tpu.memory_space<vmem_shared>> -> memref<102400x16xf32, #tpu.memory_space<vmem_shared>>
      tpu.wait_indirect_dma semaphore(%arg12 : memref<!tpu.dma_semaphore, #tpu.memory_space<semaphore_mem>>) src(%dma_wait3A_473 : memref<128x16xf32, #tpu.memory_space<vmem>>) dst(%dma_wait3A_479 : memref<102400x16xf32, #tpu.memory_space<vmem_shared>>)
      %dma_wait3A_480 = arith.constant 0 : i32
      %dma_wait3A_481 = arith.constant 2 : i32
      %dma_wait3A_482 = arith.constant 0 : i32
      %dma_wait3A_483 = arith.constant 2 : i32
      %dma_wait3A_484 = arith.constant 0 : i32
      %dma_wait3A_485 = arith.constant 0 : i32
      %dma_wait3A_486 = tpu.memref_slice %arg8[%dma_wait3A_480, %dma_wait3A_481, %dma_wait3A_484, %dma_wait3A_485] : memref<2x5x128x16xf32, #tpu.memory_space<vmem>> -> memref<1x1x128x16xf32, #tpu.memory_space<vmem>>
      %dma_wait3A_487 = tpu.memref_squeeze %dma_wait3A_486 : memref<1x1x128x16xf32, #tpu.memory_space<vmem>> -> memref<128x16xf32, #tpu.memory_space<vmem>>
      %dma_wait3A_488 = arith.constant 0 : i32
      %dma_wait3A_489 = tpu.memref_slice %arg7[%dma_wait3A_482, %dma_wait3A_483, %dma_wait3A_488] : memref<2x5x128xi32, #tpu.memory_space<vmem>> -> memref<1x1x128xi32, #tpu.memory_space<vmem>>
      %dma_wait3A_490 = tpu.memref_squeeze %dma_wait3A_489 : memref<1x1x128xi32, #tpu.memory_space<vmem>> -> memref<128xi32, #tpu.memory_space<vmem>>
      %dma_wait3A_491 = arith.constant 0 : i32
      %dma_wait3A_492 = arith.constant 0 : i32
      %dma_wait3A_493 = tpu.memref_slice %arg9[%dma_wait3A_491, %dma_wait3A_492] : memref<102400x16xf32, #tpu.memory_space<vmem_shared>> -> memref<102400x16xf32, #tpu.memory_space<vmem_shared>>
      tpu.wait_indirect_dma semaphore(%arg12 : memref<!tpu.dma_semaphore, #tpu.memory_space<semaphore_mem>>) src(%dma_wait3A_487 : memref<128x16xf32, #tpu.memory_space<vmem>>) dst(%dma_wait3A_493 : memref<102400x16xf32, #tpu.memory_space<vmem_shared>>)
      %dma_wait3A_494 = arith.constant 0 : i32
      %dma_wait3A_495 = arith.constant 3 : i32
      %dma_wait3A_496 = arith.constant 0 : i32
      %dma_wait3A_497 = arith.constant 3 : i32
      %dma_wait3A_498 = arith.constant 0 : i32
      %dma_wait3A_499 = arith.constant 0 : i32
      %dma_wait3A_500 = tpu.memref_slice %arg8[%dma_wait3A_494, %dma_wait3A_495, %dma_wait3A_498, %dma_wait3A_499] : memref<2x5x128x16xf32, #tpu.memory_space<vmem>> -> memref<1x1x128x16xf32, #tpu.memory_space<vmem>>
      %dma_wait3A_501 = tpu.memref_squeeze %dma_wait3A_500 : memref<1x1x128x16xf32, #tpu.memory_space<vmem>> -> memref<128x16xf32, #tpu.memory_space<vmem>>
      %dma_wait3A_502 = arith.constant 0 : i32
      %dma_wait3A_503 = tpu.memref_slice %arg7[%dma_wait3A_496, %dma_wait3A_497, %dma_wait3A_502] : memref<2x5x128xi32, #tpu.memory_space<vmem>> -> memref<1x1x128xi32, #tpu.memory_space<vmem>>
      %dma_wait3A_504 = tpu.memref_squeeze %dma_wait3A_503 : memref<1x1x128xi32, #tpu.memory_space<vmem>> -> memref<128xi32, #tpu.memory_space<vmem>>
      %dma_wait3A_505 = arith.constant 0 : i32
      %dma_wait3A_506 = arith.constant 0 : i32
      %dma_wait3A_507 = tpu.memref_slice %arg9[%dma_wait3A_505, %dma_wait3A_506] : memref<102400x16xf32, #tpu.memory_space<vmem_shared>> -> memref<102400x16xf32, #tpu.memory_space<vmem_shared>>
      tpu.wait_indirect_dma semaphore(%arg12 : memref<!tpu.dma_semaphore, #tpu.memory_space<semaphore_mem>>) src(%dma_wait3A_501 : memref<128x16xf32, #tpu.memory_space<vmem>>) dst(%dma_wait3A_507 : memref<102400x16xf32, #tpu.memory_space<vmem_shared>>)
      %dma_wait3A_508 = arith.constant 0 : i32
      %dma_wait3A_509 = arith.constant 4 : i32
      %dma_wait3A_510 = arith.constant 0 : i32
      %dma_wait3A_511 = arith.constant 4 : i32
      %dma_wait3A_512 = arith.constant 0 : i32
      %dma_wait3A_513 = arith.constant 0 : i32
      %dma_wait3A_514 = tpu.memref_slice %arg8[%dma_wait3A_508, %dma_wait3A_509, %dma_wait3A_512, %dma_wait3A_513] : memref<2x5x128x16xf32, #tpu.memory_space<vmem>> -> memref<1x1x128x16xf32, #tpu.memory_space<vmem>>
      %dma_wait3A_515 = tpu.memref_squeeze %dma_wait3A_514 : memref<1x1x128x16xf32, #tpu.memory_space<vmem>> -> memref<128x16xf32, #tpu.memory_space<vmem>>
      %dma_wait3A_516 = arith.constant 0 : i32
      %dma_wait3A_517 = tpu.memref_slice %arg7[%dma_wait3A_510, %dma_wait3A_511, %dma_wait3A_516] : memref<2x5x128xi32, #tpu.memory_space<vmem>> -> memref<1x1x128xi32, #tpu.memory_space<vmem>>
      %dma_wait3A_518 = tpu.memref_squeeze %dma_wait3A_517 : memref<1x1x128xi32, #tpu.memory_space<vmem>> -> memref<128xi32, #tpu.memory_space<vmem>>
      %dma_wait3A_519 = arith.constant 0 : i32
      %dma_wait3A_520 = arith.constant 0 : i32
      %dma_wait3A_521 = tpu.memref_slice %arg9[%dma_wait3A_519, %dma_wait3A_520] : memref<102400x16xf32, #tpu.memory_space<vmem_shared>> -> memref<102400x16xf32, #tpu.memory_space<vmem_shared>>
      tpu.wait_indirect_dma semaphore(%arg12 : memref<!tpu.dma_semaphore, #tpu.memory_space<semaphore_mem>>) src(%dma_wait3A_515 : memref<128x16xf32, #tpu.memory_space<vmem>>) dst(%dma_wait3A_521 : memref<102400x16xf32, #tpu.memory_space<vmem_shared>>)
      %dma_wait3A_522 = arith.constant 1 : i32
      %dma_wait3A_523 = arith.constant 0 : i32
      %dma_wait3A_524 = arith.constant 1 : i32
      %dma_wait3A_525 = arith.constant 0 : i32
      %dma_wait3A_526 = arith.constant 0 : i32
      %dma_wait3A_527 = arith.constant 0 : i32
      %dma_wait3A_528 = tpu.memref_slice %arg8[%dma_wait3A_522, %dma_wait3A_523, %dma_wait3A_526, %dma_wait3A_527] : memref<2x5x128x16xf32, #tpu.memory_space<vmem>> -> memref<1x1x128x16xf32, #tpu.memory_space<vmem>>
      %dma_wait3A_529 = tpu.memref_squeeze %dma_wait3A_528 : memref<1x1x128x16xf32, #tpu.memory_space<vmem>> -> memref<128x16xf32, #tpu.memory_space<vmem>>
      %dma_wait3A_530 = arith.constant 0 : i32
      %dma_wait3A_531 = tpu.memref_slice %arg7[%dma_wait3A_524, %dma_wait3A_525, %dma_wait3A_530] : memref<2x5x128xi32, #tpu.memory_space<vmem>> -> memref<1x1x128xi32, #tpu.memory_space<vmem>>
      %dma_wait3A_532 = tpu.memref_squeeze %dma_wait3A_531 : memref<1x1x128xi32, #tpu.memory_space<vmem>> -> memref<128xi32, #tpu.memory_space<vmem>>
      %dma_wait3A_533 = arith.constant 0 : i32
      %dma_wait3A_534 = arith.constant 0 : i32
      %dma_wait3A_535 = tpu.memref_slice %arg9[%dma_wait3A_533, %dma_wait3A_534] : memref<102400x16xf32, #tpu.memory_space<vmem_shared>> -> memref<102400x16xf32, #tpu.memory_space<vmem_shared>>
      tpu.wait_indirect_dma semaphore(%arg12 : memref<!tpu.dma_semaphore, #tpu.memory_space<semaphore_mem>>) src(%dma_wait3A_529 : memref<128x16xf32, #tpu.memory_space<vmem>>) dst(%dma_wait3A_535 : memref<102400x16xf32, #tpu.memory_space<vmem_shared>>)
      %dma_wait3A_536 = arith.constant 1 : i32
      %dma_wait3A_537 = arith.constant 1 : i32
      %dma_wait3A_538 = arith.constant 1 : i32
      %dma_wait3A_539 = arith.constant 1 : i32
      %dma_wait3A_540 = arith.constant 0 : i32
      %dma_wait3A_541 = arith.constant 0 : i32
      %dma_wait3A_542 = tpu.memref_slice %arg8[%dma_wait3A_536, %dma_wait3A_537, %dma_wait3A_540, %dma_wait3A_541] : memref<2x5x128x16xf32, #tpu.memory_space<vmem>> -> memref<1x1x128x16xf32, #tpu.memory_space<vmem>>
      %dma_wait3A_543 = tpu.memref_squeeze %dma_wait3A_542 : memref<1x1x128x16xf32, #tpu.memory_space<vmem>> -> memref<128x16xf32, #tpu.memory_space<vmem>>
      %dma_wait3A_544 = arith.constant 0 : i32
      %dma_wait3A_545 = tpu.memref_slice %arg7[%dma_wait3A_538, %dma_wait3A_539, %dma_wait3A_544] : memref<2x5x128xi32, #tpu.memory_space<vmem>> -> memref<1x1x128xi32, #tpu.memory_space<vmem>>
      %dma_wait3A_546 = tpu.memref_squeeze %dma_wait3A_545 : memref<1x1x128xi32, #tpu.memory_space<vmem>> -> memref<128xi32, #tpu.memory_space<vmem>>
      %dma_wait3A_547 = arith.constant 0 : i32
      %dma_wait3A_548 = arith.constant 0 : i32
      %dma_wait3A_549 = tpu.memref_slice %arg9[%dma_wait3A_547, %dma_wait3A_548] : memref<102400x16xf32, #tpu.memory_space<vmem_shared>> -> memref<102400x16xf32, #tpu.memory_space<vmem_shared>>
      tpu.wait_indirect_dma semaphore(%arg12 : memref<!tpu.dma_semaphore, #tpu.memory_space<semaphore_mem>>) src(%dma_wait3A_543 : memref<128x16xf32, #tpu.memory_space<vmem>>) dst(%dma_wait3A_549 : memref<102400x16xf32, #tpu.memory_space<vmem_shared>>)
      %dma_wait3A_550 = arith.constant 1 : i32
      %dma_wait3A_551 = arith.constant 2 : i32
      %dma_wait3A_552 = arith.constant 1 : i32
      %dma_wait3A_553 = arith.constant 2 : i32
      %dma_wait3A_554 = arith.constant 0 : i32
      %dma_wait3A_555 = arith.constant 0 : i32
      %dma_wait3A_556 = tpu.memref_slice %arg8[%dma_wait3A_550, %dma_wait3A_551, %dma_wait3A_554, %dma_wait3A_555] : memref<2x5x128x16xf32, #tpu.memory_space<vmem>> -> memref<1x1x128x16xf32, #tpu.memory_space<vmem>>
      %dma_wait3A_557 = tpu.memref_squeeze %dma_wait3A_556 : memref<1x1x128x16xf32, #tpu.memory_space<vmem>> -> memref<128x16xf32, #tpu.memory_space<vmem>>
      %dma_wait3A_558 = arith.constant 0 : i32
      %dma_wait3A_559 = tpu.memref_slice %arg7[%dma_wait3A_552, %dma_wait3A_553, %dma_wait3A_558] : memref<2x5x128xi32, #tpu.memory_space<vmem>> -> memref<1x1x128xi32, #tpu.memory_space<vmem>>
      %dma_wait3A_560 = tpu.memref_squeeze %dma_wait3A_559 : memref<1x1x128xi32, #tpu.memory_space<vmem>> -> memref<128xi32, #tpu.memory_space<vmem>>
      %dma_wait3A_561 = arith.constant 0 : i32
      %dma_wait3A_562 = arith.constant 0 : i32
      %dma_wait3A_563 = tpu.memref_slice %arg9[%dma_wait3A_561, %dma_wait3A_562] : memref<102400x16xf32, #tpu.memory_space<vmem_shared>> -> memref<102400x16xf32, #tpu.memory_space<vmem_shared>>
      tpu.wait_indirect_dma semaphore(%arg12 : memref<!tpu.dma_semaphore, #tpu.memory_space<semaphore_mem>>) src(%dma_wait3A_557 : memref<128x16xf32, #tpu.memory_space<vmem>>) dst(%dma_wait3A_563 : memref<102400x16xf32, #tpu.memory_space<vmem_shared>>)
      %dma_wait3A_564 = arith.constant 1 : i32
      %dma_wait3A_565 = arith.constant 3 : i32
      %dma_wait3A_566 = arith.constant 1 : i32
      %dma_wait3A_567 = arith.constant 3 : i32
      %dma_wait3A_568 = arith.constant 0 : i32
      %dma_wait3A_569 = arith.constant 0 : i32
      %dma_wait3A_570 = tpu.memref_slice %arg8[%dma_wait3A_564, %dma_wait3A_565, %dma_wait3A_568, %dma_wait3A_569] : memref<2x5x128x16xf32, #tpu.memory_space<vmem>> -> memref<1x1x128x16xf32, #tpu.memory_space<vmem>>
      %dma_wait3A_571 = tpu.memref_squeeze %dma_wait3A_570 : memref<1x1x128x16xf32, #tpu.memory_space<vmem>> -> memref<128x16xf32, #tpu.memory_space<vmem>>
      %dma_wait3A_572 = arith.constant 0 : i32
      %dma_wait3A_573 = tpu.memref_slice %arg7[%dma_wait3A_566, %dma_wait3A_567, %dma_wait3A_572] : memref<2x5x128xi32, #tpu.memory_space<vmem>> -> memref<1x1x128xi32, #tpu.memory_space<vmem>>
      %dma_wait3A_574 = tpu.memref_squeeze %dma_wait3A_573 : memref<1x1x128xi32, #tpu.memory_space<vmem>> -> memref<128xi32, #tpu.memory_space<vmem>>
      %dma_wait3A_575 = arith.constant 0 : i32
      %dma_wait3A_576 = arith.constant 0 : i32
      %dma_wait3A_577 = tpu.memref_slice %arg9[%dma_wait3A_575, %dma_wait3A_576] : memref<102400x16xf32, #tpu.memory_space<vmem_shared>> -> memref<102400x16xf32, #tpu.memory_space<vmem_shared>>
      tpu.wait_indirect_dma semaphore(%arg12 : memref<!tpu.dma_semaphore, #tpu.memory_space<semaphore_mem>>) src(%dma_wait3A_571 : memref<128x16xf32, #tpu.memory_space<vmem>>) dst(%dma_wait3A_577 : memref<102400x16xf32, #tpu.memory_space<vmem_shared>>)
      %dma_wait3A_578 = arith.constant 1 : i32
      %dma_wait3A_579 = arith.constant 4 : i32
      %dma_wait3A_580 = arith.constant 1 : i32
      %dma_wait3A_581 = arith.constant 4 : i32
      %dma_wait3A_582 = arith.constant 0 : i32
      %dma_wait3A_583 = arith.constant 0 : i32
      %dma_wait3A_584 = tpu.memref_slice %arg8[%dma_wait3A_578, %dma_wait3A_579, %dma_wait3A_582, %dma_wait3A_583] : memref<2x5x128x16xf32, #tpu.memory_space<vmem>> -> memref<1x1x128x16xf32, #tpu.memory_space<vmem>>
      %dma_wait3A_585 = tpu.memref_squeeze %dma_wait3A_584 : memref<1x1x128x16xf32, #tpu.memory_space<vmem>> -> memref<128x16xf32, #tpu.memory_space<vmem>>
      %dma_wait3A_586 = arith.constant 0 : i32
      %dma_wait3A_587 = tpu.memref_slice %arg7[%dma_wait3A_580, %dma_wait3A_581, %dma_wait3A_586] : memref<2x5x128xi32, #tpu.memory_space<vmem>> -> memref<1x1x128xi32, #tpu.memory_space<vmem>>
      %dma_wait3A_588 = tpu.memref_squeeze %dma_wait3A_587 : memref<1x1x128xi32, #tpu.memory_space<vmem>> -> memref<128xi32, #tpu.memory_space<vmem>>
      %dma_wait3A_589 = arith.constant 0 : i32
      %dma_wait3A_590 = arith.constant 0 : i32
      %dma_wait3A_591 = tpu.memref_slice %arg9[%dma_wait3A_589, %dma_wait3A_590] : memref<102400x16xf32, #tpu.memory_space<vmem_shared>> -> memref<102400x16xf32, #tpu.memory_space<vmem_shared>>
      tpu.wait_indirect_dma semaphore(%arg12 : memref<!tpu.dma_semaphore, #tpu.memory_space<semaphore_mem>>) src(%dma_wait3A_585 : memref<128x16xf32, #tpu.memory_space<vmem>>) dst(%dma_wait3A_591 : memref<102400x16xf32, #tpu.memory_space<vmem_shared>>)
    }
    %scan3A_10 = arith.constant 80 : i32
    %barrier3A_11 = arith.constant 0 : index
    tpu.barrier barrier_id(%barrier3A_11)
    %mul3A_12 = arith.constant 6256 : i32
    %mul3A_13 = arith.muli %arg1, %mul3A_12 : i32
    %min3A_14 = arith.constant 93744 : i32
    %min3A_15 = arith.minsi %mul3A_13, %min3A_14 : i32
    "tpu.region"() ({
      %run_scoped3A = tpu.sem_alloc : memref<!tpu.dma_semaphore, #tpu.memory_space<semaphore_mem>>
      %dma_start3A = arith.constant 0 : i32
      %dma_start3A_16 = tpu.memref_slice %arg5[%arg0, %min3A_15, %dma_start3A] : memref<2x100000x16xf32, #tpu.memory_space<hbm>> -> memref<1x6256x16xf32, #tpu.memory_space<hbm>>
      %dma_start3A_17 = tpu.memref_squeeze %dma_start3A_16 : memref<1x6256x16xf32, #tpu.memory_space<hbm>> -> memref<6256x16xf32, #tpu.memory_space<hbm>>
      %dma_start3A_18 = arith.constant 0 : i32
      %dma_start3A_19 = tpu.memref_slice %arg9[%min3A_15, %dma_start3A_18] : memref<102400x16xf32, #tpu.memory_space<vmem_shared>> -> memref<6256x16xf32, #tpu.memory_space<vmem_shared>>
      tpu.enqueue_dma source(%dma_start3A_19 : memref<6256x16xf32, #tpu.memory_space<vmem_shared>>) target(%dma_start3A_17 : memref<6256x16xf32, #tpu.memory_space<hbm>>) target_semaphore(%run_scoped3A : memref<!tpu.dma_semaphore, #tpu.memory_space<semaphore_mem>>)
      %dma_wait3A = arith.constant 0 : i32
      %dma_wait3A_20 = tpu.memref_slice %arg5[%arg0, %min3A_15, %dma_wait3A] : memref<2x100000x16xf32, #tpu.memory_space<hbm>> -> memref<1x6256x16xf32, #tpu.memory_space<hbm>>
      %dma_wait3A_21 = tpu.memref_squeeze %dma_wait3A_20 : memref<1x6256x16xf32, #tpu.memory_space<hbm>> -> memref<6256x16xf32, #tpu.memory_space<hbm>>
      %dma_wait3A_22 = arith.constant 0 : i32
      %dma_wait3A_23 = tpu.memref_slice %arg9[%min3A_15, %dma_wait3A_22] : memref<102400x16xf32, #tpu.memory_space<vmem_shared>> -> memref<6256x16xf32, #tpu.memory_space<vmem_shared>>
      tpu.wait_dma2 semaphore(%run_scoped3A : memref<!tpu.dma_semaphore, #tpu.memory_space<semaphore_mem>>) src(%dma_wait3A_23 : memref<6256x16xf32, #tpu.memory_space<vmem_shared>>) dst(%dma_wait3A_21 : memref<6256x16xf32, #tpu.memory_space<hbm>>)
      tpu.yield
    }) : () -> ()
    return
  }
}

module attributes {stable_mosaic.version = 14 : i64} {
  func.func @_fuse_body(%arg0: i32, %arg1: memref<1024x551xf32, #tpu.memory_space<vmem>>, %arg2: memref<2x1024x16xf32, #tpu.memory_space<vmem>>, %arg3: memref<551x128xf32, #tpu.memory_space<vmem>>, %arg4: memref<1x128xf32, #tpu.memory_space<vmem>>, %arg5: memref<32x96xf32, #tpu.memory_space<vmem>>, %arg6: memref<1x96xf32, #tpu.memory_space<vmem>>, %arg7: memref<32x32xf32, #tpu.memory_space<vmem>>, %arg8: memref<1x32xf32, #tpu.memory_space<vmem>>, %arg9: memref<32x32xf32, #tpu.memory_space<vmem>>, %arg10: memref<512x64xf32, #tpu.memory_space<vmem>>, %arg11: memref<64x16xf32, #tpu.memory_space<vmem>>, %arg12: memref<16x64xf32, #tpu.memory_space<vmem>>, %arg13: memref<64x512xf32, #tpu.memory_space<vmem>>, %arg14: memref<512x128xf32, #tpu.memory_space<vmem>>, %arg15: memref<2x1024x16xf32, #tpu.memory_space<vmem>>) attributes {dimension_semantics = [#tpu.dimension_semantics<arbitrary>], iteration_bounds = array<i64: 98>, scalar_prefetch = 0 : i64, scratch_operands = 0 : i64, tpu.core_type = #tpu.core_type<tc>, window_params = [{transform_indices = @transform_0, window_bounds = array<i64: 1024, 551>}, {transform_indices = @transform_1, window_bounds = array<i64: 2, 1024, 16>}, {pipeline_mode = #tpu.pipeline_mode<synchronous>, transform_indices = @transform_2, window_bounds = array<i64: 551, 128>}, {pipeline_mode = #tpu.pipeline_mode<synchronous>, transform_indices = @transform_3, window_bounds = array<i64: 1, 128>}, {pipeline_mode = #tpu.pipeline_mode<synchronous>, transform_indices = @transform_4, window_bounds = array<i64: 32, 96>}, {pipeline_mode = #tpu.pipeline_mode<synchronous>, transform_indices = @transform_5, window_bounds = array<i64: 1, 96>}, {pipeline_mode = #tpu.pipeline_mode<synchronous>, transform_indices = @transform_6, window_bounds = array<i64: 32, 32>}, {pipeline_mode = #tpu.pipeline_mode<synchronous>, transform_indices = @transform_7, window_bounds = array<i64: 1, 32>}, {pipeline_mode = #tpu.pipeline_mode<synchronous>, transform_indices = @transform_8, window_bounds = array<i64: 32, 32>}, {pipeline_mode = #tpu.pipeline_mode<synchronous>, transform_indices = @transform_9, window_bounds = array<i64: 512, 64>}, {pipeline_mode = #tpu.pipeline_mode<synchronous>, transform_indices = @transform_10, window_bounds = array<i64: 64, 16>}, {pipeline_mode = #tpu.pipeline_mode<synchronous>, transform_indices = @transform_11, window_bounds = array<i64: 16, 64>}, {pipeline_mode = #tpu.pipeline_mode<synchronous>, transform_indices = @transform_12, window_bounds = array<i64: 64, 512>}, {pipeline_mode = #tpu.pipeline_mode<synchronous>, transform_indices = @transform_13, window_bounds = array<i64: 512, 128>}, {transform_indices = @transform_14, window_bounds = array<i64: 2, 1024, 16>}]} {
    %get3A = arith.constant 0 : index
    %get3A_0 = arith.constant 0 : index
    %get3A_1 = vector.load %arg1[%get3A, %get3A_0] : memref<1024x551xf32, #tpu.memory_space<vmem>>, vector<1024x551xf32>
    %convert_element_type3A = arith.truncf %get3A_1 : vector<1024x551xf32> to vector<1024x551xbf16>
    %get3A_2 = arith.constant 0 : index
    %get3A_3 = arith.constant 0 : index
    %get3A_4 = vector.load %arg3[%get3A_2, %get3A_3] : memref<551x128xf32, #tpu.memory_space<vmem>>, vector<551x128xf32>
    %convert_element_type3A_5 = arith.truncf %get3A_4 : vector<551x128xf32> to vector<551x128xbf16>
    %dot_general3A = arith.constant dense<0.000000e+00> : vector<1024x128xf32>
    %dot_general3A_6 = tpu.matmul %convert_element_type3A, %convert_element_type3A_5, %dot_general3A {dimension_numbers = #tpu.dot_dimension_numbers<[1], [0], [0], [1], [0, 0, 1, 1], [], []>, transpose_lhs_hint = false} : vector<1024x551xbf16>, vector<551x128xbf16>, vector<1024x128xf32> -> vector<1024x128xf32>
    %get3A_7 = arith.constant 0 : index
    %get3A_8 = arith.constant 0 : index
    %get3A_9 = vector.load %arg4[%get3A_7, %get3A_8] : memref<1x128xf32, #tpu.memory_space<vmem>>, vector<1x128xf32>
    %add3A = vector.broadcast %get3A_9 : vector<1x128xf32> to vector<1024x128xf32>
    %add3A_10 = arith.addf %dot_general3A_6, %add3A : vector<1024x128xf32>
    %max3A = arith.constant 0.000000e+00 : f32
    %max3A_11 = vector.broadcast %max3A : f32 to vector<1024x128xf32>
    %max3A_12 = arith.maximumf %add3A_10, %max3A_11 : vector<1024x128xf32>
    %get3A_13 = arith.constant 0 : index
    %get3A_14 = arith.constant 0 : index
    %get3A_15 = vector.load %arg5[%get3A_13, %get3A_14] : memref<32x96xf32, #tpu.memory_space<vmem>>, vector<32x96xf32>
    %get3A_16 = arith.constant 0 : index
    %get3A_17 = arith.constant 0 : index
    %get3A_18 = vector.load %arg6[%get3A_16, %get3A_17] : memref<1x96xf32, #tpu.memory_space<vmem>>, vector<1x96xf32>
    %slice3A = vector.extract_strided_slice %max3A_12 {offsets = [0, 0], sizes = [1024, 32], strides = [1, 1]} : vector<1024x128xf32> to vector<1024x32xf32>
    %convert_element_type3A_19 = arith.truncf %slice3A : vector<1024x32xf32> to vector<1024x32xbf16>
    %convert_element_type3A_20 = arith.truncf %get3A_15 : vector<32x96xf32> to vector<32x96xbf16>
    %dot_general3A_21 = arith.constant dense<0.000000e+00> : vector<1024x96xf32>
    %dot_general3A_22 = tpu.matmul %convert_element_type3A_19, %convert_element_type3A_20, %dot_general3A_21 {dimension_numbers = #tpu.dot_dimension_numbers<[1], [0], [0], [1], [0, 0, 1, 1], [], []>, transpose_lhs_hint = false} : vector<1024x32xbf16>, vector<32x96xbf16>, vector<1024x96xf32> -> vector<1024x96xf32>
    %add3A_23 = vector.broadcast %get3A_18 : vector<1x96xf32> to vector<1024x96xf32>
    %add3A_24 = arith.addf %dot_general3A_22, %add3A_23 : vector<1024x96xf32>
    %slice3A_25 = vector.extract_strided_slice %add3A_24 {offsets = [0, 0], sizes = [1024, 32], strides = [1, 1]} : vector<1024x96xf32> to vector<1024x32xf32>
    %slice3A_26 = vector.extract_strided_slice %add3A_24 {offsets = [0, 32], sizes = [1024, 32], strides = [1, 1]} : vector<1024x96xf32> to vector<1024x32xf32>
    %slice3A_27 = vector.extract_strided_slice %add3A_24 {offsets = [0, 64], sizes = [1024, 32], strides = [1, 1]} : vector<1024x96xf32> to vector<1024x32xf32>
    %slice3A_28 = vector.extract_strided_slice %max3A_12 {offsets = [0, 32], sizes = [1024, 32], strides = [1, 1]} : vector<1024x128xf32> to vector<1024x32xf32>
    %convert_element_type3A_29 = arith.truncf %slice3A_28 : vector<1024x32xf32> to vector<1024x32xbf16>
    %convert_element_type3A_30 = arith.truncf %get3A_15 : vector<32x96xf32> to vector<32x96xbf16>
    %dot_general3A_31 = arith.constant dense<0.000000e+00> : vector<1024x96xf32>
    %dot_general3A_32 = tpu.matmul %convert_element_type3A_29, %convert_element_type3A_30, %dot_general3A_31 {dimension_numbers = #tpu.dot_dimension_numbers<[1], [0], [0], [1], [0, 0, 1, 1], [], []>, transpose_lhs_hint = false} : vector<1024x32xbf16>, vector<32x96xbf16>, vector<1024x96xf32> -> vector<1024x96xf32>
    %add3A_33 = vector.broadcast %get3A_18 : vector<1x96xf32> to vector<1024x96xf32>
    %add3A_34 = arith.addf %dot_general3A_32, %add3A_33 : vector<1024x96xf32>
    %slice3A_35 = vector.extract_strided_slice %add3A_34 {offsets = [0, 0], sizes = [1024, 32], strides = [1, 1]} : vector<1024x96xf32> to vector<1024x32xf32>
    %slice3A_36 = vector.extract_strided_slice %add3A_34 {offsets = [0, 32], sizes = [1024, 32], strides = [1, 1]} : vector<1024x96xf32> to vector<1024x32xf32>
    %slice3A_37 = vector.extract_strided_slice %add3A_34 {offsets = [0, 64], sizes = [1024, 32], strides = [1, 1]} : vector<1024x96xf32> to vector<1024x32xf32>
    %slice3A_38 = vector.extract_strided_slice %max3A_12 {offsets = [0, 64], sizes = [1024, 32], strides = [1, 1]} : vector<1024x128xf32> to vector<1024x32xf32>
    %convert_element_type3A_39 = arith.truncf %slice3A_38 : vector<1024x32xf32> to vector<1024x32xbf16>
    %convert_element_type3A_40 = arith.truncf %get3A_15 : vector<32x96xf32> to vector<32x96xbf16>
    %dot_general3A_41 = arith.constant dense<0.000000e+00> : vector<1024x96xf32>
    %dot_general3A_42 = tpu.matmul %convert_element_type3A_39, %convert_element_type3A_40, %dot_general3A_41 {dimension_numbers = #tpu.dot_dimension_numbers<[1], [0], [0], [1], [0, 0, 1, 1], [], []>, transpose_lhs_hint = false} : vector<1024x32xbf16>, vector<32x96xbf16>, vector<1024x96xf32> -> vector<1024x96xf32>
    %add3A_43 = vector.broadcast %get3A_18 : vector<1x96xf32> to vector<1024x96xf32>
    %add3A_44 = arith.addf %dot_general3A_42, %add3A_43 : vector<1024x96xf32>
    %slice3A_45 = vector.extract_strided_slice %add3A_44 {offsets = [0, 0], sizes = [1024, 32], strides = [1, 1]} : vector<1024x96xf32> to vector<1024x32xf32>
    %slice3A_46 = vector.extract_strided_slice %add3A_44 {offsets = [0, 32], sizes = [1024, 32], strides = [1, 1]} : vector<1024x96xf32> to vector<1024x32xf32>
    %slice3A_47 = vector.extract_strided_slice %add3A_44 {offsets = [0, 64], sizes = [1024, 32], strides = [1, 1]} : vector<1024x96xf32> to vector<1024x32xf32>
    %slice3A_48 = vector.extract_strided_slice %max3A_12 {offsets = [0, 96], sizes = [1024, 32], strides = [1, 1]} : vector<1024x128xf32> to vector<1024x32xf32>
    %convert_element_type3A_49 = arith.truncf %slice3A_48 : vector<1024x32xf32> to vector<1024x32xbf16>
    %convert_element_type3A_50 = arith.truncf %get3A_15 : vector<32x96xf32> to vector<32x96xbf16>
    %dot_general3A_51 = arith.constant dense<0.000000e+00> : vector<1024x96xf32>
    %dot_general3A_52 = tpu.matmul %convert_element_type3A_49, %convert_element_type3A_50, %dot_general3A_51 {dimension_numbers = #tpu.dot_dimension_numbers<[1], [0], [0], [1], [0, 0, 1, 1], [], []>, transpose_lhs_hint = false} : vector<1024x32xbf16>, vector<32x96xbf16>, vector<1024x96xf32> -> vector<1024x96xf32>
    %add3A_53 = vector.broadcast %get3A_18 : vector<1x96xf32> to vector<1024x96xf32>
    %add3A_54 = arith.addf %dot_general3A_52, %add3A_53 : vector<1024x96xf32>
    %slice3A_55 = vector.extract_strided_slice %add3A_54 {offsets = [0, 0], sizes = [1024, 32], strides = [1, 1]} : vector<1024x96xf32> to vector<1024x32xf32>
    %slice3A_56 = vector.extract_strided_slice %add3A_54 {offsets = [0, 32], sizes = [1024, 32], strides = [1, 1]} : vector<1024x96xf32> to vector<1024x32xf32>
    %slice3A_57 = vector.extract_strided_slice %add3A_54 {offsets = [0, 64], sizes = [1024, 32], strides = [1, 1]} : vector<1024x96xf32> to vector<1024x32xf32>
    %concatenate3A = tpu.concatenate %slice3A_25, %slice3A_25, %slice3A_25, %slice3A_25, %slice3A_35, %slice3A_35, %slice3A_35, %slice3A_35, %slice3A_45, %slice3A_45, %slice3A_45, %slice3A_45, %slice3A_55, %slice3A_55, %slice3A_55, %slice3A_55 in 1 : vector<1024x32xf32>, vector<1024x32xf32>, vector<1024x32xf32>, vector<1024x32xf32>, vector<1024x32xf32>, vector<1024x32xf32>, vector<1024x32xf32>, vector<1024x32xf32>, vector<1024x32xf32>, vector<1024x32xf32>, vector<1024x32xf32>, vector<1024x32xf32>, vector<1024x32xf32>, vector<1024x32xf32>, vector<1024x32xf32>, vector<1024x32xf32> -> vector<1024x512xf32>
    %concatenate3A_58 = tpu.concatenate %slice3A_26, %slice3A_36, %slice3A_46, %slice3A_56, %slice3A_26, %slice3A_36, %slice3A_46, %slice3A_56, %slice3A_26, %slice3A_36, %slice3A_46, %slice3A_56, %slice3A_26, %slice3A_36, %slice3A_46, %slice3A_56 in 1 : vector<1024x32xf32>, vector<1024x32xf32>, vector<1024x32xf32>, vector<1024x32xf32>, vector<1024x32xf32>, vector<1024x32xf32>, vector<1024x32xf32>, vector<1024x32xf32>, vector<1024x32xf32>, vector<1024x32xf32>, vector<1024x32xf32>, vector<1024x32xf32>, vector<1024x32xf32>, vector<1024x32xf32>, vector<1024x32xf32>, vector<1024x32xf32> -> vector<1024x512xf32>
    %mul3A = arith.mulf %concatenate3A, %concatenate3A_58 : vector<1024x512xf32>
    %get3A_59 = arith.constant 0 : index
    %get3A_60 = arith.constant 0 : index
    %get3A_61 = vector.load %arg10[%get3A_59, %get3A_60] : memref<512x64xf32, #tpu.memory_space<vmem>>, vector<512x64xf32>
    %convert_element_type3A_62 = arith.truncf %mul3A : vector<1024x512xf32> to vector<1024x512xbf16>
    %convert_element_type3A_63 = arith.truncf %get3A_61 : vector<512x64xf32> to vector<512x64xbf16>
    %dot_general3A_64 = arith.constant dense<0.000000e+00> : vector<1024x64xf32>
    %dot_general3A_65 = tpu.matmul %convert_element_type3A_62, %convert_element_type3A_63, %dot_general3A_64 {dimension_numbers = #tpu.dot_dimension_numbers<[1], [0], [0], [1], [0, 0, 1, 1], [], []>, transpose_lhs_hint = false} : vector<1024x512xbf16>, vector<512x64xbf16>, vector<1024x64xf32> -> vector<1024x64xf32>
    %mul3A_66 = arith.constant 0.353553385 : f32
    %mul3A_67 = vector.broadcast %mul3A_66 : f32 to vector<1024x64xf32>
    %mul3A_68 = arith.mulf %dot_general3A_65, %mul3A_67 : vector<1024x64xf32>
    %reduce_max3A = arith.constant dense<0xFF800000> : vector<1024xf32>
    %reduce_max3A_69 = vector.multi_reduction <maximumf>, %mul3A_68, %reduce_max3A [1] : vector<1024x64xf32> to vector<1024xf32>
    %broadcast_in_dim3A = vector.shape_cast %reduce_max3A_69 : vector<1024xf32> to vector<1024x1xf32>
    %sub3A = vector.broadcast %broadcast_in_dim3A : vector<1024x1xf32> to vector<1024x64xf32>
    %sub3A_70 = arith.subf %mul3A_68, %sub3A : vector<1024x64xf32>
    %exp3A = math.exp %sub3A_70 : vector<1024x64xf32>
    %get3A_71 = arith.constant 0 : index
    %get3A_72 = arith.constant 0 : index
    %get3A_73 = vector.load %arg11[%get3A_71, %get3A_72] : memref<64x16xf32, #tpu.memory_space<vmem>>, vector<64x16xf32>
    %convert_element_type3A_74 = arith.truncf %exp3A : vector<1024x64xf32> to vector<1024x64xbf16>
    %convert_element_type3A_75 = arith.truncf %get3A_73 : vector<64x16xf32> to vector<64x16xbf16>
    %dot_general3A_76 = arith.constant dense<0.000000e+00> : vector<1024x16xf32>
    %dot_general3A_77 = tpu.matmul %convert_element_type3A_74, %convert_element_type3A_75, %dot_general3A_76 {dimension_numbers = #tpu.dot_dimension_numbers<[1], [0], [0], [1], [0, 0, 1, 1], [], []>, transpose_lhs_hint = false} : vector<1024x64xbf16>, vector<64x16xbf16>, vector<1024x16xf32> -> vector<1024x16xf32>
    %get3A_78 = arith.constant 0 : index
    %get3A_79 = arith.constant 0 : index
    %get3A_80 = vector.load %arg12[%get3A_78, %get3A_79] : memref<16x64xf32, #tpu.memory_space<vmem>>, vector<16x64xf32>
    %convert_element_type3A_81 = arith.truncf %dot_general3A_77 : vector<1024x16xf32> to vector<1024x16xbf16>
    %convert_element_type3A_82 = arith.truncf %get3A_80 : vector<16x64xf32> to vector<16x64xbf16>
    %dot_general3A_83 = arith.constant dense<0.000000e+00> : vector<1024x64xf32>
    %dot_general3A_84 = tpu.matmul %convert_element_type3A_81, %convert_element_type3A_82, %dot_general3A_83 {dimension_numbers = #tpu.dot_dimension_numbers<[1], [0], [0], [1], [0, 0, 1, 1], [], []>, transpose_lhs_hint = false} : vector<1024x16xbf16>, vector<16x64xbf16>, vector<1024x64xf32> -> vector<1024x64xf32>
    %div3A = arith.divf %exp3A, %dot_general3A_84 : vector<1024x64xf32>
    %get3A_85 = arith.constant 0 : index
    %get3A_86 = arith.constant 0 : index
    %get3A_87 = vector.load %arg13[%get3A_85, %get3A_86] : memref<64x512xf32, #tpu.memory_space<vmem>>, vector<64x512xf32>
    %convert_element_type3A_88 = arith.truncf %div3A : vector<1024x64xf32> to vector<1024x64xbf16>
    %convert_element_type3A_89 = arith.truncf %get3A_87 : vector<64x512xf32> to vector<64x512xbf16>
    %dot_general3A_90 = arith.constant dense<0.000000e+00> : vector<1024x512xf32>
    %dot_general3A_91 = tpu.matmul %convert_element_type3A_88, %convert_element_type3A_89, %dot_general3A_90 {dimension_numbers = #tpu.dot_dimension_numbers<[1], [0], [0], [1], [0, 0, 1, 1], [], []>, transpose_lhs_hint = false} : vector<1024x64xbf16>, vector<64x512xbf16>, vector<1024x512xf32> -> vector<1024x512xf32>
    %concatenate3A_92 = tpu.concatenate %slice3A_27, %slice3A_37, %slice3A_47, %slice3A_57, %slice3A_27, %slice3A_37, %slice3A_47, %slice3A_57, %slice3A_27, %slice3A_37, %slice3A_47, %slice3A_57, %slice3A_27, %slice3A_37, %slice3A_47, %slice3A_57 in 1 : vector<1024x32xf32>, vector<1024x32xf32>, vector<1024x32xf32>, vector<1024x32xf32>, vector<1024x32xf32>, vector<1024x32xf32>, vector<1024x32xf32>, vector<1024x32xf32>, vector<1024x32xf32>, vector<1024x32xf32>, vector<1024x32xf32>, vector<1024x32xf32>, vector<1024x32xf32>, vector<1024x32xf32>, vector<1024x32xf32>, vector<1024x32xf32> -> vector<1024x512xf32>
    %mul3A_93 = arith.mulf %dot_general3A_91, %concatenate3A_92 : vector<1024x512xf32>
    %get3A_94 = arith.constant 0 : index
    %get3A_95 = arith.constant 0 : index
    %get3A_96 = vector.load %arg14[%get3A_94, %get3A_95] : memref<512x128xf32, #tpu.memory_space<vmem>>, vector<512x128xf32>
    %convert_element_type3A_97 = arith.truncf %mul3A_93 : vector<1024x512xf32> to vector<1024x512xbf16>
    %convert_element_type3A_98 = arith.truncf %get3A_96 : vector<512x128xf32> to vector<512x128xbf16>
    %dot_general3A_99 = arith.constant dense<0.000000e+00> : vector<1024x128xf32>
    %dot_general3A_100 = tpu.matmul %convert_element_type3A_97, %convert_element_type3A_98, %dot_general3A_99 {dimension_numbers = #tpu.dot_dimension_numbers<[1], [0], [0], [1], [0, 0, 1, 1], [], []>, transpose_lhs_hint = false} : vector<1024x512xbf16>, vector<512x128xbf16>, vector<1024x128xf32> -> vector<1024x128xf32>
    %slice3A_101 = vector.extract_strided_slice %dot_general3A_100 {offsets = [0, 0], sizes = [1024, 32], strides = [1, 1]} : vector<1024x128xf32> to vector<1024x32xf32>
    %slice3A_102 = vector.extract_strided_slice %dot_general3A_100 {offsets = [0, 32], sizes = [1024, 32], strides = [1, 1]} : vector<1024x128xf32> to vector<1024x32xf32>
    %add3A_103 = arith.addf %slice3A_101, %slice3A_102 : vector<1024x32xf32>
    %slice3A_104 = vector.extract_strided_slice %dot_general3A_100 {offsets = [0, 64], sizes = [1024, 32], strides = [1, 1]} : vector<1024x128xf32> to vector<1024x32xf32>
    %add3A_105 = arith.addf %add3A_103, %slice3A_104 : vector<1024x32xf32>
    %slice3A_106 = vector.extract_strided_slice %dot_general3A_100 {offsets = [0, 96], sizes = [1024, 32], strides = [1, 1]} : vector<1024x128xf32> to vector<1024x32xf32>
    %add3A_107 = arith.addf %add3A_105, %slice3A_106 : vector<1024x32xf32>
    %get3A_108 = arith.constant 0 : index
    %get3A_109 = arith.constant 0 : index
    %get3A_110 = vector.load %arg7[%get3A_108, %get3A_109] : memref<32x32xf32, #tpu.memory_space<vmem>>, vector<32x32xf32>
    %mul3A_111 = arith.constant 2.500000e-01 : f32
    %mul3A_112 = vector.broadcast %mul3A_111 : f32 to vector<32x32xf32>
    %mul3A_113 = arith.mulf %get3A_110, %mul3A_112 : vector<32x32xf32>
    %convert_element_type3A_114 = arith.truncf %add3A_107 : vector<1024x32xf32> to vector<1024x32xbf16>
    %convert_element_type3A_115 = arith.truncf %mul3A_113 : vector<32x32xf32> to vector<32x32xbf16>
    %dot_general3A_116 = arith.constant dense<0.000000e+00> : vector<1024x32xf32>
    %dot_general3A_117 = tpu.matmul %convert_element_type3A_114, %convert_element_type3A_115, %dot_general3A_116 {dimension_numbers = #tpu.dot_dimension_numbers<[1], [0], [0], [1], [0, 0, 1, 1], [], []>, transpose_lhs_hint = false} : vector<1024x32xbf16>, vector<32x32xbf16>, vector<1024x32xf32> -> vector<1024x32xf32>
    %get3A_118 = arith.constant 0 : index
    %get3A_119 = arith.constant 0 : index
    %get3A_120 = vector.load %arg8[%get3A_118, %get3A_119] : memref<1x32xf32, #tpu.memory_space<vmem>>, vector<1x32xf32>
    %add3A_121 = vector.broadcast %get3A_120 : vector<1x32xf32> to vector<1024x32xf32>
    %add3A_122 = arith.addf %dot_general3A_117, %add3A_121 : vector<1024x32xf32>
    %get3A_123 = arith.constant 0 : index
    %get3A_124 = arith.constant 0 : index
    %get3A_125 = vector.load %arg9[%get3A_123, %get3A_124] : memref<32x32xf32, #tpu.memory_space<vmem>>, vector<32x32xf32>
    %convert_element_type3A_126 = arith.truncf %add3A_122 : vector<1024x32xf32> to vector<1024x32xbf16>
    %convert_element_type3A_127 = arith.truncf %get3A_125 : vector<32x32xf32> to vector<32x32xbf16>
    %dot_general3A_128 = arith.constant dense<0.000000e+00> : vector<1024x32xf32>
    %dot_general3A_129 = tpu.matmul %convert_element_type3A_126, %convert_element_type3A_127, %dot_general3A_128 {dimension_numbers = #tpu.dot_dimension_numbers<[1], [0], [0], [1], [0, 0, 1, 1], [], []>, transpose_lhs_hint = false} : vector<1024x32xbf16>, vector<32x32xbf16>, vector<1024x32xf32> -> vector<1024x32xf32>
    %get3A_130 = arith.constant 0 : index
    %get3A_131 = arith.constant 0 : index
    %get3A_132 = arith.constant 0 : index
    %get3A_133 = vector.load %arg2[%get3A_130, %get3A_131, %get3A_132] : memref<2x1024x16xf32, #tpu.memory_space<vmem>>, vector<2x1024x16xf32>
    %slice3A_134 = vector.extract_strided_slice %get3A_133 {offsets = [0, 0, 0], sizes = [1, 1024, 16], strides = [1, 1, 1]} : vector<2x1024x16xf32> to vector<1x1024x16xf32>
    %squeeze3A = vector.shape_cast %slice3A_134 : vector<1x1024x16xf32> to vector<1024x16xf32>
    %add3A_135 = arith.constant 1.000000e+00 : f32
    %add3A_136 = vector.broadcast %add3A_135 : f32 to vector<1024x16xf32>
    %add3A_137 = arith.addf %add3A_136, %squeeze3A : vector<1024x16xf32>
    %slice3A_138 = vector.extract_strided_slice %get3A_133 {offsets = [1, 0, 0], sizes = [1, 1024, 16], strides = [1, 1, 1]} : vector<2x1024x16xf32> to vector<1x1024x16xf32>
    %squeeze3A_139 = vector.shape_cast %slice3A_138 : vector<1x1024x16xf32> to vector<1024x16xf32>
    %add3A_140 = arith.addf %add3A_137, %squeeze3A_139 : vector<1024x16xf32>
    %rsqrt3A = math.rsqrt %add3A_140 : vector<1024x16xf32>
    %slice3A_141 = vector.extract_strided_slice %dot_general3A_129 {offsets = [0, 0], sizes = [1024, 16], strides = [1, 1]} : vector<1024x32xf32> to vector<1024x16xf32>
    %mul3A_142 = arith.mulf %slice3A_141, %rsqrt3A : vector<1024x16xf32>
    %swap3A = arith.constant 0 : index
    %swap3A_143 = arith.constant 0 : index
    %swap3A_144 = arith.constant 0 : index
    %swap3A_145 = vector.load %arg15[%swap3A, %swap3A_143, %swap3A_144] : memref<2x1024x16xf32, #tpu.memory_space<vmem>>, vector<1x1024x16xf32>
    %swap3A_146 = vector.shape_cast %swap3A_145 : vector<1x1024x16xf32> to vector<1024x16xf32>
    %swap3A_147 = vector.shape_cast %mul3A_142 : vector<1024x16xf32> to vector<1x1024x16xf32>
    tpu.vector_store %arg15[%swap3A, %swap3A_143, %swap3A_144], %swap3A_147 {strides = array<i32>} : memref<2x1024x16xf32, #tpu.memory_space<vmem>>, vector<1x1024x16xf32>,
    %slice3A_148 = vector.extract_strided_slice %dot_general3A_129 {offsets = [0, 16], sizes = [1024, 16], strides = [1, 1]} : vector<1024x32xf32> to vector<1024x16xf32>
    %mul3A_149 = arith.mulf %slice3A_148, %rsqrt3A : vector<1024x16xf32>
    %swap3A_150 = arith.constant 1 : index
    %swap3A_151 = arith.constant 0 : index
    %swap3A_152 = arith.constant 0 : index
    %swap3A_153 = vector.load %arg15[%swap3A_150, %swap3A_151, %swap3A_152] : memref<2x1024x16xf32, #tpu.memory_space<vmem>>, vector<1x1024x16xf32>
    %swap3A_154 = vector.shape_cast %swap3A_153 : vector<1x1024x16xf32> to vector<1024x16xf32>
    %swap3A_155 = vector.shape_cast %mul3A_149 : vector<1024x16xf32> to vector<1x1024x16xf32>
    tpu.vector_store %arg15[%swap3A_150, %swap3A_151, %swap3A_152], %swap3A_155 {strides = array<i32>} : memref<2x1024x16xf32, #tpu.memory_space<vmem>>, vector<1x1024x16xf32>,
    return
  }
  func.func @transform_0(%arg0: i32) -> (i32, i32) {
    %c0_i32 = arith.constant 0 : i32
    %c0_i32_0 = arith.constant 0 : i32
    return %arg0, %c0_i32 : i32, i32
  }
  func.func @transform_1(%arg0: i32) -> (i32, i32, i32) {
    %c0_i32 = arith.constant 0 : i32
    %c0_i32_0 = arith.constant 0 : i32
    %c0_i32_1 = arith.constant 0 : i32
    return %c0_i32, %arg0, %c0_i32_0 : i32, i32, i32
  }
  func.func @transform_2(%arg0: i32) -> (i32, i32) {
    %c0_i32 = arith.constant 0 : i32
    %c0_i32_0 = arith.constant 0 : i32
    %c0_i32_1 = arith.constant 0 : i32
    return %c0_i32, %c0_i32_0 : i32, i32
  }
  func.func @transform_3(%arg0: i32) -> (i32, i32) {
    %c0_i32 = arith.constant 0 : i32
    %c0_i32_0 = arith.constant 0 : i32
    %c0_i32_1 = arith.constant 0 : i32
    return %c0_i32, %c0_i32_0 : i32, i32
  }
  func.func @transform_4(%arg0: i32) -> (i32, i32) {
    %c0_i32 = arith.constant 0 : i32
    %c0_i32_0 = arith.constant 0 : i32
    %c0_i32_1 = arith.constant 0 : i32
    return %c0_i32, %c0_i32_0 : i32, i32
  }
  func.func @transform_5(%arg0: i32) -> (i32, i32) {
    %c0_i32 = arith.constant 0 : i32
    %c0_i32_0 = arith.constant 0 : i32
    %c0_i32_1 = arith.constant 0 : i32
    return %c0_i32, %c0_i32_0 : i32, i32
  }
  func.func @transform_6(%arg0: i32) -> (i32, i32) {
    %c0_i32 = arith.constant 0 : i32
    %c0_i32_0 = arith.constant 0 : i32
    %c0_i32_1 = arith.constant 0 : i32
    return %c0_i32, %c0_i32_0 : i32, i32
  }
  func.func @transform_7(%arg0: i32) -> (i32, i32) {
    %c0_i32 = arith.constant 0 : i32
    %c0_i32_0 = arith.constant 0 : i32
    %c0_i32_1 = arith.constant 0 : i32
    return %c0_i32, %c0_i32_0 : i32, i32
  }
  func.func @transform_8(%arg0: i32) -> (i32, i32) {
    %c0_i32 = arith.constant 0 : i32
    %c0_i32_0 = arith.constant 0 : i32
    %c0_i32_1 = arith.constant 0 : i32
    return %c0_i32, %c0_i32_0 : i32, i32
  }
  func.func @transform_9(%arg0: i32) -> (i32, i32) {
    %c0_i32 = arith.constant 0 : i32
    %c0_i32_0 = arith.constant 0 : i32
    %c0_i32_1 = arith.constant 0 : i32
    return %c0_i32, %c0_i32_0 : i32, i32
  }
  func.func @transform_10(%arg0: i32) -> (i32, i32) {
    %c0_i32 = arith.constant 0 : i32
    %c0_i32_0 = arith.constant 0 : i32
    %c0_i32_1 = arith.constant 0 : i32
    return %c0_i32, %c0_i32_0 : i32, i32
  }
  func.func @transform_11(%arg0: i32) -> (i32, i32) {
    %c0_i32 = arith.constant 0 : i32
    %c0_i32_0 = arith.constant 0 : i32
    %c0_i32_1 = arith.constant 0 : i32
    return %c0_i32, %c0_i32_0 : i32, i32
  }
  func.func @transform_12(%arg0: i32) -> (i32, i32) {
    %c0_i32 = arith.constant 0 : i32
    %c0_i32_0 = arith.constant 0 : i32
    %c0_i32_1 = arith.constant 0 : i32
    return %c0_i32, %c0_i32_0 : i32, i32
  }
  func.func @transform_13(%arg0: i32) -> (i32, i32) {
    %c0_i32 = arith.constant 0 : i32
    %c0_i32_0 = arith.constant 0 : i32
    %c0_i32_1 = arith.constant 0 : i32
    return %c0_i32, %c0_i32_0 : i32, i32
  }
  func.func @transform_14(%arg0: i32) -> (i32, i32, i32) {
    %c0_i32 = arith.constant 0 : i32
    %c0_i32_0 = arith.constant 0 : i32
    %c0_i32_1 = arith.constant 0 : i32
    return %c0_i32, %arg0, %c0_i32_0 : i32, i32, i32
  }
}

module attributes {stable_mosaic.version = 14 : i64} {
  func.func @_mid_body(%arg0: i32, %arg1: memref<2x256x128xf32, #tpu.memory_space<vmem>>, %arg2: memref<2x256x128xf32, #tpu.memory_space<vmem>>, %arg3: memref<2x1x128xf32, #tpu.memory_space<vmem>>, %arg4: memref<4x128x128xf32, #tpu.memory_space<vmem>>, %arg5: memref<2x256x128xf32, #tpu.memory_space<vmem>>) attributes {dimension_semantics = [#tpu.dimension_semantics<arbitrary>], iteration_bounds = array<i64: 49>, scalar_prefetch = 0 : i64, scratch_operands = 0 : i64, tpu.core_type = #tpu.core_type<tc>, window_params = [{transform_indices = @transform_0, window_bounds = array<i64: 2, 256, 128>}, {transform_indices = @transform_1, window_bounds = array<i64: 2, 256, 128>}, {pipeline_mode = #tpu.pipeline_mode<synchronous>, transform_indices = @transform_2, window_bounds = array<i64: 2, 1, 128>}, {pipeline_mode = #tpu.pipeline_mode<synchronous>, transform_indices = @transform_3, window_bounds = array<i64: 4, 128, 128>}, {transform_indices = @transform_4, window_bounds = array<i64: 2, 256, 128>}]} {
    %get3A = arith.constant 0 : index
    %get3A_0 = arith.constant 0 : index
    %get3A_1 = arith.constant 0 : index
    %get3A_2 = vector.load %arg2[%get3A, %get3A_0, %get3A_1] : memref<2x256x128xf32, #tpu.memory_space<vmem>>, vector<2x256x128xf32>
    %slice3A = vector.extract_strided_slice %get3A_2 {offsets = [0, 0, 0], sizes = [1, 256, 128], strides = [1, 1, 1]} : vector<2x256x128xf32> to vector<1x256x128xf32>
    %squeeze3A = vector.shape_cast %slice3A : vector<1x256x128xf32> to vector<256x128xf32>
    %add3A = arith.constant 1.000000e+00 : f32
    %add3A_3 = vector.broadcast %add3A : f32 to vector<256x128xf32>
    %add3A_4 = arith.addf %add3A_3, %squeeze3A : vector<256x128xf32>
    %slice3A_5 = vector.extract_strided_slice %get3A_2 {offsets = [1, 0, 0], sizes = [1, 256, 128], strides = [1, 1, 1]} : vector<2x256x128xf32> to vector<1x256x128xf32>
    %squeeze3A_6 = vector.shape_cast %slice3A_5 : vector<1x256x128xf32> to vector<256x128xf32>
    %add3A_7 = arith.addf %add3A_4, %squeeze3A_6 : vector<256x128xf32>
    %rsqrt3A = math.rsqrt %add3A_7 : vector<256x128xf32>
    %get3A_8 = arith.constant 0 : index
    %get3A_9 = arith.constant 0 : index
    %get3A_10 = arith.constant 0 : index
    %get3A_11 = vector.load %arg1[%get3A_8, %get3A_9, %get3A_10] : memref<2x256x128xf32, #tpu.memory_space<vmem>>, vector<2x256x128xf32>
    %get3A_12 = arith.constant 0 : index
    %get3A_13 = arith.constant 0 : index
    %get3A_14 = arith.constant 0 : index
    %get3A_15 = vector.load %arg3[%get3A_12, %get3A_13, %get3A_14] : memref<2x1x128xf32, #tpu.memory_space<vmem>>, vector<2x1x128xf32>
    %slice3A_16 = vector.extract_strided_slice %get3A_11 {offsets = [0, 0, 0], sizes = [1, 256, 128], strides = [1, 1, 1]} : vector<2x256x128xf32> to vector<1x256x128xf32>
    %squeeze3A_17 = vector.shape_cast %slice3A_16 : vector<1x256x128xf32> to vector<256x128xf32>
    %mul3A = arith.mulf %squeeze3A_17, %rsqrt3A : vector<256x128xf32>
    %slice3A_18 = vector.extract_strided_slice %get3A_15 {offsets = [0, 0, 0], sizes = [1, 1, 128], strides = [1, 1, 1]} : vector<2x1x128xf32> to vector<1x1x128xf32>
    %squeeze3A_19 = vector.shape_cast %slice3A_18 : vector<1x1x128xf32> to vector<1x128xf32>
    %add3A_20 = vector.broadcast %squeeze3A_19 : vector<1x128xf32> to vector<256x128xf32>
    %add3A_21 = arith.addf %mul3A, %add3A_20 : vector<256x128xf32>
    %max3A = arith.constant 0.000000e+00 : f32
    %max3A_22 = vector.broadcast %max3A : f32 to vector<256x128xf32>
    %max3A_23 = arith.maximumf %add3A_21, %max3A_22 : vector<256x128xf32>
    %slice3A_24 = vector.extract_strided_slice %get3A_11 {offsets = [1, 0, 0], sizes = [1, 256, 128], strides = [1, 1, 1]} : vector<2x256x128xf32> to vector<1x256x128xf32>
    %squeeze3A_25 = vector.shape_cast %slice3A_24 : vector<1x256x128xf32> to vector<256x128xf32>
    %mul3A_26 = arith.mulf %squeeze3A_25, %rsqrt3A : vector<256x128xf32>
    %slice3A_27 = vector.extract_strided_slice %get3A_15 {offsets = [1, 0, 0], sizes = [1, 1, 128], strides = [1, 1, 1]} : vector<2x1x128xf32> to vector<1x1x128xf32>
    %squeeze3A_28 = vector.shape_cast %slice3A_27 : vector<1x1x128xf32> to vector<1x128xf32>
    %add3A_29 = vector.broadcast %squeeze3A_28 : vector<1x128xf32> to vector<256x128xf32>
    %add3A_30 = arith.addf %mul3A_26, %add3A_29 : vector<256x128xf32>
    %max3A_31 = arith.constant 0.000000e+00 : f32
    %max3A_32 = vector.broadcast %max3A_31 : f32 to vector<256x128xf32>
    %max3A_33 = arith.maximumf %add3A_30, %max3A_32 : vector<256x128xf32>
    %get3A_34 = arith.constant 0 : index
    %get3A_35 = arith.constant 0 : index
    %get3A_36 = arith.constant 0 : index
    %get3A_37 = vector.load %arg4[%get3A_34, %get3A_35, %get3A_36] : memref<4x128x128xf32, #tpu.memory_space<vmem>>, vector<4x128x128xf32>
    %slice3A_38 = vector.extract_strided_slice %get3A_37 {offsets = [0, 0, 0], sizes = [1, 128, 128], strides = [1, 1, 1]} : vector<4x128x128xf32> to vector<1x128x128xf32>
    %squeeze3A_39 = vector.shape_cast %slice3A_38 : vector<1x128x128xf32> to vector<128x128xf32>
    %dot_general3A = arith.constant dense<0.000000e+00> : vector<256x128xf32>
    %dot_general3A_40 = tpu.matmul %max3A_23, %squeeze3A_39, %dot_general3A {dimension_numbers = #tpu.dot_dimension_numbers<[1], [0], [0], [1], [0, 0, 1, 1], [], []>, transpose_lhs_hint = false} : vector<256x128xf32>, vector<128x128xf32>, vector<256x128xf32> -> vector<256x128xf32>
    %slice3A_41 = vector.extract_strided_slice %get3A_37 {offsets = [2, 0, 0], sizes = [1, 128, 128], strides = [1, 1, 1]} : vector<4x128x128xf32> to vector<1x128x128xf32>
    %squeeze3A_42 = vector.shape_cast %slice3A_41 : vector<1x128x128xf32> to vector<128x128xf32>
    %dot_general3A_43 = arith.constant dense<0.000000e+00> : vector<256x128xf32>
    %dot_general3A_44 = tpu.matmul %max3A_33, %squeeze3A_42, %dot_general3A_43 {dimension_numbers = #tpu.dot_dimension_numbers<[1], [0], [0], [1], [0, 0, 1, 1], [], []>, transpose_lhs_hint = false} : vector<256x128xf32>, vector<128x128xf32>, vector<256x128xf32> -> vector<256x128xf32>
    %add3A_45 = arith.addf %dot_general3A_40, %dot_general3A_44 : vector<256x128xf32>
    %slice3A_46 = vector.extract_strided_slice %get3A_37 {offsets = [1, 0, 0], sizes = [1, 128, 128], strides = [1, 1, 1]} : vector<4x128x128xf32> to vector<1x128x128xf32>
    %squeeze3A_47 = vector.shape_cast %slice3A_46 : vector<1x128x128xf32> to vector<128x128xf32>
    %dot_general3A_48 = arith.constant dense<0.000000e+00> : vector<256x128xf32>
    %dot_general3A_49 = tpu.matmul %max3A_23, %squeeze3A_47, %dot_general3A_48 {dimension_numbers = #tpu.dot_dimension_numbers<[1], [0], [0], [1], [0, 0, 1, 1], [], []>, transpose_lhs_hint = false} : vector<256x128xf32>, vector<128x128xf32>, vector<256x128xf32> -> vector<256x128xf32>
    %slice3A_50 = vector.extract_strided_slice %get3A_37 {offsets = [3, 0, 0], sizes = [1, 128, 128], strides = [1, 1, 1]} : vector<4x128x128xf32> to vector<1x128x128xf32>
    %squeeze3A_51 = vector.shape_cast %slice3A_50 : vector<1x128x128xf32> to vector<128x128xf32>
    %dot_general3A_52 = arith.constant dense<0.000000e+00> : vector<256x128xf32>
    %dot_general3A_53 = tpu.matmul %max3A_33, %squeeze3A_51, %dot_general3A_52 {dimension_numbers = #tpu.dot_dimension_numbers<[1], [0], [0], [1], [0, 0, 1, 1], [], []>, transpose_lhs_hint = false} : vector<256x128xf32>, vector<128x128xf32>, vector<256x128xf32> -> vector<256x128xf32>
    %add3A_54 = arith.addf %dot_general3A_49, %dot_general3A_53 : vector<256x128xf32>
    %mul3A_55 = arith.mulf %add3A_45, %rsqrt3A : vector<256x128xf32>
    %swap3A = arith.constant 0 : index
    %swap3A_56 = arith.constant 0 : index
    %swap3A_57 = arith.constant 0 : index
    %swap3A_58 = vector.load %arg5[%swap3A, %swap3A_56, %swap3A_57] : memref<2x256x128xf32, #tpu.memory_space<vmem>>, vector<1x256x128xf32>
    %swap3A_59 = vector.shape_cast %swap3A_58 : vector<1x256x128xf32> to vector<256x128xf32>
    %swap3A_60 = vector.shape_cast %mul3A_55 : vector<256x128xf32> to vector<1x256x128xf32>
    tpu.vector_store %arg5[%swap3A, %swap3A_56, %swap3A_57], %swap3A_60 {strides = array<i32>} : memref<2x256x128xf32, #tpu.memory_space<vmem>>, vector<1x256x128xf32>,
    %mul3A_61 = arith.mulf %add3A_54, %rsqrt3A : vector<256x128xf32>
    %swap3A_62 = arith.constant 1 : index
    %swap3A_63 = arith.constant 0 : index
    %swap3A_64 = arith.constant 0 : index
    %swap3A_65 = vector.load %arg5[%swap3A_62, %swap3A_63, %swap3A_64] : memref<2x256x128xf32, #tpu.memory_space<vmem>>, vector<1x256x128xf32>
    %swap3A_66 = vector.shape_cast %swap3A_65 : vector<1x256x128xf32> to vector<256x128xf32>
    %swap3A_67 = vector.shape_cast %mul3A_61 : vector<256x128xf32> to vector<1x256x128xf32>
    tpu.vector_store %arg5[%swap3A_62, %swap3A_63, %swap3A_64], %swap3A_67 {strides = array<i32>} : memref<2x256x128xf32, #tpu.memory_space<vmem>>, vector<1x256x128xf32>,
    return
  }
  func.func @transform_0(%arg0: i32) -> (i32, i32, i32) {
    %c0_i32 = arith.constant 0 : i32
    %c0_i32_0 = arith.constant 0 : i32
    %c0_i32_1 = arith.constant 0 : i32
    return %c0_i32, %arg0, %c0_i32_0 : i32, i32, i32
  }
  func.func @transform_1(%arg0: i32) -> (i32, i32, i32) {
    %c0_i32 = arith.constant 0 : i32
    %c0_i32_0 = arith.constant 0 : i32
    %c0_i32_1 = arith.constant 0 : i32
    return %c0_i32, %arg0, %c0_i32_0 : i32, i32, i32
  }
  func.func @transform_2(%arg0: i32) -> (i32, i32, i32) {
    %c0_i32 = arith.constant 0 : i32
    %c0_i32_0 = arith.constant 0 : i32
    %c0_i32_1 = arith.constant 0 : i32
    %c0_i32_2 = arith.constant 0 : i32
    return %c0_i32, %c0_i32_0, %c0_i32_1 : i32, i32, i32
  }
  func.func @transform_3(%arg0: i32) -> (i32, i32, i32) {
    %c0_i32 = arith.constant 0 : i32
    %c0_i32_0 = arith.constant 0 : i32
    %c0_i32_1 = arith.constant 0 : i32
    %c0_i32_2 = arith.constant 0 : i32
    return %c0_i32, %c0_i32_0, %c0_i32_1 : i32, i32, i32
  }
  func.func @transform_4(%arg0: i32) -> (i32, i32, i32) {
    %c0_i32 = arith.constant 0 : i32
    %c0_i32_0 = arith.constant 0 : i32
    %c0_i32_1 = arith.constant 0 : i32
    return %c0_i32, %arg0, %c0_i32_0 : i32, i32, i32
  }
}

module attributes {stable_mosaic.version = 14 : i64} {
  func.func @_fin_body(%arg0: i32, %arg1: memref<2x256x128xf32, #tpu.memory_space<vmem>>, %arg2: memref<2x256x128xf32, #tpu.memory_space<vmem>>, %arg3: memref<2x1x128xf32, #tpu.memory_space<vmem>>, %arg4: memref<2x256x128xf32, #tpu.memory_space<vmem>>) attributes {dimension_semantics = [#tpu.dimension_semantics<arbitrary>], iteration_bounds = array<i64: 49>, scalar_prefetch = 0 : i64, scratch_operands = 0 : i64, tpu.core_type = #tpu.core_type<tc>, window_params = [{transform_indices = @transform_0, window_bounds = array<i64: 2, 256, 128>}, {transform_indices = @transform_1, window_bounds = array<i64: 2, 256, 128>}, {pipeline_mode = #tpu.pipeline_mode<synchronous>, transform_indices = @transform_2, window_bounds = array<i64: 2, 1, 128>}, {transform_indices = @transform_3, window_bounds = array<i64: 2, 256, 128>}]} {
    %get3A = arith.constant 0 : index
    %get3A_0 = arith.constant 0 : index
    %get3A_1 = arith.constant 0 : index
    %get3A_2 = vector.load %arg2[%get3A, %get3A_0, %get3A_1] : memref<2x256x128xf32, #tpu.memory_space<vmem>>, vector<2x256x128xf32>
    %slice3A = vector.extract_strided_slice %get3A_2 {offsets = [0, 0, 0], sizes = [1, 256, 128], strides = [1, 1, 1]} : vector<2x256x128xf32> to vector<1x256x128xf32>
    %squeeze3A = vector.shape_cast %slice3A : vector<1x256x128xf32> to vector<256x128xf32>
    %add3A = arith.constant 1.000000e+00 : f32
    %add3A_3 = vector.broadcast %add3A : f32 to vector<256x128xf32>
    %add3A_4 = arith.addf %add3A_3, %squeeze3A : vector<256x128xf32>
    %slice3A_5 = vector.extract_strided_slice %get3A_2 {offsets = [1, 0, 0], sizes = [1, 256, 128], strides = [1, 1, 1]} : vector<2x256x128xf32> to vector<1x256x128xf32>
    %squeeze3A_6 = vector.shape_cast %slice3A_5 : vector<1x256x128xf32> to vector<256x128xf32>
    %add3A_7 = arith.addf %add3A_4, %squeeze3A_6 : vector<256x128xf32>
    %rsqrt3A = math.rsqrt %add3A_7 : vector<256x128xf32>
    %get3A_8 = arith.constant 0 : index
    %get3A_9 = arith.constant 0 : index
    %get3A_10 = arith.constant 0 : index
    %get3A_11 = vector.load %arg1[%get3A_8, %get3A_9, %get3A_10] : memref<2x256x128xf32, #tpu.memory_space<vmem>>, vector<2x256x128xf32>
    %get3A_12 = arith.constant 0 : index
    %get3A_13 = arith.constant 0 : index
    %get3A_14 = arith.constant 0 : index
    %get3A_15 = vector.load %arg3[%get3A_12, %get3A_13, %get3A_14] : memref<2x1x128xf32, #tpu.memory_space<vmem>>, vector<2x1x128xf32>
    %slice3A_16 = vector.extract_strided_slice %get3A_11 {offsets = [0, 0, 0], sizes = [1, 256, 128], strides = [1, 1, 1]} : vector<2x256x128xf32> to vector<1x256x128xf32>
    %squeeze3A_17 = vector.shape_cast %slice3A_16 : vector<1x256x128xf32> to vector<256x128xf32>
    %mul3A = arith.mulf %squeeze3A_17, %rsqrt3A : vector<256x128xf32>
    %slice3A_18 = vector.extract_strided_slice %get3A_15 {offsets = [0, 0, 0], sizes = [1, 1, 128], strides = [1, 1, 1]} : vector<2x1x128xf32> to vector<1x1x128xf32>
    %squeeze3A_19 = vector.shape_cast %slice3A_18 : vector<1x1x128xf32> to vector<1x128xf32>
    %add3A_20 = vector.broadcast %squeeze3A_19 : vector<1x128xf32> to vector<256x128xf32>
    %add3A_21 = arith.addf %mul3A, %add3A_20 : vector<256x128xf32>
    %swap3A = arith.constant 0 : index
    %swap3A_22 = arith.constant 0 : index
    %swap3A_23 = arith.constant 0 : index
    %swap3A_24 = vector.load %arg4[%swap3A, %swap3A_22, %swap3A_23] : memref<2x256x128xf32, #tpu.memory_space<vmem>>, vector<1x256x128xf32>
    %swap3A_25 = vector.shape_cast %swap3A_24 : vector<1x256x128xf32> to vector<256x128xf32>
    %swap3A_26 = vector.shape_cast %add3A_21 : vector<256x128xf32> to vector<1x256x128xf32>
    tpu.vector_store %arg4[%swap3A, %swap3A_22, %swap3A_23], %swap3A_26 {strides = array<i32>} : memref<2x256x128xf32, #tpu.memory_space<vmem>>, vector<1x256x128xf32>,
    %slice3A_27 = vector.extract_strided_slice %get3A_11 {offsets = [1, 0, 0], sizes = [1, 256, 128], strides = [1, 1, 1]} : vector<2x256x128xf32> to vector<1x256x128xf32>
    %squeeze3A_28 = vector.shape_cast %slice3A_27 : vector<1x256x128xf32> to vector<256x128xf32>
    %mul3A_29 = arith.mulf %squeeze3A_28, %rsqrt3A : vector<256x128xf32>
    %slice3A_30 = vector.extract_strided_slice %get3A_15 {offsets = [1, 0, 0], sizes = [1, 1, 128], strides = [1, 1, 1]} : vector<2x1x128xf32> to vector<1x1x128xf32>
    %squeeze3A_31 = vector.shape_cast %slice3A_30 : vector<1x1x128xf32> to vector<1x128xf32>
    %add3A_32 = vector.broadcast %squeeze3A_31 : vector<1x128xf32> to vector<256x128xf32>
    %add3A_33 = arith.addf %mul3A_29, %add3A_32 : vector<256x128xf32>
    %swap3A_34 = arith.constant 1 : index
    %swap3A_35 = arith.constant 0 : index
    %swap3A_36 = arith.constant 0 : index
    %swap3A_37 = vector.load %arg4[%swap3A_34, %swap3A_35, %swap3A_36] : memref<2x256x128xf32, #tpu.memory_space<vmem>>, vector<1x256x128xf32>
    %swap3A_38 = vector.shape_cast %swap3A_37 : vector<1x256x128xf32> to vector<256x128xf32>
    %swap3A_39 = vector.shape_cast %add3A_33 : vector<256x128xf32> to vector<1x256x128xf32>
    tpu.vector_store %arg4[%swap3A_34, %swap3A_35, %swap3A_36], %swap3A_39 {strides = array<i32>} : memref<2x256x128xf32, #tpu.memory_space<vmem>>, vector<1x256x128xf32>,
    return
  }
  func.func @transform_0(%arg0: i32) -> (i32, i32, i32) {
    %c0_i32 = arith.constant 0 : i32
    %c0_i32_0 = arith.constant 0 : i32
    %c0_i32_1 = arith.constant 0 : i32
    return %c0_i32, %arg0, %c0_i32_0 : i32, i32, i32
  }
  func.func @transform_1(%arg0: i32) -> (i32, i32, i32) {
    %c0_i32 = arith.constant 0 : i32
    %c0_i32_0 = arith.constant 0 : i32
    %c0_i32_1 = arith.constant 0 : i32
    return %c0_i32, %arg0, %c0_i32_0 : i32, i32, i32
  }
  func.func @transform_2(%arg0: i32) -> (i32, i32, i32) {
    %c0_i32 = arith.constant 0 : i32
    %c0_i32_0 = arith.constant 0 : i32
    %c0_i32_1 = arith.constant 0 : i32
    %c0_i32_2 = arith.constant 0 : i32
    return %c0_i32, %c0_i32_0, %c0_i32_1 : i32, i32, i32
  }
  func.func @transform_3(%arg0: i32) -> (i32, i32, i32) {
    %c0_i32 = arith.constant 0 : i32
    %c0_i32_0 = arith.constant 0 : i32
    %c0_i32_1 = arith.constant 0 : i32
    return %c0_i32, %arg0, %c0_i32_0 : i32, i32, i32
  }
}

</mosaic_0001>

<sc_bundles>
// kernel: kernel.11.cloned.1.call-start
scs
__scs_entry_jumppad:
0x0: {  	(pc) =	sbr.rel $0x88, $3  }
0x1: {  	(tag) =	ssettag $0x0;
	lr =	simm.s32 $0x1  }
0x2: {  	[smem:$0x3F8F] =	sst lr;
	_ =	strace $0xD0000000  }
0x3: {  	_ = 	snop  }
0x4: {  	_ = 	snop  }
0x5: {  	_ = 	snop  }
0x6: {  	_ = 	snop  }
0x7: {  	_ = 	snop  }
__scs_overlays_trampoline_lowered:
0x8: {  	[smem:$0x3F9E] =	sst s0  }
0x9: {  	[smem:$0x3F9F] =	sst s1  }
0xa: {  	[smem:$0x3FA0] =	sst s2  }
0xb: {  	[smem:$0x3FA1] =	sst s3  }
0xc: {  	[smem:$0x3FA2] =	sst s4  }
0xd: {  	[smem:$0x3FA3] =	sst s5  }
0xe: {  	[smem:$0x3FA4] =	sst s6  }
0xf: {  	[smem:$0x3FA5] =	sst s7  }
0x10: {  	[smem:$0x3FA6] =	sst s8  }
0x11: {  	[smem:$0x3FA7] =	sst s9;
	s0 =	simm.s32 @!p0 $0x0  }
0x12: {  	s1 =	sld [smem:$0x3F8D];
	s0 =	simm.s32 @p0 $0x1  }
0x13: {  	[smem:$0x3FA8] =	sst s0;
	s0 =	simm.s32 @!p1 $0x0  }
0x14: {  	s2 =	sld [smem:$0x3F8C];
	s0 =	simm.s32 @p1 $0x1  }
0x15: {  	[smem:$0x3FA9] =	sst s0;
	s0 =	simm.s32 @!p2 $0x0  }
0x16: {  	s3 =	sld [smem:$0x3FDB];
	s0 =	simm.s32 @p2 $0x1  }
0x17: {  	s4 =	simm.s32 $0x1BF5;
	[smem:$0x3FAB] =	sst s0  }
0x18: {  	s0 =	sld [smem:$0x3F8E];
	_ =	swait.ge [sflag:s4], $0x0  }
0x19: {  	s7 =	sld [smem:$0x3F8F]  }
0x1a: {  	s8 =	sadd.s32 $0xFFFFE003, lr  }
0x1b: {  	s9 =	sadd.s32 $0xFFFFFEF7, lr;
	s5 =	simm.s32 $0xFFFFFFFF;
	p2 =	slt.u32 s8, $0xFFFFF086  }
0x1c: {  	p1 =	slt.u32 s9, $0xF7A;
	s5 =	simm.s32 @!p2 $0x0  }
0x1d: {  	s5 =	simm.s32 @p1 $0x1;
	p0 =	seq.s32 s7, s2  }
0x1e: {  	s7 =	smul.u32 @!p0 $0xF7A, s2;
	p2 =	seq.s32 @!p0 s5, $0x0  }
0x1f: {  	s9 =	smul.u32 $0xF7A, s1;
	s8 =	simm.s32 @!p0 $0x1BF5;
	p2 =	por !p2, p0  }
0x20: {  	[sflag:s8] =	ssyncset.s32 @!p0 $0xFFFFF086;
	s6 =	sadd.s32 @!p0 s3, s7;
	s7 =	simm.s32 @!p0 $0x108  }
0x21: {  	s3 =	sadd.s32 s3, s9;
	s6 =	sadd.s32 @!p0 $0x88, s6;
	s7 =	simm.s32 @p2 $0x1082  }
0x22: {  	[simem:s7], [sflag:s8] =	dma.local @!p0 [hbm:s6], $0xF7A  }
0x23: {  	s9 =	sor.u32 $0xD0000000, s2;
	s6 =	simm.s32 $0x108;
	_ =	swait.ge @!p0 [sflag:s8], $0x0  }
0x24: {  	s3 =	sadd.s32 $0x88, s3;
	s6 =	simm.s32 @!p1 $0x1082;
	[sflag:s4] =	ssyncset.s32 $0xFFFFF086  }
0x25: {  	[simem:s6], [sflag:s4] =	dma.local [hbm:s3], $0xF7A  }
0x26: {  	[smem:$0x3F8F] =	sst s1;
	(tag) =	ssettag s2;
	_ =	strace s9  }
0x27: {  	s1 =	sld [smem:$0x3F9F]  }
0x28: {  	s2 =	sld [smem:$0x3FA0]  }
0x29: {  	s4 =	sld [smem:$0x3FA2]  }
0x2a: {  	p0 =	seq.s32 s5, $0x0;
	s5 =	sld [smem:$0x3FA3]  }
0x2b: {  	s6 =	sld [smem:$0x3FA4]  }
0x2c: {  	s7 =	sld [smem:$0x3FA5]  }
0x2d: {  	s3 =	simm.s32 $0x108;
	s8 =	sld [smem:$0x3FA6]  }
0x2e: {  	s3 =	simm.s32 @!p0 $0x1082;
	s9 =	sld [smem:$0x3FA7]  }
0x2f: {  	lr =	sadd.s32 s0, s3;
	s0 =	sld [smem:$0x3F9E]  }
0x30: {  	s3 =	sld [smem:$0x3FA1]  }
0x31: {  	[smem:$0x3FAA] =	sst s10  }
0x32: {  	s10 =	sld [smem:$0x3FA8];
	_ =	sdelay $0x3  }
0x33: {  	p0 =	seq.s32 s10, $0x1;
	s10 =	sld [smem:$0x3FAA];
	_ =	sdelay $0x3  }
0x34: {  	[smem:$0x3FAA] =	sst s10  }
0x35: {  	s10 =	sld [smem:$0x3FA9];
	_ =	sdelay $0x3  }
0x36: {  	p1 =	seq.s32 s10, $0x1;
	s10 =	sld [smem:$0x3FAA];
	_ =	sdelay $0x3  }
0x37: {  	[smem:$0x3FAA] =	sst s10  }
0x38: {  	s10 =	sld [smem:$0x3FAB]  }
0x39: {  	_ = 	snop;
	(pc) =	sbr.ind lr, $3  }
0x3a: {  	_ = 	snop  }
0x3b: {  	_ = 	snop  }
0x3c: {  	p2 =	seq.s32 s10, $0x1;
	s10 =	sld [smem:$0x3FAA]  }
0x3d: {  	_ =	shalt  }
0x3e: {  	_ =	shalt  }
0x3f: {  	_ =	shalt  }
0x40: {  	_ =	shalt  }
0x41: {  	_ =	shalt  }
0x42: {  	_ =	shalt  }
0x43: {  	_ =	shalt  }
0x44: {  	_ =	shalt  }
0x45: {  	_ =	shalt  }
0x46: {  	_ =	shalt  }
0x47: {  	_ =	shalt  }
0x48: {  	_ =	shalt  }
0x49: {  	_ =	shalt  }
0x4a: {  	_ =	shalt  }
0x4b: {  	_ =	shalt  }
0x4c: {  	_ =	shalt  }
0x4d: {  	_ =	shalt  }
0x4e: {  	_ =	shalt  }
0x4f: {  	_ =	shalt  }
0x50: {  	_ =	shalt  }
0x51: {  	_ =	shalt  }
0x52: {  	_ =	shalt  }
0x53: {  	_ =	shalt  }
0x54: {  	_ =	shalt  }
0x55: {  	_ =	shalt  }
0x56: {  	_ =	shalt  }
0x57: {  	_ =	shalt  }
0x58: {  	_ =	shalt  }
0x59: {  	_ =	shalt  }
0x5a: {  	_ =	shalt  }
0x5b: {  	_ =	shalt  }
0x5c: {  	_ =	shalt  }
0x5d: {  	_ =	shalt  }
0x5e: {  	_ =	shalt  }
0x5f: {  	_ =	shalt  }
0x60: {  	_ =	shalt  }
0x61: {  	_ =	shalt  }
0x62: {  	_ =	shalt  }
0x63: {  	_ =	shalt  }
0x64: {  	_ =	shalt  }
0x65: {  	_ =	shalt  }
0x66: {  	_ =	shalt  }
0x67: {  	_ =	shalt  }
0x68: {  	_ =	shalt  }
0x69: {  	_ =	shalt  }
0x6a: {  	_ =	shalt  }
0x6b: {  	_ =	shalt  }
0x6c: {  	_ =	shalt  }
0x6d: {  	_ =	shalt  }
0x6e: {  	_ =	shalt  }
0x6f: {  	_ =	shalt  }
0x70: {  	_ =	shalt  }
0x71: {  	_ =	shalt  }
0x72: {  	_ =	shalt  }
0x73: {  	_ =	shalt  }
0x74: {  	_ =	shalt  }
0x75: {  	_ =	shalt  }
0x76: {  	_ =	shalt  }
0x77: {  	_ =	shalt  }
0x78: {  	_ =	shalt  }
0x79: {  	_ =	shalt  }
0x7a: {  	_ =	shalt  }
0x7b: {  	_ =	shalt  }
0x7c: {  	_ =	shalt  }
0x7d: {  	_ =	shalt  }
0x7e: {  	_ =	shalt  }
0x7f: {  	_ =	shalt  }
0x80: {  	_ =	shalt  }
0x81: {  	_ =	shalt  }
0x82: {  	_ =	shalt  }
0x83: {  	_ =	shalt  }
0x84: {  	_ =	shalt  }
0x85: {  	_ =	shalt  }
0x86: {  	_ =	shalt  }
0x87: {  	_ =	shalt  }
.Lfunc_end0:
.L_simem_size_0:
called_computation.1_lowered:
.L_overlay_start_0:
0x88: {  	s2 =	sld [smem:$0x3FD9]  }
0x89: {  	s3 =	sld [smem:$0x3FFE];
	_ =	sdelay $0x1  }
0x8a: {  	s1 =	srdreg.scid  }
0x8b: {  	s0 =	sand.u32 $0x1, s1  }
0x8c: {  	s17 =	sshll.u32 s0, $0xA;
	s2 =	sadd.s32 s3, s2  }
0x8d: {  	s2 =	sadd.s32 s2, s17  }
0x8e: {  	[smem:$0x3FB6] =	sst s2  }
0x8f: {  	_ = 	snop  }
0x90: {  	s2 =	sld [smem:$0x3FD0];
	(tm) =	ssettm $0x1  }
0x91: {  	s18 =	sld [smem:$0x3FFB];
	_ =	sdelay $0x3  }
0x92: {  	_ =	strace s18  }
0x93: {  	s3 =	sld [smem:$0x3FFC];
	_ =	sdelay $0x3  }
0x94: {  	_ =	strace s3  }
0x95: {  	s3 =	sld [smem:$0x3FFD];
	_ =	sdelay $0x3  }
0x96: {  	_ =	strace s3  }
0x97: {  	_ =	strace $0x8FFFFFFF  }
0x98: {  	s19 =	sld [smem:$0x3FDB];
	_ =	sdelay $0x1  }
0x99: {  	s4 =	simm.s32 $_scs_section_size  }
0x9a: {  	s5 =	simm.s32 $_size__tile_overlayer_lowered;
	s6 =	simm.s32 $_tile_overlayer_lowered  }
0x9b: {  	s22 =	simm.s32 $0x1BFF;
	s21 =	sshll.u32 s6, $0x1;
	s3 =	sadd.s32 s4, s19  }
0x9c: {  	s7 =	simm.s32 $0x0;
	s20 =	sshll.u32 s5, $0x1;
	s5 =	sadd.s32 s21, s3  }
0x9d: {  	[timem:s7], [sflag:s22] =	dma.local [hbm:s5], s20  }
0x9e: {  	_ =	swait.ge [sflag:s22], s20  }
0x9f: {  	s4 =	ssub.s32 $0x0, s20;
	[sflag:s22] =	ssyncset.done $0x0  }
0xa0: {  	[sflag:s22] =	ssyncadd.s32 s4;
	_ =	sdelay $0x1  }
0xa1: {  	s23 =	simm.s32 $0x1B8B  }
0xa2: {  	_ =	swait.ge [sflag:s23], $0x1  }
0xa3: {  	[sflag:s23] =	ssyncset.done $0x0  }
0xa4: {  	s25 =	simm.s32 $0x1B8E;
	s24 =	sld [smem:$0x3FFE];
	[sflag:s23] =	ssyncadd.s32 $0xFFFFFFFF  }
0xa5: {  	s26 =	simm.s32 $execute0_lowered;
	[smem:$0x3FD2] =	sst s25  }
0xa6: {  	s5 =	sshll.u32 s26, $0x1;
	_ =	strace $0x80000049;
	[dreg:$0x1] =	wrdreg $0xFFFFFFFF  }
0xa7: {  	s28 =	simm.s32 $_size_execute0_lowered;
	s3 =	sadd.s32 s3, s5;
	[dreg:$0x0] =	wrdreg $0x0  }
0xa8: {  	s5 =	sshll.u32 s28, $0x1;
	[dreg:$0x2] =	wrdreg s3  }
0xa9: {  	[dreg:$0x3] =	wrdreg s5  }
0xaa: {  	[dreg:$0x4] =	wrdreg $0xC0  }
0xab: {  	_ =	task [dreg:s7], $0x5FFFF  }
0xac: {  	[dreg:$0x1] =	wrdreg $0xFFFFFFFF  }
0xad: {  	[dreg:$0x0] =	wrdreg $0x60  }
0xae: {  	[dreg:$0x2] =	wrdreg s2  }
0xaf: {  	[dreg:$0x3] =	wrdreg s24  }
0xb0: {  	[dreg:$0x4] =	wrdreg $0x5A000  }
0xb1: {  	[dreg:$0x5] =	wrdreg $0x9  }
0xb2: {  	_ =	task.clear_ibuf [dreg:s7], $0x6FFFF;
	_ =	strace $0x90000049  }
0xb3: {  	s29 =	simm.s32 $0x9;
	_ =	strace $0x8000004B  }
0xb4: {  	_ =	swait.ge [sflag:s29], $0x1  }
0xb5: {  	[sflag:s29] =	ssyncadd.s32 $0xFFFFFFFF  }
0xb6: {  	_ =	strace $0x9000004B  }
0xb7: {  	_ =	sfence  }
0xb8: {  	s30 =	sld [smem:$0x0];
	_ =	sdelay $0x2  }
0xb9: {  	s31 =	sshll.u32 s1, $0xD;
	s1 =	sshrl.u32 s1, $0x2  }
0xba: {  	s3 =	sand.u32 $0x4000, s31;
	s1 =	sadd.s32 s1, s30  }
0xbb: {  	s0 =	sor.u32 s3, s0;
	s1 =	sshll.u32 s1, $0x11  }
0xbc: {  	s0 =	sor.u32 s1, s0  }
0xbd: {  	s0 =	sadd.s32 $0x8F2B, s0  }
0xbe: {  	[sflag:s0] =	ssyncadd.remote.s32 $0x1  }
0xbf: {  	_ =	sfence.sel $0xFFFF  }
0xc0: {  	[dreg:$0x0] =	wrdreg $0xFFFFFFFF;
	(pc) =	sbr.abs _section_cstart, $3  }
0xc1: {  	[dreg:$0x1] =	wrdreg $0xFFFFFFFF  }
0xc2: {  	_ =	task.clear_ibuf [dreg:s7], $0x2FFFF;
	_ =	strace $0x9FFFFFFF  }
0xc3: {  	(tm) =	ssettm $0x7FFFFFFF  }
tec
execute0_lowered:
.L_overlay_start_1:
0x0: {  	(tag) =	ssettag $0x1  }
0x1: {  	s1 =	rddreg [dreg:$0x0]  }
0x2: {  	s0 =	rddreg [dreg:$0x1]  }
0x3: {  	s3 =	rddreg [dreg:$0x2]  }
0x4: {  	s4 =	simm.s32 $0x0;
	s14 =	stileid.u32;
	s2 =	srdreg.scid  }
0x5: {  	s17 =	simm.s32 $0x100;
	s18 =	simm.s32 $0x180;
	s19 =	simm.s32 $0x200  }
0x6: {  	s20 =	simm.s32 $0x300;
	s21 =	simm.s32 $0x380;
	s22 =	simm.s32 $0x400  }
0x7: {  	s29 =	simm.s32 $0x880;
	s30 =	simm.s32 $0x900;
	s5 =	smul.u32 $0x1870, s14  }
0x8: {  	s31 =	simm.s32 $0x980;
	[smem:$0x7FF] =	sst s4;
	s6 =	smul.u32 $0x3200, s14  }
0x9: {  	s7 =	sadd.s32 $0x86CC00, s0;
	s2 =	sand.u32 $0x1, s2;
	s13 =	smul.u32 $0x19000, s14  }
0xa: {  	_ =	strace $0x8000004A;
	s8 =	smul.u32 $0x186A00, s2;
	[dreg:$0x7] =	wrdreg s17  }
0xb: {  	s26 =	sshll.u32 s14, $0x6;
	s10 =	smul.u32 $0x186A0, s2;
	[dreg:$0x8] =	wrdreg s18  }
0xc: {  	s11 =	ssub.s32 $0x2, s2;
	s2 =	smul.u32 $0x190000, s2;
	[dreg:$0x9] =	wrdreg s19  }
0xd: {  	s17 =	simm.s32 $0x2A00;
	s18 =	simm.s32 $0x280;
	[dreg:$0xa] =	wrdreg s20  }
0xe: {  	s19 =	simm.s32 $0x780;
	[dreg:$0xb] =	wrdreg s21;
	s20 =	simm.s32 $0x3200  }
0xf: {  	[dreg:$0xc] =	wrdreg s22;
	s21 =	simm.s32 $0x3A00;
	s22 =	simm.s32 $0x4200  }
0x10: {  	s5 =	smin.u32 s5, $0x16E30;
	s9 =	sadd.s32 s6, s0;
	s12 =	sshrl.u32 s11, $0x1  }
0x11: {  	s6 =	sor.u32 $0x1C04, s26;
	s26 =	simm.s32 $0x680;
	s23 =	sshll.u32 s5, $0x4  }
0x12: {  	s24 =	ssub.s32 s11, s12;
	s5 =	sadd.s32 s10, s5;
	s2 =	sadd.s32 s13, s2  }
0x13: {  	s12 =	sadd.s32 $0x34A00, s9;
	s10 =	simm.s32 $0x4;
	[dreg:$0x10] =	wrdreg s26  }
0x14: {  	s11 =	simm.s32 $0x500;
	s26 =	simm.s32 $0x2;
	[dreg:$0x13] =	wrdreg s6  }
0x15: {  	s8 =	sadd.s32 s8, s23;
	s25 =	sadd.s32 s23, s3;
	s5 =	sshll.u32 s5, $0x1  }
0x16: {  	s28 =	sor.u32 $0x280, s2;
	[dreg:$0x4] =	wrdreg s12;
	s2 =	sshrl.u32 s2, $0x3  }
0x17: {  	s16 =	smax.u32 s24, $0x1;
	s12 =	simm.s32 $0x80;
	s23 =	simm.s32 $0x480  }
0x18: {  	s24 =	simm.s32 $0x580;
	s8 =	sshrl.u32 s8, $0x3;
	[dreg:$0x15] =	wrdreg s16  }
0x19: {  	s5 =	sadd.s32 s1, s5;
	s13 =	sshrl.u32 s28, $0x3;
	[dreg:$0xd] =	wrdreg s23  }
0x1a: {  	s15 =	sadd.s32 s2, s7;
	s16 =	simm.s32 $0x2200;
	[dreg:$0xe] =	wrdreg s24  }
0x1b: {  	s23 =	simm.s32 $0x4A00;
	s24 =	simm.s32 $0x5200;
	[dreg:$0x12] =	wrdreg s5  }
0x1c: {  	s28 =	simm.s32 $0x700;
	s0 =	sadd.s32 s8, s0;
	[dreg:$0x6] =	wrdreg s15  }
0x1d: {  	s14 =	sadd.s32 s13, s7;
	s5 =	sshrl.u32 s25, $0x3;
	[dreg:$0x11] =	wrdreg s28  }
0x1e: {  	s13 =	simm.s32 $0xA00;
	s25 =	simm.s32 $0x600;
	[dreg:$0x5] =	wrdreg s14  }
0x1f: {  	s15 =	simm.s32 $0x1A00;
	s7 =	simm.s32 $0x0;
	[dreg:$0xf] =	wrdreg s25  }
0x20: {  	s0 =	sadd.s32 $0xCBA00, s0;
	s14 =	simm.s32 $0x1200;
	[dreg:$0x16] =	wrdreg s5  }
0x21: {  	s25 =	simm.s32 $0x1;
	[dreg:$0x14] =	wrdreg s0;
	s0 =	simm.s32 $0x3  }
.LBB2_1:
0x22: {  	[dreg:$0x17] =	wrdreg s7  }
0x23: {  	s2 =	rddreg [dreg:$0x12]  }
0x24: {  	[spmem:s5], [sflag:s6] =	dma.local [hbm:s2], $0x30E0  }
0x25: {  	_ =	swait.ge [sflag:s10], $0x30E0  }
0x26: {  	[sflag:s10] =	ssyncset.done $0x0  }
0x27: {  	[sflag:s10] =	ssyncadd.s32 $0xFFFFCF20  }
0x28: {  	[bflag:$0x0] =	sbarrier.arrive $0xFFFF  }
0x29: {  	s7 =	rddreg [dreg:$0x6]  }
0x2a: {  	s5 =	sadd.s32 $0x0, s7  }
0x2b: {  	[tilespmem:s4], [sflag:$0x4] =	stream.linear.gather [hbm4b:s5+s4], $0x280, $0x38;
	[tilespmem:$0x1EA00] =	vst v63  }
0x2c: {  	_ =	swait.ge [sflag:s10], $0x280  }
0x2d: {  	s8 =	rddreg [dreg:$0x4];
	[sflag:s10] =	ssyncset.done $0x0  }
0x2e: {  	[sflag:s10] =	ssyncadd.s32 $0xFFFFFD80;
	s5 =	sadd.s32 $0x0, s8  }
0x2f: {  	[tilespmem:s11], [sflag:$0x4] =	stream.linear.gather [hbm4b:s5+s4], $0x280, $0x38;
	[tilespmem:$0x1EA00] =	vst v63  }
0x30: {  	_ =	swait.ge [sflag:s10], $0x280  }
0x31: {  	[sflag:s10] =	ssyncset.done $0x0  }
0x32: {  	[sflag:s10] =	ssyncadd.s32 $0xFFFFFD80  }
0x33: {  	[tilespmem:s13], [sflag:$0x1] =	stream.indirect.gather [hbm4b:s1+s12], $0x10, s4, s12, $0xb8;
	[tilespmem:$0x1EA00] =	vst v63  }
0x34: {  	s9 =	rddreg [dreg:$0x7]  }
0x35: {  	[tilespmem:s14], [sflag:$0x1] =	stream.indirect.gather [hbm4b:s1+s12], $0x10, s12, s12, $0xb8;
	[tilespmem:$0x1EA00] =	vst v63  }
0x36: {  	s8 =	rddreg [dreg:$0x8]  }
0x37: {  	[tilespmem:s15], [sflag:$0x1] =	stream.indirect.gather [hbm4b:s1+s12], $0x10, s9, s12, $0xb8;
	[tilespmem:$0x1EA00] =	vst v63  }
0x38: {  	s28 =	rddreg [dreg:$0x9]  }
0x39: {  	[tilespmem:s16], [sflag:$0x1] =	stream.indirect.gather [hbm4b:s1+s12], $0x10, s8, s12, $0xb8;
	[tilespmem:$0x1EA00] =	vst v63  }
0x3a: {  	s2 =	rddreg [dreg:$0x5]  }
0x3b: {  	[tilespmem:s17], [sflag:$0x1] =	stream.indirect.gather [hbm4b:s1+s12], $0x10, s28, s12, $0xb8;
	[tilespmem:$0x1EA00] =	vst v63  }
0x3c: {  	s6 =	sadd.s32 $0x0, s2  }
0x3d: {  	[tilespmem:s18], [sflag:$0x4] =	stream.linear.gather [hbm4b:s6+s4], $0x280, $0x38;
	[tilespmem:$0x1EA00] =	vst v63  }
0x3e: {  	_ =	swait.ge [sflag:s10], $0x280  }
0x3f: {  	[sflag:s10] =	ssyncset.done $0x0  }
0x40: {  	s5 =	sadd.s32 $0x50, s5;
	[sflag:s10] =	ssyncadd.s32 $0xFFFFFD80  }
0x41: {  	[tilespmem:s19], [sflag:$0x4] =	stream.linear.gather [hbm4b:s5+s4], $0x280, $0x38;
	[tilespmem:$0x1EA00] =	vst v63  }
0x42: {  	_ =	swait.ge [sflag:s10], $0x280  }
0x43: {  	[sflag:s10] =	ssyncset.done $0x0  }
0x44: {  	[sflag:s10] =	ssyncadd.s32 $0xFFFFFD80  }
0x45: {  	[tilespmem:s20], [sflag:$0x2] =	stream.indirect.gather [hbm4b:s1+s12], $0x10, s18, s12, $0xb8;
	[tilespmem:$0x1EA00] =	vst v63  }
0x46: {  	s7 =	rddreg [dreg:$0xa]  }
0x47: {  	[tilespmem:s21], [sflag:$0x2] =	stream.indirect.gather [hbm4b:s1+s12], $0x10, s7, s12, $0xb8;
	[tilespmem:$0x1EA00] =	vst v63  }
0x48: {  	s8 =	rddreg [dreg:$0xb]  }
0x49: {  	[tilespmem:s22], [sflag:$0x2] =	stream.indirect.gather [hbm4b:s1+s12], $0x10, s8, s12, $0xb8;
	[tilespmem:$0x1EA00] =	vst v63  }
0x4a: {  	s9 =	rddreg [dreg:$0xc]  }
0x4b: {  	[tilespmem:s23], [sflag:$0x2] =	stream.indirect.gather [hbm4b:s1+s12], $0x10, s9, s12, $0xb8;
	[tilespmem:$0x1EA00] =	vst v63  }
0x4c: {  	s28 =	rddreg [dreg:$0xd]  }
0x4d: {  	[tilespmem:s24], [sflag:$0x2] =	stream.indirect.gather [hbm4b:s1+s12], $0x10, s28, s12, $0xb8;
	[tilespmem:$0x1EA00] =	vst v63  }
0x4e: {  	_ =	swait.ge [sflag:s25], $0x800  }
0x4f: {  	[sflag:s25] =	ssyncset.done $0x0  }
0x50: {  	[sflag:s25] =	ssyncadd.s32 $0xFFFFF800  }
0x51: {  	_ =	swait.ge [sflag:s25], $0x800  }
0x52: {  	[sflag:s25] =	ssyncset.done $0x0  }
0x53: {  	[sflag:s25] =	ssyncadd.s32 $0xFFFFF800  }
0x54: {  	_ =	swait.ge [sflag:s25], $0x800  }
0x55: {  	[sflag:s25] =	ssyncset.done $0x0  }
0x56: {  	[sflag:s25] =	ssyncadd.s32 $0xFFFFF800  }
0x57: {  	_ =	swait.ge [sflag:s25], $0x800  }
0x58: {  	[sflag:s25] =	ssyncset.done $0x0  }
0x59: {  	[sflag:s25] =	ssyncadd.s32 $0xFFFFF800  }
0x5a: {  	_ =	swait.ge [sflag:s25], $0x800  }
0x5b: {  	[sflag:s25] =	ssyncset.done $0x0  }
0x5c: {  	[sflag:s25] =	ssyncadd.s32 $0xFFFFF800  }
0x5d: {  	[spmem:s3] =	stream.indirect.scatter.add.f32 [tilespmem:s13], [sflag:$0x3], $0x10, s11, s12, $0xb8;
	[tilespmem:$0x1EA00] =	vst v63  }
0x5e: {  	s2 =	rddreg [dreg:$0xe]  }
0x5f: {  	[spmem:s3] =	stream.indirect.scatter.add.f32 [tilespmem:s14], [sflag:$0x3], $0x10, s2, s12, $0xb8;
	[tilespmem:$0x1EA00] =	vst v63  }
0x60: {  	s6 =	rddreg [dreg:$0xf]  }
0x61: {  	[spmem:s3] =	stream.indirect.scatter.add.f32 [tilespmem:s15], [sflag:$0x3], $0x10, s6, s12, $0xb8;
	[tilespmem:$0x1EA00] =	vst v63  }
0x62: {  	s8 =	rddreg [dreg:$0x10]  }
0x63: {  	[spmem:s3] =	stream.indirect.scatter.add.f32 [tilespmem:s16], [sflag:$0x3], $0x10, s8, s12, $0xb8;
	[tilespmem:$0x1EA00] =	vst v63  }
0x64: {  	s9 =	rddreg [dreg:$0x11]  }
0x65: {  	[spmem:s3] =	stream.indirect.scatter.add.f32 [tilespmem:s17], [sflag:$0x3], $0x10, s9, s12, $0xb8;
	[tilespmem:$0x1EA00] =	vst v63  }
0x66: {  	_ =	swait.ge [sflag:s26], $0x800  }
0x67: {  	[sflag:s26] =	ssyncset.done $0x0  }
0x68: {  	[sflag:s26] =	ssyncadd.s32 $0xFFFFF800  }
0x69: {  	_ =	swait.ge [sflag:s26], $0x800  }
0x6a: {  	[sflag:s26] =	ssyncset.done $0x0  }
0x6b: {  	[sflag:s26] =	ssyncadd.s32 $0xFFFFF800  }
0x6c: {  	_ =	swait.ge [sflag:s26], $0x800  }
0x6d: {  	[sflag:s26] =	ssyncset.done $0x0  }
0x6e: {  	[sflag:s26] =	ssyncadd.s32 $0xFFFFF800  }
0x6f: {  	_ =	swait.ge [sflag:s26], $0x800  }
0x70: {  	[sflag:s26] =	ssyncset.done $0x0  }
0x71: {  	[sflag:s26] =	ssyncadd.s32 $0xFFFFF800  }
0x72: {  	_ =	swait.ge [sflag:s26], $0x800  }
0x73: {  	[sflag:s26] =	ssyncset.done $0x0  }
0x74: {  	[sflag:s26] =	ssyncadd.s32 $0xFFFFF800  }
0x75: {  	[spmem:s3] =	stream.indirect.scatter.add.f32 [tilespmem:s20], [sflag:$0x3], $0x10, s19, s12, $0xb8;
	[tilespmem:$0x1EA00] =	vst v63  }
0x76: {  	s28 =	simm.s32 $0x800  }
0x77: {  	[spmem:s3] =	stream.indirect.scatter.add.f32 [tilespmem:s21], [sflag:$0x3], $0x10, s28, s12, $0xb8;
	[tilespmem:$0x1EA00] =	vst v63  }
0x78: {  	_ = 	snop  }
0x79: {  	[spmem:s3] =	stream.indirect.scatter.add.f32 [tilespmem:s22], [sflag:$0x3], $0x10, s29, s12, $0xb8;
	[tilespmem:$0x1EA00] =	vst v63  }
0x7a: {  	_ = 	snop  }
0x7b: {  	[spmem:s3] =	stream.indirect.scatter.add.f32 [tilespmem:s23], [sflag:$0x3], $0x10, s30, s12, $0xb8;
	[tilespmem:$0x1EA00] =	vst v63  }
0x7c: {  	_ = 	snop  }
0x7d: {  	[spmem:s3] =	stream.indirect.scatter.add.f32 [tilespmem:s24], [sflag:$0x3], $0x10, s31, s12, $0xb8;
	[tilespmem:$0x1EA00] =	vst v63  }
0x7e: {  	_ =	swait.ge [sflag:s0], $0x800  }
0x7f: {  	[sflag:s0] =	ssyncset.done $0x0  }
0x80: {  	[sflag:s0] =	ssyncadd.s32 $0xFFFFF800  }
0x81: {  	_ =	swait.ge [sflag:s0], $0x800  }
0x82: {  	[sflag:s0] =	ssyncset.done $0x0  }
0x83: {  	[sflag:s0] =	ssyncadd.s32 $0xFFFFF800  }
0x84: {  	_ =	swait.ge [sflag:s0], $0x800  }
0x85: {  	[sflag:s0] =	ssyncset.done $0x0  }
0x86: {  	[sflag:s0] =	ssyncadd.s32 $0xFFFFF800  }
0x87: {  	_ =	swait.ge [sflag:s0], $0x800  }
0x88: {  	[sflag:s0] =	ssyncset.done $0x0  }
0x89: {  	[sflag:s0] =	ssyncadd.s32 $0xFFFFF800  }
0x8a: {  	_ =	swait.ge [sflag:s0], $0x800  }
0x8b: {  	[sflag:s0] =	ssyncset.done $0x0  }
0x8c: {  	[sflag:s0] =	ssyncadd.s32 $0xFFFFF800  }
0x8d: {  	_ =	swait.ge [sflag:s0], $0x800  }
0x8e: {  	[sflag:s0] =	ssyncset.done $0x0  }
0x8f: {  	[sflag:s0] =	ssyncadd.s32 $0xFFFFF800  }
0x90: {  	_ =	swait.ge [sflag:s0], $0x800  }
0x91: {  	[sflag:s0] =	ssyncset.done $0x0  }
0x92: {  	[sflag:s0] =	ssyncadd.s32 $0xFFFFF800  }
0x93: {  	_ =	swait.ge [sflag:s0], $0x800  }
0x94: {  	[sflag:s0] =	ssyncset.done $0x0  }
0x95: {  	[sflag:s0] =	ssyncadd.s32 $0xFFFFF800  }
0x96: {  	_ =	swait.ge [sflag:s0], $0x800  }
0x97: {  	[sflag:s0] =	ssyncset.done $0x0  }
0x98: {  	[sflag:s0] =	ssyncadd.s32 $0xFFFFF800  }
0x99: {  	s5 =	simm.s32 $0xA0;
	_ =	swait.ge [sflag:s0], $0x800  }
0x9a: {  	s7 =	simm.s32 $0x140;
	s8 =	rddreg [dreg:$0x6];
	[sflag:s0] =	ssyncset.done $0x0  }
.LBB2_2:
0x9b: {  	[sflag:s0] =	ssyncadd.s32 $0xFFFFF800;
	s8 =	sadd.s32 s5, s8  }
0x9c: {  	[tilespmem:s4], [sflag:$0x4] =	stream.linear.gather [hbm4b:s8+s4], $0x280, $0x38;
	[tilespmem:$0x1EA00] =	vst v63  }
0x9d: {  	_ =	swait.ge [sflag:s10], $0x280  }
0x9e: {  	s9 =	rddreg [dreg:$0x4];
	[sflag:s10] =	ssyncset.done $0x0  }
0x9f: {  	[sflag:s10] =	ssyncadd.s32 $0xFFFFFD80;
	s8 =	sadd.s32 s5, s9  }
0xa0: {  	[tilespmem:s11], [sflag:$0x4] =	stream.linear.gather [hbm4b:s8+s4], $0x280, $0x38;
	[tilespmem:$0x1EA00] =	vst v63  }
0xa1: {  	_ =	swait.ge [sflag:s10], $0x280  }
0xa2: {  	[sflag:s10] =	ssyncset.done $0x0  }
0xa3: {  	[sflag:s10] =	ssyncadd.s32 $0xFFFFFD80  }
0xa4: {  	[tilespmem:s13], [sflag:$0x1] =	stream.indirect.gather [hbm4b:s1+s12], $0x10, s4, s12, $0xb8;
	[tilespmem:$0x1EA00] =	vst v63  }
0xa5: {  	s9 =	rddreg [dreg:$0x5]  }
0xa6: {  	[tilespmem:s14], [sflag:$0x1] =	stream.indirect.gather [hbm4b:s1+s12], $0x10, s12, s12, $0xb8;
	[tilespmem:$0x1EA00] =	vst v63  }
0xa7: {  	s2 =	rddreg [dreg:$0x7]  }
0xa8: {  	[tilespmem:s15], [sflag:$0x1] =	stream.indirect.gather [hbm4b:s1+s12], $0x10, s2, s12, $0xb8;
	[tilespmem:$0x1EA00] =	vst v63  }
0xa9: {  	s28 =	rddreg [dreg:$0x8]  }
0xaa: {  	[tilespmem:s16], [sflag:$0x1] =	stream.indirect.gather [hbm4b:s1+s12], $0x10, s28, s12, $0xb8;
	[tilespmem:$0x1EA00] =	vst v63  }
0xab: {  	s2 =	rddreg [dreg:$0x9]  }
0xac: {  	[tilespmem:s17], [sflag:$0x1] =	stream.indirect.gather [hbm4b:s1+s12], $0x10, s2, s12, $0xb8;
	[tilespmem:$0x1EA00] =	vst v63  }
0xad: {  	s28 =	sadd.s32 s5, s9  }
0xae: {  	[tilespmem:s18], [sflag:$0x4] =	stream.linear.gather [hbm4b:s28+s4], $0x280, $0x38;
	[tilespmem:$0x1EA00] =	vst v63  }
0xaf: {  	_ =	swait.ge [sflag:s10], $0x280  }
0xb0: {  	s6 =	smov.u32 s7;
	[sflag:s10] =	ssyncset.done $0x0  }
0xb1: {  	s5 =	smov.u32 s6;
	s6 =	sadd.s32 $0x50, s8;
	[sflag:s10] =	ssyncadd.s32 $0xFFFFFD80  }
0xb2: {  	[tilespmem:s19], [sflag:$0x4] =	stream.linear.gather [hbm4b:s6+s4], $0x280, $0x38;
	[tilespmem:$0x1EA00] =	vst v63  }
0xb3: {  	_ =	swait.ge [sflag:s10], $0x280  }
0xb4: {  	[sflag:s10] =	ssyncset.done $0x0  }
0xb5: {  	[sflag:s10] =	ssyncadd.s32 $0xFFFFFD80  }
0xb6: {  	[tilespmem:s20], [sflag:$0x2] =	stream.indirect.gather [hbm4b:s1+s12], $0x10, s18, s12, $0xb8;
	[tilespmem:$0x1EA00] =	vst v63  }
0xb7: {  	s8 =	rddreg [dreg:$0xa]  }
0xb8: {  	[tilespmem:s21], [sflag:$0x2] =	stream.indirect.gather [hbm4b:s1+s12], $0x10, s8, s12, $0xb8;
	[tilespmem:$0x1EA00] =	vst v63  }
0xb9: {  	s9 =	rddreg [dreg:$0xb]  }
0xba: {  	[tilespmem:s22], [sflag:$0x2] =	stream.indirect.gather [hbm4b:s1+s12], $0x10, s9, s12, $0xb8;
	[tilespmem:$0x1EA00] =	vst v63  }
0xbb: {  	s28 =	rddreg [dreg:$0xc]  }
0xbc: {  	[tilespmem:s23], [sflag:$0x2] =	stream.indirect.gather [hbm4b:s1+s12], $0x10, s28, s12, $0xb8;
	[tilespmem:$0x1EA00] =	vst v63  }
0xbd: {  	s8 =	rddreg [dreg:$0xd]  }
0xbe: {  	[tilespmem:s24], [sflag:$0x2] =	stream.indirect.gather [hbm4b:s1+s12], $0x10, s8, s12, $0xb8;
	[tilespmem:$0x1EA00] =	vst v63  }
0xbf: {  	_ =	swait.ge [sflag:s25], $0x800  }
0xc0: {  	[sflag:s25] =	ssyncset.done $0x0  }
0xc1: {  	[sflag:s25] =	ssyncadd.s32 $0xFFFFF800  }
0xc2: {  	_ =	swait.ge [sflag:s25], $0x800  }
0xc3: {  	[sflag:s25] =	ssyncset.done $0x0  }
0xc4: {  	[sflag:s25] =	ssyncadd.s32 $0xFFFFF800  }
0xc5: {  	_ =	swait.ge [sflag:s25], $0x800  }
0xc6: {  	[sflag:s25] =	ssyncset.done $0x0  }
0xc7: {  	[sflag:s25] =	ssyncadd.s32 $0xFFFFF800  }
0xc8: {  	_ =	swait.ge [sflag:s25], $0x800  }
0xc9: {  	[sflag:s25] =	ssyncset.done $0x0  }
0xca: {  	[sflag:s25] =	ssyncadd.s32 $0xFFFFF800  }
0xcb: {  	_ =	swait.ge [sflag:s25], $0x800  }
0xcc: {  	[sflag:s25] =	ssyncset.done $0x0  }
0xcd: {  	[sflag:s25] =	ssyncadd.s32 $0xFFFFF800  }
0xce: {  	[spmem:s3] =	stream.indirect.scatter.add.f32 [tilespmem:s13], [sflag:$0x3], $0x10, s11, s12, $0xb8;
	[tilespmem:$0x1EA00] =	vst v63  }
0xcf: {  	s9 =	rddreg [dreg:$0xe]  }
0xd0: {  	[spmem:s3] =	stream.indirect.scatter.add.f32 [tilespmem:s14], [sflag:$0x3], $0x10, s9, s12, $0xb8;
	[tilespmem:$0x1EA00] =	vst v63  }
0xd1: {  	s28 =	rddreg [dreg:$0xf]  }
0xd2: {  	[spmem:s3] =	stream.indirect.scatter.add.f32 [tilespmem:s15], [sflag:$0x3], $0x10, s28, s12, $0xb8;
	[tilespmem:$0x1EA00] =	vst v63  }
0xd3: {  	s8 =	rddreg [dreg:$0x10]  }
0xd4: {  	[spmem:s3] =	stream.indirect.scatter.add.f32 [tilespmem:s16], [sflag:$0x3], $0x10, s8, s12, $0xb8;
	[tilespmem:$0x1EA00] =	vst v63  }
0xd5: {  	s9 =	rddreg [dreg:$0x11]  }
0xd6: {  	[spmem:s3] =	stream.indirect.scatter.add.f32 [tilespmem:s17], [sflag:$0x3], $0x10, s9, s12, $0xb8;
	[tilespmem:$0x1EA00] =	vst v63  }
0xd7: {  	_ =	swait.ge [sflag:s26], $0x800  }
0xd8: {  	[sflag:s26] =	ssyncset.done $0x0  }
0xd9: {  	[sflag:s26] =	ssyncadd.s32 $0xFFFFF800  }
0xda: {  	_ =	swait.ge [sflag:s26], $0x800  }
0xdb: {  	[sflag:s26] =	ssyncset.done $0x0  }
0xdc: {  	[sflag:s26] =	ssyncadd.s32 $0xFFFFF800  }
0xdd: {  	_ =	swait.ge [sflag:s26], $0x800  }
0xde: {  	[sflag:s26] =	ssyncset.done $0x0  }
0xdf: {  	[sflag:s26] =	ssyncadd.s32 $0xFFFFF800  }
0xe0: {  	_ =	swait.ge [sflag:s26], $0x800  }
0xe1: {  	[sflag:s26] =	ssyncset.done $0x0  }
0xe2: {  	[sflag:s26] =	ssyncadd.s32 $0xFFFFF800  }
0xe3: {  	_ =	swait.ge [sflag:s26], $0x800  }
0xe4: {  	[sflag:s26] =	ssyncset.done $0x0  }
0xe5: {  	[sflag:s26] =	ssyncadd.s32 $0xFFFFF800  }
0xe6: {  	[spmem:s3] =	stream.indirect.scatter.add.f32 [tilespmem:s20], [sflag:$0x3], $0x10, s19, s12, $0xb8;
	[tilespmem:$0x1EA00] =	vst v63  }
0xe7: {  	s28 =	simm.s32 $0x800  }
0xe8: {  	[spmem:s3] =	stream.indirect.scatter.add.f32 [tilespmem:s21], [sflag:$0x3], $0x10, s28, s12, $0xb8;
	[tilespmem:$0x1EA00] =	vst v63  }
0xe9: {  	_ = 	snop  }
0xea: {  	[spmem:s3] =	stream.indirect.scatter.add.f32 [tilespmem:s22], [sflag:$0x3], $0x10, s29, s12, $0xb8;
	[tilespmem:$0x1EA00] =	vst v63  }
0xeb: {  	_ = 	snop  }
0xec: {  	[spmem:s3] =	stream.indirect.scatter.add.f32 [tilespmem:s23], [sflag:$0x3], $0x10, s30, s12, $0xb8;
	[tilespmem:$0x1EA00] =	vst v63  }
0xed: {  	_ = 	snop  }
0xee: {  	[spmem:s3] =	stream.indirect.scatter.add.f32 [tilespmem:s24], [sflag:$0x3], $0x10, s31, s12, $0xb8;
	[tilespmem:$0x1EA00] =	vst v63  }
0xef: {  	_ =	swait.ge [sflag:s0], $0x800  }
0xf0: {  	[sflag:s0] =	ssyncset.done $0x0  }
0xf1: {  	[sflag:s0] =	ssyncadd.s32 $0xFFFFF800  }
0xf2: {  	_ =	swait.ge [sflag:s0], $0x800  }
0xf3: {  	[sflag:s0] =	ssyncset.done $0x0  }
0xf4: {  	[sflag:s0] =	ssyncadd.s32 $0xFFFFF800  }
0xf5: {  	_ =	swait.ge [sflag:s0], $0x800  }
0xf6: {  	[sflag:s0] =	ssyncset.done $0x0  }
0xf7: {  	[sflag:s0] =	ssyncadd.s32 $0xFFFFF800  }
0xf8: {  	_ =	swait.ge [sflag:s0], $0x800  }
0xf9: {  	[sflag:s0] =	ssyncset.done $0x0  }
0xfa: {  	[sflag:s0] =	ssyncadd.s32 $0xFFFFF800  }
0xfb: {  	_ =	swait.ge [sflag:s0], $0x800  }
0xfc: {  	[sflag:s0] =	ssyncset.done $0x0  }
0xfd: {  	[sflag:s0] =	ssyncadd.s32 $0xFFFFF800  }
0xfe: {  	_ =	swait.ge [sflag:s0], $0x800  }
0xff: {  	[sflag:s0] =	ssyncset.done $0x0  }
0x100: {  	[sflag:s0] =	ssyncadd.s32 $0xFFFFF800  }
0x101: {  	_ =	swait.ge [sflag:s0], $0x800  }
0x102: {  	[sflag:s0] =	ssyncset.done $0x0  }
0x103: {  	[sflag:s0] =	ssyncadd.s32 $0xFFFFF800  }
0x104: {  	_ =	swait.ge [sflag:s0], $0x800  }
0x105: {  	[sflag:s0] =	ssyncset.done $0x0  }
0x106: {  	p0 =	sne.s32 s7, $0x3160;
	[sflag:s0] =	ssyncadd.s32 $0xFFFFF800  }
.Ltmp0:
0x107: {  	_ =	swait.ge [sflag:s0], $0x800;
	(pc) =	sbr.rel @p0 .LBB2_2-.Ltmp0, $4  }
0x108: {  	[sflag:s0] =	ssyncset.done $0x0  }
0x109: {  	[sflag:s0] =	ssyncadd.s32 $0xFFFFF800  }
0x10a: {  	_ =	swait.ge [sflag:s0], $0x800  }
0x10b: {  	s7 =	sadd.s32 $0xA0, s7;
	s8 =	rddreg [dreg:$0x6];
	[sflag:s0] =	ssyncset.done $0x0  }
0x10c: {  	[sflag:s0] =	ssyncadd.s32 $0xFFFFF800;
	s2 =	sadd.s32 s5, s8  }
0x10d: {  	[tilespmem:s4], [sflag:$0x4] =	stream.linear.gather [hbm4b:s2+s4], $0x280, $0x38;
	[tilespmem:$0x1EA00] =	vst v63  }
0x10e: {  	_ =	swait.ge [sflag:s10], $0x280  }
0x10f: {  	s8 =	rddreg [dreg:$0x4];
	[sflag:s10] =	ssyncset.done $0x0  }
0x110: {  	[sflag:s10] =	ssyncadd.s32 $0xFFFFFD80;
	s2 =	sadd.s32 s5, s8  }
0x111: {  	[tilespmem:s11], [sflag:$0x4] =	stream.linear.gather [hbm4b:s2+s4], $0x280, $0x38;
	[tilespmem:$0x1EA00] =	vst v63  }
0x112: {  	_ =	swait.ge [sflag:s10], $0x280  }
0x113: {  	[sflag:s10] =	ssyncset.done $0x0  }
0x114: {  	[sflag:s10] =	ssyncadd.s32 $0xFFFFFD80  }
0x115: {  	[tilespmem:s13], [sflag:$0x1] =	stream.indirect.gather [hbm4b:s1+s12], $0x10, s4, s12, $0xb8;
	[tilespmem:$0x1EA00] =	vst v63  }
0x116: {  	s6 =	rddreg [dreg:$0x7]  }
0x117: {  	[tilespmem:s14], [sflag:$0x1] =	stream.indirect.gather [hbm4b:s1+s12], $0x10, s12, s12, $0xb8;
	[tilespmem:$0x1EA00] =	vst v63  }
0x118: {  	s7 =	rddreg [dreg:$0x8]  }
0x119: {  	[tilespmem:s15], [sflag:$0x1] =	stream.indirect.gather [hbm4b:s1+s12], $0x10, s6, s12, $0xb8;
	[tilespmem:$0x1EA00] =	vst v63  }
0x11a: {  	s9 =	rddreg [dreg:$0x9]  }
0x11b: {  	[tilespmem:s16], [sflag:$0x1] =	stream.indirect.gather [hbm4b:s1+s12], $0x10, s7, s12, $0xb8;
	[tilespmem:$0x1EA00] =	vst v63  }
0x11c: {  	s28 =	rddreg [dreg:$0x5]  }
0x11d: {  	[tilespmem:s17], [sflag:$0x1] =	stream.indirect.gather [hbm4b:s1+s12], $0x10, s9, s12, $0xb8;
	[tilespmem:$0x1EA00] =	vst v63  }
0x11e: {  	s8 =	sadd.s32 s5, s28  }
0x11f: {  	[tilespmem:s18], [sflag:$0x4] =	stream.linear.gather [hbm4b:s8+s4], $0x280, $0x38;
	[tilespmem:$0x1EA00] =	vst v63  }
0x120: {  	_ =	swait.ge [sflag:s10], $0x280  }
0x121: {  	[sflag:s10] =	ssyncset.done $0x0  }
0x122: {  	s2 =	sadd.s32 $0x50, s2;
	[sflag:s10] =	ssyncadd.s32 $0xFFFFFD80  }
0x123: {  	[tilespmem:s19], [sflag:$0x4] =	stream.linear.gather [hbm4b:s2+s4], $0x280, $0x38;
	[tilespmem:$0x1EA00] =	vst v63  }
0x124: {  	_ =	swait.ge [sflag:s10], $0x280  }
0x125: {  	[sflag:s10] =	ssyncset.done $0x0  }
0x126: {  	[sflag:s10] =	ssyncadd.s32 $0xFFFFFD80  }
0x127: {  	[tilespmem:s20], [sflag:$0x2] =	stream.indirect.gather [hbm4b:s1+s12], $0x10, s18, s12, $0xb8;
	[tilespmem:$0x1EA00] =	vst v63  }
0x128: {  	s9 =	rddreg [dreg:$0xa]  }
0x129: {  	[tilespmem:s21], [sflag:$0x2] =	stream.indirect.gather [hbm4b:s1+s12], $0x10, s9, s12, $0xb8;
	[tilespmem:$0x1EA00] =	vst v63  }
0x12a: {  	s28 =	rddreg [dreg:$0xb]  }
0x12b: {  	[tilespmem:s22], [sflag:$0x2] =	stream.indirect.gather [hbm4b:s1+s12], $0x10, s28, s12, $0xb8;
	[tilespmem:$0x1EA00] =	vst v63  }
0x12c: {  	s6 =	rddreg [dreg:$0xc]  }
0x12d: {  	[tilespmem:s23], [sflag:$0x2] =	stream.indirect.gather [hbm4b:s1+s12], $0x10, s6, s12, $0xb8;
	[tilespmem:$0x1EA00] =	vst v63  }
0x12e: {  	s7 =	rddreg [dreg:$0xd]  }
0x12f: {  	[tilespmem:s24], [sflag:$0x2] =	stream.indirect.gather [hbm4b:s1+s12], $0x10, s7, s12, $0xb8;
	[tilespmem:$0x1EA00] =	vst v63  }
0x130: {  	_ =	swait.ge [sflag:s25], $0x800  }
0x131: {  	[sflag:s25] =	ssyncset.done $0x0  }
0x132: {  	[sflag:s25] =	ssyncadd.s32 $0xFFFFF800  }
0x133: {  	_ =	swait.ge [sflag:s25], $0x800  }
0x134: {  	[sflag:s25] =	ssyncset.done $0x0  }
0x135: {  	[sflag:s25] =	ssyncadd.s32 $0xFFFFF800  }
0x136: {  	_ =	swait.ge [sflag:s25], $0x800  }
0x137: {  	[sflag:s25] =	ssyncset.done $0x0  }
0x138: {  	[sflag:s25] =	ssyncadd.s32 $0xFFFFF800  }
0x139: {  	_ =	swait.ge [sflag:s25], $0x800  }
0x13a: {  	[sflag:s25] =	ssyncset.done $0x0  }
0x13b: {  	[sflag:s25] =	ssyncadd.s32 $0xFFFFF800  }
0x13c: {  	_ =	swait.ge [sflag:s25], $0x800  }
0x13d: {  	[sflag:s25] =	ssyncset.done $0x0  }
0x13e: {  	[sflag:s25] =	ssyncadd.s32 $0xFFFFF800  }
0x13f: {  	[spmem:s3] =	stream.indirect.scatter.add.f32 [tilespmem:s13], [sflag:$0x3], $0x10, s11, s12, $0xb8;
	[tilespmem:$0x1EA00] =	vst v63  }
0x140: {  	s8 =	rddreg [dreg:$0xe]  }
0x141: {  	[spmem:s3] =	stream.indirect.scatter.add.f32 [tilespmem:s14], [sflag:$0x3], $0x10, s8, s12, $0xb8;
	[tilespmem:$0x1EA00] =	vst v63  }
0x142: {  	s9 =	rddreg [dreg:$0xf]  }
0x143: {  	[spmem:s3] =	stream.indirect.scatter.add.f32 [tilespmem:s15], [sflag:$0x3], $0x10, s9, s12, $0xb8;
	[tilespmem:$0x1EA00] =	vst v63  }
0x144: {  	s28 =	rddreg [dreg:$0x10]  }
0x145: {  	[spmem:s3] =	stream.indirect.scatter.add.f32 [tilespmem:s16], [sflag:$0x3], $0x10, s28, s12, $0xb8;
	[tilespmem:$0x1EA00] =	vst v63  }
0x146: {  	s6 =	rddreg [dreg:$0x11]  }
0x147: {  	[spmem:s3] =	stream.indirect.scatter.add.f32 [tilespmem:s17], [sflag:$0x3], $0x10, s6, s12, $0xb8;
	[tilespmem:$0x1EA00] =	vst v63  }
0x148: {  	_ =	swait.ge [sflag:s26], $0x800  }
0x149: {  	[sflag:s26] =	ssyncset.done $0x0  }
0x14a: {  	[sflag:s26] =	ssyncadd.s32 $0xFFFFF800  }
0x14b: {  	_ =	swait.ge [sflag:s26], $0x800  }
0x14c: {  	[sflag:s26] =	ssyncset.done $0x0  }
0x14d: {  	[sflag:s26] =	ssyncadd.s32 $0xFFFFF800  }
0x14e: {  	_ =	swait.ge [sflag:s26], $0x800  }
0x14f: {  	[sflag:s26] =	ssyncset.done $0x0  }
0x150: {  	[sflag:s26] =	ssyncadd.s32 $0xFFFFF800  }
0x151: {  	_ =	swait.ge [sflag:s26], $0x800  }
0x152: {  	[sflag:s26] =	ssyncset.done $0x0  }
0x153: {  	[sflag:s26] =	ssyncadd.s32 $0xFFFFF800  }
0x154: {  	_ =	swait.ge [sflag:s26], $0x800  }
0x155: {  	[sflag:s26] =	ssyncset.done $0x0  }
0x156: {  	[sflag:s26] =	ssyncadd.s32 $0xFFFFF800  }
0x157: {  	[spmem:s3] =	stream.indirect.scatter.add.f32 [tilespmem:s20], [sflag:$0x3], $0x10, s19, s12, $0xb8;
	[tilespmem:$0x1EA00] =	vst v63  }
0x158: {  	s7 =	simm.s32 $0x800  }
0x159: {  	[spmem:s3] =	stream.indirect.scatter.add.f32 [tilespmem:s21], [sflag:$0x3], $0x10, s7, s12, $0xb8;
	[tilespmem:$0x1EA00] =	vst v63  }
0x15a: {  	_ = 	snop  }
0x15b: {  	[spmem:s3] =	stream.indirect.scatter.add.f32 [tilespmem:s22], [sflag:$0x3], $0x10, s29, s12, $0xb8;
	[tilespmem:$0x1EA00] =	vst v63  }
0x15c: {  	_ = 	snop  }
0x15d: {  	[spmem:s3] =	stream.indirect.scatter.add.f32 [tilespmem:s23], [sflag:$0x3], $0x10, s30, s12, $0xb8;
	[tilespmem:$0x1EA00] =	vst v63  }
0x15e: {  	_ = 	snop  }
0x15f: {  	[spmem:s3] =	stream.indirect.scatter.add.f32 [tilespmem:s24], [sflag:$0x3], $0x10, s31, s12, $0xb8;
	[tilespmem:$0x1EA00] =	vst v63  }
0x160: {  	_ =	swait.ge [sflag:s0], $0x800  }
0x161: {  	[sflag:s0] =	ssyncset.done $0x0  }
0x162: {  	[sflag:s0] =	ssyncadd.s32 $0xFFFFF800  }
0x163: {  	_ =	swait.ge [sflag:s0], $0x800  }
0x164: {  	[sflag:s0] =	ssyncset.done $0x0  }
0x165: {  	[sflag:s0] =	ssyncadd.s32 $0xFFFFF800  }
0x166: {  	_ =	swait.ge [sflag:s0], $0x800  }
0x167: {  	[sflag:s0] =	ssyncset.done $0x0  }
0x168: {  	[sflag:s0] =	ssyncadd.s32 $0xFFFFF800  }
0x169: {  	_ =	swait.ge [sflag:s0], $0x800  }
0x16a: {  	[sflag:s0] =	ssyncset.done $0x0  }
0x16b: {  	[sflag:s0] =	ssyncadd.s32 $0xFFFFF800  }
0x16c: {  	_ =	swait.ge [sflag:s0], $0x800  }
0x16d: {  	[sflag:s0] =	ssyncset.done $0x0  }
0x16e: {  	[sflag:s0] =	ssyncadd.s32 $0xFFFFF800  }
0x16f: {  	_ =	swait.ge [sflag:s0], $0x800  }
0x170: {  	[sflag:s0] =	ssyncset.done $0x0  }
0x171: {  	[sflag:s0] =	ssyncadd.s32 $0xFFFFF800  }
0x172: {  	_ =	swait.ge [sflag:s0], $0x800  }
0x173: {  	[sflag:s0] =	ssyncset.done $0x0  }
0x174: {  	[sflag:s0] =	ssyncadd.s32 $0xFFFFF800  }
0x175: {  	_ =	swait.ge [sflag:s0], $0x800  }
0x176: {  	[sflag:s0] =	ssyncset.done $0x0  }
0x177: {  	[sflag:s0] =	ssyncadd.s32 $0xFFFFF800  }
0x178: {  	_ =	swait.ge [sflag:s0], $0x800  }
0x179: {  	[sflag:s0] =	ssyncset.done $0x0  }
0x17a: {  	[sflag:s0] =	ssyncadd.s32 $0xFFFFF800  }
0x17b: {  	_ =	swait.ge [sflag:s0], $0x800  }
0x17c: {  	[sflag:s0] =	ssyncset.done $0x0  }
0x17d: {  	[sflag:s0] =	ssyncadd.s32 $0xFFFFF800  }
0x17e: {  	[bflag:$0x0] =	sbarrier.arrive $0xFFFF  }
0x17f: {  	s6 =	rddreg [dreg:$0x13]  }
0x180: {  	s8 =	rddreg [dreg:$0x14]  }
0x181: {  	s5 =	rddreg [dreg:$0x16]  }
0x182: {  	[hbm:s8], [sflag:s6] =	dma.local [spmem:s5], $0x30E0  }
0x183: {  	_ =	swait.ge [sflag:s10], $0x30E0  }
0x184: {  	s9 =	rddreg [dreg:$0x17]  }
0x185: {  	s28 =	rddreg [dreg:$0x15];
	s7 =	sadd.s32 $0x1, s9  }
0x186: {  	p0 =	sne.s32 s7, s28  }
.Ltmp1:
0x187: {  	_ = 	snop;
	(pc) =	sbr.rel @p0 .LBB2_1-.Ltmp1, $3  }
0x188: {  	_ =	sdelay $0x1  }
0x189: {  	[sflag:s10] =	ssyncset.done $0x0  }
0x18a: {  	[sflag:s10] =	ssyncadd.s32 $0xFFFFCF20  }
0x18b: {  	_ =	sfence.sel $0x180000  }
0x18c: {  	[bflag:$0x0] =	sbarrier.arrive $0xFFFF  }
0x18d: {  	_ =	strace $0x9000004A  }
0x18e: {  	s0 =	stileid.u32;
	[bflag:$0x2] =	sbarrier.arrive $0xFFFF  }
0x18f: {  	p0 =	sne.s32 s0, $0x0;
	s0 =	rddreg [dreg:$0x3]  }
0x190: {  	s0 =	sadd.s32 @!p0 $0x100000, s0  }
0x191: {  	[sflag:s0] =	ssyncadd.tile.s32 @!p0 $0x1;
	_ =	shalt  }
.Lfunc_end2:
_tile_overlayer_lowered:
.L_overlay_start_2:
0x192: {  	(tag) =	ssettag $0x2  }
0x193: {  	s0 =	rddreg [dreg:$0x0];
	s2 =	stileid.u32  }
0x194: {  	s1 =	rddreg [dreg:$0x1];
	p0 =	sne.s32 s2, $0x0  }
0x195: {  	s3 =	rddreg [dreg:$0x2];
	[bflag:$0x3] =	sbarrier.arrive $0xFFFF;
	s2 =	simm.s32 @!p0 $0x1C04  }
0x196: {  	[timem:s3], [sflag:s2] =	dma.local @!p0 [hbm:s0], s1  }
0x197: {  	s0 =	simm.s32 @!p0 $0x4  }
0x198: {  	_ =	swait.ge @!p0 [sflag:s0], s1  }
0x199: {  	s1 =	ssub.s32 @!p0 $0x0, s1;
	[sflag:s0] =	ssyncset.done @!p0 $0x0  }
0x19a: {  	[sflag:s0] =	ssyncadd.s32 @!p0 s1  }
0x19b: {  	[bflag:$0x3] =	sbarrier.arrive $0xFFFF  }
0x19c: {  	_ =	shalt  }

// kernel: kernel.14.cloned.1.call-start
scs
__scs_entry_jumppad:
0x0: {  	(pc) =	sbr.rel $0x88, $3  }
0x1: {  	(tag) =	ssettag $0x0;
	lr =	simm.s32 $0x1  }
0x2: {  	[smem:$0x3F8F] =	sst lr;
	_ =	strace $0xD0000000  }
0x3: {  	_ = 	snop  }
0x4: {  	_ = 	snop  }
0x5: {  	_ = 	snop  }
0x6: {  	_ = 	snop  }
0x7: {  	_ = 	snop  }
__scs_overlays_trampoline_lowered:
0x8: {  	[smem:$0x3F9E] =	sst s0  }
0x9: {  	[smem:$0x3F9F] =	sst s1  }
0xa: {  	[smem:$0x3FA0] =	sst s2  }
0xb: {  	[smem:$0x3FA1] =	sst s3  }
0xc: {  	[smem:$0x3FA2] =	sst s4  }
0xd: {  	[smem:$0x3FA3] =	sst s5  }
0xe: {  	[smem:$0x3FA4] =	sst s6  }
0xf: {  	[smem:$0x3FA5] =	sst s7  }
0x10: {  	[smem:$0x3FA6] =	sst s8  }
0x11: {  	[smem:$0x3FA7] =	sst s9;
	s0 =	simm.s32 @!p0 $0x0  }
0x12: {  	s1 =	sld [smem:$0x3F8D];
	s0 =	simm.s32 @p0 $0x1  }
0x13: {  	[smem:$0x3FA8] =	sst s0;
	s0 =	simm.s32 @!p1 $0x0  }
0x14: {  	s2 =	sld [smem:$0x3F8C];
	s0 =	simm.s32 @p1 $0x1  }
0x15: {  	[smem:$0x3FA9] =	sst s0;
	s0 =	simm.s32 @!p2 $0x0  }
0x16: {  	s3 =	sld [smem:$0x3FDB];
	s0 =	simm.s32 @p2 $0x1  }
0x17: {  	s4 =	simm.s32 $0x1BF5;
	[smem:$0x3FAB] =	sst s0  }
0x18: {  	s0 =	sld [smem:$0x3F8E];
	_ =	swait.ge [sflag:s4], $0x0  }
0x19: {  	s7 =	sld [smem:$0x3F8F]  }
0x1a: {  	s8 =	sadd.s32 $0xFFFFE003, lr  }
0x1b: {  	s9 =	sadd.s32 $0xFFFFFEF7, lr;
	s5 =	simm.s32 $0xFFFFFFFF;
	p2 =	slt.u32 s8, $0xFFFFF086  }
0x1c: {  	p1 =	slt.u32 s9, $0xF7A;
	s5 =	simm.s32 @!p2 $0x0  }
0x1d: {  	s5 =	simm.s32 @p1 $0x1;
	p0 =	seq.s32 s7, s2  }
0x1e: {  	s7 =	smul.u32 @!p0 $0xF7A, s2;
	p2 =	seq.s32 @!p0 s5, $0x0  }
0x1f: {  	s9 =	smul.u32 $0xF7A, s1;
	s8 =	simm.s32 @!p0 $0x1BF5;
	p2 =	por !p2, p0  }
0x20: {  	[sflag:s8] =	ssyncset.s32 @!p0 $0xFFFFF086;
	s6 =	sadd.s32 @!p0 s3, s7;
	s7 =	simm.s32 @!p0 $0x108  }
0x21: {  	s3 =	sadd.s32 s3, s9;
	s6 =	sadd.s32 @!p0 $0x88, s6;
	s7 =	simm.s32 @p2 $0x1082  }
0x22: {  	[simem:s7], [sflag:s8] =	dma.local @!p0 [hbm:s6], $0xF7A  }
0x23: {  	s9 =	sor.u32 $0xD0000000, s2;
	s6 =	simm.s32 $0x108;
	_ =	swait.ge @!p0 [sflag:s8], $0x0  }
0x24: {  	s3 =	sadd.s32 $0x88, s3;
	s6 =	simm.s32 @!p1 $0x1082;
	[sflag:s4] =	ssyncset.s32 $0xFFFFF086  }
0x25: {  	[simem:s6], [sflag:s4] =	dma.local [hbm:s3], $0xF7A  }
0x26: {  	[smem:$0x3F8F] =	sst s1;
	(tag) =	ssettag s2;
	_ =	strace s9  }
0x27: {  	s1 =	sld [smem:$0x3F9F]  }
0x28: {  	s2 =	sld [smem:$0x3FA0]  }
0x29: {  	s4 =	sld [smem:$0x3FA2]  }
0x2a: {  	p0 =	seq.s32 s5, $0x0;
	s5 =	sld [smem:$0x3FA3]  }
0x2b: {  	s6 =	sld [smem:$0x3FA4]  }
0x2c: {  	s7 =	sld [smem:$0x3FA5]  }
0x2d: {  	s3 =	simm.s32 $0x108;
	s8 =	sld [smem:$0x3FA6]  }
0x2e: {  	s3 =	simm.s32 @!p0 $0x1082;
	s9 =	sld [smem:$0x3FA7]  }
0x2f: {  	lr =	sadd.s32 s0, s3;
	s0 =	sld [smem:$0x3F9E]  }
0x30: {  	s3 =	sld [smem:$0x3FA1]  }
0x31: {  	[smem:$0x3FAA] =	sst s10  }
0x32: {  	s10 =	sld [smem:$0x3FA8];
	_ =	sdelay $0x3  }
0x33: {  	p0 =	seq.s32 s10, $0x1;
	s10 =	sld [smem:$0x3FAA];
	_ =	sdelay $0x3  }
0x34: {  	[smem:$0x3FAA] =	sst s10  }
0x35: {  	s10 =	sld [smem:$0x3FA9];
	_ =	sdelay $0x3  }
0x36: {  	p1 =	seq.s32 s10, $0x1;
	s10 =	sld [smem:$0x3FAA];
	_ =	sdelay $0x3  }
0x37: {  	[smem:$0x3FAA] =	sst s10  }
0x38: {  	s10 =	sld [smem:$0x3FAB]  }
0x39: {  	_ = 	snop;
	(pc) =	sbr.ind lr, $3  }
0x3a: {  	_ = 	snop  }
0x3b: {  	_ = 	snop  }
0x3c: {  	p2 =	seq.s32 s10, $0x1;
	s10 =	sld [smem:$0x3FAA]  }
0x3d: {  	_ =	shalt  }
0x3e: {  	_ =	shalt  }
0x3f: {  	_ =	shalt  }
0x40: {  	_ =	shalt  }
0x41: {  	_ =	shalt  }
0x42: {  	_ =	shalt  }
0x43: {  	_ =	shalt  }
0x44: {  	_ =	shalt  }
0x45: {  	_ =	shalt  }
0x46: {  	_ =	shalt  }
0x47: {  	_ =	shalt  }
0x48: {  	_ =	shalt  }
0x49: {  	_ =	shalt  }
0x4a: {  	_ =	shalt  }
0x4b: {  	_ =	shalt  }
0x4c: {  	_ =	shalt  }
0x4d: {  	_ =	shalt  }
0x4e: {  	_ =	shalt  }
0x4f: {  	_ =	shalt  }
0x50: {  	_ =	shalt  }
0x51: {  	_ =	shalt  }
0x52: {  	_ =	shalt  }
0x53: {  	_ =	shalt  }
0x54: {  	_ =	shalt  }
0x55: {  	_ =	shalt  }
0x56: {  	_ =	shalt  }
0x57: {  	_ =	shalt  }
0x58: {  	_ =	shalt  }
0x59: {  	_ =	shalt  }
0x5a: {  	_ =	shalt  }
0x5b: {  	_ =	shalt  }
0x5c: {  	_ =	shalt  }
0x5d: {  	_ =	shalt  }
0x5e: {  	_ =	shalt  }
0x5f: {  	_ =	shalt  }
0x60: {  	_ =	shalt  }
0x61: {  	_ =	shalt  }
0x62: {  	_ =	shalt  }
0x63: {  	_ =	shalt  }
0x64: {  	_ =	shalt  }
0x65: {  	_ =	shalt  }
0x66: {  	_ =	shalt  }
0x67: {  	_ =	shalt  }
0x68: {  	_ =	shalt  }
0x69: {  	_ =	shalt  }
0x6a: {  	_ =	shalt  }
0x6b: {  	_ =	shalt  }
0x6c: {  	_ =	shalt  }
0x6d: {  	_ =	shalt  }
0x6e: {  	_ =	shalt  }
0x6f: {  	_ =	shalt  }
0x70: {  	_ =	shalt  }
0x71: {  	_ =	shalt  }
0x72: {  	_ =	shalt  }
0x73: {  	_ =	shalt  }
0x74: {  	_ =	shalt  }
0x75: {  	_ =	shalt  }
0x76: {  	_ =	shalt  }
0x77: {  	_ =	shalt  }
0x78: {  	_ =	shalt  }
0x79: {  	_ =	shalt  }
0x7a: {  	_ =	shalt  }
0x7b: {  	_ =	shalt  }
0x7c: {  	_ =	shalt  }
0x7d: {  	_ =	shalt  }
0x7e: {  	_ =	shalt  }
0x7f: {  	_ =	shalt  }
0x80: {  	_ =	shalt  }
0x81: {  	_ =	shalt  }
0x82: {  	_ =	shalt  }
0x83: {  	_ =	shalt  }
0x84: {  	_ =	shalt  }
0x85: {  	_ =	shalt  }
0x86: {  	_ =	shalt  }
0x87: {  	_ =	shalt  }
.Lfunc_end0:
.L_simem_size_0:
called_computation.2_lowered:
.L_overlay_start_0:
0x88: {  	s2 =	sld [smem:$0x3FD9]  }
0x89: {  	s3 =	sld [smem:$0x3FFE];
	_ =	sdelay $0x1  }
0x8a: {  	s1 =	srdreg.scid  }
0x8b: {  	s0 =	sand.u32 $0x1, s1  }
0x8c: {  	s17 =	sshll.u32 s0, $0xA;
	s2 =	sadd.s32 s3, s2  }
0x8d: {  	s2 =	sadd.s32 s2, s17  }
0x8e: {  	[smem:$0x3FB6] =	sst s2  }
0x8f: {  	_ = 	snop  }
0x90: {  	s2 =	sld [smem:$0x3FD0];
	(tm) =	ssettm $0x1  }
0x91: {  	s18 =	sld [smem:$0x3FFB];
	_ =	sdelay $0x3  }
0x92: {  	_ =	strace s18  }
0x93: {  	s3 =	sld [smem:$0x3FFC];
	_ =	sdelay $0x3  }
0x94: {  	_ =	strace s3  }
0x95: {  	s3 =	sld [smem:$0x3FFD];
	_ =	sdelay $0x3  }
0x96: {  	_ =	strace s3  }
0x97: {  	_ =	strace $0x8FFFFFFF  }
0x98: {  	s19 =	sld [smem:$0x3FDB];
	_ =	sdelay $0x1  }
0x99: {  	s4 =	simm.s32 $_scs_section_size  }
0x9a: {  	s5 =	simm.s32 $_size__tile_overlayer_lowered;
	s6 =	simm.s32 $_tile_overlayer_lowered  }
0x9b: {  	s22 =	simm.s32 $0x1BFF;
	s21 =	sshll.u32 s6, $0x1;
	s3 =	sadd.s32 s4, s19  }
0x9c: {  	s7 =	simm.s32 $0x0;
	s20 =	sshll.u32 s5, $0x1;
	s5 =	sadd.s32 s21, s3  }
0x9d: {  	[timem:s7], [sflag:s22] =	dma.local [hbm:s5], s20  }
0x9e: {  	_ =	swait.ge [sflag:s22], s20  }
0x9f: {  	s4 =	ssub.s32 $0x0, s20;
	[sflag:s22] =	ssyncset.done $0x0  }
0xa0: {  	[sflag:s22] =	ssyncadd.s32 s4;
	_ =	sdelay $0x1  }
0xa1: {  	s23 =	simm.s32 $0x1B8B  }
0xa2: {  	_ =	swait.ge [sflag:s23], $0x1  }
0xa3: {  	[sflag:s23] =	ssyncset.done $0x0  }
0xa4: {  	s25 =	simm.s32 $0x1B8E;
	s24 =	sld [smem:$0x3FFE];
	[sflag:s23] =	ssyncadd.s32 $0xFFFFFFFF  }
0xa5: {  	s26 =	simm.s32 $execute0_lowered;
	[smem:$0x3FD2] =	sst s25  }
0xa6: {  	s5 =	sshll.u32 s26, $0x1;
	_ =	strace $0x8000004C;
	[dreg:$0x1] =	wrdreg $0xFFFFFFFF  }
0xa7: {  	s28 =	simm.s32 $_size_execute0_lowered;
	s3 =	sadd.s32 s3, s5;
	[dreg:$0x0] =	wrdreg $0x0  }
0xa8: {  	s5 =	sshll.u32 s28, $0x1;
	[dreg:$0x2] =	wrdreg s3  }
0xa9: {  	[dreg:$0x3] =	wrdreg s5  }
0xaa: {  	[dreg:$0x4] =	wrdreg $0xC0  }
0xab: {  	_ =	task [dreg:s7], $0x5FFFF  }
0xac: {  	[dreg:$0x1] =	wrdreg $0xFFFFFFFF  }
0xad: {  	[dreg:$0x0] =	wrdreg $0x60  }
0xae: {  	[dreg:$0x2] =	wrdreg s2  }
0xaf: {  	[dreg:$0x3] =	wrdreg s24  }
0xb0: {  	[dreg:$0x4] =	wrdreg $0x5A000  }
0xb1: {  	[dreg:$0x5] =	wrdreg $0x9  }
0xb2: {  	_ =	task.clear_ibuf [dreg:s7], $0x6FFFF;
	_ =	strace $0x9000004C  }
0xb3: {  	s29 =	simm.s32 $0x9;
	_ =	strace $0x8000004E  }
0xb4: {  	_ =	swait.ge [sflag:s29], $0x1  }
0xb5: {  	[sflag:s29] =	ssyncadd.s32 $0xFFFFFFFF  }
0xb6: {  	_ =	strace $0x9000004E  }
0xb7: {  	_ =	sfence  }
0xb8: {  	s30 =	sld [smem:$0x0];
	_ =	sdelay $0x2  }
0xb9: {  	s31 =	sshll.u32 s1, $0xD;
	s1 =	sshrl.u32 s1, $0x2  }
0xba: {  	s3 =	sand.u32 $0x4000, s31;
	s1 =	sadd.s32 s1, s30  }
0xbb: {  	s0 =	sor.u32 s3, s0;
	s1 =	sshll.u32 s1, $0x11  }
0xbc: {  	s0 =	sor.u32 s1, s0  }
0xbd: {  	s0 =	sadd.s32 $0x8F2B, s0  }
0xbe: {  	[sflag:s0] =	ssyncadd.remote.s32 $0x1  }
0xbf: {  	_ =	sfence.sel $0xFFFF  }
0xc0: {  	[dreg:$0x0] =	wrdreg $0xFFFFFFFF;
	(pc) =	sbr.abs _section_cstart, $3  }
0xc1: {  	[dreg:$0x1] =	wrdreg $0xFFFFFFFF  }
0xc2: {  	_ =	task.clear_ibuf [dreg:s7], $0x2FFFF;
	_ =	strace $0x9FFFFFFF  }
0xc3: {  	(tm) =	ssettm $0x7FFFFFFF  }
tec
execute0_lowered:
.L_overlay_start_1:
0x0: {  	(tag) =	ssettag $0x1  }
0x1: {  	s1 =	rddreg [dreg:$0x0]  }
0x2: {  	s0 =	rddreg [dreg:$0x1]  }
0x3: {  	s3 =	rddreg [dreg:$0x2]  }
0x4: {  	s4 =	simm.s32 $0x0;
	s14 =	stileid.u32;
	s2 =	srdreg.scid  }
0x5: {  	s17 =	simm.s32 $0x100;
	s18 =	simm.s32 $0x180;
	s19 =	simm.s32 $0x200  }
0x6: {  	s20 =	simm.s32 $0x300;
	s21 =	simm.s32 $0x380;
	s22 =	simm.s32 $0x400  }
0x7: {  	s29 =	simm.s32 $0x880;
	s30 =	simm.s32 $0x900;
	s5 =	smul.u32 $0x1870, s14  }
0x8: {  	s31 =	simm.s32 $0x980;
	[smem:$0x7FF] =	sst s4;
	s6 =	smul.u32 $0x3200, s14  }
0x9: {  	s7 =	sadd.s32 $0x86CC00, s0;
	s2 =	sand.u32 $0x1, s2;
	s13 =	smul.u32 $0x19000, s14  }
0xa: {  	_ =	strace $0x8000004D;
	s8 =	smul.u32 $0x186A00, s2;
	[dreg:$0x7] =	wrdreg s17  }
0xb: {  	s26 =	sshll.u32 s14, $0x6;
	s10 =	smul.u32 $0x186A0, s2;
	[dreg:$0x8] =	wrdreg s18  }
0xc: {  	s11 =	ssub.s32 $0x2, s2;
	s2 =	smul.u32 $0x190000, s2;
	[dreg:$0x9] =	wrdreg s19  }
0xd: {  	s17 =	simm.s32 $0x2A00;
	s18 =	simm.s32 $0x280;
	[dreg:$0xa] =	wrdreg s20  }
0xe: {  	s19 =	simm.s32 $0x780;
	[dreg:$0xb] =	wrdreg s21;
	s20 =	simm.s32 $0x3200  }
0xf: {  	[dreg:$0xc] =	wrdreg s22;
	s21 =	simm.s32 $0x3A00;
	s22 =	simm.s32 $0x4200  }
0x10: {  	s5 =	smin.u32 s5, $0x16E30;
	s9 =	sadd.s32 s6, s0;
	s12 =	sshrl.u32 s11, $0x1  }
0x11: {  	s6 =	sor.u32 $0x1C04, s26;
	s26 =	simm.s32 $0x680;
	s23 =	sshll.u32 s5, $0x4  }
0x12: {  	s24 =	ssub.s32 s11, s12;
	s5 =	sadd.s32 s10, s5;
	s2 =	sadd.s32 s13, s2  }
0x13: {  	s12 =	sadd.s32 $0x34A00, s9;
	s10 =	simm.s32 $0x4;
	[dreg:$0x10] =	wrdreg s26  }
0x14: {  	s11 =	simm.s32 $0x500;
	s26 =	simm.s32 $0x2;
	[dreg:$0x13] =	wrdreg s6  }
0x15: {  	s8 =	sadd.s32 s8, s23;
	s25 =	sadd.s32 s23, s3;
	s5 =	sshll.u32 s5, $0x1  }
0x16: {  	s28 =	sor.u32 $0x280, s2;
	[dreg:$0x4] =	wrdreg s12;
	s2 =	sshrl.u32 s2, $0x3  }
0x17: {  	s16 =	smax.u32 s24, $0x1;
	s12 =	simm.s32 $0x80;
	s23 =	simm.s32 $0x480  }
0x18: {  	s24 =	simm.s32 $0x580;
	s8 =	sshrl.u32 s8, $0x3;
	[dreg:$0x15] =	wrdreg s16  }
0x19: {  	s5 =	sadd.s32 s1, s5;
	s13 =	sshrl.u32 s28, $0x3;
	[dreg:$0xd] =	wrdreg s23  }
0x1a: {  	s15 =	sadd.s32 s2, s7;
	s16 =	simm.s32 $0x2200;
	[dreg:$0xe] =	wrdreg s24  }
0x1b: {  	s23 =	simm.s32 $0x4A00;
	s24 =	simm.s32 $0x5200;
	[dreg:$0x12] =	wrdreg s5  }
0x1c: {  	s28 =	simm.s32 $0x700;
	s0 =	sadd.s32 s8, s0;
	[dreg:$0x6] =	wrdreg s15  }
0x1d: {  	s14 =	sadd.s32 s13, s7;
	s5 =	sshrl.u32 s25, $0x3;
	[dreg:$0x11] =	wrdreg s28  }
0x1e: {  	s13 =	simm.s32 $0xA00;
	s25 =	simm.s32 $0x600;
	[dreg:$0x5] =	wrdreg s14  }
0x1f: {  	s15 =	simm.s32 $0x1A00;
	s7 =	simm.s32 $0x0;
	[dreg:$0xf] =	wrdreg s25  }
0x20: {  	s0 =	sadd.s32 $0xC8600, s0;
	s14 =	simm.s32 $0x1200;
	[dreg:$0x16] =	wrdreg s5  }
0x21: {  	s25 =	simm.s32 $0x1;
	[dreg:$0x14] =	wrdreg s0;
	s0 =	simm.s32 $0x3  }
.LBB2_1:
0x22: {  	[dreg:$0x17] =	wrdreg s7  }
0x23: {  	s2 =	rddreg [dreg:$0x12]  }
0x24: {  	[spmem:s5], [sflag:s6] =	dma.local [hbm:s2], $0x30E0  }
0x25: {  	_ =	swait.ge [sflag:s10], $0x30E0  }
0x26: {  	[sflag:s10] =	ssyncset.done $0x0  }
0x27: {  	[sflag:s10] =	ssyncadd.s32 $0xFFFFCF20  }
0x28: {  	[bflag:$0x0] =	sbarrier.arrive $0xFFFF  }
0x29: {  	s7 =	rddreg [dreg:$0x6]  }
0x2a: {  	s5 =	sadd.s32 $0x0, s7  }
0x2b: {  	[tilespmem:s4], [sflag:$0x4] =	stream.linear.gather [hbm4b:s5+s4], $0x280, $0x38;
	[tilespmem:$0x1EA00] =	vst v63  }
0x2c: {  	_ =	swait.ge [sflag:s10], $0x280  }
0x2d: {  	s8 =	rddreg [dreg:$0x4];
	[sflag:s10] =	ssyncset.done $0x0  }
0x2e: {  	[sflag:s10] =	ssyncadd.s32 $0xFFFFFD80;
	s5 =	sadd.s32 $0x0, s8  }
0x2f: {  	[tilespmem:s11], [sflag:$0x4] =	stream.linear.gather [hbm4b:s5+s4], $0x280, $0x38;
	[tilespmem:$0x1EA00] =	vst v63  }
0x30: {  	_ =	swait.ge [sflag:s10], $0x280  }
0x31: {  	[sflag:s10] =	ssyncset.done $0x0  }
0x32: {  	[sflag:s10] =	ssyncadd.s32 $0xFFFFFD80  }
0x33: {  	[tilespmem:s13], [sflag:$0x1] =	stream.indirect.gather [hbm4b:s1+s12], $0x10, s4, s12, $0xb8;
	[tilespmem:$0x1EA00] =	vst v63  }
0x34: {  	s9 =	rddreg [dreg:$0x7]  }
0x35: {  	[tilespmem:s14], [sflag:$0x1] =	stream.indirect.gather [hbm4b:s1+s12], $0x10, s12, s12, $0xb8;
	[tilespmem:$0x1EA00] =	vst v63  }
0x36: {  	s8 =	rddreg [dreg:$0x8]  }
0x37: {  	[tilespmem:s15], [sflag:$0x1] =	stream.indirect.gather [hbm4b:s1+s12], $0x10, s9, s12, $0xb8;
	[tilespmem:$0x1EA00] =	vst v63  }
0x38: {  	s28 =	rddreg [dreg:$0x9]  }
0x39: {  	[tilespmem:s16], [sflag:$0x1] =	stream.indirect.gather [hbm4b:s1+s12], $0x10, s8, s12, $0xb8;
	[tilespmem:$0x1EA00] =	vst v63  }
0x3a: {  	s2 =	rddreg [dreg:$0x5]  }
0x3b: {  	[tilespmem:s17], [sflag:$0x1] =	stream.indirect.gather [hbm4b:s1+s12], $0x10, s28, s12, $0xb8;
	[tilespmem:$0x1EA00] =	vst v63  }
0x3c: {  	s6 =	sadd.s32 $0x0, s2  }
0x3d: {  	[tilespmem:s18], [sflag:$0x4] =	stream.linear.gather [hbm4b:s6+s4], $0x280, $0x38;
	[tilespmem:$0x1EA00] =	vst v63  }
0x3e: {  	_ =	swait.ge [sflag:s10], $0x280  }
0x3f: {  	[sflag:s10] =	ssyncset.done $0x0  }
0x40: {  	s5 =	sadd.s32 $0x50, s5;
	[sflag:s10] =	ssyncadd.s32 $0xFFFFFD80  }
0x41: {  	[tilespmem:s19], [sflag:$0x4] =	stream.linear.gather [hbm4b:s5+s4], $0x280, $0x38;
	[tilespmem:$0x1EA00] =	vst v63  }
0x42: {  	_ =	swait.ge [sflag:s10], $0x280  }
0x43: {  	[sflag:s10] =	ssyncset.done $0x0  }
0x44: {  	[sflag:s10] =	ssyncadd.s32 $0xFFFFFD80  }
0x45: {  	[tilespmem:s20], [sflag:$0x2] =	stream.indirect.gather [hbm4b:s1+s12], $0x10, s18, s12, $0xb8;
	[tilespmem:$0x1EA00] =	vst v63  }
0x46: {  	s7 =	rddreg [dreg:$0xa]  }
0x47: {  	[tilespmem:s21], [sflag:$0x2] =	stream.indirect.gather [hbm4b:s1+s12], $0x10, s7, s12, $0xb8;
	[tilespmem:$0x1EA00] =	vst v63  }
0x48: {  	s8 =	rddreg [dreg:$0xb]  }
0x49: {  	[tilespmem:s22], [sflag:$0x2] =	stream.indirect.gather [hbm4b:s1+s12], $0x10, s8, s12, $0xb8;
	[tilespmem:$0x1EA00] =	vst v63  }
0x4a: {  	s9 =	rddreg [dreg:$0xc]  }
0x4b: {  	[tilespmem:s23], [sflag:$0x2] =	stream.indirect.gather [hbm4b:s1+s12], $0x10, s9, s12, $0xb8;
	[tilespmem:$0x1EA00] =	vst v63  }
0x4c: {  	s28 =	rddreg [dreg:$0xd]  }
0x4d: {  	[tilespmem:s24], [sflag:$0x2] =	stream.indirect.gather [hbm4b:s1+s12], $0x10, s28, s12, $0xb8;
	[tilespmem:$0x1EA00] =	vst v63  }
0x4e: {  	_ =	swait.ge [sflag:s25], $0x800  }
0x4f: {  	[sflag:s25] =	ssyncset.done $0x0  }
0x50: {  	[sflag:s25] =	ssyncadd.s32 $0xFFFFF800  }
0x51: {  	_ =	swait.ge [sflag:s25], $0x800  }
0x52: {  	[sflag:s25] =	ssyncset.done $0x0  }
0x53: {  	[sflag:s25] =	ssyncadd.s32 $0xFFFFF800  }
0x54: {  	_ =	swait.ge [sflag:s25], $0x800  }
0x55: {  	[sflag:s25] =	ssyncset.done $0x0  }
0x56: {  	[sflag:s25] =	ssyncadd.s32 $0xFFFFF800  }
0x57: {  	_ =	swait.ge [sflag:s25], $0x800  }
0x58: {  	[sflag:s25] =	ssyncset.done $0x0  }
0x59: {  	[sflag:s25] =	ssyncadd.s32 $0xFFFFF800  }
0x5a: {  	_ =	swait.ge [sflag:s25], $0x800  }
0x5b: {  	[sflag:s25] =	ssyncset.done $0x0  }
0x5c: {  	[sflag:s25] =	ssyncadd.s32 $0xFFFFF800  }
0x5d: {  	[spmem:s3] =	stream.indirect.scatter.add.f32 [tilespmem:s13], [sflag:$0x3], $0x10, s11, s12, $0xb8;
	[tilespmem:$0x1EA00] =	vst v63  }
0x5e: {  	s2 =	rddreg [dreg:$0xe]  }
0x5f: {  	[spmem:s3] =	stream.indirect.scatter.add.f32 [tilespmem:s14], [sflag:$0x3], $0x10, s2, s12, $0xb8;
	[tilespmem:$0x1EA00] =	vst v63  }
0x60: {  	s6 =	rddreg [dreg:$0xf]  }
0x61: {  	[spmem:s3] =	stream.indirect.scatter.add.f32 [tilespmem:s15], [sflag:$0x3], $0x10, s6, s12, $0xb8;
	[tilespmem:$0x1EA00] =	vst v63  }
0x62: {  	s8 =	rddreg [dreg:$0x10]  }
0x63: {  	[spmem:s3] =	stream.indirect.scatter.add.f32 [tilespmem:s16], [sflag:$0x3], $0x10, s8, s12, $0xb8;
	[tilespmem:$0x1EA00] =	vst v63  }
0x64: {  	s9 =	rddreg [dreg:$0x11]  }
0x65: {  	[spmem:s3] =	stream.indirect.scatter.add.f32 [tilespmem:s17], [sflag:$0x3], $0x10, s9, s12, $0xb8;
	[tilespmem:$0x1EA00] =	vst v63  }
0x66: {  	_ =	swait.ge [sflag:s26], $0x800  }
0x67: {  	[sflag:s26] =	ssyncset.done $0x0  }
0x68: {  	[sflag:s26] =	ssyncadd.s32 $0xFFFFF800  }
0x69: {  	_ =	swait.ge [sflag:s26], $0x800  }
0x6a: {  	[sflag:s26] =	ssyncset.done $0x0  }
0x6b: {  	[sflag:s26] =	ssyncadd.s32 $0xFFFFF800  }
0x6c: {  	_ =	swait.ge [sflag:s26], $0x800  }
0x6d: {  	[sflag:s26] =	ssyncset.done $0x0  }
0x6e: {  	[sflag:s26] =	ssyncadd.s32 $0xFFFFF800  }
0x6f: {  	_ =	swait.ge [sflag:s26], $0x800  }
0x70: {  	[sflag:s26] =	ssyncset.done $0x0  }
0x71: {  	[sflag:s26] =	ssyncadd.s32 $0xFFFFF800  }
0x72: {  	_ =	swait.ge [sflag:s26], $0x800  }
0x73: {  	[sflag:s26] =	ssyncset.done $0x0  }
0x74: {  	[sflag:s26] =	ssyncadd.s32 $0xFFFFF800  }
0x75: {  	[spmem:s3] =	stream.indirect.scatter.add.f32 [tilespmem:s20], [sflag:$0x3], $0x10, s19, s12, $0xb8;
	[tilespmem:$0x1EA00] =	vst v63  }
0x76: {  	s28 =	simm.s32 $0x800  }
0x77: {  	[spmem:s3] =	stream.indirect.scatter.add.f32 [tilespmem:s21], [sflag:$0x3], $0x10, s28, s12, $0xb8;
	[tilespmem:$0x1EA00] =	vst v63  }
0x78: {  	_ = 	snop  }
0x79: {  	[spmem:s3] =	stream.indirect.scatter.add.f32 [tilespmem:s22], [sflag:$0x3], $0x10, s29, s12, $0xb8;
	[tilespmem:$0x1EA00] =	vst v63  }
0x7a: {  	_ = 	snop  }
0x7b: {  	[spmem:s3] =	stream.indirect.scatter.add.f32 [tilespmem:s23], [sflag:$0x3], $0x10, s30, s12, $0xb8;
	[tilespmem:$0x1EA00] =	vst v63  }
0x7c: {  	_ = 	snop  }
0x7d: {  	[spmem:s3] =	stream.indirect.scatter.add.f32 [tilespmem:s24], [sflag:$0x3], $0x10, s31, s12, $0xb8;
	[tilespmem:$0x1EA00] =	vst v63  }
0x7e: {  	_ =	swait.ge [sflag:s0], $0x800  }
0x7f: {  	[sflag:s0] =	ssyncset.done $0x0  }
0x80: {  	[sflag:s0] =	ssyncadd.s32 $0xFFFFF800  }
0x81: {  	_ =	swait.ge [sflag:s0], $0x800  }
0x82: {  	[sflag:s0] =	ssyncset.done $0x0  }
0x83: {  	[sflag:s0] =	ssyncadd.s32 $0xFFFFF800  }
0x84: {  	_ =	swait.ge [sflag:s0], $0x800  }
0x85: {  	[sflag:s0] =	ssyncset.done $0x0  }
0x86: {  	[sflag:s0] =	ssyncadd.s32 $0xFFFFF800  }
0x87: {  	_ =	swait.ge [sflag:s0], $0x800  }
0x88: {  	[sflag:s0] =	ssyncset.done $0x0  }
0x89: {  	[sflag:s0] =	ssyncadd.s32 $0xFFFFF800  }
0x8a: {  	_ =	swait.ge [sflag:s0], $0x800  }
0x8b: {  	[sflag:s0] =	ssyncset.done $0x0  }
0x8c: {  	[sflag:s0] =	ssyncadd.s32 $0xFFFFF800  }
0x8d: {  	_ =	swait.ge [sflag:s0], $0x800  }
0x8e: {  	[sflag:s0] =	ssyncset.done $0x0  }
0x8f: {  	[sflag:s0] =	ssyncadd.s32 $0xFFFFF800  }
0x90: {  	_ =	swait.ge [sflag:s0], $0x800  }
0x91: {  	[sflag:s0] =	ssyncset.done $0x0  }
0x92: {  	[sflag:s0] =	ssyncadd.s32 $0xFFFFF800  }
0x93: {  	_ =	swait.ge [sflag:s0], $0x800  }
0x94: {  	[sflag:s0] =	ssyncset.done $0x0  }
0x95: {  	[sflag:s0] =	ssyncadd.s32 $0xFFFFF800  }
0x96: {  	_ =	swait.ge [sflag:s0], $0x800  }
0x97: {  	[sflag:s0] =	ssyncset.done $0x0  }
0x98: {  	[sflag:s0] =	ssyncadd.s32 $0xFFFFF800  }
0x99: {  	s5 =	simm.s32 $0xA0;
	_ =	swait.ge [sflag:s0], $0x800  }
0x9a: {  	s7 =	simm.s32 $0x140;
	s8 =	rddreg [dreg:$0x6];
	[sflag:s0] =	ssyncset.done $0x0  }
.LBB2_2:
0x9b: {  	[sflag:s0] =	ssyncadd.s32 $0xFFFFF800;
	s8 =	sadd.s32 s5, s8  }
0x9c: {  	[tilespmem:s4], [sflag:$0x4] =	stream.linear.gather [hbm4b:s8+s4], $0x280, $0x38;
	[tilespmem:$0x1EA00] =	vst v63  }
0x9d: {  	_ =	swait.ge [sflag:s10], $0x280  }
0x9e: {  	s9 =	rddreg [dreg:$0x4];
	[sflag:s10] =	ssyncset.done $0x0  }
0x9f: {  	[sflag:s10] =	ssyncadd.s32 $0xFFFFFD80;
	s8 =	sadd.s32 s5, s9  }
0xa0: {  	[tilespmem:s11], [sflag:$0x4] =	stream.linear.gather [hbm4b:s8+s4], $0x280, $0x38;
	[tilespmem:$0x1EA00] =	vst v63  }
0xa1: {  	_ =	swait.ge [sflag:s10], $0x280  }
0xa2: {  	[sflag:s10] =	ssyncset.done $0x0  }
0xa3: {  	[sflag:s10] =	ssyncadd.s32 $0xFFFFFD80  }
0xa4: {  	[tilespmem:s13], [sflag:$0x1] =	stream.indirect.gather [hbm4b:s1+s12], $0x10, s4, s12, $0xb8;
	[tilespmem:$0x1EA00] =	vst v63  }
0xa5: {  	s9 =	rddreg [dreg:$0x5]  }
0xa6: {  	[tilespmem:s14], [sflag:$0x1] =	stream.indirect.gather [hbm4b:s1+s12], $0x10, s12, s12, $0xb8;
	[tilespmem:$0x1EA00] =	vst v63  }
0xa7: {  	s2 =	rddreg [dreg:$0x7]  }
0xa8: {  	[tilespmem:s15], [sflag:$0x1] =	stream.indirect.gather [hbm4b:s1+s12], $0x10, s2, s12, $0xb8;
	[tilespmem:$0x1EA00] =	vst v63  }
0xa9: {  	s28 =	rddreg [dreg:$0x8]  }
0xaa: {  	[tilespmem:s16], [sflag:$0x1] =	stream.indirect.gather [hbm4b:s1+s12], $0x10, s28, s12, $0xb8;
	[tilespmem:$0x1EA00] =	vst v63  }
0xab: {  	s2 =	rddreg [dreg:$0x9]  }
0xac: {  	[tilespmem:s17], [sflag:$0x1] =	stream.indirect.gather [hbm4b:s1+s12], $0x10, s2, s12, $0xb8;
	[tilespmem:$0x1EA00] =	vst v63  }
0xad: {  	s28 =	sadd.s32 s5, s9  }
0xae: {  	[tilespmem:s18], [sflag:$0x4] =	stream.linear.gather [hbm4b:s28+s4], $0x280, $0x38;
	[tilespmem:$0x1EA00] =	vst v63  }
0xaf: {  	_ =	swait.ge [sflag:s10], $0x280  }
0xb0: {  	s6 =	smov.u32 s7;
	[sflag:s10] =	ssyncset.done $0x0  }
0xb1: {  	s5 =	smov.u32 s6;
	s6 =	sadd.s32 $0x50, s8;
	[sflag:s10] =	ssyncadd.s32 $0xFFFFFD80  }
0xb2: {  	[tilespmem:s19], [sflag:$0x4] =	stream.linear.gather [hbm4b:s6+s4], $0x280, $0x38;
	[tilespmem:$0x1EA00] =	vst v63  }
0xb3: {  	_ =	swait.ge [sflag:s10], $0x280  }
0xb4: {  	[sflag:s10] =	ssyncset.done $0x0  }
0xb5: {  	[sflag:s10] =	ssyncadd.s32 $0xFFFFFD80  }
0xb6: {  	[tilespmem:s20], [sflag:$0x2] =	stream.indirect.gather [hbm4b:s1+s12], $0x10, s18, s12, $0xb8;
	[tilespmem:$0x1EA00] =	vst v63  }
0xb7: {  	s8 =	rddreg [dreg:$0xa]  }
0xb8: {  	[tilespmem:s21], [sflag:$0x2] =	stream.indirect.gather [hbm4b:s1+s12], $0x10, s8, s12, $0xb8;
	[tilespmem:$0x1EA00] =	vst v63  }
0xb9: {  	s9 =	rddreg [dreg:$0xb]  }
0xba: {  	[tilespmem:s22], [sflag:$0x2] =	stream.indirect.gather [hbm4b:s1+s12], $0x10, s9, s12, $0xb8;
	[tilespmem:$0x1EA00] =	vst v63  }
0xbb: {  	s28 =	rddreg [dreg:$0xc]  }
0xbc: {  	[tilespmem:s23], [sflag:$0x2] =	stream.indirect.gather [hbm4b:s1+s12], $0x10, s28, s12, $0xb8;
	[tilespmem:$0x1EA00] =	vst v63  }
0xbd: {  	s8 =	rddreg [dreg:$0xd]  }
0xbe: {  	[tilespmem:s24], [sflag:$0x2] =	stream.indirect.gather [hbm4b:s1+s12], $0x10, s8, s12, $0xb8;
	[tilespmem:$0x1EA00] =	vst v63  }
0xbf: {  	_ =	swait.ge [sflag:s25], $0x800  }
0xc0: {  	[sflag:s25] =	ssyncset.done $0x0  }
0xc1: {  	[sflag:s25] =	ssyncadd.s32 $0xFFFFF800  }
0xc2: {  	_ =	swait.ge [sflag:s25], $0x800  }
0xc3: {  	[sflag:s25] =	ssyncset.done $0x0  }
0xc4: {  	[sflag:s25] =	ssyncadd.s32 $0xFFFFF800  }
0xc5: {  	_ =	swait.ge [sflag:s25], $0x800  }
0xc6: {  	[sflag:s25] =	ssyncset.done $0x0  }
0xc7: {  	[sflag:s25] =	ssyncadd.s32 $0xFFFFF800  }
0xc8: {  	_ =	swait.ge [sflag:s25], $0x800  }
0xc9: {  	[sflag:s25] =	ssyncset.done $0x0  }
0xca: {  	[sflag:s25] =	ssyncadd.s32 $0xFFFFF800  }
0xcb: {  	_ =	swait.ge [sflag:s25], $0x800  }
0xcc: {  	[sflag:s25] =	ssyncset.done $0x0  }
0xcd: {  	[sflag:s25] =	ssyncadd.s32 $0xFFFFF800  }
0xce: {  	[spmem:s3] =	stream.indirect.scatter.add.f32 [tilespmem:s13], [sflag:$0x3], $0x10, s11, s12, $0xb8;
	[tilespmem:$0x1EA00] =	vst v63  }
0xcf: {  	s9 =	rddreg [dreg:$0xe]  }
0xd0: {  	[spmem:s3] =	stream.indirect.scatter.add.f32 [tilespmem:s14], [sflag:$0x3], $0x10, s9, s12, $0xb8;
	[tilespmem:$0x1EA00] =	vst v63  }
0xd1: {  	s28 =	rddreg [dreg:$0xf]  }
0xd2: {  	[spmem:s3] =	stream.indirect.scatter.add.f32 [tilespmem:s15], [sflag:$0x3], $0x10, s28, s12, $0xb8;
	[tilespmem:$0x1EA00] =	vst v63  }
0xd3: {  	s8 =	rddreg [dreg:$0x10]  }
0xd4: {  	[spmem:s3] =	stream.indirect.scatter.add.f32 [tilespmem:s16], [sflag:$0x3], $0x10, s8, s12, $0xb8;
	[tilespmem:$0x1EA00] =	vst v63  }
0xd5: {  	s9 =	rddreg [dreg:$0x11]  }
0xd6: {  	[spmem:s3] =	stream.indirect.scatter.add.f32 [tilespmem:s17], [sflag:$0x3], $0x10, s9, s12, $0xb8;
	[tilespmem:$0x1EA00] =	vst v63  }
0xd7: {  	_ =	swait.ge [sflag:s26], $0x800  }
0xd8: {  	[sflag:s26] =	ssyncset.done $0x0  }
0xd9: {  	[sflag:s26] =	ssyncadd.s32 $0xFFFFF800  }
0xda: {  	_ =	swait.ge [sflag:s26], $0x800  }
0xdb: {  	[sflag:s26] =	ssyncset.done $0x0  }
0xdc: {  	[sflag:s26] =	ssyncadd.s32 $0xFFFFF800  }
0xdd: {  	_ =	swait.ge [sflag:s26], $0x800  }
0xde: {  	[sflag:s26] =	ssyncset.done $0x0  }
0xdf: {  	[sflag:s26] =	ssyncadd.s32 $0xFFFFF800  }
0xe0: {  	_ =	swait.ge [sflag:s26], $0x800  }
0xe1: {  	[sflag:s26] =	ssyncset.done $0x0  }
0xe2: {  	[sflag:s26] =	ssyncadd.s32 $0xFFFFF800  }
0xe3: {  	_ =	swait.ge [sflag:s26], $0x800  }
0xe4: {  	[sflag:s26] =	ssyncset.done $0x0  }
0xe5: {  	[sflag:s26] =	ssyncadd.s32 $0xFFFFF800  }
0xe6: {  	[spmem:s3] =	stream.indirect.scatter.add.f32 [tilespmem:s20], [sflag:$0x3], $0x10, s19, s12, $0xb8;
	[tilespmem:$0x1EA00] =	vst v63  }
0xe7: {  	s28 =	simm.s32 $0x800  }
0xe8: {  	[spmem:s3] =	stream.indirect.scatter.add.f32 [tilespmem:s21], [sflag:$0x3], $0x10, s28, s12, $0xb8;
	[tilespmem:$0x1EA00] =	vst v63  }
0xe9: {  	_ = 	snop  }
0xea: {  	[spmem:s3] =	stream.indirect.scatter.add.f32 [tilespmem:s22], [sflag:$0x3], $0x10, s29, s12, $0xb8;
	[tilespmem:$0x1EA00] =	vst v63  }
0xeb: {  	_ = 	snop  }
0xec: {  	[spmem:s3] =	stream.indirect.scatter.add.f32 [tilespmem:s23], [sflag:$0x3], $0x10, s30, s12, $0xb8;
	[tilespmem:$0x1EA00] =	vst v63  }
0xed: {  	_ = 	snop  }
0xee: {  	[spmem:s3] =	stream.indirect.scatter.add.f32 [tilespmem:s24], [sflag:$0x3], $0x10, s31, s12, $0xb8;
	[tilespmem:$0x1EA00] =	vst v63  }
0xef: {  	_ =	swait.ge [sflag:s0], $0x800  }
0xf0: {  	[sflag:s0] =	ssyncset.done $0x0  }
0xf1: {  	[sflag:s0] =	ssyncadd.s32 $0xFFFFF800  }
0xf2: {  	_ =	swait.ge [sflag:s0], $0x800  }
0xf3: {  	[sflag:s0] =	ssyncset.done $0x0  }
0xf4: {  	[sflag:s0] =	ssyncadd.s32 $0xFFFFF800  }
0xf5: {  	_ =	swait.ge [sflag:s0], $0x800  }
0xf6: {  	[sflag:s0] =	ssyncset.done $0x0  }
0xf7: {  	[sflag:s0] =	ssyncadd.s32 $0xFFFFF800  }
0xf8: {  	_ =	swait.ge [sflag:s0], $0x800  }
0xf9: {  	[sflag:s0] =	ssyncset.done $0x0  }
0xfa: {  	[sflag:s0] =	ssyncadd.s32 $0xFFFFF800  }
0xfb: {  	_ =	swait.ge [sflag:s0], $0x800  }
0xfc: {  	[sflag:s0] =	ssyncset.done $0x0  }
0xfd: {  	[sflag:s0] =	ssyncadd.s32 $0xFFFFF800  }
0xfe: {  	_ =	swait.ge [sflag:s0], $0x800  }
0xff: {  	[sflag:s0] =	ssyncset.done $0x0  }
0x100: {  	[sflag:s0] =	ssyncadd.s32 $0xFFFFF800  }
0x101: {  	_ =	swait.ge [sflag:s0], $0x800  }
0x102: {  	[sflag:s0] =	ssyncset.done $0x0  }
0x103: {  	[sflag:s0] =	ssyncadd.s32 $0xFFFFF800  }
0x104: {  	_ =	swait.ge [sflag:s0], $0x800  }
0x105: {  	[sflag:s0] =	ssyncset.done $0x0  }
0x106: {  	p0 =	sne.s32 s7, $0x3160;
	[sflag:s0] =	ssyncadd.s32 $0xFFFFF800  }
.Ltmp0:
0x107: {  	_ =	swait.ge [sflag:s0], $0x800;
	(pc) =	sbr.rel @p0 .LBB2_2-.Ltmp0, $4  }
0x108: {  	[sflag:s0] =	ssyncset.done $0x0  }
0x109: {  	[sflag:s0] =	ssyncadd.s32 $0xFFFFF800  }
0x10a: {  	_ =	swait.ge [sflag:s0], $0x800  }
0x10b: {  	s7 =	sadd.s32 $0xA0, s7;
	s8 =	rddreg [dreg:$0x6];
	[sflag:s0] =	ssyncset.done $0x0  }
0x10c: {  	[sflag:s0] =	ssyncadd.s32 $0xFFFFF800;
	s2 =	sadd.s32 s5, s8  }
0x10d: {  	[tilespmem:s4], [sflag:$0x4] =	stream.linear.gather [hbm4b:s2+s4], $0x280, $0x38;
	[tilespmem:$0x1EA00] =	vst v63  }
0x10e: {  	_ =	swait.ge [sflag:s10], $0x280  }
0x10f: {  	s8 =	rddreg [dreg:$0x4];
	[sflag:s10] =	ssyncset.done $0x0  }
0x110: {  	[sflag:s10] =	ssyncadd.s32 $0xFFFFFD80;
	s2 =	sadd.s32 s5, s8  }
0x111: {  	[tilespmem:s11], [sflag:$0x4] =	stream.linear.gather [hbm4b:s2+s4], $0x280, $0x38;
	[tilespmem:$0x1EA00] =	vst v63  }
0x112: {  	_ =	swait.ge [sflag:s10], $0x280  }
0x113: {  	[sflag:s10] =	ssyncset.done $0x0  }
0x114: {  	[sflag:s10] =	ssyncadd.s32 $0xFFFFFD80  }
0x115: {  	[tilespmem:s13], [sflag:$0x1] =	stream.indirect.gather [hbm4b:s1+s12], $0x10, s4, s12, $0xb8;
	[tilespmem:$0x1EA00] =	vst v63  }
0x116: {  	s6 =	rddreg [dreg:$0x7]  }
0x117: {  	[tilespmem:s14], [sflag:$0x1] =	stream.indirect.gather [hbm4b:s1+s12], $0x10, s12, s12, $0xb8;
	[tilespmem:$0x1EA00] =	vst v63  }
0x118: {  	s7 =	rddreg [dreg:$0x8]  }
0x119: {  	[tilespmem:s15], [sflag:$0x1] =	stream.indirect.gather [hbm4b:s1+s12], $0x10, s6, s12, $0xb8;
	[tilespmem:$0x1EA00] =	vst v63  }
0x11a: {  	s9 =	rddreg [dreg:$0x9]  }
0x11b: {  	[tilespmem:s16], [sflag:$0x1] =	stream.indirect.gather [hbm4b:s1+s12], $0x10, s7, s12, $0xb8;
	[tilespmem:$0x1EA00] =	vst v63  }
0x11c: {  	s28 =	rddreg [dreg:$0x5]  }
0x11d: {  	[tilespmem:s17], [sflag:$0x1] =	stream.indirect.gather [hbm4b:s1+s12], $0x10, s9, s12, $0xb8;
	[tilespmem:$0x1EA00] =	vst v63  }
0x11e: {  	s8 =	sadd.s32 s5, s28  }
0x11f: {  	[tilespmem:s18], [sflag:$0x4] =	stream.linear.gather [hbm4b:s8+s4], $0x280, $0x38;
	[tilespmem:$0x1EA00] =	vst v63  }
0x120: {  	_ =	swait.ge [sflag:s10], $0x280  }
0x121: {  	[sflag:s10] =	ssyncset.done $0x0  }
0x122: {  	s2 =	sadd.s32 $0x50, s2;
	[sflag:s10] =	ssyncadd.s32 $0xFFFFFD80  }
0x123: {  	[tilespmem:s19], [sflag:$0x4] =	stream.linear.gather [hbm4b:s2+s4], $0x280, $0x38;
	[tilespmem:$0x1EA00] =	vst v63  }
0x124: {  	_ =	swait.ge [sflag:s10], $0x280  }
0x125: {  	[sflag:s10] =	ssyncset.done $0x0  }
0x126: {  	[sflag:s10] =	ssyncadd.s32 $0xFFFFFD80  }
0x127: {  	[tilespmem:s20], [sflag:$0x2] =	stream.indirect.gather [hbm4b:s1+s12], $0x10, s18, s12, $0xb8;
	[tilespmem:$0x1EA00] =	vst v63  }
0x128: {  	s9 =	rddreg [dreg:$0xa]  }
0x129: {  	[tilespmem:s21], [sflag:$0x2] =	stream.indirect.gather [hbm4b:s1+s12], $0x10, s9, s12, $0xb8;
	[tilespmem:$0x1EA00] =	vst v63  }
0x12a: {  	s28 =	rddreg [dreg:$0xb]  }
0x12b: {  	[tilespmem:s22], [sflag:$0x2] =	stream.indirect.gather [hbm4b:s1+s12], $0x10, s28, s12, $0xb8;
	[tilespmem:$0x1EA00] =	vst v63  }
0x12c: {  	s6 =	rddreg [dreg:$0xc]  }
0x12d: {  	[tilespmem:s23], [sflag:$0x2] =	stream.indirect.gather [hbm4b:s1+s12], $0x10, s6, s12, $0xb8;
	[tilespmem:$0x1EA00] =	vst v63  }
0x12e: {  	s7 =	rddreg [dreg:$0xd]  }
0x12f: {  	[tilespmem:s24], [sflag:$0x2] =	stream.indirect.gather [hbm4b:s1+s12], $0x10, s7, s12, $0xb8;
	[tilespmem:$0x1EA00] =	vst v63  }
0x130: {  	_ =	swait.ge [sflag:s25], $0x800  }
0x131: {  	[sflag:s25] =	ssyncset.done $0x0  }
0x132: {  	[sflag:s25] =	ssyncadd.s32 $0xFFFFF800  }
0x133: {  	_ =	swait.ge [sflag:s25], $0x800  }
0x134: {  	[sflag:s25] =	ssyncset.done $0x0  }
0x135: {  	[sflag:s25] =	ssyncadd.s32 $0xFFFFF800  }
0x136: {  	_ =	swait.ge [sflag:s25], $0x800  }
0x137: {  	[sflag:s25] =	ssyncset.done $0x0  }
0x138: {  	[sflag:s25] =	ssyncadd.s32 $0xFFFFF800  }
0x139: {  	_ =	swait.ge [sflag:s25], $0x800  }
0x13a: {  	[sflag:s25] =	ssyncset.done $0x0  }
0x13b: {  	[sflag:s25] =	ssyncadd.s32 $0xFFFFF800  }
0x13c: {  	_ =	swait.ge [sflag:s25], $0x800  }
0x13d: {  	[sflag:s25] =	ssyncset.done $0x0  }
0x13e: {  	[sflag:s25] =	ssyncadd.s32 $0xFFFFF800  }
0x13f: {  	[spmem:s3] =	stream.indirect.scatter.add.f32 [tilespmem:s13], [sflag:$0x3], $0x10, s11, s12, $0xb8;
	[tilespmem:$0x1EA00] =	vst v63  }
0x140: {  	s8 =	rddreg [dreg:$0xe]  }
0x141: {  	[spmem:s3] =	stream.indirect.scatter.add.f32 [tilespmem:s14], [sflag:$0x3], $0x10, s8, s12, $0xb8;
	[tilespmem:$0x1EA00] =	vst v63  }
0x142: {  	s9 =	rddreg [dreg:$0xf]  }
0x143: {  	[spmem:s3] =	stream.indirect.scatter.add.f32 [tilespmem:s15], [sflag:$0x3], $0x10, s9, s12, $0xb8;
	[tilespmem:$0x1EA00] =	vst v63  }
0x144: {  	s28 =	rddreg [dreg:$0x10]  }
0x145: {  	[spmem:s3] =	stream.indirect.scatter.add.f32 [tilespmem:s16], [sflag:$0x3], $0x10, s28, s12, $0xb8;
	[tilespmem:$0x1EA00] =	vst v63  }
0x146: {  	s6 =	rddreg [dreg:$0x11]  }
0x147: {  	[spmem:s3] =	stream.indirect.scatter.add.f32 [tilespmem:s17], [sflag:$0x3], $0x10, s6, s12, $0xb8;
	[tilespmem:$0x1EA00] =	vst v63  }
0x148: {  	_ =	swait.ge [sflag:s26], $0x800  }
0x149: {  	[sflag:s26] =	ssyncset.done $0x0  }
0x14a: {  	[sflag:s26] =	ssyncadd.s32 $0xFFFFF800  }
0x14b: {  	_ =	swait.ge [sflag:s26], $0x800  }
0x14c: {  	[sflag:s26] =	ssyncset.done $0x0  }
0x14d: {  	[sflag:s26] =	ssyncadd.s32 $0xFFFFF800  }
0x14e: {  	_ =	swait.ge [sflag:s26], $0x800  }
0x14f: {  	[sflag:s26] =	ssyncset.done $0x0  }
0x150: {  	[sflag:s26] =	ssyncadd.s32 $0xFFFFF800  }
0x151: {  	_ =	swait.ge [sflag:s26], $0x800  }
0x152: {  	[sflag:s26] =	ssyncset.done $0x0  }
0x153: {  	[sflag:s26] =	ssyncadd.s32 $0xFFFFF800  }
0x154: {  	_ =	swait.ge [sflag:s26], $0x800  }
0x155: {  	[sflag:s26] =	ssyncset.done $0x0  }
0x156: {  	[sflag:s26] =	ssyncadd.s32 $0xFFFFF800  }
0x157: {  	[spmem:s3] =	stream.indirect.scatter.add.f32 [tilespmem:s20], [sflag:$0x3], $0x10, s19, s12, $0xb8;
	[tilespmem:$0x1EA00] =	vst v63  }
0x158: {  	s7 =	simm.s32 $0x800  }
0x159: {  	[spmem:s3] =	stream.indirect.scatter.add.f32 [tilespmem:s21], [sflag:$0x3], $0x10, s7, s12, $0xb8;
	[tilespmem:$0x1EA00] =	vst v63  }
0x15a: {  	_ = 	snop  }
0x15b: {  	[spmem:s3] =	stream.indirect.scatter.add.f32 [tilespmem:s22], [sflag:$0x3], $0x10, s29, s12, $0xb8;
	[tilespmem:$0x1EA00] =	vst v63  }
0x15c: {  	_ = 	snop  }
0x15d: {  	[spmem:s3] =	stream.indirect.scatter.add.f32 [tilespmem:s23], [sflag:$0x3], $0x10, s30, s12, $0xb8;
	[tilespmem:$0x1EA00] =	vst v63  }
0x15e: {  	_ = 	snop  }
0x15f: {  	[spmem:s3] =	stream.indirect.scatter.add.f32 [tilespmem:s24], [sflag:$0x3], $0x10, s31, s12, $0xb8;
	[tilespmem:$0x1EA00] =	vst v63  }
0x160: {  	_ =	swait.ge [sflag:s0], $0x800  }
0x161: {  	[sflag:s0] =	ssyncset.done $0x0  }
0x162: {  	[sflag:s0] =	ssyncadd.s32 $0xFFFFF800  }
0x163: {  	_ =	swait.ge [sflag:s0], $0x800  }
0x164: {  	[sflag:s0] =	ssyncset.done $0x0  }
0x165: {  	[sflag:s0] =	ssyncadd.s32 $0xFFFFF800  }
0x166: {  	_ =	swait.ge [sflag:s0], $0x800  }
0x167: {  	[sflag:s0] =	ssyncset.done $0x0  }
0x168: {  	[sflag:s0] =	ssyncadd.s32 $0xFFFFF800  }
0x169: {  	_ =	swait.ge [sflag:s0], $0x800  }
0x16a: {  	[sflag:s0] =	ssyncset.done $0x0  }
0x16b: {  	[sflag:s0] =	ssyncadd.s32 $0xFFFFF800  }
0x16c: {  	_ =	swait.ge [sflag:s0], $0x800  }
0x16d: {  	[sflag:s0] =	ssyncset.done $0x0  }
0x16e: {  	[sflag:s0] =	ssyncadd.s32 $0xFFFFF800  }
0x16f: {  	_ =	swait.ge [sflag:s0], $0x800  }
0x170: {  	[sflag:s0] =	ssyncset.done $0x0  }
0x171: {  	[sflag:s0] =	ssyncadd.s32 $0xFFFFF800  }
0x172: {  	_ =	swait.ge [sflag:s0], $0x800  }
0x173: {  	[sflag:s0] =	ssyncset.done $0x0  }
0x174: {  	[sflag:s0] =	ssyncadd.s32 $0xFFFFF800  }
0x175: {  	_ =	swait.ge [sflag:s0], $0x800  }
0x176: {  	[sflag:s0] =	ssyncset.done $0x0  }
0x177: {  	[sflag:s0] =	ssyncadd.s32 $0xFFFFF800  }
0x178: {  	_ =	swait.ge [sflag:s0], $0x800  }
0x179: {  	[sflag:s0] =	ssyncset.done $0x0  }
0x17a: {  	[sflag:s0] =	ssyncadd.s32 $0xFFFFF800  }
0x17b: {  	_ =	swait.ge [sflag:s0], $0x800  }
0x17c: {  	[sflag:s0] =	ssyncset.done $0x0  }
0x17d: {  	[sflag:s0] =	ssyncadd.s32 $0xFFFFF800  }
0x17e: {  	[bflag:$0x0] =	sbarrier.arrive $0xFFFF  }
0x17f: {  	s6 =	rddreg [dreg:$0x13]  }
0x180: {  	s8 =	rddreg [dreg:$0x14]  }
0x181: {  	s5 =	rddreg [dreg:$0x16]  }
0x182: {  	[hbm:s8], [sflag:s6] =	dma.local [spmem:s5], $0x30E0  }
0x183: {  	_ =	swait.ge [sflag:s10], $0x30E0  }
0x184: {  	s9 =	rddreg [dreg:$0x17]  }
0x185: {  	s28 =	rddreg [dreg:$0x15];
	s7 =	sadd.s32 $0x1, s9  }
0x186: {  	p0 =	sne.s32 s7, s28  }
.Ltmp1:
0x187: {  	_ = 	snop;
	(pc) =	sbr.rel @p0 .LBB2_1-.Ltmp1, $3  }
0x188: {  	_ =	sdelay $0x1  }
0x189: {  	[sflag:s10] =	ssyncset.done $0x0  }
0x18a: {  	[sflag:s10] =	ssyncadd.s32 $0xFFFFCF20  }
0x18b: {  	_ =	sfence.sel $0x180000  }
0x18c: {  	[bflag:$0x0] =	sbarrier.arrive $0xFFFF  }
0x18d: {  	_ =	strace $0x9000004D  }
0x18e: {  	s0 =	stileid.u32;
	[bflag:$0x2] =	sbarrier.arrive $0xFFFF  }
0x18f: {  	p0 =	sne.s32 s0, $0x0;
	s0 =	rddreg [dreg:$0x3]  }
0x190: {  	s0 =	sadd.s32 @!p0 $0x100000, s0  }
0x191: {  	[sflag:s0] =	ssyncadd.tile.s32 @!p0 $0x1;
	_ =	shalt  }
.Lfunc_end2:
_tile_overlayer_lowered:
.L_overlay_start_2:
0x192: {  	(tag) =	ssettag $0x2  }
0x193: {  	s0 =	rddreg [dreg:$0x0];
	s2 =	stileid.u32  }
0x194: {  	s1 =	rddreg [dreg:$0x1];
	p0 =	sne.s32 s2, $0x0  }
0x195: {  	s3 =	rddreg [dreg:$0x2];
	[bflag:$0x3] =	sbarrier.arrive $0xFFFF;
	s2 =	simm.s32 @!p0 $0x1C04  }
0x196: {  	[timem:s3], [sflag:s2] =	dma.local @!p0 [hbm:s0], s1  }
0x197: {  	s0 =	simm.s32 @!p0 $0x4  }
0x198: {  	_ =	swait.ge @!p0 [sflag:s0], s1  }
0x199: {  	s1 =	ssub.s32 @!p0 $0x0, s1;
	[sflag:s0] =	ssyncset.done @!p0 $0x0  }
0x19a: {  	[sflag:s0] =	ssyncadd.s32 @!p0 s1  }
0x19b: {  	[bflag:$0x3] =	sbarrier.arrive $0xFFFF  }
0x19c: {  	_ =	shalt  }

// kernel: kernel.8.cloned.1.call-start
scs
__scs_entry_jumppad:
0x0: {  	(pc) =	sbr.rel $0x88, $3  }
0x1: {  	(tag) =	ssettag $0x0;
	lr =	simm.s32 $0x1  }
0x2: {  	[smem:$0x3F8F] =	sst lr;
	_ =	strace $0xD0000000  }
0x3: {  	_ = 	snop  }
0x4: {  	_ = 	snop  }
0x5: {  	_ = 	snop  }
0x6: {  	_ = 	snop  }
0x7: {  	_ = 	snop  }
__scs_overlays_trampoline_lowered:
0x8: {  	[smem:$0x3F9E] =	sst s0  }
0x9: {  	[smem:$0x3F9F] =	sst s1  }
0xa: {  	[smem:$0x3FA0] =	sst s2  }
0xb: {  	[smem:$0x3FA1] =	sst s3  }
0xc: {  	[smem:$0x3FA2] =	sst s4  }
0xd: {  	[smem:$0x3FA3] =	sst s5  }
0xe: {  	[smem:$0x3FA4] =	sst s6  }
0xf: {  	[smem:$0x3FA5] =	sst s7  }
0x10: {  	[smem:$0x3FA6] =	sst s8  }
0x11: {  	[smem:$0x3FA7] =	sst s9;
	s0 =	simm.s32 @!p0 $0x0  }
0x12: {  	s1 =	sld [smem:$0x3F8D];
	s0 =	simm.s32 @p0 $0x1  }
0x13: {  	[smem:$0x3FA8] =	sst s0;
	s0 =	simm.s32 @!p1 $0x0  }
0x14: {  	s2 =	sld [smem:$0x3F8C];
	s0 =	simm.s32 @p1 $0x1  }
0x15: {  	[smem:$0x3FA9] =	sst s0;
	s0 =	simm.s32 @!p2 $0x0  }
0x16: {  	s3 =	sld [smem:$0x3FDB];
	s0 =	simm.s32 @p2 $0x1  }
0x17: {  	s4 =	simm.s32 $0x1BF5;
	[smem:$0x3FAB] =	sst s0  }
0x18: {  	s0 =	sld [smem:$0x3F8E];
	_ =	swait.ge [sflag:s4], $0x0  }
0x19: {  	s7 =	sld [smem:$0x3F8F]  }
0x1a: {  	s8 =	sadd.s32 $0xFFFFE003, lr  }
0x1b: {  	s9 =	sadd.s32 $0xFFFFFEF7, lr;
	s5 =	simm.s32 $0xFFFFFFFF;
	p2 =	slt.u32 s8, $0xFFFFF086  }
0x1c: {  	p1 =	slt.u32 s9, $0xF7A;
	s5 =	simm.s32 @!p2 $0x0  }
0x1d: {  	s5 =	simm.s32 @p1 $0x1;
	p0 =	seq.s32 s7, s2  }
0x1e: {  	s7 =	smul.u32 @!p0 $0xF7A, s2;
	p2 =	seq.s32 @!p0 s5, $0x0  }
0x1f: {  	s9 =	smul.u32 $0xF7A, s1;
	s8 =	simm.s32 @!p0 $0x1BF5;
	p2 =	por !p2, p0  }
0x20: {  	[sflag:s8] =	ssyncset.s32 @!p0 $0xFFFFF086;
	s6 =	sadd.s32 @!p0 s3, s7;
	s7 =	simm.s32 @!p0 $0x108  }
0x21: {  	s3 =	sadd.s32 s3, s9;
	s6 =	sadd.s32 @!p0 $0x88, s6;
	s7 =	simm.s32 @p2 $0x1082  }
0x22: {  	[simem:s7], [sflag:s8] =	dma.local @!p0 [hbm:s6], $0xF7A  }
0x23: {  	s9 =	sor.u32 $0xD0000000, s2;
	s6 =	simm.s32 $0x108;
	_ =	swait.ge @!p0 [sflag:s8], $0x0  }
0x24: {  	s3 =	sadd.s32 $0x88, s3;
	s6 =	simm.s32 @!p1 $0x1082;
	[sflag:s4] =	ssyncset.s32 $0xFFFFF086  }
0x25: {  	[simem:s6], [sflag:s4] =	dma.local [hbm:s3], $0xF7A  }
0x26: {  	[smem:$0x3F8F] =	sst s1;
	(tag) =	ssettag s2;
	_ =	strace s9  }
0x27: {  	s1 =	sld [smem:$0x3F9F]  }
0x28: {  	s2 =	sld [smem:$0x3FA0]  }
0x29: {  	s4 =	sld [smem:$0x3FA2]  }
0x2a: {  	p0 =	seq.s32 s5, $0x0;
	s5 =	sld [smem:$0x3FA3]  }
0x2b: {  	s6 =	sld [smem:$0x3FA4]  }
0x2c: {  	s7 =	sld [smem:$0x3FA5]  }
0x2d: {  	s3 =	simm.s32 $0x108;
	s8 =	sld [smem:$0x3FA6]  }
0x2e: {  	s3 =	simm.s32 @!p0 $0x1082;
	s9 =	sld [smem:$0x3FA7]  }
0x2f: {  	lr =	sadd.s32 s0, s3;
	s0 =	sld [smem:$0x3F9E]  }
0x30: {  	s3 =	sld [smem:$0x3FA1]  }
0x31: {  	[smem:$0x3FAA] =	sst s10  }
0x32: {  	s10 =	sld [smem:$0x3FA8];
	_ =	sdelay $0x3  }
0x33: {  	p0 =	seq.s32 s10, $0x1;
	s10 =	sld [smem:$0x3FAA];
	_ =	sdelay $0x3  }
0x34: {  	[smem:$0x3FAA] =	sst s10  }
0x35: {  	s10 =	sld [smem:$0x3FA9];
	_ =	sdelay $0x3  }
0x36: {  	p1 =	seq.s32 s10, $0x1;
	s10 =	sld [smem:$0x3FAA];
	_ =	sdelay $0x3  }
0x37: {  	[smem:$0x3FAA] =	sst s10  }
0x38: {  	s10 =	sld [smem:$0x3FAB]  }
0x39: {  	_ = 	snop;
	(pc) =	sbr.ind lr, $3  }
0x3a: {  	_ = 	snop  }
0x3b: {  	_ = 	snop  }
0x3c: {  	p2 =	seq.s32 s10, $0x1;
	s10 =	sld [smem:$0x3FAA]  }
0x3d: {  	_ =	shalt  }
0x3e: {  	_ =	shalt  }
0x3f: {  	_ =	shalt  }
0x40: {  	_ =	shalt  }
0x41: {  	_ =	shalt  }
0x42: {  	_ =	shalt  }
0x43: {  	_ =	shalt  }
0x44: {  	_ =	shalt  }
0x45: {  	_ =	shalt  }
0x46: {  	_ =	shalt  }
0x47: {  	_ =	shalt  }
0x48: {  	_ =	shalt  }
0x49: {  	_ =	shalt  }
0x4a: {  	_ =	shalt  }
0x4b: {  	_ =	shalt  }
0x4c: {  	_ =	shalt  }
0x4d: {  	_ =	shalt  }
0x4e: {  	_ =	shalt  }
0x4f: {  	_ =	shalt  }
0x50: {  	_ =	shalt  }
0x51: {  	_ =	shalt  }
0x52: {  	_ =	shalt  }
0x53: {  	_ =	shalt  }
0x54: {  	_ =	shalt  }
0x55: {  	_ =	shalt  }
0x56: {  	_ =	shalt  }
0x57: {  	_ =	shalt  }
0x58: {  	_ =	shalt  }
0x59: {  	_ =	shalt  }
0x5a: {  	_ =	shalt  }
0x5b: {  	_ =	shalt  }
0x5c: {  	_ =	shalt  }
0x5d: {  	_ =	shalt  }
0x5e: {  	_ =	shalt  }
0x5f: {  	_ =	shalt  }
0x60: {  	_ =	shalt  }
0x61: {  	_ =	shalt  }
0x62: {  	_ =	shalt  }
0x63: {  	_ =	shalt  }
0x64: {  	_ =	shalt  }
0x65: {  	_ =	shalt  }
0x66: {  	_ =	shalt  }
0x67: {  	_ =	shalt  }
0x68: {  	_ =	shalt  }
0x69: {  	_ =	shalt  }
0x6a: {  	_ =	shalt  }
0x6b: {  	_ =	shalt  }
0x6c: {  	_ =	shalt  }
0x6d: {  	_ =	shalt  }
0x6e: {  	_ =	shalt  }
0x6f: {  	_ =	shalt  }
0x70: {  	_ =	shalt  }
0x71: {  	_ =	shalt  }
0x72: {  	_ =	shalt  }
0x73: {  	_ =	shalt  }
0x74: {  	_ =	shalt  }
0x75: {  	_ =	shalt  }
0x76: {  	_ =	shalt  }
0x77: {  	_ =	shalt  }
0x78: {  	_ =	shalt  }
0x79: {  	_ =	shalt  }
0x7a: {  	_ =	shalt  }
0x7b: {  	_ =	shalt  }
0x7c: {  	_ =	shalt  }
0x7d: {  	_ =	shalt  }
0x7e: {  	_ =	shalt  }
0x7f: {  	_ =	shalt  }
0x80: {  	_ =	shalt  }
0x81: {  	_ =	shalt  }
0x82: {  	_ =	shalt  }
0x83: {  	_ =	shalt  }
0x84: {  	_ =	shalt  }
0x85: {  	_ =	shalt  }
0x86: {  	_ =	shalt  }
0x87: {  	_ =	shalt  }
.Lfunc_end0:
.L_simem_size_0:
called_computation_lowered:
.L_overlay_start_0:
0x88: {  	s2 =	sld [smem:$0x3FD9]  }
0x89: {  	s3 =	sld [smem:$0x3FFE];
	_ =	sdelay $0x1  }
0x8a: {  	s1 =	srdreg.scid  }
0x8b: {  	s0 =	sand.u32 $0x1, s1  }
0x8c: {  	s16 =	sshll.u32 s0, $0xA;
	s2 =	sadd.s32 s3, s2  }
0x8d: {  	s2 =	sadd.s32 s2, s16  }
0x8e: {  	[smem:$0x3FB6] =	sst s2  }
0x8f: {  	_ = 	snop  }
0x90: {  	(tm) =	ssettm $0x1  }
0x91: {  	s17 =	sld [smem:$0x3FFB];
	_ =	sdelay $0x3  }
0x92: {  	_ =	strace s17  }
0x93: {  	s2 =	sld [smem:$0x3FFC];
	_ =	sdelay $0x3  }
0x94: {  	_ =	strace s2  }
0x95: {  	s2 =	sld [smem:$0x3FFD];
	_ =	sdelay $0x3  }
0x96: {  	_ =	strace s2  }
0x97: {  	_ =	strace $0x8FFFFFFF  }
0x98: {  	s18 =	sld [smem:$0x3FDB];
	_ =	sdelay $0x1  }
0x99: {  	s19 =	simm.s32 $_scs_section_size  }
0x9a: {  	s4 =	simm.s32 $_size__tile_overlayer_lowered;
	s5 =	simm.s32 $_tile_overlayer_lowered  }
0x9b: {  	s22 =	simm.s32 $0x1BFF;
	s21 =	sshll.u32 s5, $0x1;
	s2 =	sadd.s32 s19, s18  }
0x9c: {  	s6 =	simm.s32 $0x0;
	s20 =	sshll.u32 s4, $0x1;
	s4 =	sadd.s32 s21, s2  }
0x9d: {  	[timem:s6], [sflag:s22] =	dma.local [hbm:s4], s20  }
0x9e: {  	_ =	swait.ge [sflag:s22], s20  }
0x9f: {  	s3 =	ssub.s32 $0x0, s20;
	[sflag:s22] =	ssyncset.done $0x0  }
0xa0: {  	[sflag:s22] =	ssyncadd.s32 s3;
	_ =	sdelay $0x1  }
0xa1: {  	s23 =	simm.s32 $0x1B8B  }
0xa2: {  	_ =	swait.ge [sflag:s23], $0x1  }
0xa3: {  	[sflag:s23] =	ssyncset.done $0x0  }
0xa4: {  	s25 =	simm.s32 $0x1B8E;
	s24 =	sld [smem:$0x3FFE];
	[sflag:s23] =	ssyncadd.s32 $0xFFFFFFFF  }
0xa5: {  	s26 =	simm.s32 $execute0_lowered;
	[smem:$0x3FD2] =	sst s25  }
0xa6: {  	s4 =	sshll.u32 s26, $0x1;
	_ =	strace $0x80000046;
	[dreg:$0x1] =	wrdreg $0xFFFFFFFF  }
0xa7: {  	s28 =	simm.s32 $_size_execute0_lowered;
	s2 =	sadd.s32 s2, s4;
	[dreg:$0x0] =	wrdreg $0x0  }
0xa8: {  	s4 =	sshll.u32 s28, $0x1;
	[dreg:$0x2] =	wrdreg s2  }
0xa9: {  	[dreg:$0x3] =	wrdreg s4  }
0xaa: {  	[dreg:$0x4] =	wrdreg $0xC0  }
0xab: {  	_ =	task [dreg:s6], $0x5FFFF  }
0xac: {  	[dreg:$0x1] =	wrdreg $0xFFFFFFFF  }
0xad: {  	[dreg:$0x0] =	wrdreg $0x60  }
0xae: {  	[dreg:$0x2] =	wrdreg s24  }
0xaf: {  	[dreg:$0x3] =	wrdreg $0x10000  }
0xb0: {  	[dreg:$0x4] =	wrdreg $0x9  }
0xb1: {  	_ =	task.clear_ibuf [dreg:s6], $0x5FFFF;
	_ =	strace $0x90000046  }
0xb2: {  	s29 =	simm.s32 $0x9;
	_ =	strace $0x80000048  }
0xb3: {  	_ =	swait.ge [sflag:s29], $0x1  }
0xb4: {  	[sflag:s29] =	ssyncadd.s32 $0xFFFFFFFF  }
0xb5: {  	_ =	strace $0x90000048  }
0xb6: {  	_ =	sfence  }
0xb7: {  	s30 =	sld [smem:$0x0];
	_ =	sdelay $0x2  }
0xb8: {  	s31 =	sshll.u32 s1, $0xD;
	s1 =	sshrl.u32 s1, $0x2  }
0xb9: {  	s3 =	sand.u32 $0x4000, s31;
	s1 =	sadd.s32 s1, s30  }
0xba: {  	s0 =	sor.u32 s3, s0;
	s1 =	sshll.u32 s1, $0x11  }
0xbb: {  	s0 =	sor.u32 s1, s0  }
0xbc: {  	s0 =	sadd.s32 $0x8F2B, s0  }
0xbd: {  	[sflag:s0] =	ssyncadd.remote.s32 $0x1  }
0xbe: {  	_ =	sfence.sel $0xFFFF  }
0xbf: {  	[dreg:$0x0] =	wrdreg $0xFFFFFFFF;
	(pc) =	sbr.abs _section_cstart, $3  }
0xc0: {  	[dreg:$0x1] =	wrdreg $0xFFFFFFFF  }
0xc1: {  	_ =	task.clear_ibuf [dreg:s6], $0x2FFFF;
	_ =	strace $0x9FFFFFFF  }
0xc2: {  	(tm) =	ssettm $0x7FFFFFFF  }
0xc3: {  	_ =	shalt  }
tec
execute0_lowered:
.L_overlay_start_1:
0x0: {  	(tag) =	ssettag $0x1  }
0x1: {  	s0 =	srdreg.scid  }
0x2: {  	s9 =	stileid.u32;
	s1 =	rddreg [dreg:$0x0]  }
0x3: {  	s2 =	rddreg [dreg:$0x1];
	s3 =	simm.s32 $0x0;
	s11 =	simm.s32 $0x2  }
0x4: {  	s12 =	simm.s32 $0x800;
	s13 =	simm.s32 $0x80;
	s14 =	simm.s32 $0x100  }
0x5: {  	s15 =	simm.s32 $0x180;
	s16 =	simm.s32 $0x200;
	s17 =	simm.s32 $0x280  }
0x6: {  	s18 =	simm.s32 $0x300;
	s28 =	simm.s32 $0x700;
	s4 =	smul.u32 $0x19000, s9  }
0x7: {  	s29 =	simm.s32 $0x780;
	s30 =	simm.s32 $0x1;
	s6 =	smul.u32 $0x1870, s9  }
0x8: {  	s31 =	simm.s32 $0x0;
	s0 =	sand.u32 $0x1, s0;
	s7 =	smul.u32 $0x64000, s9  }
0x9: {  	[smem:$0x7FF] =	sst s3;
	s20 =	sadd.s32 $0x66A00, s1;
	s5 =	smul.u32 $0xC800, s0  }
0xa: {  	s22 =	sadd.s32 $0x69C00, s1;
	s25 =	sshll.u32 s9, $0x6;
	s19 =	smul.u32 $0x186A00, s0  }
0xb: {  	_ =	strace $0x80000047;
	[dreg:$0x3] =	wrdreg s20;
	s0 =	ssub.s32 $0x2, s0  }
0xc: {  	[dreg:$0x4] =	wrdreg s22;
	s20 =	simm.s32 $0x400;
	s22 =	simm.s32 $0x500  }
0xd: {  	s6 =	smin.u32 s6, $0x16E30;
	s23 =	sshrl.u32 s0, $0x1;
	s24 =	sshrl.u32 s7, $0x2  }
0xe: {  	s4 =	sadd.s32 s5, s4;
	s8 =	sshll.u32 s6, $0x4;
	s0 =	ssub.s32 s0, s23  }
0xf: {  	s10 =	sadd.s32 s24, s2;
	s6 =	sor.u32 $0x1C02, s25;
	s23 =	simm.s32 $0x580  }
0x10: {  	s24 =	simm.s32 $0x600;
	s4 =	sshrl.u32 s4, $0x3;
	s5 =	sadd.s32 s19, s8  }
0x11: {  	s26 =	sadd.s32 s8, s2;
	s8 =	smax.u32 s0, $0x1;
	s10 =	sshrl.u32 s10, $0x3  }
0x12: {  	s19 =	simm.s32 $0x380;
	s4 =	sadd.s32 s4, s1;
	s21 =	sshrl.u32 s5, $0x3  }
0x13: {  	s25 =	sshrl.u32 s26, $0x3;
	s26 =	simm.s32 $0x680;
	s1 =	sadd.s32 s21, s1  }
0x14: {  	s9 =	sadd.s32 $0x34A00, s4;
	s21 =	simm.s32 $0x480;
	s7 =	sadd.s32 $0x69E00, s1  }
.LBB2_1:
0x15: {  	s0 =	rddreg [dreg:$0x3]  }
0x16: {  	[spmem:s10], [sflag:s6] =	dma.local [hbm:s0], $0x3200  }
0x17: {  	_ =	swait.ge [sflag:s11], $0x3200  }
0x18: {  	[sflag:s11] =	ssyncset.done $0x0  }
0x19: {  	s4 =	rddreg [dreg:$0x4];
	[sflag:s11] =	ssyncadd.s32 $0xFFFFCE00  }
0x1a: {  	[tilespmem:s12], [sflag:$0x2] =	stream.linear.gather [hbm4b:s4+s3], $0x800, $0x38;
	[tilespmem:$0x1A000] =	vst v63  }
0x1b: {  	_ =	swait.ge [sflag:s11], $0x800  }
0x1c: {  	[sflag:s11] =	ssyncset.done $0x0  }
0x1d: {  	[sflag:s11] =	ssyncadd.s32 $0xFFFFF800  }
0x1e: {  	s5 =	sadd.s32 $0x0, s9;
	[bflag:$0x0] =	sbarrier.arrive $0xFFFF  }
0x1f: {  	[tilespmem:s3], [sflag:$0x2] =	stream.linear.gather [hbm4b:s5+s3], $0x800, $0x38;
	[tilespmem:$0x1A000] =	vst v63  }
0x20: {  	_ =	swait.ge [sflag:s11], $0x800  }
0x21: {  	[sflag:s11] =	ssyncset.done $0x0  }
0x22: {  	[sflag:s11] =	ssyncadd.s32 $0xFFFFF800  }
0x23: {  	[spmem:s2] =	stream.indirect.scatter.add.f32 [tilespmem:s12], [sflag:$0x1], $0x10, s3, s13, $0xb8;
	[tilespmem:$0x1A000] =	vst v63  }
0x24: {  	_ = 	snop  }
0x25: {  	[spmem:s2] =	stream.indirect.scatter.add.f32 [tilespmem:s12], [sflag:$0x1], $0x10, s13, s13, $0xb8;
	[tilespmem:$0x1A000] =	vst v63  }
0x26: {  	_ = 	snop  }
0x27: {  	[spmem:s2] =	stream.indirect.scatter.add.f32 [tilespmem:s12], [sflag:$0x1], $0x10, s14, s13, $0xb8;
	[tilespmem:$0x1A000] =	vst v63  }
0x28: {  	_ = 	snop  }
0x29: {  	[spmem:s2] =	stream.indirect.scatter.add.f32 [tilespmem:s12], [sflag:$0x1], $0x10, s15, s13, $0xb8;
	[tilespmem:$0x1A000] =	vst v63  }
0x2a: {  	_ = 	snop  }
0x2b: {  	[spmem:s2] =	stream.indirect.scatter.add.f32 [tilespmem:s12], [sflag:$0x1], $0x10, s16, s13, $0xb8;
	[tilespmem:$0x1A000] =	vst v63  }
0x2c: {  	_ = 	snop  }
0x2d: {  	[spmem:s2] =	stream.indirect.scatter.add.f32 [tilespmem:s12], [sflag:$0x1], $0x10, s17, s13, $0xb8;
	[tilespmem:$0x1A000] =	vst v63  }
0x2e: {  	_ = 	snop  }
0x2f: {  	[spmem:s2] =	stream.indirect.scatter.add.f32 [tilespmem:s12], [sflag:$0x1], $0x10, s18, s13, $0xb8;
	[tilespmem:$0x1A000] =	vst v63  }
0x30: {  	_ = 	snop  }
0x31: {  	[spmem:s2] =	stream.indirect.scatter.add.f32 [tilespmem:s12], [sflag:$0x1], $0x10, s19, s13, $0xb8;
	[tilespmem:$0x1A000] =	vst v63  }
0x32: {  	_ = 	snop  }
0x33: {  	[spmem:s2] =	stream.indirect.scatter.add.f32 [tilespmem:s12], [sflag:$0x1], $0x10, s20, s13, $0xb8;
	[tilespmem:$0x1A000] =	vst v63  }
0x34: {  	_ = 	snop  }
0x35: {  	[spmem:s2] =	stream.indirect.scatter.add.f32 [tilespmem:s12], [sflag:$0x1], $0x10, s21, s13, $0xb8;
	[tilespmem:$0x1A000] =	vst v63  }
0x36: {  	_ = 	snop  }
0x37: {  	[spmem:s2] =	stream.indirect.scatter.add.f32 [tilespmem:s12], [sflag:$0x1], $0x10, s22, s13, $0xb8;
	[tilespmem:$0x1A000] =	vst v63  }
0x38: {  	_ = 	snop  }
0x39: {  	[spmem:s2] =	stream.indirect.scatter.add.f32 [tilespmem:s12], [sflag:$0x1], $0x10, s23, s13, $0xb8;
	[tilespmem:$0x1A000] =	vst v63  }
0x3a: {  	_ = 	snop  }
0x3b: {  	[spmem:s2] =	stream.indirect.scatter.add.f32 [tilespmem:s12], [sflag:$0x1], $0x10, s24, s13, $0xb8;
	[tilespmem:$0x1A000] =	vst v63  }
0x3c: {  	_ = 	snop  }
0x3d: {  	[spmem:s2] =	stream.indirect.scatter.add.f32 [tilespmem:s12], [sflag:$0x1], $0x10, s26, s13, $0xb8;
	[tilespmem:$0x1A000] =	vst v63  }
0x3e: {  	_ = 	snop  }
0x3f: {  	[spmem:s2] =	stream.indirect.scatter.add.f32 [tilespmem:s12], [sflag:$0x1], $0x10, s28, s13, $0xb8;
	[tilespmem:$0x1A000] =	vst v63  }
0x40: {  	_ = 	snop  }
0x41: {  	[spmem:s2] =	stream.indirect.scatter.add.f32 [tilespmem:s12], [sflag:$0x1], $0x10, s29, s13, $0xb8;
	[tilespmem:$0x1A000] =	vst v63  }
0x42: {  	_ =	swait.ge [sflag:s30], $0x800  }
0x43: {  	[sflag:s30] =	ssyncset.done $0x0  }
0x44: {  	[sflag:s30] =	ssyncadd.s32 $0xFFFFF800  }
0x45: {  	_ =	swait.ge [sflag:s30], $0x800  }
0x46: {  	[sflag:s30] =	ssyncset.done $0x0  }
0x47: {  	[sflag:s30] =	ssyncadd.s32 $0xFFFFF800  }
0x48: {  	_ =	swait.ge [sflag:s30], $0x800  }
0x49: {  	[sflag:s30] =	ssyncset.done $0x0  }
0x4a: {  	[sflag:s30] =	ssyncadd.s32 $0xFFFFF800  }
0x4b: {  	_ =	swait.ge [sflag:s30], $0x800  }
0x4c: {  	[sflag:s30] =	ssyncset.done $0x0  }
0x4d: {  	[sflag:s30] =	ssyncadd.s32 $0xFFFFF800  }
0x4e: {  	_ =	swait.ge [sflag:s30], $0x800  }
0x4f: {  	[sflag:s30] =	ssyncset.done $0x0  }
0x50: {  	[sflag:s30] =	ssyncadd.s32 $0xFFFFF800  }
0x51: {  	_ =	swait.ge [sflag:s30], $0x800  }
0x52: {  	[sflag:s30] =	ssyncset.done $0x0  }
0x53: {  	[sflag:s30] =	ssyncadd.s32 $0xFFFFF800  }
0x54: {  	_ =	swait.ge [sflag:s30], $0x800  }
0x55: {  	[sflag:s30] =	ssyncset.done $0x0  }
0x56: {  	[sflag:s30] =	ssyncadd.s32 $0xFFFFF800  }
0x57: {  	_ =	swait.ge [sflag:s30], $0x800  }
0x58: {  	[sflag:s30] =	ssyncset.done $0x0  }
0x59: {  	[sflag:s30] =	ssyncadd.s32 $0xFFFFF800  }
0x5a: {  	_ =	swait.ge [sflag:s30], $0x800  }
0x5b: {  	[sflag:s30] =	ssyncset.done $0x0  }
0x5c: {  	[sflag:s30] =	ssyncadd.s32 $0xFFFFF800  }
0x5d: {  	_ =	swait.ge [sflag:s30], $0x800  }
0x5e: {  	[sflag:s30] =	ssyncset.done $0x0  }
0x5f: {  	[sflag:s30] =	ssyncadd.s32 $0xFFFFF800  }
0x60: {  	_ =	swait.ge [sflag:s30], $0x800  }
0x61: {  	[sflag:s30] =	ssyncset.done $0x0  }
0x62: {  	[sflag:s30] =	ssyncadd.s32 $0xFFFFF800  }
0x63: {  	_ =	swait.ge [sflag:s30], $0x800  }
0x64: {  	[sflag:s30] =	ssyncset.done $0x0  }
0x65: {  	[sflag:s30] =	ssyncadd.s32 $0xFFFFF800  }
0x66: {  	_ =	swait.ge [sflag:s30], $0x800  }
0x67: {  	[sflag:s30] =	ssyncset.done $0x0  }
0x68: {  	[sflag:s30] =	ssyncadd.s32 $0xFFFFF800  }
0x69: {  	_ =	swait.ge [sflag:s30], $0x800  }
0x6a: {  	[sflag:s30] =	ssyncset.done $0x0  }
0x6b: {  	[sflag:s30] =	ssyncadd.s32 $0xFFFFF800  }
0x6c: {  	_ =	swait.ge [sflag:s30], $0x800  }
0x6d: {  	[sflag:s30] =	ssyncset.done $0x0  }
0x6e: {  	[sflag:s30] =	ssyncadd.s32 $0xFFFFF800  }
0x6f: {  	_ =	swait.ge [sflag:s30], $0x800  }
0x70: {  	s1 =	simm.s32 $0x100;
	s0 =	simm.s32 $0x200;
	[sflag:s30] =	ssyncset.done $0x0  }
.LBB2_2:
0x71: {  	s5 =	sadd.s32 s1, s9  }
0x72: {  	[sflag:s30] =	ssyncadd.s32 $0xFFFFF800;
	s1 =	smov.u32 s0;
	s4 =	sadd.s32 $0x100, s0  }
0x73: {  	[tilespmem:s3], [sflag:$0x2] =	stream.linear.gather [hbm4b:s5+s3], $0x800, $0x38;
	[tilespmem:$0x1A000] =	vst v63  }
0x74: {  	p0 =	sne.s32 s0, $0x1800;
	_ =	swait.ge [sflag:s11], $0x800  }
0x75: {  	[sflag:s11] =	ssyncset.done $0x0  }
0x76: {  	[sflag:s11] =	ssyncadd.s32 $0xFFFFF800  }
0x77: {  	[spmem:s2] =	stream.indirect.scatter.add.f32 [tilespmem:s12], [sflag:$0x1], $0x10, s3, s13, $0xb8;
	[tilespmem:$0x1A000] =	vst v63  }
0x78: {  	_ = 	snop  }
0x79: {  	[spmem:s2] =	stream.indirect.scatter.add.f32 [tilespmem:s12], [sflag:$0x1], $0x10, s13, s13, $0xb8;
	[tilespmem:$0x1A000] =	vst v63  }
0x7a: {  	_ = 	snop  }
0x7b: {  	[spmem:s2] =	stream.indirect.scatter.add.f32 [tilespmem:s12], [sflag:$0x1], $0x10, s14, s13, $0xb8;
	[tilespmem:$0x1A000] =	vst v63  }
0x7c: {  	_ = 	snop  }
0x7d: {  	[spmem:s2] =	stream.indirect.scatter.add.f32 [tilespmem:s12], [sflag:$0x1], $0x10, s15, s13, $0xb8;
	[tilespmem:$0x1A000] =	vst v63  }
0x7e: {  	_ = 	snop  }
0x7f: {  	[spmem:s2] =	stream.indirect.scatter.add.f32 [tilespmem:s12], [sflag:$0x1], $0x10, s16, s13, $0xb8;
	[tilespmem:$0x1A000] =	vst v63  }
0x80: {  	_ = 	snop  }
0x81: {  	[spmem:s2] =	stream.indirect.scatter.add.f32 [tilespmem:s12], [sflag:$0x1], $0x10, s17, s13, $0xb8;
	[tilespmem:$0x1A000] =	vst v63  }
0x82: {  	_ = 	snop  }
0x83: {  	[spmem:s2] =	stream.indirect.scatter.add.f32 [tilespmem:s12], [sflag:$0x1], $0x10, s18, s13, $0xb8;
	[tilespmem:$0x1A000] =	vst v63  }
0x84: {  	_ = 	snop  }
0x85: {  	[spmem:s2] =	stream.indirect.scatter.add.f32 [tilespmem:s12], [sflag:$0x1], $0x10, s19, s13, $0xb8;
	[tilespmem:$0x1A000] =	vst v63  }
0x86: {  	_ = 	snop  }
0x87: {  	[spmem:s2] =	stream.indirect.scatter.add.f32 [tilespmem:s12], [sflag:$0x1], $0x10, s20, s13, $0xb8;
	[tilespmem:$0x1A000] =	vst v63  }
0x88: {  	_ = 	snop  }
0x89: {  	[spmem:s2] =	stream.indirect.scatter.add.f32 [tilespmem:s12], [sflag:$0x1], $0x10, s21, s13, $0xb8;
	[tilespmem:$0x1A000] =	vst v63  }
0x8a: {  	_ = 	snop  }
0x8b: {  	[spmem:s2] =	stream.indirect.scatter.add.f32 [tilespmem:s12], [sflag:$0x1], $0x10, s22, s13, $0xb8;
	[tilespmem:$0x1A000] =	vst v63  }
0x8c: {  	_ = 	snop  }
0x8d: {  	[spmem:s2] =	stream.indirect.scatter.add.f32 [tilespmem:s12], [sflag:$0x1], $0x10, s23, s13, $0xb8;
	[tilespmem:$0x1A000] =	vst v63  }
0x8e: {  	_ = 	snop  }
0x8f: {  	[spmem:s2] =	stream.indirect.scatter.add.f32 [tilespmem:s12], [sflag:$0x1], $0x10, s24, s13, $0xb8;
	[tilespmem:$0x1A000] =	vst v63  }
0x90: {  	_ = 	snop  }
0x91: {  	[spmem:s2] =	stream.indirect.scatter.add.f32 [tilespmem:s12], [sflag:$0x1], $0x10, s26, s13, $0xb8;
	[tilespmem:$0x1A000] =	vst v63  }
0x92: {  	_ = 	snop  }
0x93: {  	[spmem:s2] =	stream.indirect.scatter.add.f32 [tilespmem:s12], [sflag:$0x1], $0x10, s28, s13, $0xb8;
	[tilespmem:$0x1A000] =	vst v63  }
0x94: {  	_ = 	snop  }
0x95: {  	[spmem:s2] =	stream.indirect.scatter.add.f32 [tilespmem:s12], [sflag:$0x1], $0x10, s29, s13, $0xb8;
	[tilespmem:$0x1A000] =	vst v63  }
0x96: {  	_ =	swait.ge [sflag:s30], $0x800  }
0x97: {  	[sflag:s30] =	ssyncset.done $0x0  }
0x98: {  	[sflag:s30] =	ssyncadd.s32 $0xFFFFF800  }
0x99: {  	_ =	swait.ge [sflag:s30], $0x800  }
0x9a: {  	[sflag:s30] =	ssyncset.done $0x0  }
0x9b: {  	[sflag:s30] =	ssyncadd.s32 $0xFFFFF800  }
0x9c: {  	_ =	swait.ge [sflag:s30], $0x800  }
0x9d: {  	[sflag:s30] =	ssyncset.done $0x0  }
0x9e: {  	[sflag:s30] =	ssyncadd.s32 $0xFFFFF800  }
0x9f: {  	_ =	swait.ge [sflag:s30], $0x800  }
0xa0: {  	[sflag:s30] =	ssyncset.done $0x0  }
0xa1: {  	[sflag:s30] =	ssyncadd.s32 $0xFFFFF800  }
0xa2: {  	_ =	swait.ge [sflag:s30], $0x800  }
0xa3: {  	[sflag:s30] =	ssyncset.done $0x0  }
0xa4: {  	[sflag:s30] =	ssyncadd.s32 $0xFFFFF800  }
0xa5: {  	_ =	swait.ge [sflag:s30], $0x800  }
0xa6: {  	[sflag:s30] =	ssyncset.done $0x0  }
0xa7: {  	[sflag:s30] =	ssyncadd.s32 $0xFFFFF800  }
0xa8: {  	_ =	swait.ge [sflag:s30], $0x800  }
0xa9: {  	[sflag:s30] =	ssyncset.done $0x0  }
0xaa: {  	[sflag:s30] =	ssyncadd.s32 $0xFFFFF800  }
0xab: {  	_ =	swait.ge [sflag:s30], $0x800  }
0xac: {  	[sflag:s30] =	ssyncset.done $0x0  }
0xad: {  	[sflag:s30] =	ssyncadd.s32 $0xFFFFF800  }
0xae: {  	_ =	swait.ge [sflag:s30], $0x800  }
0xaf: {  	[sflag:s30] =	ssyncset.done $0x0  }
0xb0: {  	[sflag:s30] =	ssyncadd.s32 $0xFFFFF800  }
0xb1: {  	_ =	swait.ge [sflag:s30], $0x800  }
0xb2: {  	[sflag:s30] =	ssyncset.done $0x0  }
0xb3: {  	[sflag:s30] =	ssyncadd.s32 $0xFFFFF800  }
0xb4: {  	_ =	swait.ge [sflag:s30], $0x800  }
0xb5: {  	[sflag:s30] =	ssyncset.done $0x0  }
0xb6: {  	[sflag:s30] =	ssyncadd.s32 $0xFFFFF800  }
0xb7: {  	_ =	swait.ge [sflag:s30], $0x800  }
0xb8: {  	[sflag:s30] =	ssyncset.done $0x0  }
0xb9: {  	[sflag:s30] =	ssyncadd.s32 $0xFFFFF800  }
0xba: {  	_ =	swait.ge [sflag:s30], $0x800  }
0xbb: {  	[sflag:s30] =	ssyncset.done $0x0  }
0xbc: {  	[sflag:s30] =	ssyncadd.s32 $0xFFFFF800  }
0xbd: {  	_ =	swait.ge [sflag:s30], $0x800  }
0xbe: {  	[sflag:s30] =	ssyncset.done $0x0  }
0xbf: {  	[sflag:s30] =	ssyncadd.s32 $0xFFFFF800  }
.Ltmp0:
0xc0: {  	_ =	swait.ge [sflag:s30], $0x800;
	(pc) =	sbr.rel @p0 .LBB2_2-.Ltmp0, $4  }
0xc1: {  	[sflag:s30] =	ssyncset.done $0x0  }
0xc2: {  	[sflag:s30] =	ssyncadd.s32 $0xFFFFF800  }
0xc3: {  	_ =	swait.ge [sflag:s30], $0x800  }
0xc4: {  	s0 =	smov.u32 s4;
	[sflag:s30] =	ssyncset.done $0x0  }
0xc5: {  	s0 =	sadd.s32 s1, s9;
	[sflag:s30] =	ssyncadd.s32 $0xFFFFF800  }
0xc6: {  	[tilespmem:s3], [sflag:$0x2] =	stream.linear.gather [hbm4b:s0+s3], $0x800, $0x38;
	[tilespmem:$0x1A000] =	vst v63  }
0xc7: {  	_ =	swait.ge [sflag:s11], $0x800  }
0xc8: {  	[sflag:s11] =	ssyncset.done $0x0  }
0xc9: {  	[sflag:s11] =	ssyncadd.s32 $0xFFFFF800  }
0xca: {  	[spmem:s2] =	stream.indirect.scatter.add.f32 [tilespmem:s12], [sflag:$0x1], $0x10, s3, s13, $0xb8;
	[tilespmem:$0x1A000] =	vst v63  }
0xcb: {  	_ = 	snop  }
0xcc: {  	[spmem:s2] =	stream.indirect.scatter.add.f32 [tilespmem:s12], [sflag:$0x1], $0x10, s13, s13, $0xb8;
	[tilespmem:$0x1A000] =	vst v63  }
0xcd: {  	_ = 	snop  }
0xce: {  	[spmem:s2] =	stream.indirect.scatter.add.f32 [tilespmem:s12], [sflag:$0x1], $0x10, s14, s13, $0xb8;
	[tilespmem:$0x1A000] =	vst v63  }
0xcf: {  	_ = 	snop  }
0xd0: {  	[spmem:s2] =	stream.indirect.scatter.add.f32 [tilespmem:s12], [sflag:$0x1], $0x10, s15, s13, $0xb8;
	[tilespmem:$0x1A000] =	vst v63  }
0xd1: {  	_ = 	snop  }
0xd2: {  	[spmem:s2] =	stream.indirect.scatter.add.f32 [tilespmem:s12], [sflag:$0x1], $0x10, s16, s13, $0xb8;
	[tilespmem:$0x1A000] =	vst v63  }
0xd3: {  	_ = 	snop  }
0xd4: {  	[spmem:s2] =	stream.indirect.scatter.add.f32 [tilespmem:s12], [sflag:$0x1], $0x10, s17, s13, $0xb8;
	[tilespmem:$0x1A000] =	vst v63  }
0xd5: {  	_ = 	snop  }
0xd6: {  	[spmem:s2] =	stream.indirect.scatter.add.f32 [tilespmem:s12], [sflag:$0x1], $0x10, s18, s13, $0xb8;
	[tilespmem:$0x1A000] =	vst v63  }
0xd7: {  	_ = 	snop  }
0xd8: {  	[spmem:s2] =	stream.indirect.scatter.add.f32 [tilespmem:s12], [sflag:$0x1], $0x10, s19, s13, $0xb8;
	[tilespmem:$0x1A000] =	vst v63  }
0xd9: {  	_ = 	snop  }
0xda: {  	[spmem:s2] =	stream.indirect.scatter.add.f32 [tilespmem:s12], [sflag:$0x1], $0x10, s20, s13, $0xb8;
	[tilespmem:$0x1A000] =	vst v63  }
0xdb: {  	_ = 	snop  }
0xdc: {  	[spmem:s2] =	stream.indirect.scatter.add.f32 [tilespmem:s12], [sflag:$0x1], $0x10, s21, s13, $0xb8;
	[tilespmem:$0x1A000] =	vst v63  }
0xdd: {  	_ = 	snop  }
0xde: {  	[spmem:s2] =	stream.indirect.scatter.add.f32 [tilespmem:s12], [sflag:$0x1], $0x10, s22, s13, $0xb8;
	[tilespmem:$0x1A000] =	vst v63  }
0xdf: {  	_ = 	snop  }
0xe0: {  	[spmem:s2] =	stream.indirect.scatter.add.f32 [tilespmem:s12], [sflag:$0x1], $0x10, s23, s13, $0xb8;
	[tilespmem:$0x1A000] =	vst v63  }
0xe1: {  	_ = 	snop  }
0xe2: {  	[spmem:s2] =	stream.indirect.scatter.add.f32 [tilespmem:s12], [sflag:$0x1], $0x10, s24, s13, $0xb8;
	[tilespmem:$0x1A000] =	vst v63  }
0xe3: {  	_ = 	snop  }
0xe4: {  	[spmem:s2] =	stream.indirect.scatter.add.f32 [tilespmem:s12], [sflag:$0x1], $0x10, s26, s13, $0xb8;
	[tilespmem:$0x1A000] =	vst v63  }
0xe5: {  	_ = 	snop  }
0xe6: {  	[spmem:s2] =	stream.indirect.scatter.add.f32 [tilespmem:s12], [sflag:$0x1], $0x10, s28, s13, $0xb8;
	[tilespmem:$0x1A000] =	vst v63  }
0xe7: {  	_ = 	snop  }
0xe8: {  	[spmem:s2] =	stream.indirect.scatter.add.f32 [tilespmem:s12], [sflag:$0x1], $0x10, s29, s13, $0xb8;
	[tilespmem:$0x1A000] =	vst v63  }
0xe9: {  	_ =	swait.ge [sflag:s30], $0x800  }
0xea: {  	[sflag:s30] =	ssyncset.done $0x0  }
0xeb: {  	[sflag:s30] =	ssyncadd.s32 $0xFFFFF800  }
0xec: {  	_ =	swait.ge [sflag:s30], $0x800  }
0xed: {  	[sflag:s30] =	ssyncset.done $0x0  }
0xee: {  	[sflag:s30] =	ssyncadd.s32 $0xFFFFF800  }
0xef: {  	_ =	swait.ge [sflag:s30], $0x800  }
0xf0: {  	[sflag:s30] =	ssyncset.done $0x0  }
0xf1: {  	[sflag:s30] =	ssyncadd.s32 $0xFFFFF800  }
0xf2: {  	_ =	swait.ge [sflag:s30], $0x800  }
0xf3: {  	[sflag:s30] =	ssyncset.done $0x0  }
0xf4: {  	[sflag:s30] =	ssyncadd.s32 $0xFFFFF800  }
0xf5: {  	_ =	swait.ge [sflag:s30], $0x800  }
0xf6: {  	[sflag:s30] =	ssyncset.done $0x0  }
0xf7: {  	[sflag:s30] =	ssyncadd.s32 $0xFFFFF800  }
0xf8: {  	_ =	swait.ge [sflag:s30], $0x800  }
0xf9: {  	[sflag:s30] =	ssyncset.done $0x0  }
0xfa: {  	[sflag:s30] =	ssyncadd.s32 $0xFFFFF800  }
0xfb: {  	_ =	swait.ge [sflag:s30], $0x800  }
0xfc: {  	[sflag:s30] =	ssyncset.done $0x0  }
0xfd: {  	[sflag:s30] =	ssyncadd.s32 $0xFFFFF800  }
0xfe: {  	_ =	swait.ge [sflag:s30], $0x800  }
0xff: {  	[sflag:s30] =	ssyncset.done $0x0  }
0x100: {  	[sflag:s30] =	ssyncadd.s32 $0xFFFFF800  }
0x101: {  	_ =	swait.ge [sflag:s30], $0x800  }
0x102: {  	[sflag:s30] =	ssyncset.done $0x0  }
0x103: {  	[sflag:s30] =	ssyncadd.s32 $0xFFFFF800  }
0x104: {  	_ =	swait.ge [sflag:s30], $0x800  }
0x105: {  	[sflag:s30] =	ssyncset.done $0x0  }
0x106: {  	[sflag:s30] =	ssyncadd.s32 $0xFFFFF800  }
0x107: {  	_ =	swait.ge [sflag:s30], $0x800  }
0x108: {  	[sflag:s30] =	ssyncset.done $0x0  }
0x109: {  	[sflag:s30] =	ssyncadd.s32 $0xFFFFF800  }
0x10a: {  	_ =	swait.ge [sflag:s30], $0x800  }
0x10b: {  	[sflag:s30] =	ssyncset.done $0x0  }
0x10c: {  	[sflag:s30] =	ssyncadd.s32 $0xFFFFF800  }
0x10d: {  	_ =	swait.ge [sflag:s30], $0x800  }
0x10e: {  	[sflag:s30] =	ssyncset.done $0x0  }
0x10f: {  	[sflag:s30] =	ssyncadd.s32 $0xFFFFF800  }
0x110: {  	_ =	swait.ge [sflag:s30], $0x800  }
0x111: {  	[sflag:s30] =	ssyncset.done $0x0  }
0x112: {  	[sflag:s30] =	ssyncadd.s32 $0xFFFFF800  }
0x113: {  	_ =	swait.ge [sflag:s30], $0x800  }
0x114: {  	[sflag:s30] =	ssyncset.done $0x0  }
0x115: {  	[sflag:s30] =	ssyncadd.s32 $0xFFFFF800  }
0x116: {  	_ =	swait.ge [sflag:s30], $0x800  }
0x117: {  	s31 =	sadd.s32 $0x1, s31;
	[sflag:s30] =	ssyncset.done $0x0  }
0x118: {  	p0 =	sne.s32 s31, s8;
	[sflag:s30] =	ssyncadd.s32 $0xFFFFF800  }
.Ltmp1:
0x119: {  	[bflag:$0x0] =	sbarrier.arrive $0xFFFF;
	(pc) =	sbr.rel @p0 .LBB2_1-.Ltmp1, $4  }
0x11a: {  	[hbm:s7], [sflag:s6] =	dma.local [spmem:s25], $0x30E0  }
0x11b: {  	_ =	swait.ge [sflag:s11], $0x30E0  }
0x11c: {  	[sflag:s11] =	ssyncset.done $0x0  }
0x11d: {  	[sflag:s11] =	ssyncadd.s32 $0xFFFFCF20  }
0x11e: {  	_ =	sfence.sel $0x180000  }
0x11f: {  	[bflag:$0x0] =	sbarrier.arrive $0xFFFF  }
0x120: {  	_ =	strace $0x90000047  }
0x121: {  	s0 =	stileid.u32;
	[bflag:$0x2] =	sbarrier.arrive $0xFFFF  }
0x122: {  	p0 =	sne.s32 s0, $0x0;
	s0 =	rddreg [dreg:$0x2]  }
0x123: {  	s0 =	sadd.s32 @!p0 $0x100000, s0  }
0x124: {  	[sflag:s0] =	ssyncadd.tile.s32 @!p0 $0x1;
	_ =	shalt  }
.Lfunc_end2:
_tile_overlayer_lowered:
.L_overlay_start_2:
0x125: {  	(tag) =	ssettag $0x2  }
0x126: {  	s0 =	rddreg [dreg:$0x0];
	s2 =	stileid.u32  }
0x127: {  	s1 =	rddreg [dreg:$0x1];
	p0 =	sne.s32 s2, $0x0  }
0x128: {  	s3 =	rddreg [dreg:$0x2];
	[bflag:$0x3] =	sbarrier.arrive $0xFFFF;
	s2 =	simm.s32 @!p0 $0x1C02  }
0x129: {  	[timem:s3], [sflag:s2] =	dma.local @!p0 [hbm:s0], s1  }
0x12a: {  	s0 =	simm.s32 @!p0 $0x2  }
0x12b: {  	_ =	swait.ge @!p0 [sflag:s0], s1  }
0x12c: {  	s1 =	ssub.s32 @!p0 $0x0, s1;
	[sflag:s0] =	ssyncset.done @!p0 $0x0  }
0x12d: {  	[sflag:s0] =	ssyncadd.s32 @!p0 s1  }
0x12e: {  	[bflag:$0x3] =	sbarrier.arrive $0xFFFF  }
0x12f: {  	_ =	shalt  }

</sc_bundles>
